<compile_context>
chip_gen: v7x
topology: tpu7x:2x2x1
jax: 0.10.2.dev20260603
libtpu: 0.0.44.dev20260713+nightly
codegen_flags: <defaults>
</compile_context>

<pallas_src>
import functools

import jax
import jax.numpy as jnp
from jax.experimental import pallas as pl

N = 10000
E = 640000
H = 4
G = 128
NEG_SLOPE = 0.2

MBLK = 400


def _proj_body(x_ref, w_ref, asrc_ref, adst_ref, out_ref, a_src_ref, a_dst_ref):
    xp = jnp.dot(x_ref[...], w_ref[...], preferred_element_type=jnp.float32)
    out_ref[...] = xp
    C = asrc_ref.shape[-1]
    xp3 = xp.reshape(xp.shape[0], H, C)
    a_src_ref[...] = jnp.sum(xp3 * asrc_ref[...][None], axis=-1)
    a_dst_ref[...] = jnp.sum(xp3 * adst_ref[...][None], axis=-1)


def _project(x, W, att_src, att_dst):
    K = x.shape[1]
    HC = W.shape[1]
    C = HC // H
    grid = (N // MBLK,)
    out_shapes = (
        jax.ShapeDtypeStruct((N, HC), jnp.float32),
        jax.ShapeDtypeStruct((N, H), jnp.float32),
        jax.ShapeDtypeStruct((N, H), jnp.float32),
    )
    return pl.pallas_call(
        _proj_body,
        grid=grid,
        in_specs=[
            pl.BlockSpec((MBLK, K), lambda i: (i, 0)),
            pl.BlockSpec((K, HC), lambda i: (0, 0)),
            pl.BlockSpec((H, C), lambda i: (0, 0)),
            pl.BlockSpec((H, C), lambda i: (0, 0)),
        ],
        out_specs=(
            pl.BlockSpec((MBLK, HC), lambda i: (i, 0)),
            pl.BlockSpec((MBLK, H), lambda i: (i, 0)),
            pl.BlockSpec((MBLK, H), lambda i: (i, 0)),
        ),
        out_shape=out_shapes,
    )(x, W, att_src, att_dst)


def _gat_layer(x, src, dst, W, att_src, att_dst, b, concat):
    n = x.shape[0]
    C = att_src.shape[1]
    xp, a_src, a_dst = _project(x, W, att_src, att_dst)
    xp3 = xp.reshape(n, H, C)
    alpha = a_src[src] + a_dst[dst]
    alpha = jnp.where(alpha >= 0, alpha, NEG_SLOPE * alpha)
    amax = jax.ops.segment_max(alpha, dst, num_segments=n)
    amax = jnp.where(jnp.isfinite(amax), amax, 0.0)
    ex = jnp.exp(alpha - amax[dst])
    denom = jax.ops.segment_sum(ex, dst, num_segments=n)
    coef = ex / (denom[dst] + 1e-16)
    msg = xp3[src] * coef[:, :, None]
    out = jax.ops.segment_sum(msg, dst, num_segments=n)
    if concat:
        return out.reshape(n, H * C) + b
    return jnp.mean(out, axis=1) + b


def kernel(x, edge_index, batch, W1, as1, ad1, b1, W2, as2, ad2, b2):
    loop = jnp.arange(N, dtype=edge_index.dtype)
    src = jnp.concatenate([edge_index[0], loop])
    dst = jnp.concatenate([edge_index[1], loop])
    h = jax.nn.relu(_gat_layer(x, src, dst, W1, as1, ad1, b1, True))
    h = jax.nn.relu(_gat_layer(h, src, dst, W2, as2, ad2, b2, False))
    sums = jax.ops.segment_sum(h, batch, num_segments=G)
    cnt = jax.ops.segment_sum(jnp.ones((h.shape[0], 1), dtype=h.dtype), batch, num_segments=G)
    return sums / jnp.maximum(cnt, 1.0)

# --- scband reference (transcript-rebuilt; emitter-appended) ---
"""Pipeline reference for scband-gatencoder-53669911331164 (READ-ONLY COPY).

The authoritative reference and input builder live on the scoring server;
editing this copy changes nothing except your own understanding.
"""

import jax, jax.numpy as jnp
import numpy as np

N = 10000
E = 640000
H = 4
G = 128
IN_DIM = 128
HID = 32
OUT_DIM = 128
NEG_SLOPE = 0.2


def gat_conv(x, src, dst, W, att_src, att_dst, b, concat):
    n = x.shape[0]
    C = att_src.shape[1]
    xp = (x @ W).reshape(n, H, C)
    a_src = jnp.sum(xp * att_src[None, :, :], axis=-1)
    a_dst = jnp.sum(xp * att_dst[None, :, :], axis=-1)
    alpha = a_src[src] + a_dst[dst]
    alpha = jnp.where(alpha >= 0, alpha, NEG_SLOPE * alpha)
    amax = jax.ops.segment_max(alpha, dst, num_segments=n)
    amax = jax.lax.stop_gradient(jnp.where(jnp.isfinite(amax), amax, 0.0))
    ex = jnp.exp(alpha - amax[dst])
    denom = jax.ops.segment_sum(ex, dst, num_segments=n)
    coef = ex / (denom[dst] + 1e-16)
    msg = xp[src] * coef[:, :, None]
    out = jax.ops.segment_sum(msg, dst, num_segments=n)
    if concat:
        return out.reshape(n, H * C) + b
    return jnp.mean(out, axis=1) + b


def _forward(x, edge_index, batch, W1, as1, ad1, b1, W2, as2, ad2, b2):
    loop = jnp.arange(x.shape[0], dtype=edge_index.dtype)
    src = jnp.concatenate([edge_index[0], loop])
    dst = jnp.concatenate([edge_index[1], loop])
    h = jax.nn.relu(gat_conv(x, src, dst, W1, as1, ad1, b1, True))
    h = jax.nn.relu(gat_conv(h, src, dst, W2, as2, ad2, b2, False))
    sums = jax.ops.segment_sum(h, batch, num_segments=G)
    cnt = jax.ops.segment_sum(jnp.ones((h.shape[0], 1), dtype=h.dtype), batch, num_segments=G)
    return sums / jnp.maximum(cnt, 1.0)


def setup_inputs(seed: int = 0):
    key = jax.random.key(seed)
    ks = jax.random.split(key, 12)
    x = jax.random.normal(ks[0], (N, IN_DIM), dtype=jnp.float32)
    edge_index = jax.random.randint(ks[1], (2, E), 0, N, dtype=jnp.int32)
    batch = jnp.sort(jax.random.randint(ks[2], (N,), 0, G, dtype=jnp.int32))
    s = 0.1
    W1 = jax.random.normal(ks[3], (IN_DIM, H * HID), dtype=jnp.float32) * s
    as1 = jax.random.normal(ks[4], (H, HID), dtype=jnp.float32) * s
    ad1 = jax.random.normal(ks[5], (H, HID), dtype=jnp.float32) * s
    b1 = jnp.zeros((H * HID,), dtype=jnp.float32)
    W2 = jax.random.normal(ks[6], (H * HID, H * OUT_DIM), dtype=jnp.float32) * s
    as2 = jax.random.normal(ks[7], (H, OUT_DIM), dtype=jnp.float32) * s
    ad2 = jax.random.normal(ks[8], (H, OUT_DIM), dtype=jnp.float32) * s
    b2 = jnp.zeros((OUT_DIM,), dtype=jnp.float32)
    return {"x": x, "edge_index": edge_index, "batch": batch, "W1": W1, "as1": as1, "ad1": ad1, "b1": b1, "W2": W2, "as2": as2, "ad2": ad2, "b2": b2}


def reference(x, edge_index, batch, W1, as1, ad1, b1, W2, as2, ad2, b2):
    return _forward(x, edge_index, batch, W1, as1, ad1, b1, W2, as2, ad2, b2)

if __name__ == "__main__":
    import jax
    _d = setup_inputs()
    print(jax.jit(kernel)(*tuple(_d.values())))

</pallas_src>

<mosaic_0001>
module attributes {stable_mosaic.version = 14 : i64} {
  func.func @_proj_body(%arg0: i32, %arg1: memref<400x128xf32, #tpu.memory_space<vmem>>, %arg2: memref<128x128xf32, #tpu.memory_space<vmem>>, %arg3: memref<4x32xf32, #tpu.memory_space<vmem>>, %arg4: memref<4x32xf32, #tpu.memory_space<vmem>>, %arg5: memref<400x128xf32, #tpu.memory_space<vmem>>, %arg6: memref<400x4xf32, #tpu.memory_space<vmem>>, %arg7: memref<400x4xf32, #tpu.memory_space<vmem>>) attributes {dimension_semantics = [#tpu.dimension_semantics<arbitrary>], iteration_bounds = array<i64: 25>, scalar_prefetch = 0 : i64, scratch_operands = 0 : i64, tpu.core_type = #tpu.core_type<tc>, window_params = [{transform_indices = @transform_0, window_bounds = array<i64: 400, 128>}, {pipeline_mode = #tpu.pipeline_mode<synchronous>, transform_indices = @transform_1, window_bounds = array<i64: 128, 128>}, {pipeline_mode = #tpu.pipeline_mode<synchronous>, transform_indices = @transform_2, window_bounds = array<i64: 4, 32>}, {pipeline_mode = #tpu.pipeline_mode<synchronous>, transform_indices = @transform_3, window_bounds = array<i64: 4, 32>}, {transform_indices = @transform_4, window_bounds = array<i64: 400, 128>}, {transform_indices = @transform_5, window_bounds = array<i64: 400, 4>}, {transform_indices = @transform_6, window_bounds = array<i64: 400, 4>}]} {
    %get3A = arith.constant 0 : index
    %get3A_0 = arith.constant 0 : index
    %get3A_1 = vector.load %arg1[%get3A, %get3A_0] : memref<400x128xf32, #tpu.memory_space<vmem>>, vector<400x128xf32>
    %get3A_2 = arith.constant 0 : index
    %get3A_3 = arith.constant 0 : index
    %get3A_4 = vector.load %arg2[%get3A_2, %get3A_3] : memref<128x128xf32, #tpu.memory_space<vmem>>, vector<128x128xf32>
    %dot_general3A = arith.constant dense<0.000000e+00> : vector<400x128xf32>
    %dot_general3A_5 = tpu.matmul %get3A_1, %get3A_4, %dot_general3A {dimension_numbers = #tpu.dot_dimension_numbers<[1], [0], [0], [1], [0, 0, 1, 1], [], []>, transpose_lhs_hint = false} : vector<400x128xf32>, vector<128x128xf32>, vector<400x128xf32> -> vector<400x128xf32>
    %swap3A = arith.constant 0 : index
    %swap3A_6 = arith.constant 0 : index
    %swap3A_7 = vector.load %arg5[%swap3A, %swap3A_6] : memref<400x128xf32, #tpu.memory_space<vmem>>, vector<400x128xf32>
    tpu.vector_store %arg5[%swap3A, %swap3A_6], %dot_general3A_5 {strides = array<i32>} : memref<400x128xf32, #tpu.memory_space<vmem>>, vector<400x128xf32>,
    %reshape3A = vector.shape_cast %dot_general3A_5 : vector<400x128xf32> to vector<400x4x32xf32>
    %get3A_8 = arith.constant 0 : index
    %get3A_9 = arith.constant 0 : index
    %get3A_10 = vector.load %arg3[%get3A_8, %get3A_9] : memref<4x32xf32, #tpu.memory_space<vmem>>, vector<4x32xf32>
    %broadcast_in_dim3A = vector.shape_cast %get3A_10 : vector<4x32xf32> to vector<1x4x32xf32>
    %mul3A = vector.broadcast %broadcast_in_dim3A : vector<1x4x32xf32> to vector<400x4x32xf32>
    %mul3A_11 = arith.mulf %reshape3A, %mul3A : vector<400x4x32xf32>
    %reduce_sum3A = arith.constant dense<0.000000e+00> : vector<400x4xf32>
    %reduce_sum3A_12 = vector.multi_reduction <add>, %mul3A_11, %reduce_sum3A [2] : vector<400x4x32xf32> to vector<400x4xf32>
    %swap3A_13 = arith.constant 0 : index
    %swap3A_14 = arith.constant 0 : index
    %swap3A_15 = vector.load %arg6[%swap3A_13, %swap3A_14] : memref<400x4xf32, #tpu.memory_space<vmem>>, vector<400x4xf32>
    tpu.vector_store %arg6[%swap3A_13, %swap3A_14], %reduce_sum3A_12 {strides = array<i32>} : memref<400x4xf32, #tpu.memory_space<vmem>>, vector<400x4xf32>,
    %get3A_16 = arith.constant 0 : index
    %get3A_17 = arith.constant 0 : index
    %get3A_18 = vector.load %arg4[%get3A_16, %get3A_17] : memref<4x32xf32, #tpu.memory_space<vmem>>, vector<4x32xf32>
    %broadcast_in_dim3A_19 = vector.shape_cast %get3A_18 : vector<4x32xf32> to vector<1x4x32xf32>
    %mul3A_20 = vector.broadcast %broadcast_in_dim3A_19 : vector<1x4x32xf32> to vector<400x4x32xf32>
    %mul3A_21 = arith.mulf %reshape3A, %mul3A_20 : vector<400x4x32xf32>
    %reduce_sum3A_22 = arith.constant dense<0.000000e+00> : vector<400x4xf32>
    %reduce_sum3A_23 = vector.multi_reduction <add>, %mul3A_21, %reduce_sum3A_22 [2] : vector<400x4x32xf32> to vector<400x4xf32>
    %swap3A_24 = arith.constant 0 : index
    %swap3A_25 = arith.constant 0 : index
    %swap3A_26 = vector.load %arg7[%swap3A_24, %swap3A_25] : memref<400x4xf32, #tpu.memory_space<vmem>>, vector<400x4xf32>
    tpu.vector_store %arg7[%swap3A_24, %swap3A_25], %reduce_sum3A_23 {strides = array<i32>} : memref<400x4xf32, #tpu.memory_space<vmem>>, vector<400x4xf32>,
    return
  }
  func.func @transform_0(%arg0: i32) -> (i32, i32) {
    %c0_i32 = arith.constant 0 : i32
    %c0_i32_0 = arith.constant 0 : i32
    return %arg0, %c0_i32 : i32, i32
  }
  func.func @transform_1(%arg0: i32) -> (i32, i32) {
    %c0_i32 = arith.constant 0 : i32
    %c0_i32_0 = arith.constant 0 : i32
    %c0_i32_1 = arith.constant 0 : i32
    return %c0_i32, %c0_i32_0 : i32, i32
  }
  func.func @transform_2(%arg0: i32) -> (i32, i32) {
    %c0_i32 = arith.constant 0 : i32
    %c0_i32_0 = arith.constant 0 : i32
    %c0_i32_1 = arith.constant 0 : i32
    return %c0_i32, %c0_i32_0 : i32, i32
  }
  func.func @transform_3(%arg0: i32) -> (i32, i32) {
    %c0_i32 = arith.constant 0 : i32
    %c0_i32_0 = arith.constant 0 : i32
    %c0_i32_1 = arith.constant 0 : i32
    return %c0_i32, %c0_i32_0 : i32, i32
  }
  func.func @transform_4(%arg0: i32) -> (i32, i32) {
    %c0_i32 = arith.constant 0 : i32
    %c0_i32_0 = arith.constant 0 : i32
    return %arg0, %c0_i32 : i32, i32
  }
  func.func @transform_5(%arg0: i32) -> (i32, i32) {
    %c0_i32 = arith.constant 0 : i32
    %c0_i32_0 = arith.constant 0 : i32
    return %arg0, %c0_i32 : i32, i32
  }
  func.func @transform_6(%arg0: i32) -> (i32, i32) {
    %c0_i32 = arith.constant 0 : i32
    %c0_i32_0 = arith.constant 0 : i32
    return %arg0, %c0_i32 : i32, i32
  }
}

module attributes {stable_mosaic.version = 14 : i64} {
  func.func @_proj_body(%arg0: i32, %arg1: memref<400x128xf32, #tpu.memory_space<vmem>>, %arg2: memref<128x512xf32, #tpu.memory_space<vmem>>, %arg3: memref<4x128xf32, #tpu.memory_space<vmem>>, %arg4: memref<4x128xf32, #tpu.memory_space<vmem>>, %arg5: memref<400x512xf32, #tpu.memory_space<vmem>>, %arg6: memref<400x4xf32, #tpu.memory_space<vmem>>, %arg7: memref<400x4xf32, #tpu.memory_space<vmem>>) attributes {dimension_semantics = [#tpu.dimension_semantics<arbitrary>], iteration_bounds = array<i64: 25>, scalar_prefetch = 0 : i64, scratch_operands = 0 : i64, tpu.core_type = #tpu.core_type<tc>, window_params = [{transform_indices = @transform_0, window_bounds = array<i64: 400, 128>}, {pipeline_mode = #tpu.pipeline_mode<synchronous>, transform_indices = @transform_1, window_bounds = array<i64: 128, 512>}, {pipeline_mode = #tpu.pipeline_mode<synchronous>, transform_indices = @transform_2, window_bounds = array<i64: 4, 128>}, {pipeline_mode = #tpu.pipeline_mode<synchronous>, transform_indices = @transform_3, window_bounds = array<i64: 4, 128>}, {transform_indices = @transform_4, window_bounds = array<i64: 400, 512>}, {transform_indices = @transform_5, window_bounds = array<i64: 400, 4>}, {transform_indices = @transform_6, window_bounds = array<i64: 400, 4>}]} {
    %get3A = arith.constant 0 : index
    %get3A_0 = arith.constant 0 : index
    %get3A_1 = vector.load %arg1[%get3A, %get3A_0] : memref<400x128xf32, #tpu.memory_space<vmem>>, vector<400x128xf32>
    %get3A_2 = arith.constant 0 : index
    %get3A_3 = arith.constant 0 : index
    %get3A_4 = vector.load %arg2[%get3A_2, %get3A_3] : memref<128x512xf32, #tpu.memory_space<vmem>>, vector<128x512xf32>
    %dot_general3A = arith.constant dense<0.000000e+00> : vector<400x512xf32>
    %dot_general3A_5 = tpu.matmul %get3A_1, %get3A_4, %dot_general3A {dimension_numbers = #tpu.dot_dimension_numbers<[1], [0], [0], [1], [0, 0, 1, 1], [], []>, transpose_lhs_hint = false} : vector<400x128xf32>, vector<128x512xf32>, vector<400x512xf32> -> vector<400x512xf32>
    %swap3A = arith.constant 0 : index
    %swap3A_6 = arith.constant 0 : index
    %swap3A_7 = vector.load %arg5[%swap3A, %swap3A_6] : memref<400x512xf32, #tpu.memory_space<vmem>>, vector<400x512xf32>
    tpu.vector_store %arg5[%swap3A, %swap3A_6], %dot_general3A_5 {strides = array<i32>} : memref<400x512xf32, #tpu.memory_space<vmem>>, vector<400x512xf32>,
    %reshape3A = vector.shape_cast %dot_general3A_5 : vector<400x512xf32> to vector<400x4x128xf32>
    %get3A_8 = arith.constant 0 : index
    %get3A_9 = arith.constant 0 : index
    %get3A_10 = vector.load %arg3[%get3A_8, %get3A_9] : memref<4x128xf32, #tpu.memory_space<vmem>>, vector<4x128xf32>
    %broadcast_in_dim3A = vector.shape_cast %get3A_10 : vector<4x128xf32> to vector<1x4x128xf32>
    %mul3A = vector.broadcast %broadcast_in_dim3A : vector<1x4x128xf32> to vector<400x4x128xf32>
    %mul3A_11 = arith.mulf %reshape3A, %mul3A : vector<400x4x128xf32>
    %reduce_sum3A = arith.constant dense<0.000000e+00> : vector<400x4xf32>
    %reduce_sum3A_12 = vector.multi_reduction <add>, %mul3A_11, %reduce_sum3A [2] : vector<400x4x128xf32> to vector<400x4xf32>
    %swap3A_13 = arith.constant 0 : index
    %swap3A_14 = arith.constant 0 : index
    %swap3A_15 = vector.load %arg6[%swap3A_13, %swap3A_14] : memref<400x4xf32, #tpu.memory_space<vmem>>, vector<400x4xf32>
    tpu.vector_store %arg6[%swap3A_13, %swap3A_14], %reduce_sum3A_12 {strides = array<i32>} : memref<400x4xf32, #tpu.memory_space<vmem>>, vector<400x4xf32>,
    %get3A_16 = arith.constant 0 : index
    %get3A_17 = arith.constant 0 : index
    %get3A_18 = vector.load %arg4[%get3A_16, %get3A_17] : memref<4x128xf32, #tpu.memory_space<vmem>>, vector<4x128xf32>
    %broadcast_in_dim3A_19 = vector.shape_cast %get3A_18 : vector<4x128xf32> to vector<1x4x128xf32>
    %mul3A_20 = vector.broadcast %broadcast_in_dim3A_19 : vector<1x4x128xf32> to vector<400x4x128xf32>
    %mul3A_21 = arith.mulf %reshape3A, %mul3A_20 : vector<400x4x128xf32>
    %reduce_sum3A_22 = arith.constant dense<0.000000e+00> : vector<400x4xf32>
    %reduce_sum3A_23 = vector.multi_reduction <add>, %mul3A_21, %reduce_sum3A_22 [2] : vector<400x4x128xf32> to vector<400x4xf32>
    %swap3A_24 = arith.constant 0 : index
    %swap3A_25 = arith.constant 0 : index
    %swap3A_26 = vector.load %arg7[%swap3A_24, %swap3A_25] : memref<400x4xf32, #tpu.memory_space<vmem>>, vector<400x4xf32>
    tpu.vector_store %arg7[%swap3A_24, %swap3A_25], %reduce_sum3A_23 {strides = array<i32>} : memref<400x4xf32, #tpu.memory_space<vmem>>, vector<400x4xf32>,
    return
  }
  func.func @transform_0(%arg0: i32) -> (i32, i32) {
    %c0_i32 = arith.constant 0 : i32
    %c0_i32_0 = arith.constant 0 : i32
    return %arg0, %c0_i32 : i32, i32
  }
  func.func @transform_1(%arg0: i32) -> (i32, i32) {
    %c0_i32 = arith.constant 0 : i32
    %c0_i32_0 = arith.constant 0 : i32
    %c0_i32_1 = arith.constant 0 : i32
    return %c0_i32, %c0_i32_0 : i32, i32
  }
  func.func @transform_2(%arg0: i32) -> (i32, i32) {
    %c0_i32 = arith.constant 0 : i32
    %c0_i32_0 = arith.constant 0 : i32
    %c0_i32_1 = arith.constant 0 : i32
    return %c0_i32, %c0_i32_0 : i32, i32
  }
  func.func @transform_3(%arg0: i32) -> (i32, i32) {
    %c0_i32 = arith.constant 0 : i32
    %c0_i32_0 = arith.constant 0 : i32
    %c0_i32_1 = arith.constant 0 : i32
    return %c0_i32, %c0_i32_0 : i32, i32
  }
  func.func @transform_4(%arg0: i32) -> (i32, i32) {
    %c0_i32 = arith.constant 0 : i32
    %c0_i32_0 = arith.constant 0 : i32
    return %arg0, %c0_i32 : i32, i32
  }
  func.func @transform_5(%arg0: i32) -> (i32, i32) {
    %c0_i32 = arith.constant 0 : i32
    %c0_i32_0 = arith.constant 0 : i32
    return %arg0, %c0_i32 : i32, i32
  }
  func.func @transform_6(%arg0: i32) -> (i32, i32) {
    %c0_i32 = arith.constant 0 : i32
    %c0_i32_0 = arith.constant 0 : i32
    return %arg0, %c0_i32 : i32, i32
  }
}

</mosaic_0001>

<sc_bundles>
// kernel: scatter_offload_async_start.1
scs
__scs_entry_jumppad:
0x0: {  	(pc) =	sbr.rel $0x88, $3  }
0x1: {  	(tag) =	ssettag $0x0;
	lr =	simm.s32 $0x1  }
0x2: {  	[smem:$0x3F96] =	sst lr;
	_ =	strace $0xD0000000  }
0x3: {  	_ = 	snop  }
0x4: {  	_ = 	snop  }
0x5: {  	_ = 	snop  }
0x6: {  	_ = 	snop  }
0x7: {  	_ = 	snop  }
__scs_overlays_trampoline_lowered:
0x8: {  	[smem:$0x3FA5] =	sst s0  }
0x9: {  	[smem:$0x3FA6] =	sst s1  }
0xa: {  	[smem:$0x3FA7] =	sst s2  }
0xb: {  	[smem:$0x3FA8] =	sst s3  }
0xc: {  	[smem:$0x3FA9] =	sst s4  }
0xd: {  	[smem:$0x3FAA] =	sst s5  }
0xe: {  	[smem:$0x3FAB] =	sst s6  }
0xf: {  	[smem:$0x3FAC] =	sst s7  }
0x10: {  	[smem:$0x3FAD] =	sst s8  }
0x11: {  	[smem:$0x3FAE] =	sst s9;
	s0 =	simm.s32 @!p0 $0x0  }
0x12: {  	s1 =	sld [smem:$0x3F94];
	s0 =	simm.s32 @p0 $0x1  }
0x13: {  	[smem:$0x3FAF] =	sst s0;
	s0 =	simm.s32 @!p1 $0x0  }
0x14: {  	s2 =	sld [smem:$0x3F93];
	s0 =	simm.s32 @p1 $0x1  }
0x15: {  	[smem:$0x3FB0] =	sst s0;
	s0 =	simm.s32 @!p2 $0x0  }
0x16: {  	s3 =	sld [smem:$0x3FDB];
	s0 =	simm.s32 @p2 $0x1  }
0x17: {  	s4 =	simm.s32 $0x1BF5;
	[smem:$0x3FB2] =	sst s0  }
0x18: {  	s0 =	sld [smem:$0x3F95];
	_ =	swait.ge [sflag:s4], $0x0  }
0x19: {  	s7 =	sld [smem:$0x3F96]  }
0x1a: {  	s8 =	sadd.s32 $0xFFFFE003, lr  }
0x1b: {  	s9 =	sadd.s32 $0xFFFFFEF7, lr;
	s5 =	simm.s32 $0xFFFFFFFF;
	p2 =	slt.u32 s8, $0xFFFFF086  }
0x1c: {  	p1 =	slt.u32 s9, $0xF7A;
	s5 =	simm.s32 @!p2 $0x0  }
0x1d: {  	s5 =	simm.s32 @p1 $0x1;
	p0 =	seq.s32 s7, s2  }
0x1e: {  	s7 =	smul.u32 @!p0 $0xF7A, s2;
	p2 =	seq.s32 @!p0 s5, $0x0  }
0x1f: {  	s9 =	smul.u32 $0xF7A, s1;
	s8 =	simm.s32 @!p0 $0x1BF5;
	p2 =	por !p2, p0  }
0x20: {  	[sflag:s8] =	ssyncset.s32 @!p0 $0xFFFFF086;
	s6 =	sadd.s32 @!p0 s3, s7;
	s7 =	simm.s32 @!p0 $0x108  }
0x21: {  	s3 =	sadd.s32 s3, s9;
	s6 =	sadd.s32 @!p0 $0x88, s6;
	s7 =	simm.s32 @p2 $0x1082  }
0x22: {  	[simem:s7], [sflag:s8] =	dma.local @!p0 [hbm:s6], $0xF7A  }
0x23: {  	s9 =	sor.u32 $0xD0000000, s2;
	s6 =	simm.s32 $0x108;
	_ =	swait.ge @!p0 [sflag:s8], $0x0  }
0x24: {  	s3 =	sadd.s32 $0x88, s3;
	s6 =	simm.s32 @!p1 $0x1082;
	[sflag:s4] =	ssyncset.s32 $0xFFFFF086  }
0x25: {  	[simem:s6], [sflag:s4] =	dma.local [hbm:s3], $0xF7A  }
0x26: {  	[smem:$0x3F96] =	sst s1;
	(tag) =	ssettag s2;
	_ =	strace s9  }
0x27: {  	s1 =	sld [smem:$0x3FA6]  }
0x28: {  	s2 =	sld [smem:$0x3FA7]  }
0x29: {  	s4 =	sld [smem:$0x3FA9]  }
0x2a: {  	p0 =	seq.s32 s5, $0x0;
	s5 =	sld [smem:$0x3FAA]  }
0x2b: {  	s6 =	sld [smem:$0x3FAB]  }
0x2c: {  	s7 =	sld [smem:$0x3FAC]  }
0x2d: {  	s3 =	simm.s32 $0x108;
	s8 =	sld [smem:$0x3FAD]  }
0x2e: {  	s3 =	simm.s32 @!p0 $0x1082;
	s9 =	sld [smem:$0x3FAE]  }
0x2f: {  	lr =	sadd.s32 s0, s3;
	s0 =	sld [smem:$0x3FA5]  }
0x30: {  	s3 =	sld [smem:$0x3FA8]  }
0x31: {  	[smem:$0x3FB1] =	sst s10  }
0x32: {  	s10 =	sld [smem:$0x3FAF];
	_ =	sdelay $0x3  }
0x33: {  	p0 =	seq.s32 s10, $0x1;
	s10 =	sld [smem:$0x3FB1];
	_ =	sdelay $0x3  }
0x34: {  	[smem:$0x3FB1] =	sst s10  }
0x35: {  	s10 =	sld [smem:$0x3FB0];
	_ =	sdelay $0x3  }
0x36: {  	p1 =	seq.s32 s10, $0x1;
	s10 =	sld [smem:$0x3FB1];
	_ =	sdelay $0x3  }
0x37: {  	[smem:$0x3FB1] =	sst s10  }
0x38: {  	s10 =	sld [smem:$0x3FB2]  }
0x39: {  	_ = 	snop;
	(pc) =	sbr.ind lr, $3  }
0x3a: {  	_ = 	snop  }
0x3b: {  	_ = 	snop  }
0x3c: {  	p2 =	seq.s32 s10, $0x1;
	s10 =	sld [smem:$0x3FB1]  }
0x3d: {  	_ =	shalt  }
0x3e: {  	_ =	shalt  }
0x3f: {  	_ =	shalt  }
0x40: {  	_ =	shalt  }
0x41: {  	_ =	shalt  }
0x42: {  	_ =	shalt  }
0x43: {  	_ =	shalt  }
0x44: {  	_ =	shalt  }
0x45: {  	_ =	shalt  }
0x46: {  	_ =	shalt  }
0x47: {  	_ =	shalt  }
0x48: {  	_ =	shalt  }
0x49: {  	_ =	shalt  }
0x4a: {  	_ =	shalt  }
0x4b: {  	_ =	shalt  }
0x4c: {  	_ =	shalt  }
0x4d: {  	_ =	shalt  }
0x4e: {  	_ =	shalt  }
0x4f: {  	_ =	shalt  }
0x50: {  	_ =	shalt  }
0x51: {  	_ =	shalt  }
0x52: {  	_ =	shalt  }
0x53: {  	_ =	shalt  }
0x54: {  	_ =	shalt  }
0x55: {  	_ =	shalt  }
0x56: {  	_ =	shalt  }
0x57: {  	_ =	shalt  }
0x58: {  	_ =	shalt  }
0x59: {  	_ =	shalt  }
0x5a: {  	_ =	shalt  }
0x5b: {  	_ =	shalt  }
0x5c: {  	_ =	shalt  }
0x5d: {  	_ =	shalt  }
0x5e: {  	_ =	shalt  }
0x5f: {  	_ =	shalt  }
0x60: {  	_ =	shalt  }
0x61: {  	_ =	shalt  }
0x62: {  	_ =	shalt  }
0x63: {  	_ =	shalt  }
0x64: {  	_ =	shalt  }
0x65: {  	_ =	shalt  }
0x66: {  	_ =	shalt  }
0x67: {  	_ =	shalt  }
0x68: {  	_ =	shalt  }
0x69: {  	_ =	shalt  }
0x6a: {  	_ =	shalt  }
0x6b: {  	_ =	shalt  }
0x6c: {  	_ =	shalt  }
0x6d: {  	_ =	shalt  }
0x6e: {  	_ =	shalt  }
0x6f: {  	_ =	shalt  }
0x70: {  	_ =	shalt  }
0x71: {  	_ =	shalt  }
0x72: {  	_ =	shalt  }
0x73: {  	_ =	shalt  }
0x74: {  	_ =	shalt  }
0x75: {  	_ =	shalt  }
0x76: {  	_ =	shalt  }
0x77: {  	_ =	shalt  }
0x78: {  	_ =	shalt  }
0x79: {  	_ =	shalt  }
0x7a: {  	_ =	shalt  }
0x7b: {  	_ =	shalt  }
0x7c: {  	_ =	shalt  }
0x7d: {  	_ =	shalt  }
0x7e: {  	_ =	shalt  }
0x7f: {  	_ =	shalt  }
0x80: {  	_ =	shalt  }
0x81: {  	_ =	shalt  }
0x82: {  	_ =	shalt  }
0x83: {  	_ =	shalt  }
0x84: {  	_ =	shalt  }
0x85: {  	_ =	shalt  }
0x86: {  	_ =	shalt  }
0x87: {  	_ =	shalt  }
.Lfunc_end0:
.L_simem_size_0:
called_computation.1_lowered:
.L_overlay_start_0:
0x88: {  	s0 =	sld [smem:$0x3FD9]  }
0x89: {  	s1 =	sld [smem:$0x3FFE];
	_ =	sdelay $0x3  }
0x8a: {  	s0 =	sadd.s32 s1, s0  }
0x8b: {  	[smem:$0x3FBD] =	sst s0  }
0x8c: {  	_ = 	snop  }
0x8d: {  	(tm) =	ssettm $0x1  }
0x8e: {  	s14 =	sld [smem:$0x3FFB];
	_ =	sdelay $0x3  }
0x8f: {  	_ =	strace s14  }
0x90: {  	s0 =	sld [smem:$0x3FFC];
	_ =	sdelay $0x3  }
0x91: {  	_ =	strace s0  }
0x92: {  	s0 =	sld [smem:$0x3FFD];
	_ =	sdelay $0x3  }
0x93: {  	_ =	strace s0  }
0x94: {  	_ =	strace $0x8FFFFFFF  }
0x95: {  	s15 =	sld [smem:$0x3FDB];
	_ =	sdelay $0x1  }
0x96: {  	s16 =	simm.s32 $_scs_section_size  }
0x97: {  	s2 =	simm.s32 $_size__tile_overlayer_lowered;
	s3 =	simm.s32 $_tile_overlayer_lowered  }
0x98: {  	s4 =	simm.s32 $0x1BFF;
	s17 =	sshll.u32 s3, $0x1;
	s1 =	sadd.s32 s16, s15  }
0x99: {  	s18 =	simm.s32 $0x0;
	s2 =	sshll.u32 s2, $0x1;
	s3 =	sadd.s32 s17, s1  }
0x9a: {  	[timem:s18], [sflag:s4] =	dma.local [hbm:s3], s2  }
0x9b: {  	_ =	swait.ge [sflag:s4], s2  }
0x9c: {  	s2 =	ssub.s32 $0x0, s2;
	[sflag:s4] =	ssyncset.done $0x0  }
0x9d: {  	[sflag:s4] =	ssyncadd.s32 s2;
	_ =	sdelay $0x1  }
0x9e: {  	s19 =	simm.s32 $0x1B8B  }
0x9f: {  	_ =	swait.ge [sflag:s19], $0x1  }
0xa0: {  	[sflag:s19] =	ssyncset.done $0x0  }
0xa1: {  	s21 =	simm.s32 $0x1B8E;
	s20 =	sld [smem:$0x3FFE];
	[sflag:s19] =	ssyncadd.s32 $0xFFFFFFFF  }
0xa2: {  	s22 =	simm.s32 $execute0_lowered;
	[smem:$0x3FD2] =	sst s21  }
0xa3: {  	s3 =	sshll.u32 s22, $0x1;
	_ =	strace $0x8000004C;
	[dreg:$0x1] =	wrdreg $0xFFFFFFFF  }
0xa4: {  	s23 =	simm.s32 $_size_execute0_lowered;
	s3 =	sadd.s32 s1, s3;
	[dreg:$0x0] =	wrdreg $0x0  }
0xa5: {  	s4 =	sshll.u32 s23, $0x1;
	[dreg:$0x2] =	wrdreg s3  }
0xa6: {  	[dreg:$0x3] =	wrdreg s4  }
0xa7: {  	[dreg:$0x4] =	wrdreg $0xC0  }
0xa8: {  	s24 =	simm.s32 $execute1_lowered;
	_ =	task [dreg:s18], $0x5FFFF  }
0xa9: {  	s3 =	sshll.u32 s24, $0x1;
	[dreg:$0x1] =	wrdreg $0xFFFFFFFF  }
0xaa: {  	s1 =	sadd.s32 s1, s3;
	[dreg:$0x0] =	wrdreg $0x60  }
0xab: {  	[dreg:$0x2] =	wrdreg s1  }
0xac: {  	[dreg:$0x3] =	wrdreg s20  }
0xad: {  	[dreg:$0x4] =	wrdreg $0x9  }
0xae: {  	_ =	task.clear_ibuf [dreg:s18], $0x5FFFF;
	_ =	strace $0x9000004C  }
0xaf: {  	s25 =	simm.s32 $0x9;
	_ =	strace $0x8000004E  }
0xb0: {  	_ =	swait.ge [sflag:s25], $0x1  }
0xb1: {  	[sflag:s25] =	ssyncadd.s32 $0xFFFFFFFF  }
0xb2: {  	_ =	strace $0x9000004E  }
0xb3: {  	_ =	strace $0x8000004F;
	[dreg:$0x1] =	wrdreg $0xFFFFFFFF  }
0xb4: {  	[dreg:$0x0] =	wrdreg $0x2030  }
0xb5: {  	[dreg:$0x2] =	wrdreg s20  }
0xb6: {  	[dreg:$0x3] =	wrdreg $0xA  }
0xb7: {  	_ =	task.clear_ibuf [dreg:s18], $0x4FFFF;
	_ =	strace $0x9000004F  }
0xb8: {  	s26 =	simm.s32 $0xA;
	_ =	strace $0x80000051  }
0xb9: {  	_ =	swait.ge [sflag:s26], $0x1  }
0xba: {  	[sflag:s26] =	ssyncadd.s32 $0xFFFFFFFF  }
0xbb: {  	_ =	strace $0x90000051  }
0xbc: {  	_ =	sfence  }
0xbd: {  	s28 =	sld [smem:$0x0];
	_ =	sdelay $0x1  }
0xbe: {  	s29 =	srdreg.scid  }
0xbf: {  	s30 =	sshll.u32 s29, $0xD;
	s31 =	sshrl.u32 s29, $0x2  }
0xc0: {  	s2 =	sand.u32 $0x1, s29;
	s3 =	sand.u32 $0x4000, s30;
	s1 =	sadd.s32 s31, s28  }
0xc1: {  	s2 =	sor.u32 s3, s2;
	s1 =	sshll.u32 s1, $0x11  }
0xc2: {  	s1 =	sor.u32 s1, s2  }
0xc3: {  	s1 =	sadd.s32 $0x8F2B, s1  }
0xc4: {  	[sflag:s1] =	ssyncadd.remote.s32 $0x1  }
0xc5: {  	_ =	sfence.sel $0xFFFF  }
0xc6: {  	[dreg:$0x0] =	wrdreg $0xFFFFFFFF;
	(pc) =	sbr.abs _section_cstart, $3  }
0xc7: {  	[dreg:$0x1] =	wrdreg $0xFFFFFFFF  }
0xc8: {  	_ =	task.clear_ibuf [dreg:s18], $0x2FFFF;
	_ =	strace $0x9FFFFFFF  }
0xc9: {  	(tm) =	ssettm $0x7FFFFFFF  }
tec
execute0_lowered:
.L_overlay_start_1:
0x0: {  	(tag) =	ssettag $0x1  }
0x1: {  	s2 =	rddreg [dreg:$0x0]  }
0x2: {  	s5 =	rddreg [dreg:$0x1]  }
0x3: {  	s0 =	rddreg [dreg:$0x2];
	s3 =	stileid.u32  }
0x4: {  	[bflag:$0x3] =	sbarrier.arrive $0xFFFF;
	s1 =	simm.s32 $_size_execute1_lowered;
	s31 =	simm.s32 $0x2  }
0x5: {  	s13 =	simm.s32 $0x0;
	s8 =	simm.s32 $0x20;
	s9 =	simm.s32 $0x80  }
0x6: {  	s11 =	simm.s32 $0x0;
	s12 =	simm.s32 $0x0;
	p0 =	sne.s32 s3, $0x0  }
0x7: {  	s1 =	sshll.u32 s1, $0x1;
	s3 =	sshll.u32 s3, $0x9;
	s4 =	simm.s32 @!p0 $0x1C3F  }
.Ltmp0:
0x8: {  	s6 =	simm.s32 @!p0 $0x4060;
	s7 =	ssub.s32 $0x2600, s3;
	(pc) =	sbr.rel .LBB2_1-.Ltmp0, $4  }
0x9: {  	[timem:s6], [sflag:s4] =	dma.local @!p0 [hbm:s2], s1  }
0xa: {  	s10 =	smov.u32 s3;
	s4 =	simm.s32 $0x1;
	_ =	strace $0x8000004D  }
0xb: {  	s2 =	sadd.s32 $0xD8800, s5;
	s6 =	sshrl.u32 s7, $0xD;
	[sflag:s4] =	ssyncpa.u1 $0x0  }
0xc: {  	s5 =	sadd.s32 $0xFFA00, s5;
	s7 =	sor.u32 $0x2, s6;
	[sflag:s31] =	ssyncpa.u1 $0x0  }
.LBB2_5:
0xd: {  	_ =	sdelay $0x3  }
0xe: {  	[tilespmem:v1+s16+$0x0 ss:$0x1] =	vst.idx.msk $0xffff, v2  }
.LBB2_6:
0xf: {  	s16 =	sand.u32 $0x1FFFFFF, s11  }
0x10: {  	s17 =	smulhi.u32 $0x1A36E2F, s16;
	_ =	sdelay $0x1  }
0x11: {  	s17 =	sshrl.u32 s17, $0x6  }
0x12: {  	s17 =	smul.u32 $0x2710, s17;
	_ =	sdelay $0x1  }
0x13: {  	s16 =	ssub.s32 s16, s17  }
0x14: {  	s16 =	sshll.u32 s16, $0x4  }
0x15: {  	s16 =	sadd.s32 s5, s16  }
0x16: {  	[hbm4b:s16+s8] =	stream.strided.scatter [tilespmem:s15], [sflag:$0x2], s14, s9, s8, $0x38;
	[tilespmem:$0x10000] =	vst v63  }
.LBB2_7:
0x17: {  	p1 =	slt.u32 s12, $0x2  }
0x18: {  	p2 =	sgt.s32 @!p1 s13, $0x2510  }
0x19: {  	s14 =	smov.u32 s13;
	s15 =	sshra.s32 @!p1 s13, $0x1F;
	p2 =	por !p2, p1  }
0x1a: {  	s13 =	sand.u32 @!p1 s15, s13;
	s14 =	simm.s32 @p2 $0x2510  }
0x1b: {  	s13 =	ssub.s32 @!p1 s14, s13  }
0x1c: {  	s13 =	sadd.s32 @!p1 $0xFFFFDAF0, s13  }
0x1d: {  	s14 =	sshll.u32 @!p1 s13, $0x7  }
0x1e: {  	p2 =	sgt.s32 @!p1 s13, $0x1FF;
	s13 =	ssub.s32 @!p1 $0x10000, s14  }
0x1f: {  	s15 =	sadd.s32 $0x2000, s10;
	p2 =	por !p2, p1;
	s13 =	sshrl.u32 @!p1 s13, $0x2  }
0x20: {  	s13 =	simm.s32 @!p2 $0x0;
	p2 =	sgt.s32 s15, $0x270F  }
0x21: {  	s15 =	smov.u32 @p2 s3;
	p2 =	sne.s32 s12, s7  }
.Ltmp1:
0x22: {  	_ = 	snop;
	(pc) =	sbr.rel @!p2 .LBB2_8-.Ltmp1, $4  }
0x23: {  	s14 =	simm.s32 @!p1 $0x2  }
0x24: {  	_ =	swait.ge @!p1 [sflag:s14], s13;
	s16 =	ssub.s32 @!p1 $0x0, s13  }
0x25: {  	s13 =	smov.u32 s11;
	s12 =	sadd.s32 $0x1, s12;
	[sflag:s14] =	ssyncset.done @!p1 $0x0  }
0x26: {  	s11 =	smov.u32 s10;
	s10 =	smov.u32 s15;
	[sflag:s14] =	ssyncadd.s32 @!p1 s16  }
.LBB2_1:
0x27: {  	p1 =	sgt.u32 s12, s6  }
0x28: {  	s15 =	smov.u32 s10;
	p2 =	sgt.s32 @!p1 s10, $0x2510  }
0x29: {  	s14 =	sand.u32 @!p1 $0x1FFFFFF, s10;
	s16 =	sshra.s32 @!p1 s10, $0x1F;
	p2 =	por !p2, p1  }
0x2a: {  	s17 =	smulhi.u32 @!p1 $0x1A36E2F, s14;
	s16 =	sand.u32 @!p1 s16, s10;
	s15 =	simm.s32 @p2 $0x2510  }
0x2b: {  	s15 =	ssub.s32 @!p1 s15, s16  }
0x2c: {  	s16 =	sshrl.u32 @!p1 s17, $0x6;
	s15 =	sadd.s32 @!p1 $0xFFFFDAF0, s15  }
0x2d: {  	s17 =	sxor.u32 @!p1 $0xFFFFFFFF, s12;
	s16 =	smul.u32 @!p1 $0x2710, s16;
	s18 =	sshll.u32 @!p1 s15, $0x7  }
0x2e: {  	s17 =	sshll.u32 @!p1 s17, $0xE;
	p2 =	sgt.s32 @!p1 s15, $0x1FF;
	s15 =	ssub.s32 @!p1 $0x10000, s18  }
0x2f: {  	s14 =	ssub.s32 @!p1 s14, s16;
	p2 =	por !p2, p1;
	s16 =	sand.u32 @!p1 $0x4000, s17  }
0x30: {  	s17 =	simm.s32 @!p1 $0x20;
	s15 =	sshrl.u32 @!p1 s15, $0x2;
	s14 =	sshll.u32 @!p1 s14, $0x4  }
0x31: {  	s18 =	simm.s32 @!p1 $0x80;
	s15 =	simm.s32 @!p2 $0x0;
	s14 =	sadd.s32 @!p1 s2, s14  }
0x32: {  	[tilespmem:s16], [sflag:$0x1] =	stream.strided.gather @!p1 [hbm4b:s14+s17], s15, s18, s17, $0x38;
	[tilespmem:$0x10000] =	vst v63  }
0x33: {  	p1 =	seq.s32 s12, $0x0  }
0x34: {  	p2 =	sge.u32 @!p1 s12, s7  }
0x35: {  	p1 =	por p1, p2  }
.Ltmp2:
0x36: {  	_ = 	snop;
	(pc) =	sbr.rel @p1 .LBB2_7-.Ltmp2, $1  }
0x37: {  	_ =	sdelay $0x3  }
0x38: {  	p1 =	sgt.s32 s11, $0x2510;
	s14 =	smov.u32 s11;
	s15 =	sshra.s32 s11, $0x1F  }
0x39: {  	s14 =	simm.s32 @!p1 $0x2510;
	s15 =	sand.u32 s15, s11  }
0x3a: {  	s14 =	ssub.s32 s14, s15  }
0x3b: {  	s14 =	sadd.s32 $0xFFFFDAF0, s14  }
0x3c: {  	s31 =	sshll.u32 s14, $0x7  }
0x3d: {  	s15 =	ssub.s32 $0x10000, s31  }
0x3e: {  	p1 =	sgt.s32 s14, $0x1FF;
	s14 =	sshrl.u32 s15, $0x2;
	s15 =	sadd.s32 $0x200, s11  }
0x3f: {  	s14 =	simm.s32 @p1 $0x0;
	p1 =	slt.s32 s15, $0x2710  }
0x40: {  	s15 =	simm.s32 @!p1 $0x2710  }
0x41: {  	s17 =	ssub.s32 s15, s11  }
0x42: {  	p1 =	slt.s32 s17, $0x1  }
.Ltmp3:
0x43: {  	_ = 	snop;
	(pc) =	sbr.rel @p1 .LBB2_6-.Ltmp3, $4  }
0x44: {  	_ = 	snop  }
0x45: {  	s16 =	sshll.u32 s12, $0xE;
	_ =	swait.ge [sflag:s4], s14  }
0x46: {  	s16 =	sand.u32 $0x4000, s16;
	s18 =	ssub.s32 $0x0, s14;
	[sflag:s4] =	ssyncset.done $0x0  }
0x47: {  	s15 =	sor.u32 $0x8000, s16;
	[sflag:s4] =	ssyncadd.s32 s18  }
0x48: {  	v0 =	vmov s16;
	_ =	sdelay $0x2  }
0x49: {  	s31 =	simm.s32 $0x0;
	p1 =	sne.s32 s17, $0x1  }
.Ltmp4:
0x4a: {  	s16 =	sand.u32 $0x3FE0, s31;
	(pc) =	sbr.rel @!p1 .LBB2_5-.Ltmp4, $2  }
0x4b: {  	v1 =	vmov s15;
	v2 =	vld.idx.msk [tilespmem:v0+s16+$0x0 ss:$0x1], $0xffff;
	_ =	sdelay $0x2  }
0x4c: {  	s17 =	sadd.s32 $0xFFFFFFFF, s17;
	s18 =	simm.s32 $0x20  }
.LBB2_4:
0x4d: {  	s19 =	sand.u32 $0x3FE0, s18;
	p1 =	sne.s32 s17, $0x1;
	s17 =	sadd.s32 $0xFFFFFFFF, s17  }
.Ltmp5:
0x4e: {  	[tilespmem:v1+s16+$0x0 ss:$0x1] =	vst.idx.msk $0xffff, v2;
	v2 =	vld.idx.msk [tilespmem:v0+s19+$0x0 ss:$0x1], $0xffff;
	s16 =	smov.u32 s19;
	(pc) =	sbr.rel @p1 .LBB2_4-.Ltmp5, $2  }
0x4f: {  	_ =	sdelay $0x2  }
0x50: {  	s18 =	sadd.s32 $0x20, s18  }
.Ltmp6:
0x51: {  	_ = 	snop;
	(pc) =	sbr.rel .LBB2_5-.Ltmp6, $1  }
0x52: {  	_ =	sdelay $0x3  }
.LBB2_8:
0x53: {  	_ =	sfence.sel $0x180000  }
0x54: {  	s2 =	simm.s32 $0x1;
	[bflag:$0x0] =	sbarrier.arrive $0xFFFF  }
0x55: {  	s31 =	simm.s32 $0x2;
	[sflag:s2] =	ssyncpa.u1 $0x1  }
0x56: {  	[sflag:s31] =	ssyncpa.u1 $0x1  }
0x57: {  	_ =	strace $0x9000004D  }
0x58: {  	s0 =	sadd.s32 @!p0 $0x100000, s0;
	[bflag:$0x2] =	sbarrier.arrive $0xFFFF  }
0x59: {  	[sflag:s0] =	ssyncadd.tile.s32 @!p0 $0x1;
	s0 =	simm.s32 @!p0 $0x3F  }
0x5a: {  	_ =	swait.ge @!p0 [sflag:s0], s1  }
0x5b: {  	s1 =	ssub.s32 @!p0 $0x0, s1;
	[sflag:s0] =	ssyncset.done @!p0 $0x0  }
0x5c: {  	[sflag:s0] =	ssyncadd.s32 @!p0 s1  }
0x5d: {  	[bflag:$0x3] =	sbarrier.arrive $0xFFFF  }
0x5e: {  	_ =	shalt  }
.Lfunc_end2:
execute1_lowered:
.L_overlay_start_2:
0x5f: {  	(tag) =	ssettag $0x2  }
0x60: {  	s8 =	rddreg [dreg:$0x0];
	_ =	strace $0x80000050;
	s11 =	simm.s32 $0x1  }
0x61: {  	v0 =	vimm.s32 $0x0;
	[sflag:s11] =	ssyncpa.u1 $0x0  }
0x62: {  	[tilespmem:$0x28] =	vst v0  }
0x63: {  	[tilespmem:$0x38] =	vst v0  }
0x64: {  	[tilespmem:$0x48] =	vst v0  }
0x65: {  	[tilespmem:$0x58] =	vst v0  }
0x66: {  	[tilespmem:$0x68] =	vst v0  }
0x67: {  	[tilespmem:$0x78] =	vst v0  }
0x68: {  	[tilespmem:$0x88] =	vst v0  }
0x69: {  	[tilespmem:$0x98] =	vst v0  }
0x6a: {  	[tilespmem:$0xA8] =	vst v0  }
0x6b: {  	[tilespmem:$0xB8] =	vst v0  }
0x6c: {  	[tilespmem:$0xC8] =	vst v0  }
0x6d: {  	[tilespmem:$0xD8] =	vst v0  }
0x6e: {  	[tilespmem:$0xE8] =	vst v0  }
0x6f: {  	[tilespmem:$0xF8] =	vst v0  }
0x70: {  	[tilespmem:$0x108] =	vst v0  }
0x71: {  	[tilespmem:$0x118] =	vst v0  }
0x72: {  	[tilespmem:$0x128] =	vst v0  }
0x73: {  	[tilespmem:$0x138] =	vst v0  }
0x74: {  	[tilespmem:$0x148] =	vst v0  }
0x75: {  	[tilespmem:$0x158] =	vst v0  }
0x76: {  	[tilespmem:$0x168] =	vst v0  }
0x77: {  	[tilespmem:$0x178] =	vst v0  }
0x78: {  	[tilespmem:$0x188] =	vst v0  }
0x79: {  	[tilespmem:$0x198] =	vst v0  }
0x7a: {  	[tilespmem:$0x1A8] =	vst v0  }
0x7b: {  	[tilespmem:$0x1B8] =	vst v0  }
0x7c: {  	[tilespmem:$0x1C8] =	vst v0  }
0x7d: {  	[tilespmem:$0x1D8] =	vst v0  }
0x7e: {  	[tilespmem:$0x1E8] =	vst v0  }
0x7f: {  	[tilespmem:$0x1F8] =	vst v0  }
0x80: {  	[tilespmem:$0x208] =	vst v0  }
0x81: {  	[tilespmem:$0x218] =	vst v0  }
0x82: {  	[tilespmem:$0x228] =	vst v0  }
0x83: {  	[tilespmem:$0x238] =	vst v0  }
0x84: {  	[tilespmem:$0x248] =	vst v0  }
0x85: {  	[tilespmem:$0x258] =	vst v0  }
0x86: {  	[tilespmem:$0x268] =	vst v0  }
0x87: {  	[tilespmem:$0x278] =	vst v0  }
0x88: {  	[tilespmem:$0x288] =	vst v0  }
0x89: {  	[tilespmem:$0x298] =	vst v0  }
0x8a: {  	[tilespmem:$0x2A8] =	vst v0  }
0x8b: {  	[tilespmem:$0x2B8] =	vst v0  }
0x8c: {  	[tilespmem:$0x2C8] =	vst v0  }
0x8d: {  	[tilespmem:$0x2D8] =	vst v0  }
0x8e: {  	[tilespmem:$0x2E8] =	vst v0  }
0x8f: {  	[tilespmem:$0x2F8] =	vst v0  }
0x90: {  	[tilespmem:$0x308] =	vst v0  }
0x91: {  	[tilespmem:$0x318] =	vst v0  }
0x92: {  	[tilespmem:$0x328] =	vst v0  }
0x93: {  	[tilespmem:$0x338] =	vst v0  }
0x94: {  	[tilespmem:$0x348] =	vst v0  }
0x95: {  	[tilespmem:$0x358] =	vst v0  }
0x96: {  	[tilespmem:$0x368] =	vst v0  }
0x97: {  	[tilespmem:$0x378] =	vst v0  }
0x98: {  	[tilespmem:$0x388] =	vst v0  }
0x99: {  	[tilespmem:$0x398] =	vst v0  }
0x9a: {  	[tilespmem:$0x3A8] =	vst v0  }
0x9b: {  	[tilespmem:$0x3B8] =	vst v0  }
0x9c: {  	[tilespmem:$0x3C8] =	vst v0  }
0x9d: {  	[tilespmem:$0x3D8] =	vst v0  }
0x9e: {  	[tilespmem:$0x3E8] =	vst v0  }
0x9f: {  	[tilespmem:$0x3F8] =	vst v0  }
0xa0: {  	[tilespmem:$0x408] =	vst v0  }
0xa1: {  	[tilespmem:$0x418] =	vst v0  }
0xa2: {  	[tilespmem:$0x428] =	vst v0  }
0xa3: {  	[tilespmem:$0x438] =	vst v0  }
0xa4: {  	[tilespmem:$0x448] =	vst v0  }
0xa5: {  	[tilespmem:$0x458] =	vst v0  }
0xa6: {  	[tilespmem:$0x468] =	vst v0  }
0xa7: {  	[tilespmem:$0x478] =	vst v0  }
0xa8: {  	[tilespmem:$0x488] =	vst v0  }
0xa9: {  	[tilespmem:$0x498] =	vst v0  }
0xaa: {  	[tilespmem:$0x4A8] =	vst v0  }
0xab: {  	[tilespmem:$0x4B8] =	vst v0  }
0xac: {  	[tilespmem:$0x4C8] =	vst v0  }
0xad: {  	[tilespmem:$0x4D8] =	vst v0  }
0xae: {  	[tilespmem:$0x4E8] =	vst v0  }
0xaf: {  	[tilespmem:$0x4F8] =	vst v0  }
0xb0: {  	[tilespmem:$0x508] =	vst v0  }
0xb1: {  	[tilespmem:$0x518] =	vst v0  }
0xb2: {  	[tilespmem:$0x528] =	vst v0  }
0xb3: {  	[tilespmem:$0x538] =	vst v0  }
0xb4: {  	[tilespmem:$0x548] =	vst v0  }
0xb5: {  	[tilespmem:$0x558] =	vst v0  }
0xb6: {  	[tilespmem:$0x568] =	vst v0  }
0xb7: {  	[tilespmem:$0x578] =	vst v0  }
0xb8: {  	[tilespmem:$0x588] =	vst v0  }
0xb9: {  	[tilespmem:$0x598] =	vst v0  }
0xba: {  	[tilespmem:$0x5A8] =	vst v0  }
0xbb: {  	[tilespmem:$0x5B8] =	vst v0  }
0xbc: {  	[tilespmem:$0x5C8] =	vst v0  }
0xbd: {  	[tilespmem:$0x5D8] =	vst v0  }
0xbe: {  	[tilespmem:$0x5E8] =	vst v0  }
0xbf: {  	[tilespmem:$0x5F8] =	vst v0  }
0xc0: {  	[tilespmem:$0x608] =	vst v0  }
0xc1: {  	[tilespmem:$0x618] =	vst v0  }
0xc2: {  	[tilespmem:$0x628] =	vst v0  }
0xc3: {  	[tilespmem:$0x638] =	vst v0  }
0xc4: {  	[tilespmem:$0x648] =	vst v0  }
0xc5: {  	[tilespmem:$0x658] =	vst v0  }
0xc6: {  	[tilespmem:$0x668] =	vst v0  }
0xc7: {  	[tilespmem:$0x678] =	vst v0  }
0xc8: {  	[tilespmem:$0x688] =	vst v0  }
0xc9: {  	[tilespmem:$0x698] =	vst v0  }
0xca: {  	[tilespmem:$0x6A8] =	vst v0  }
0xcb: {  	[tilespmem:$0x6B8] =	vst v0  }
0xcc: {  	[tilespmem:$0x6C8] =	vst v0  }
0xcd: {  	[tilespmem:$0x6D8] =	vst v0  }
0xce: {  	[tilespmem:$0x6E8] =	vst v0  }
0xcf: {  	[tilespmem:$0x6F8] =	vst v0  }
0xd0: {  	[tilespmem:$0x708] =	vst v0  }
0xd1: {  	[tilespmem:$0x718] =	vst v0  }
0xd2: {  	[tilespmem:$0x728] =	vst v0  }
0xd3: {  	[tilespmem:$0x738] =	vst v0  }
0xd4: {  	[tilespmem:$0x748] =	vst v0  }
0xd5: {  	[tilespmem:$0x758] =	vst v0  }
0xd6: {  	[tilespmem:$0x768] =	vst v0  }
0xd7: {  	[tilespmem:$0x778] =	vst v0  }
0xd8: {  	[tilespmem:$0x788] =	vst v0  }
0xd9: {  	[tilespmem:$0x798] =	vst v0  }
0xda: {  	[tilespmem:$0x7A8] =	vst v0  }
0xdb: {  	[tilespmem:$0x7B8] =	vst v0  }
0xdc: {  	[tilespmem:$0x7C8] =	vst v0  }
0xdd: {  	[tilespmem:$0x7D8] =	vst v0  }
0xde: {  	[tilespmem:$0x7E8] =	vst v0  }
0xdf: {  	[tilespmem:$0x7F8] =	vst v0  }
0xe0: {  	[tilespmem:$0x808] =	vst v0  }
0xe1: {  	[tilespmem:$0x818] =	vst v0  }
0xe2: {  	[tilespmem:$0x828] =	vst v0  }
0xe3: {  	[tilespmem:$0x838] =	vst v0  }
0xe4: {  	[tilespmem:$0x848] =	vst v0  }
0xe5: {  	[tilespmem:$0x858] =	vst v0  }
0xe6: {  	[tilespmem:$0x868] =	vst v0  }
0xe7: {  	[tilespmem:$0x878] =	vst v0  }
0xe8: {  	[tilespmem:$0x888] =	vst v0  }
0xe9: {  	[tilespmem:$0x898] =	vst v0  }
0xea: {  	[tilespmem:$0x8A8] =	vst v0  }
0xeb: {  	[tilespmem:$0x8B8] =	vst v0  }
0xec: {  	[tilespmem:$0x8C8] =	vst v0  }
0xed: {  	[tilespmem:$0x8D8] =	vst v0  }
0xee: {  	[tilespmem:$0x8E8] =	vst v0  }
0xef: {  	[tilespmem:$0x8F8] =	vst v0  }
0xf0: {  	[tilespmem:$0x908] =	vst v0  }
0xf1: {  	[tilespmem:$0x918] =	vst v0  }
0xf2: {  	[tilespmem:$0x928] =	vst v0  }
0xf3: {  	[tilespmem:$0x938] =	vst v0  }
0xf4: {  	[tilespmem:$0x948] =	vst v0  }
0xf5: {  	[tilespmem:$0x958] =	vst v0  }
0xf6: {  	[tilespmem:$0x968] =	vst v0  }
0xf7: {  	[tilespmem:$0x978] =	vst v0  }
0xf8: {  	[tilespmem:$0x988] =	vst v0  }
0xf9: {  	[tilespmem:$0x998] =	vst v0  }
0xfa: {  	[tilespmem:$0x9A8] =	vst v0  }
0xfb: {  	[tilespmem:$0x9B8] =	vst v0  }
0xfc: {  	[tilespmem:$0x9C8] =	vst v0  }
0xfd: {  	[tilespmem:$0x9D8] =	vst v0  }
0xfe: {  	[tilespmem:$0x9E8] =	vst v0  }
0xff: {  	[tilespmem:$0x9F8] =	vst v0  }
0x100: {  	[tilespmem:$0xA08] =	vst v0  }
0x101: {  	[tilespmem:$0xA18] =	vst v0  }
0x102: {  	[tilespmem:$0xA28] =	vst v0  }
0x103: {  	[tilespmem:$0xA38] =	vst v0  }
0x104: {  	[tilespmem:$0xA48] =	vst v0  }
0x105: {  	[tilespmem:$0xA58] =	vst v0  }
0x106: {  	[tilespmem:$0xA68] =	vst v0  }
0x107: {  	[tilespmem:$0xA78] =	vst v0  }
0x108: {  	[tilespmem:$0xA88] =	vst v0  }
0x109: {  	[tilespmem:$0xA98] =	vst v0  }
0x10a: {  	[tilespmem:$0xAA8] =	vst v0  }
0x10b: {  	[tilespmem:$0xAB8] =	vst v0  }
0x10c: {  	[tilespmem:$0xAC8] =	vst v0  }
0x10d: {  	[tilespmem:$0xAD8] =	vst v0  }
0x10e: {  	[tilespmem:$0xAE8] =	vst v0  }
0x10f: {  	[tilespmem:$0xAF8] =	vst v0  }
0x110: {  	[tilespmem:$0xB08] =	vst v0  }
0x111: {  	[tilespmem:$0xB18] =	vst v0  }
0x112: {  	[tilespmem:$0xB28] =	vst v0  }
0x113: {  	[tilespmem:$0xB38] =	vst v0  }
0x114: {  	[tilespmem:$0xB48] =	vst v0  }
0x115: {  	[tilespmem:$0xB58] =	vst v0  }
0x116: {  	[tilespmem:$0xB68] =	vst v0  }
0x117: {  	[tilespmem:$0xB78] =	vst v0  }
0x118: {  	[tilespmem:$0xB88] =	vst v0  }
0x119: {  	[tilespmem:$0xB98] =	vst v0  }
0x11a: {  	[tilespmem:$0xBA8] =	vst v0  }
0x11b: {  	[tilespmem:$0xBB8] =	vst v0  }
0x11c: {  	[tilespmem:$0xBC8] =	vst v0  }
0x11d: {  	[tilespmem:$0xBD8] =	vst v0  }
0x11e: {  	[tilespmem:$0xBE8] =	vst v0  }
0x11f: {  	[tilespmem:$0xBF8] =	vst v0  }
0x120: {  	[tilespmem:$0xC08] =	vst v0  }
0x121: {  	[tilespmem:$0xC18] =	vst v0  }
0x122: {  	[tilespmem:$0xC28] =	vst v0  }
0x123: {  	[tilespmem:$0xC38] =	vst v0  }
0x124: {  	[tilespmem:$0xC48] =	vst v0  }
0x125: {  	[tilespmem:$0xC58] =	vst v0  }
0x126: {  	[tilespmem:$0xC68] =	vst v0  }
0x127: {  	[tilespmem:$0xC78] =	vst v0  }
0x128: {  	[tilespmem:$0xC88] =	vst v0  }
0x129: {  	[tilespmem:$0xC98] =	vst v0  }
0x12a: {  	[tilespmem:$0xCA8] =	vst v0  }
0x12b: {  	[tilespmem:$0xCB8] =	vst v0  }
0x12c: {  	[tilespmem:$0xCC8] =	vst v0  }
0x12d: {  	[tilespmem:$0xCD8] =	vst v0  }
0x12e: {  	[tilespmem:$0xCE8] =	vst v0  }
0x12f: {  	[tilespmem:$0xCF8] =	vst v0  }
0x130: {  	[tilespmem:$0xD08] =	vst v0  }
0x131: {  	[tilespmem:$0xD18] =	vst v0  }
0x132: {  	[tilespmem:$0xD28] =	vst v0  }
0x133: {  	[tilespmem:$0xD38] =	vst v0  }
0x134: {  	[tilespmem:$0xD48] =	vst v0  }
0x135: {  	[tilespmem:$0xD58] =	vst v0  }
0x136: {  	[tilespmem:$0xD68] =	vst v0  }
0x137: {  	[tilespmem:$0xD78] =	vst v0  }
0x138: {  	[tilespmem:$0xD88] =	vst v0  }
0x139: {  	[tilespmem:$0xD98] =	vst v0  }
0x13a: {  	[tilespmem:$0xDA8] =	vst v0  }
0x13b: {  	[tilespmem:$0xDB8] =	vst v0  }
0x13c: {  	[tilespmem:$0xDC8] =	vst v0  }
0x13d: {  	[tilespmem:$0xDD8] =	vst v0  }
0x13e: {  	[tilespmem:$0xDE8] =	vst v0  }
0x13f: {  	[tilespmem:$0xDF8] =	vst v0  }
0x140: {  	[tilespmem:$0xE08] =	vst v0  }
0x141: {  	[tilespmem:$0xE18] =	vst v0  }
0x142: {  	[tilespmem:$0xE28] =	vst v0  }
0x143: {  	[tilespmem:$0xE38] =	vst v0  }
0x144: {  	[tilespmem:$0xE48] =	vst v0  }
0x145: {  	[tilespmem:$0xE58] =	vst v0  }
0x146: {  	[tilespmem:$0xE68] =	vst v0  }
0x147: {  	[tilespmem:$0xE78] =	vst v0  }
0x148: {  	[tilespmem:$0xE88] =	vst v0  }
0x149: {  	[tilespmem:$0xE98] =	vst v0  }
0x14a: {  	[tilespmem:$0xEA8] =	vst v0  }
0x14b: {  	[tilespmem:$0xEB8] =	vst v0  }
0x14c: {  	[tilespmem:$0xEC8] =	vst v0  }
0x14d: {  	[tilespmem:$0xED8] =	vst v0  }
0x14e: {  	[tilespmem:$0xEE8] =	vst v0  }
0x14f: {  	[tilespmem:$0xEF8] =	vst v0  }
0x150: {  	[tilespmem:$0xF08] =	vst v0  }
0x151: {  	[tilespmem:$0xF18] =	vst v0  }
0x152: {  	[tilespmem:$0xF28] =	vst v0  }
0x153: {  	[tilespmem:$0xF38] =	vst v0  }
0x154: {  	[tilespmem:$0xF48] =	vst v0  }
0x155: {  	[tilespmem:$0xF58] =	vst v0  }
0x156: {  	[tilespmem:$0xF68] =	vst v0  }
0x157: {  	[tilespmem:$0xF78] =	vst v0  }
0x158: {  	[tilespmem:$0xF88] =	vst v0  }
0x159: {  	[tilespmem:$0xF98] =	vst v0  }
0x15a: {  	[tilespmem:$0xFA8] =	vst v0  }
0x15b: {  	[tilespmem:$0xFB8] =	vst v0  }
0x15c: {  	[tilespmem:$0xFC8] =	vst v0  }
0x15d: {  	[tilespmem:$0xFD8] =	vst v0  }
0x15e: {  	[tilespmem:$0xFE8] =	vst v0  }
0x15f: {  	[tilespmem:$0xFF8] =	vst v0  }
0x160: {  	[tilespmem:$0x1018] =	vst v0  }
0x161: {  	[tilespmem:$0x10D8] =	vst v0  }
0x162: {  	[tilespmem:$0x1B28] =	vst v0  }
0x163: {  	[tilespmem:$0x1B18] =	vst v0  }
0x164: {  	[tilespmem:$0x1B08] =	vst v0  }
0x165: {  	[tilespmem:$0x1AF8] =	vst v0  }
0x166: {  	[tilespmem:$0x1AE8] =	vst v0  }
0x167: {  	[tilespmem:$0x1AD8] =	vst v0  }
0x168: {  	[tilespmem:$0x1AC8] =	vst v0  }
0x169: {  	[tilespmem:$0x1AB8] =	vst v0  }
0x16a: {  	[tilespmem:$0x1AA8] =	vst v0  }
0x16b: {  	[tilespmem:$0x1A98] =	vst v0  }
0x16c: {  	[tilespmem:$0x1A88] =	vst v0  }
0x16d: {  	[tilespmem:$0x1A78] =	vst v0  }
0x16e: {  	[tilespmem:$0x1A68] =	vst v0  }
0x16f: {  	[tilespmem:$0x1A58] =	vst v0  }
0x170: {  	[tilespmem:$0x1A48] =	vst v0  }
0x171: {  	[tilespmem:$0x1A38] =	vst v0  }
0x172: {  	[tilespmem:$0x1A28] =	vst v0  }
0x173: {  	[tilespmem:$0x1A18] =	vst v0  }
0x174: {  	[tilespmem:$0x1A08] =	vst v0  }
0x175: {  	[tilespmem:$0x19F8] =	vst v0  }
0x176: {  	[tilespmem:$0x19E8] =	vst v0  }
0x177: {  	[tilespmem:$0x19D8] =	vst v0  }
0x178: {  	[tilespmem:$0x19C8] =	vst v0  }
0x179: {  	[tilespmem:$0x19B8] =	vst v0  }
0x17a: {  	[tilespmem:$0x19A8] =	vst v0  }
0x17b: {  	[tilespmem:$0x1998] =	vst v0  }
0x17c: {  	[tilespmem:$0x1988] =	vst v0  }
0x17d: {  	[tilespmem:$0x1978] =	vst v0  }
0x17e: {  	[tilespmem:$0x1968] =	vst v0  }
0x17f: {  	[tilespmem:$0x1958] =	vst v0  }
0x180: {  	[tilespmem:$0x1948] =	vst v0  }
0x181: {  	[tilespmem:$0x1938] =	vst v0  }
0x182: {  	[tilespmem:$0x1928] =	vst v0  }
0x183: {  	[tilespmem:$0x1918] =	vst v0  }
0x184: {  	[tilespmem:$0x1908] =	vst v0  }
0x185: {  	[tilespmem:$0x18F8] =	vst v0  }
0x186: {  	[tilespmem:$0x18E8] =	vst v0  }
0x187: {  	[tilespmem:$0x18D8] =	vst v0  }
0x188: {  	[tilespmem:$0x18C8] =	vst v0  }
0x189: {  	[tilespmem:$0x18B8] =	vst v0  }
0x18a: {  	[tilespmem:$0x18A8] =	vst v0  }
0x18b: {  	[tilespmem:$0x1898] =	vst v0  }
0x18c: {  	[tilespmem:$0x1888] =	vst v0  }
0x18d: {  	[tilespmem:$0x1878] =	vst v0  }
0x18e: {  	[tilespmem:$0x1868] =	vst v0  }
0x18f: {  	[tilespmem:$0x1858] =	vst v0  }
0x190: {  	[tilespmem:$0x1848] =	vst v0  }
0x191: {  	[tilespmem:$0x1838] =	vst v0  }
0x192: {  	[tilespmem:$0x1828] =	vst v0  }
0x193: {  	[tilespmem:$0x1818] =	vst v0  }
0x194: {  	[tilespmem:$0x1808] =	vst v0  }
0x195: {  	[tilespmem:$0x17F8] =	vst v0  }
0x196: {  	[tilespmem:$0x17E8] =	vst v0  }
0x197: {  	[tilespmem:$0x17D8] =	vst v0  }
0x198: {  	[tilespmem:$0x17C8] =	vst v0  }
0x199: {  	[tilespmem:$0x17B8] =	vst v0  }
0x19a: {  	[tilespmem:$0x17A8] =	vst v0  }
0x19b: {  	[tilespmem:$0x1798] =	vst v0  }
0x19c: {  	[tilespmem:$0x1788] =	vst v0  }
0x19d: {  	[tilespmem:$0x1778] =	vst v0  }
0x19e: {  	[tilespmem:$0x1768] =	vst v0  }
0x19f: {  	[tilespmem:$0x1758] =	vst v0  }
0x1a0: {  	[tilespmem:$0x1748] =	vst v0  }
0x1a1: {  	[tilespmem:$0x1738] =	vst v0  }
0x1a2: {  	[tilespmem:$0x1728] =	vst v0  }
0x1a3: {  	[tilespmem:$0x1718] =	vst v0  }
0x1a4: {  	[tilespmem:$0x1708] =	vst v0  }
0x1a5: {  	[tilespmem:$0x16F8] =	vst v0  }
0x1a6: {  	[tilespmem:$0x16E8] =	vst v0  }
0x1a7: {  	[tilespmem:$0x16D8] =	vst v0  }
0x1a8: {  	[tilespmem:$0x16C8] =	vst v0  }
0x1a9: {  	[tilespmem:$0x16B8] =	vst v0  }
0x1aa: {  	[tilespmem:$0x16A8] =	vst v0  }
0x1ab: {  	[tilespmem:$0x1698] =	vst v0  }
0x1ac: {  	[tilespmem:$0x1688] =	vst v0  }
0x1ad: {  	[tilespmem:$0x1678] =	vst v0  }
0x1ae: {  	[tilespmem:$0x1668] =	vst v0  }
0x1af: {  	[tilespmem:$0x1658] =	vst v0  }
0x1b0: {  	[tilespmem:$0x1648] =	vst v0  }
0x1b1: {  	[tilespmem:$0x1638] =	vst v0  }
0x1b2: {  	[tilespmem:$0x1628] =	vst v0  }
0x1b3: {  	[tilespmem:$0x1618] =	vst v0  }
0x1b4: {  	[tilespmem:$0x1608] =	vst v0  }
0x1b5: {  	[tilespmem:$0x15F8] =	vst v0  }
0x1b6: {  	[tilespmem:$0x15E8] =	vst v0  }
0x1b7: {  	[tilespmem:$0x15D8] =	vst v0  }
0x1b8: {  	[tilespmem:$0x15C8] =	vst v0  }
0x1b9: {  	[tilespmem:$0x15B8] =	vst v0  }
0x1ba: {  	[tilespmem:$0x15A8] =	vst v0  }
0x1bb: {  	[tilespmem:$0x1598] =	vst v0  }
0x1bc: {  	[tilespmem:$0x1588] =	vst v0  }
0x1bd: {  	[tilespmem:$0x1578] =	vst v0  }
0x1be: {  	[tilespmem:$0x1568] =	vst v0  }
0x1bf: {  	[tilespmem:$0x1558] =	vst v0  }
0x1c0: {  	[tilespmem:$0x1548] =	vst v0  }
0x1c1: {  	[tilespmem:$0x1538] =	vst v0  }
0x1c2: {  	[tilespmem:$0x1528] =	vst v0  }
0x1c3: {  	[tilespmem:$0x1518] =	vst v0  }
0x1c4: {  	[tilespmem:$0x1508] =	vst v0  }
0x1c5: {  	[tilespmem:$0x14F8] =	vst v0  }
0x1c6: {  	[tilespmem:$0x14E8] =	vst v0  }
0x1c7: {  	[tilespmem:$0x14D8] =	vst v0  }
0x1c8: {  	[tilespmem:$0x14C8] =	vst v0  }
0x1c9: {  	[tilespmem:$0x14B8] =	vst v0  }
0x1ca: {  	[tilespmem:$0x14A8] =	vst v0  }
0x1cb: {  	[tilespmem:$0x1498] =	vst v0  }
0x1cc: {  	[tilespmem:$0x1488] =	vst v0  }
0x1cd: {  	[tilespmem:$0x1478] =	vst v0  }
0x1ce: {  	[tilespmem:$0x1468] =	vst v0  }
0x1cf: {  	[tilespmem:$0x1458] =	vst v0  }
0x1d0: {  	[tilespmem:$0x1448] =	vst v0  }
0x1d1: {  	[tilespmem:$0x1438] =	vst v0  }
0x1d2: {  	[tilespmem:$0x1428] =	vst v0  }
0x1d3: {  	[tilespmem:$0x1418] =	vst v0  }
0x1d4: {  	[tilespmem:$0x1408] =	vst v0  }
0x1d5: {  	[tilespmem:$0x13F8] =	vst v0  }
0x1d6: {  	[tilespmem:$0x13E8] =	vst v0  }
0x1d7: {  	[tilespmem:$0x13D8] =	vst v0  }
0x1d8: {  	[tilespmem:$0x13C8] =	vst v0  }
0x1d9: {  	[tilespmem:$0x13B8] =	vst v0  }
0x1da: {  	[tilespmem:$0x13A8] =	vst v0  }
0x1db: {  	[tilespmem:$0x1398] =	vst v0  }
0x1dc: {  	[tilespmem:$0x1388] =	vst v0  }
0x1dd: {  	[tilespmem:$0x1378] =	vst v0  }
0x1de: {  	[tilespmem:$0x1368] =	vst v0  }
0x1df: {  	[tilespmem:$0x1358] =	vst v0  }
0x1e0: {  	[tilespmem:$0x1348] =	vst v0  }
0x1e1: {  	[tilespmem:$0x1338] =	vst v0  }
0x1e2: {  	[tilespmem:$0x1328] =	vst v0  }
0x1e3: {  	[tilespmem:$0x1318] =	vst v0  }
0x1e4: {  	[tilespmem:$0x1308] =	vst v0  }
0x1e5: {  	[tilespmem:$0x12F8] =	vst v0  }
0x1e6: {  	[tilespmem:$0x12E8] =	vst v0  }
0x1e7: {  	[tilespmem:$0x12D8] =	vst v0  }
0x1e8: {  	[tilespmem:$0x12C8] =	vst v0  }
0x1e9: {  	[tilespmem:$0x12B8] =	vst v0  }
0x1ea: {  	[tilespmem:$0x12A8] =	vst v0  }
0x1eb: {  	[tilespmem:$0x1298] =	vst v0  }
0x1ec: {  	[tilespmem:$0x1288] =	vst v0  }
0x1ed: {  	[tilespmem:$0x1278] =	vst v0  }
0x1ee: {  	[tilespmem:$0x1268] =	vst v0  }
0x1ef: {  	[tilespmem:$0x1258] =	vst v0  }
0x1f0: {  	[tilespmem:$0x1248] =	vst v0  }
0x1f1: {  	[tilespmem:$0x1238] =	vst v0  }
0x1f2: {  	[tilespmem:$0x1228] =	vst v0  }
0x1f3: {  	[tilespmem:$0x1218] =	vst v0  }
0x1f4: {  	[tilespmem:$0x1208] =	vst v0  }
0x1f5: {  	[tilespmem:$0x11F8] =	vst v0  }
0x1f6: {  	[tilespmem:$0x11E8] =	vst v0  }
0x1f7: {  	[tilespmem:$0x11D8] =	vst v0  }
0x1f8: {  	[tilespmem:$0x11C8] =	vst v0  }
0x1f9: {  	[tilespmem:$0x11B8] =	vst v0  }
0x1fa: {  	[tilespmem:$0x11A8] =	vst v0  }
0x1fb: {  	[tilespmem:$0x1198] =	vst v0  }
0x1fc: {  	[tilespmem:$0x1188] =	vst v0  }
0x1fd: {  	[tilespmem:$0x1178] =	vst v0  }
0x1fe: {  	[tilespmem:$0x1168] =	vst v0  }
0x1ff: {  	[tilespmem:$0x1158] =	vst v0  }
0x200: {  	[tilespmem:$0x1148] =	vst v0  }
0x201: {  	[tilespmem:$0x1138] =	vst v0  }
0x202: {  	[tilespmem:$0x1128] =	vst v0  }
0x203: {  	[tilespmem:$0x1118] =	vst v0  }
0x204: {  	s2 =	stileid.u32;
	[tilespmem:$0x1108] =	vst v0  }
0x205: {  	s0 =	simm.s32 $0x1;
	p0 =	sne.s32 s2, $0x0;
	s1 =	smul.u32 $0x5E, s2;
	[tilespmem:$0x10F8] =	vst v0  }
0x206: {  	[tilespmem:$0x10E8] =	vst v0;
	s0 =	simm.s32 @!p0 $0x0;
	s3 =	simm.s32 @!p0 $0x0  }
0x207: {  	[tilespmem:$0x10B8] =	vst v0;
	s3 =	simm.s32 @p0 $0x1;
	s0 =	sor.u32 s0, s1;
	s1 =	simm.s32 $0xA050  }
0x208: {  	[tilespmem:$0x10C8] =	vst v0;
	p0 =	seq.s32 s2, $0x0;
	[smem:$0x7FD] =	sst s3;
	s3 =	smul.u32 $0x1B0, s0  }
0x209: {  	s1 =	simm.s32 @!p0 $0x9EA0;
	[tilespmem:$0x10A8] =	vst v0  }
0x20a: {  	[tilespmem:$0x1038] =	vst v0;
	s0 =	sadd.s32 s1, s3  }
0x20b: {  	[tilespmem:$0x1098] =	vst v0;
	s4 =	smin.u32 s0, $0x9EB10  }
0x20c: {  	[tilespmem:$0x1088] =	vst v0;
	s0 =	ssub.s32 s4, s3  }
0x20d: {  	s5 =	simm.s32 $0x2;
	s29 =	simm.s32 $0x7;
	[tilespmem:$0x1078] =	vst v0;
	p0 =	sgt.s32 s0, $0x0  }
0x20e: {  	s13 =	simm.s32 $0x8;
	s30 =	simm.s32 $0x9;
	[tilespmem:$0x1068] =	vst v0;
	s0 =	simm.s32 @!p0 $0x0  }
0x20f: {  	p1 =	por $0x1, $0x1;
	p2 =	por $0x0, $0x0;
	[tilespmem:$0x1058] =	vst v0;
	s6 =	smulhi.u32 $0x4BDA12F7, s0  }
0x210: {  	s14 =	simm.s32 $0xA;
	s18 =	simm.s32 $0x0;
	s15 =	simm.s32 $0x0;
	[tilespmem:$0x1048] =	vst v0  }
0x211: {  	s17 =	simm.s32 $0x0;
	s7 =	sadd.s32 $0xA74C00, s8;
	[tilespmem:$0x1028] =	vst v0;
	s12 =	sshrl.u32 s6, $0x7  }
0x212: {  	s31 =	sshll.u32 s2, $0x5;
	[tilespmem:$0x1008] =	vst v0;
	[sflag:s5] =	ssyncpa.u1 $0x0;
	v0 =	vimm.s32 $0xFFFFFFFF;
	s10 =	smul.u32 $0x1B0, s12  }
.Ltmp7:
0x213: {  	s5 =	sadd.s32 $0x9D800, s8;
	[tilespmem:$0x3648] =	vst v0;
	[sflag:s29] =	ssyncpa.u1 $0x0;
	(pc) =	sbr.rel .LBB3_1-.Ltmp7, $4  }
0x214: {  	[dreg:$0x2] =	wrdreg s31;
	[sflag:s13] =	ssyncpa.u1 $0x0;
	p0 =	sne.s32 s0, s10  }
0x215: {  	s13 =	simm.s32 $0x0;
	[sflag:s30] =	ssyncpa.u1 $0x0;
	s11 =	simm.s32 @!p0 $0x0  }
0x216: {  	s1 =	sadd.s32 $0xFFA00, s8;
	s16 =	smov.u32 s3;
	s11 =	sadd.s32 s11, s12  }
0x217: {  	v0 =	vlaneseq.u32;
	[dreg:$0x3] =	wrdreg s3;
	s6 =	sadd.s32 $0x89A00, s8;
	s8 =	sadd.s32 $0x1, s11  }
.LBB3_18:
0x218: {  	s0 =	simm.s32 $0x2  }
0x219: {  	_ =	swait.ge [sflag:s0], $0x0  }
0x21a: {  	[sflag:s0] =	ssyncset.done $0x0;
	s0 =	simm.s32 $0x0  }
.LBB3_19:
0x21b: {  	_ =	swait.ge [sflag:s14], s0  }
0x21c: {  	s31 =	ssub.s32 $0x0, s0;
	v1 =	vmov s20;
	vm0 =	veq.s32 v0, $0x0;
	[sflag:s14] =	ssyncset.done $0x0  }
0x21d: {  	vm15 =	veq.s32 v0, $0x2;
	v1 =	vsel vm0, s24, v1;
	[sflag:s14] =	ssyncadd.s32 s31  }
0x21e: {  	v1 =	vsel vm15, s18, v1;
	[sflag:s14] =	ssyncpa.u1 $0x1  }
0x21f: {  	[tilespmem:$0x3648] =	vst v1  }
.LBB3_20:
0x220: {  	s0 =	sadd.s32 $0x1B0, s16  }
0x221: {  	s2 =	smov.u32 s3;
	p0 =	slt.s32 s0, s4  }
0x222: {  	s2 =	smov.u32 @p0 s0;
	p0 =	sne.s32 s17, s8  }
.Ltmp8:
0x223: {  	_ = 	snop;
	(pc) =	sbr.rel @!p0 .LBB3_21-.Ltmp8, $4  }
0x224: {  	_ = 	snop  }
0x225: {  	s18 =	smov.u32 s15  }
0x226: {  	s31 =	sadd.s32 $0x1, s17;
	s15 =	smov.u32 s16;
	p1 =	por !p1, !p1  }
0x227: {  	p2 =	por !p2, !p2;
	s17 =	smov.u32 s31;
	s16 =	smov.u32 s2  }
.LBB3_1:
0x228: {  	p3 =	sge.u32 s17, s11  }
0x229: {  	s0 =	smulhi.u32 @!p3 $0xAAAAAAAB, s17  }
0x22a: {  	s19 =	smov.u32 s16;
	p0 =	sgt.s32 @!p3 s16, $0x9E960  }
0x22b: {  	s20 =	sshra.s32 @!p3 s16, $0x1F;
	p0 =	por !p0, p3;
	s0 =	sshrl.u32 @!p3 s0, $0x1  }
0x22c: {  	s20 =	sand.u32 @!p3 s20, s16;
	s19 =	simm.s32 @p0 $0x9E960;
	s0 =	smul.u32 @!p3 $0x3, s0  }
0x22d: {  	s19 =	ssub.s32 @!p3 s19, s20  }
0x22e: {  	s19 =	sadd.s32 @!p3 $0xFFF616A0, s19;
	s0 =	ssub.s32 @!p3 s17, s0  }
0x22f: {  	s20 =	sshll.u32 @!p3 s19, $0x2;
	p0 =	sgt.s32 @!p3 s19, $0x1AF;
	s0 =	smul.u32 @!p3 $0x6C0, s0  }
0x230: {  	s21 =	sand.u32 @!p3 $0x7, s16;
	s19 =	ssub.s32 @!p3 $0x6C0, s20;
	p0 =	por !p0, p3  }
0x231: {  	s20 =	sshrl.u32 @!p3 s16, $0x3;
	s19 =	sshrl.u32 @!p3 s19, $0x2;
	s0 =	sshrl.u32 @!p3 s0, $0x2  }
0x232: {  	s20 =	sadd.s32 @!p3 s5, s20;
	s19 =	simm.s32 @!p0 $0x0;
	s0 =	sadd.s32 @!p3 $0x3878, s0  }
0x233: {  	[tilespmem:s0], [sflag:$0x8] =	stream.linear.gather @!p3 [hbm4b:s20+s21], s19, $0x38;
	[tilespmem:$0x1F0E8] =	vst v63  }
0x234: {  	s20 =	sadd.s32 $0xFFFFFFFF, s17  }
0x235: {  	p3 =	sge.u32 s20, s11  }
0x236: {  	p0 =	sgt.s32 @!p3 s15, $0x9E960  }
0x237: {  	s0 =	smov.u32 s15;
	s19 =	sshra.s32 @!p3 s15, $0x1F;
	p0 =	por !p0, p3  }
0x238: {  	s19 =	sand.u32 @!p3 s19, s15;
	s0 =	simm.s32 @p0 $0x9E960  }
0x239: {  	s0 =	ssub.s32 @!p3 s0, s19  }
0x23a: {  	s0 =	sadd.s32 @!p3 $0xFFF616A0, s0  }
0x23b: {  	s19 =	sshll.u32 @!p3 s0, $0x2  }
0x23c: {  	p0 =	sgt.s32 @!p3 s0, $0x1AF;
	s0 =	ssub.s32 @!p3 $0x6C0, s19  }
0x23d: {  	p0 =	por !p0, p3;
	s0 =	sshrl.u32 @!p3 s0, $0x2  }
0x23e: {  	s21 =	simm.s32 @!p3 $0x8;
	s19 =	sand.u32 @!p3 $0x1, s20;
	s0 =	simm.s32 @!p0 $0x0  }
0x23f: {  	s19 =	smul.u32 @!p3 $0x6C0, s19;
	_ =	swait.ge @!p3 [sflag:s21], s0  }
0x240: {  	s22 =	ssub.s32 @!p3 $0x0, s0;
	[sflag:s21] =	ssyncset.done @!p3 $0x0  }
0x241: {  	s19 =	sshrl.u32 @!p3 s19, $0x2;
	[sflag:s21] =	ssyncadd.s32 @!p3 s22;
	s21 =	sshrl.u32 @!p3 s15, $0x3  }
0x242: {  	s19 =	sadd.s32 @!p3 $0x3D88, s19;
	s22 =	sand.u32 @!p3 $0x7, s15;
	s21 =	sadd.s32 @!p3 s6, s21  }
0x243: {  	[tilespmem:s19], [sflag:$0x9] =	stream.linear.gather @!p3 [hbm4b:s21+s22], s0, $0x38;
	[tilespmem:$0x1F0E8] =	vst v63  }
0x244: {  	s19 =	ssub.s32 @!p3 $0x9EB10, s15  }
0x245: {  	p0 =	slt.s32 @!p3 s19, $0x1  }
0x246: {  	p0 =	por p3, p0  }
.Ltmp9:
0x247: {  	_ = 	snop;
	(pc) =	sbr.rel @p0 .LBB3_7-.Ltmp9, $1  }
0x248: {  	_ =	sdelay $0x3  }
0x249: {  	s0 =	smulhi.u32 $0xAAAAAAAB, s20;
	_ =	sdelay $0x1  }
0x24a: {  	s0 =	sshrl.u32 s0, $0x1  }
0x24b: {  	s0 =	smul.u32 $0x3, s0;
	_ =	sdelay $0x1  }
0x24c: {  	s0 =	ssub.s32 s20, s0  }
0x24d: {  	s21 =	simm.s32 $0x1;
	s0 =	smul.u32 $0x6C0, s0  }
.Ltmp10:
0x24e: {  	s21 =	simm.s32 @!p1 $0x0;
	(pc) =	sbr.rel .LBB3_4-.Ltmp10, $4  }
0x24f: {  	s31 =	smul.u32 $0x36000, s21  }
0x250: {  	p0 =	slt.s32 @!p3 s19, $0x1B0;
	s0 =	sshrl.u32 s0, $0x2  }
0x251: {  	p0 =	por !p0, p3;
	s20 =	sshrl.u32 s31, $0x2;
	s0 =	sadd.s32 $0x3878, s0  }
0x252: {  	s19 =	simm.s32 @p0 $0x1B0;
	s21 =	simm.s32 $0x0;
	s20 =	sadd.s32 $0x40E8, s20;
	v1 =	vmov s0  }
.LBB3_3:
0x253: {  	p0 =	sge.s32 s21, s19  }
.Ltmp11:
0x254: {  	_ = 	snop;
	(pc) =	sbr.rel @p0 .LBB3_7-.Ltmp11, $2  }
0x255: {  	_ =	sdelay $0x2  }
0x256: {  	s20 =	sadd.s32 $0x800, s20  }
.LBB3_4:
0x257: {  	p0 =	sle.s32 s19, s21  }
.Ltmp12:
0x258: {  	_ = 	snop;
	(pc) =	sbr.rel @p0 .LBB3_3-.Ltmp12, $2  }
0x259: {  	_ =	sdelay $0x2  }
0x25a: {  	s22 =	smov.u32 s21;
	s21 =	sadd.s32 $0x10, s21  }
0x25b: {  	s0 =	ssub.s32 s19, s22  }
0x25c: {  	p0 =	slt.s32 s0, $0x10  }
0x25d: {  	s0 =	simm.s32 @!p0 $0x10  }
0x25e: {  	v2 =	vmov s0  }
0x25f: {  	vm0 =	vgt.s32 v2, v0;
	_ =	sdelay $0x5  }
0x260: {  	v2 =	vld.idx.msk [tilespmem:v1+s22+$0x0 ss:$0x1], vm0;
	_ =	sdelay $0x2  }
0x261: {  	s23 =	smov.u32 s19;
	p0 =	slt.s32 s21, s19  }
0x262: {  	s24 =	smov.u32 s20;
	s25 =	simm.s32 $0x0;
	s23 =	smov.u32 @p0 s21  }
.LBB3_6:
0x263: {  	(v2sf) =	vpush v2, s25;
	_ =	sdelay $0xc  }
0x264: {  	s25 =	sadd.s32 $0x1, s25  }
0x265: {  	s31 =	sadd.s32 s25, s22  }
0x266: {  	p0 =	slt.s32 s31, s23;
	s0 =	spop (v2sf)  }
.Ltmp13:
0x267: {  	s0 =	sshll.u32 s0, $0x4;
	(pc) =	sbr.rel @p0 .LBB3_6-.Ltmp13, $4  }
0x268: {  	s0 =	sand.u32 $0x1FFFFFF0, s0  }
0x269: {  	s0 =	sadd.s32 s7, s0  }
0x26a: {  	[tilespmem:s24], [sflag:$0x7] =	stream.linear.gather [hbm4b:s0+s13], $0x4, $0x38;
	[tilespmem:$0x1F0E8] =	vst v63  }
0x26b: {  	s24 =	sadd.s32 $0x80, s24  }
.Ltmp14:
0x26c: {  	_ = 	snop;
	(pc) =	sbr.rel .LBB3_3-.Ltmp14, $1  }
0x26d: {  	_ =	sdelay $0x3  }
.LBB3_7:
0x26e: {  	p0 =	slt.u32 s17, $0x2  }
.Ltmp15:
0x26f: {  	_ = 	snop;
	(pc) =	sbr.rel @p0 .LBB3_20-.Ltmp15, $1  }
0x270: {  	_ =	sdelay $0x3  }
0x271: {  	p0 =	sgt.s32 s18, $0x9E960;
	s0 =	smov.u32 s18  }
0x272: {  	s19 =	sshra.s32 s18, $0x1F;
	s20 =	ssub.s32 $0x9EB10, s18;
	s0 =	simm.s32 @!p0 $0x9E960  }
0x273: {  	s19 =	sand.u32 s19, s18;
	p0 =	slt.s32 s20, $0x1B0;
	s21 =	smov.u32 s20  }
0x274: {  	s0 =	ssub.s32 s0, s19;
	s21 =	simm.s32 @!p0 $0x1B0  }
0x275: {  	s0 =	sadd.s32 $0xFFF616A0, s0;
	s26 =	sshll.u32 s21, $0x2  }
0x276: {  	s2 =	simm.s32 $0x7;
	s28 =	sshll.u32 s0, $0x2;
	s19 =	sand.u32 $0x3FFFFFFC, s26  }
0x277: {  	p0 =	sgt.s32 s0, $0x1AF;
	s29 =	ssub.s32 $0x6C0, s28;
	_ =	swait.ge [sflag:s2], s19  }
0x278: {  	s19 =	ssub.s32 $0x0, s19;
	[sflag:s2] =	ssyncset.done $0x0;
	s0 =	sshrl.u32 s29, $0x2  }
0x279: {  	s30 =	simm.s32 $0x9;
	[sflag:s2] =	ssyncadd.s32 s19;
	s0 =	simm.s32 @p0 $0x0  }
0x27a: {  	_ =	swait.ge [sflag:s30], s0  }
0x27b: {  	s0 =	ssub.s32 $0x0, s0;
	[sflag:s30] =	ssyncset.done $0x0  }
0x27c: {  	[sflag:s30] =	ssyncadd.s32 s0  }
0x27d: {  	v1 =	vld [tilespmem:$0x3648];
	_ =	sdelay $0x4  }
0x27e: {  	(v2sf) =	vpush v1, $0x0  }
0x27f: {  	(v2sf) =	vpush v1, $0x1  }
0x280: {  	(v2sf) =	vpush v1, $0x2;
	_ =	sdelay $0x3  }
0x281: {  	s0 =	sadd.s32 $0x1B0, s18  }
0x282: {  	p0 =	slt.s32 s4, s0  }
0x283: {  	s0 =	smov.u32 @p0 s4;
	p0 =	sgt.s32 s20, $0x0  }
0x284: {  	s22 =	ssub.s32 s0, s18;
	s20 =	simm.s32 @!p0 $0x0  }
0x285: {  	p0 =	slt.s32 s20, s22  }
0x286: {  	s22 =	smov.u32 @p0 s20  }
0x287: {  	s21 =	simm.s32 $0x1;
	p3 =	slt.s32 s22, $0x1  }
.Ltmp16:
0x288: {  	s21 =	simm.s32 @!p2 $0x0;
	(pc) =	sbr.rel @p3 .LBB3_12-.Ltmp16, $4  }
0x289: {  	s31 =	smul.u32 $0x6C0, s21  }
0x28a: {  	s23 =	spop (v2sf)  }
0x28b: {  	s0 =	sshrl.u32 s31, $0x2;
	s25 =	spop (v2sf)  }
0x28c: {  	s19 =	sadd.s32 $0x3D88, s0;
	s18 =	spop (v2sf)  }
0x28d: {  	s0 =	smin.u32 s22, $0x10  }
0x28e: {  	v1 =	vmov s0  }
0x28f: {  	p0 =	sgt.s32 s22, $0x10;
	vm1 =	vgt.u32 v1, v0  }
.Ltmp17:
0x290: {  	_ = 	snop;
	(pc) =	sbr.rel @!p0 .LBB3_11-.Ltmp17, $2  }
0x291: {  	_ =	sdelay $0x2  }
0x292: {  	s24 =	simm.s32 $0x10;
	s26 =	sadd.s32 $0xFFFFFFF0, s22;
	s20 =	smov.u32 s19;
	vm0 =	vmmov vm1  }
.LBB3_10:
0x293: {  	s0 =	smin.u32 s26, $0x10;
	s24 =	sadd.s32 $0x10, s24;
	v1 =	vld.msk [tilespmem:s20+$0x0 ss:$0x1], vm1  }
0x294: {  	v2 =	vmov s0;
	p0 =	slt.s32 s24, s22  }
0x295: {  	vm1 =	vgt.u32 v2, v0  }
.Ltmp18:
0x296: {  	(pc) =	sbr.rel @p0 .LBB3_10-.Ltmp18, $3  }
0x297: {  	_ =	sdelay $0x1  }
0x298: {  	v1 =	vshll.u32 v1, $0x4  }
0x299: {  	s26 =	sadd.s32 $0xFFFFFFF0, s26;
	[tilespmem:s20+$0x0] =	vst.msk vm0, v1;
	s20 =	sadd.s32 $0x10, s20;
	vm0 =	vmmov vm1  }
.LBB3_11:
0x29a: {  	_ =	sdelay $0x4  }
0x29b: {  	v1 =	vld.msk [tilespmem:s20+$0x0 ss:$0x1], vm1;
	_ =	sdelay $0x4  }
0x29c: {  	v1 =	vshll.u32 v1, $0x4  }
0x29d: {  	[tilespmem:s20+$0x0] =	vst.msk vm0, v1  }
.LBB3_12:
0x29e: {  	s0 =	sand.u32 $0x1, s17  }
0x29f: {  	s0 =	smul.u32 $0x1B0, s0  }
0x2a0: {  	p0 =	sne.s32 s25, $0xFFFFFFFF  }
0x2a1: {  	v1 =	vld.msk @!p0 [tilespmem:s0+$0x3D88], $0x1;
	_ =	sdelay $0x4  }
0x2a2: {  	(v2sf) =	vpush @!p0 v1, $0x0;
	_ =	sdelay $0xc  }
.Ltmp19:
0x2a3: {  	_ = 	snop;
	(pc) =	sbr.rel @p3 .LBB3_18-.Ltmp19, $4  }
0x2a4: {  	_ = 	snop  }
0x2a5: {  	s24 =	spop @!p0 (v2sf)  }
0x2a6: {  	s18 =	simm.s32 @!p0 $0x0;
	s20 =	smov.u32 s24  }
0x2a7: {  	[sflag:s14] =	ssyncpa.u1 $0x0;
	s24 =	smov.u32 @p0 s23;
	s20 =	smov.u32 @p0 s25  }
0x2a8: {  	v1 =	vld.msk [tilespmem:s19+$0x0], $0x1;
	_ =	sdelay $0x4  }
0x2a9: {  	(v2sf) =	vpush v1, $0x0;
	_ =	sdelay $0xd  }
0x2aa: {  	s0 =	simm.s32 @!p2 $0x0  }
0x2ab: {  	s26 =	smul.u32 $0x36000, s21;
	s25 =	ssub.s32 $0x0, s22;
	s28 =	spop (v2sf)  }
0x2ac: {  	s0 =	simm.s32 @p2 $0x1;
	s23 =	sadd.s32 $0x1, s25;
	p3 =	seq.s32 s24, s28  }
0x2ad: {  	[smem:$0x7FC] =	sst s0;
	s0 =	sshrl.u32 s26, $0x2;
	p0 =	sgt.s32 @!p3 s24, $0x0  }
0x2ae: {  	s21 =	sadd.s32 $0x40E8, s0;
	s0 =	smov.u32 s24;
	p0 =	por !p0, p3  }
0x2af: {  	s0 =	simm.s32 @p0 $0x0;
	p0 =	seq.s32 s23, $0x0  }
.Ltmp20:
0x2b0: {  	_ = 	snop;
	(pc) =	sbr.rel @p0 .LBB3_15-.Ltmp20, $4  }
0x2b1: {  	s3 =	smov.u32 s8;
	s12 =	smov.u32 s5;
	s8 =	smov.u32 s6  }
0x2b2: {  	s22 =	simm.s32 $0x0;
	s29 =	simm.s32 @!p3 $0x1;
	s0 =	smin.u32 @!p3 s0, $0x270FF  }
0x2b3: {  	s30 =	simm.s32 @!p3 $0x1B38;
	s29 =	smov.u32 @p3 s22;
	s26 =	sand.u32 @!p3 $0x3FFF8, s0  }
0x2b4: {  	s31 =	sand.u32 @!p3 $0x7, s0;
	s0 =	sadd.s32 @!p3 s1, s26;
	s26 =	sadd.s32 $0x1, s19  }
.LBB3_14:
0x2b5: {  	s2 =	smov.u32 s29  }
0x2b6: {  	[tilespmem:s30], [sflag:$0x2] =	stream.linear.gather @!p3 [hbm4b:s0+s31], $0x4, $0x38;
	[tilespmem:$0x1F0E8] =	vst v63  }
0x2b7: {  	s23 =	sadd.s32 $0x1, s23;
	s0 =	smov.u32 s28;
	v1 =	vld.msk [tilespmem:s26+$0x0], $0x1  }
0x2b8: {  	p4 =	seq.s32 s23, $0x0;
	_ =	sdelay $0x3  }
0x2b9: {  	(v2sf) =	vpush v1, $0x0;
	_ =	sdelay $0xe  }
0x2ba: {  	s28 =	spop (v2sf)  }
0x2bb: {  	p3 =	seq.s32 s0, s28  }
0x2bc: {  	p0 =	sgt.s32 @!p3 s0, $0x0;
	s30 =	sshll.u32 @!p3 s29, $0x6;
	s29 =	sadd.s32 @!p3 $0x1, s29  }
.Ltmp21:
0x2bd: {  	p0 =	por !p0, p3;
	s30 =	sshra.s32 @!p3 s30, $0x2;
	(pc) =	sbr.rel @!p4 .LBB3_14-.Ltmp21, $4  }
0x2be: {  	s29 =	smov.u32 @p3 s2;
	s0 =	simm.s32 @p0 $0x0;
	s30 =	sadd.s32 @!p3 $0x1B38, s30  }
0x2bf: {  	s0 =	smin.u32 @!p3 s0, $0x270FF  }
0x2c0: {  	s2 =	sand.u32 @!p3 $0x3FFF8, s0;
	s31 =	sand.u32 @!p3 $0x7, s0  }
0x2c1: {  	s26 =	sadd.s32 $0x1, s26;
	s0 =	sadd.s32 @!p3 s1, s2  }
.LBB3_15:
0x2c2: {  	[tilespmem:s30], [sflag:$0x2] =	stream.linear.gather @!p3 [hbm4b:s0+s31], $0x4, $0x38;
	[tilespmem:$0x1F0E8] =	vst v63  }
0x2c3: {  	s31 =	sshll.u32 s29, $0x2  }
0x2c4: {  	s2 =	simm.s32 $0x2;
	s0 =	sand.u32 $0x3FFFFFFC, s31  }
0x2c5: {  	_ =	swait.ge [sflag:s2], s0  }
0x2c6: {  	s0 =	ssub.s32 $0x0, s0;
	[sflag:s2] =	ssyncset.done $0x0  }
0x2c7: {  	[sflag:s2] =	ssyncadd.s32 s0  }
0x2c8: {  	v1 =	vld.msk [tilespmem:s19+$0x0], $0x1;
	_ =	sdelay $0x4  }
0x2c9: {  	(v2sf) =	vpush v1, $0x0;
	_ =	sdelay $0xe  }
0x2ca: {  	s23 =	spop (v2sf)  }
0x2cb: {  	p3 =	sne.s32 s24, s23  }
0x2cc: {  	p5 =	sne.s32 @p3 s24, s20  }
0x2cd: {  	p4 =	por !p5, !p3  }
0x2ce: {  	s0 =	simm.s32 @!p4 $0x0  }
0x2cf: {  	v1 =	vld.msk @!p4 [tilespmem:s0+$0x1B38], $0xf  }
0x2d0: {  	p6 =	sgt.u32 @!p4 s24, $0x270FF  }
0x2d1: {  	s2 =	sshll.u32 @!p4 s18, $0x6;
	p0 =	por @p3 p6, !p5  }
0x2d2: {  	s2 =	sshra.s32 @!p4 s2, $0x2;
	p2 =	por p0, !p3;
	p0 =	por p5, !p3  }
0x2d3: {  	s26 =	sadd.s32 @!p4 $0x28, s2;
	s28 =	sand.u32 @!p2 $0x3FFF8, s24;
	s29 =	sshll.u32 @!p0 s18, $0x6  }
0x2d4: {  	s24 =	sand.u32 @!p2 $0x7, s24;
	[tilespmem:s2+$0x28] =	vst.add.f32.msk @!p4 $0xf, v1;
	s2 =	sadd.s32 @!p2 s1, s28;
	s28 =	sshra.s32 @!p0 s29, $0x2  }
0x2d5: {  	[hbm4b:s2+s24] =	stream.linear.scatter @!p2 [tilespmem:s26], [sflag:$0xA], $0x4, $0x38;
	[tilespmem:$0x1F0E8] =	vst v63  }
0x2d6: {  	s0 =	rddreg [dreg:$0x2];
	s2 =	sadd.s32 @!p0 $0x28, s28;
	s24 =	simm.s32 @!p0 $0x1  }
0x2d7: {  	[spmem:s0] =	stream.linear.scatter @!p0 [tilespmem:s2], [sflag:$0x1], $0x4, $0x38;
	[tilespmem:$0x1F0E8] =	vst v63  }
0x2d8: {  	s0 =	sadd.s32 @p3 $0x1, s18;
	_ =	swait.ge @!p0 [sflag:s24], $0x4  }
0x2d9: {  	s2 =	sshrl.u32 @p3 s0, $0x4;
	[sflag:s24] =	ssyncset.done @!p0 $0x0  }
0x2da: {  	s2 =	smulhi.u32 @p3 $0x97B425F, s2;
	[sflag:s24] =	ssyncadd.s32 @!p0 $0xFFFFFFFC  }
0x2db: {  	s24 =	sadd.s32 $0x1, s25;
	v1 =	vld.msk @p3 [tilespmem:s21+$0x0], $0xf  }
0x2dc: {  	p0 =	por @p3 !p6, !p5;
	s2 =	smul.u32 @p3 $0x1B0, s2;
	p5 =	seq.s32 s24, $0x0  }
.Ltmp22:
0x2dd: {  	s25 =	simm.s32 @!p4 $0x0;
	p0 =	por !p0, !p3;
	(pc) =	sbr.rel @p5 .LBB3_17-.Ltmp22, $4  }
0x2de: {  	s26 =	sshll.u32 @!p3 s18, $0x6;
	s25 =	simm.s32 @!p0 $0x10;
	s0 =	ssub.s32 @p3 s0, s2  }
0x2df: {  	s26 =	sshra.s32 @!p3 s26, $0x2;
	s28 =	sadd.s32 @!p4 $0x0, s25;
	s29 =	sshll.u32 @p3 s0, $0x4  }
0x2e0: {  	s2 =	simm.s32 @p3 $0x1;
	s25 =	simm.s32 $0x0;
	s28 =	smov.u32 @p4 s22;
	[tilespmem:s29+$0x28] =	vst.msk @p3 $0xf, v1  }
0x2e1: {  	s18 =	smov.u32 @p3 s0;
	s22 =	smov.u32 @p3 s2;
	s25 =	smov.u32 @p3 s28;
	v1 =	vld.msk @!p3 [tilespmem:s21+$0x0], $0xf  }
.LBB3_16:
0x2e2: {  	_ =	sdelay $0x3  }
0x2e3: {  	s19 =	sadd.s32 $0x1, s19;
	[tilespmem:s26+$0x28] =	vst.add.f32.msk @!p3 $0xf, v1  }
0x2e4: {  	v1 =	vld.msk [tilespmem:s19+$0x0], $0x1;
	_ =	sdelay $0x4  }
0x2e5: {  	(v2sf) =	vpush v1, $0x0;
	_ =	sdelay $0xe  }
0x2e6: {  	s0 =	smov.u32 s23;
	s23 =	spop (v2sf)  }
0x2e7: {  	p3 =	sne.s32 s0, s23  }
0x2e8: {  	p6 =	sne.s32 @p3 s0, s20  }
0x2e9: {  	p5 =	por !p6, !p3  }
0x2ea: {  	s30 =	sshll.u32 @!p5 s22, $0x6  }
0x2eb: {  	s30 =	sshra.s32 @!p5 s30, $0x2  }
0x2ec: {  	p0 =	sgt.u32 @!p5 s0, $0x270FF;
	v1 =	vld.msk @!p5 [tilespmem:s30+$0x1B38], $0xf  }
0x2ed: {  	s31 =	sshll.u32 @!p5 s18, $0x6;
	p2 =	por @p3 p0, !p6;
	p0 =	por @p3 !p0, !p6  }
0x2ee: {  	s5 =	simm.s32 @!p5 $0x0;
	s31 =	sshra.s32 @!p5 s31, $0x2;
	p0 =	por !p0, !p3  }
0x2ef: {  	p6 =	por p6, !p3;
	s5 =	simm.s32 @!p0 $0x10;
	p0 =	por p2, !p3  }
0x2f0: {  	s30 =	sadd.s32 @!p5 $0x28, s31;
	s6 =	sshll.u32 @!p6 s18, $0x6;
	s10 =	sand.u32 @!p0 $0x3FFF8, s0  }
0x2f1: {  	s6 =	sshra.s32 @!p6 s6, $0x2;
	s0 =	sand.u32 @!p0 $0x7, s0;
	s10 =	sadd.s32 @!p0 s1, s10;
	[tilespmem:s31+$0x28] =	vst.add.f32.msk @!p5 $0xf, v1  }
0x2f2: {  	[hbm4b:s10+s0] =	stream.linear.scatter @!p0 [tilespmem:s30], [sflag:$0xA], $0x4, $0x38;
	[tilespmem:$0x1F0E8] =	vst v63  }
0x2f3: {  	s2 =	rddreg [dreg:$0x2];
	s0 =	sadd.s32 @!p6 $0x28, s6;
	s6 =	simm.s32 @!p6 $0x1  }
0x2f4: {  	[spmem:s2] =	stream.linear.scatter @!p6 [tilespmem:s0], [sflag:$0x1], $0x4, $0x38;
	[tilespmem:$0x1F0E8] =	vst v63  }
0x2f5: {  	s28 =	sadd.s32 @p3 $0x1, s18;
	_ =	swait.ge @!p6 [sflag:s6], $0x4  }
0x2f6: {  	s29 =	sshrl.u32 @p3 s28, $0x4;
	[sflag:s6] =	ssyncset.done @!p6 $0x0  }
0x2f7: {  	s21 =	sadd.s32 $0x80, s21;
	s29 =	smulhi.u32 @p3 $0x97B425F, s29;
	[sflag:s6] =	ssyncadd.s32 @!p6 $0xFFFFFFFC  }
0x2f8: {  	s24 =	sadd.s32 $0x1, s24;
	v1 =	vld.msk @p3 [tilespmem:s21+$0x0], $0xf  }
0x2f9: {  	p4 =	seq.s32 s24, $0x0;
	s29 =	smul.u32 @p3 $0x1B0, s29  }
.Ltmp23:
0x2fa: {  	_ = 	snop;
	(pc) =	sbr.rel @!p4 .LBB3_16-.Ltmp23, $4  }
0x2fb: {  	s28 =	ssub.s32 @p3 s28, s29  }
0x2fc: {  	s26 =	sshll.u32 @!p3 s18, $0x6;
	s5 =	sadd.s32 @!p5 s5, s25;
	s10 =	sshll.u32 @p3 s28, $0x4  }
0x2fd: {  	s9 =	sadd.s32 @p3 $0x1, s22;
	s26 =	sshra.s32 @!p3 s26, $0x2;
	s5 =	smov.u32 @p5 s25;
	[tilespmem:s10+$0x28] =	vst.msk @p3 $0xf, v1  }
0x2fe: {  	s22 =	smov.u32 @p3 s9;
	s18 =	smov.u32 @p3 s28;
	s25 =	smov.u32 @p3 s5;
	v1 =	vld.msk @!p3 [tilespmem:s21+$0x0], $0xf  }
.LBB3_17:
.Ltmp24:
0x2ff: {  	_ = 	snop;
	(pc) =	sbr.rel .LBB3_19-.Ltmp24, $4  }
0x300: {  	s2 =	sld [smem:$0x7FC]  }
0x301: {  	s0 =	sshrl.u32 s25, $0x2  }
0x302: {  	s24 =	smov.u32 s23;
	s6 =	smov.u32 s8;
	s5 =	smov.u32 s12  }
0x303: {  	s8 =	smov.u32 s3;
	s3 =	rddreg [dreg:$0x3];
	p2 =	seq.s32 s2, $0x1;
	[tilespmem:s26+$0x28] =	vst.add.f32.msk @!p3 $0xf, v1  }
.LBB3_21:
0x304: {  	_ =	sfence.sel $0x180000  }
0x305: {  	s0 =	simm.s32 $0x7;
	[bflag:$0x0] =	sbarrier.arrive $0xFFFF  }
0x306: {  	s23 =	simm.s32 $0x8;
	[sflag:s0] =	ssyncpa.u1 $0x1  }
0x307: {  	s24 =	simm.s32 $0x9;
	[sflag:s23] =	ssyncpa.u1 $0x1  }
0x308: {  	s25 =	simm.s32 $0x2;
	[sflag:s24] =	ssyncpa.u1 $0x1  }
0x309: {  	[sflag:s25] =	ssyncpa.u1 $0x1  }
0x30a: {  	v0 =	vld [tilespmem:$0x3648];
	_ =	sdelay $0x4  }
0x30b: {  	(v2sf) =	vpush v0, $0x0  }
0x30c: {  	(v2sf) =	vpush v0, $0x1;
	_ =	sdelay $0x1  }
0x30d: {  	(v2sf) =	vpush v0, $0x2;
	_ =	sdelay $0xb  }
0x30e: {  	s0 =	spop (v2sf)  }
0x30f: {  	s2 =	spop (v2sf)  }
0x310: {  	s3 =	smov.u32 s0;
	p0 =	sne.s32 s0, s2  }
0x311: {  	s4 =	spop (v2sf);
	s3 =	simm.s32 @!p0 $0xFFFFFFFF  }
0x312: {  	v2 =	vimm.s32 $0x1;
	v3 =	vlaneseq.u32;
	p0 =	seq.s32 s4, $0xFFFFFFFF;
	v1 =	vmov s3  }
0x313: {  	s26 =	stileid.u32;
	v0 =	vperm.xlane v0, v2;
	p1 =	sne.s32 @!p0 s0, s2;
	v1 =	vperm.xlane v1, v3  }
0x314: {  	vm0 =	vcmask $0x3F04;
	s6 =	simm.s32 $0x3648;
	s0 =	simm.s32 @!p0 $0x1;
	p1 =	por !p1, p0  }
0x315: {  	s3 =	sshll.u32 s26, $0x1;
	s2 =	sshll.u32 @!p0 s4, $0x6;
	s0 =	simm.s32 @p1 $0x0;
	v0 =	vsel vm0, v1, v0  }
0x316: {  	s5 =	sor.u32 $0x200, s3;
	s2 =	sshra.s32 @!p0 s2, $0x2;
	s0 =	sor.u32 @!p0 s0, s3;
	[tilespmem:$0x3648] =	vst v0  }
0x317: {  	[spmem:s5] =	stream.linear.scatter [tilespmem:s6], [sflag:$0x1], $0x2, $0x38;
	[tilespmem:$0x1F0E8] =	vst v63  }
0x318: {  	s2 =	sadd.s32 @!p0 $0x28, s2;
	s0 =	sshll.u32 @!p0 s0, $0x4  }
0x319: {  	[spmem:s0] =	stream.linear.scatter @!p0 [tilespmem:s2], [sflag:$0x1], $0x10, $0x38;
	[tilespmem:$0x1F0E8] =	vst v63  }
0x31a: {  	s0 =	simm.s32 @!p0 $0x12  }
0x31b: {  	s2 =	simm.s32 $0x1;
	s0 =	simm.s32 @p0 $0x2  }
0x31c: {  	_ =	swait.ge [sflag:s2], s0  }
0x31d: {  	s0 =	ssub.s32 $0x0, s0;
	[sflag:s2] =	ssyncset.done $0x0  }
0x31e: {  	[sflag:s2] =	ssyncadd.s32 s0  }
0x31f: {  	_ =	sfence.stream.spmem  }
0x320: {  	[bflag:$0x0] =	sbarrier.arrive $0xFFFF  }
0x321: {  	s28 =	simm.s32 $0x3;
	s31 =	sld [smem:$0x7FD]  }
0x322: {  	s29 =	simm.s32 $0x4;
	[sflag:s28] =	ssyncpa.u1 $0x1  }
0x323: {  	s30 =	simm.s32 $0x3C;
	[sflag:s29] =	ssyncpa.u1 $0x1  }
0x324: {  	[sflag:s30] =	ssyncpa.u1 $0x1;
	p0 =	seq.s32 s31, $0x1  }
0x325: {  	_ =	sfence @p0  }
0x326: {  	[sflag:s2] =	ssyncpa.u1 @p0 $0x1  }
0x327: {  	_ =	strace @p0 $0x90000050  }
0x328: {  	[bflag:$0x2] =	sbarrier.arrive @p0 $0xFFFF  }
0x329: {  	_ =	shalt @p0  }
.LBB3_22:
0x32a: {  	_ =	sfence.stream.spmem;
	s0 =	simm.s32 $0x5  }
0x32b: {  	s2 =	simm.s32 $0x200;
	s3 =	simm.s32 $0x3658;
	[sflag:s0] =	ssyncpa.u1 $0x0  }
0x32c: {  	[tilespmem:s3], [sflag:$0x5] =	stream.linear.gather [spmem:s2], $0x20, $0x38;
	[tilespmem:$0x1F0E8] =	vst v63  }
0x32d: {  	s30 =	simm.s32 $0x3678;
	s2 =	simm.s32 $0x0  }
0x32e: {  	[tilespmem:s30], [sflag:$0x5] =	stream.linear.gather [spmem:s2], $0x200, $0x38;
	[tilespmem:$0x1F0E8] =	vst v63  }
.Ltmp25:
0x32f: {  	_ = 	snop;
	(pc) =	sbr.rel .LBB3_23-.Ltmp25, $4  }
0x330: {  	_ =	swait.ge [sflag:s0], $0x220  }
0x331: {  	[sflag:s0] =	ssyncset.done $0x0  }
0x332: {  	s31 =	simm.s32 $0x6;
	[sflag:s0] =	ssyncadd.s32 $0xFFFFFDE0  }
0x333: {  	s3 =	simm.s32 $0x0;
	[sflag:s31] =	ssyncpa.u1 $0x0  }
.LBB3_28:
0x334: {  	p0 =	slt.u32 s4, $0x27100  }
0x335: {  	s0 =	sand.u32 @p0 $0x3FFF8, s4  }
0x336: {  	s4 =	sand.u32 @p0 $0x7, s4;
	s5 =	simm.s32 @p0 $0x3638;
	s0 =	sadd.s32 @p0 s1, s0  }
0x337: {  	[tilespmem:s5], [sflag:$0x6] =	stream.linear.gather @p0 [hbm4b:s0+s4], $0x4, $0x38;
	[tilespmem:$0x1F0E8] =	vst v63  }
0x338: {  	s0 =	simm.s32 @p0 $0x6  }
0x339: {  	_ =	swait.ge @p0 [sflag:s0], $0x4  }
0x33a: {  	[sflag:s0] =	ssyncset.done @p0 $0x0  }
0x33b: {  	[sflag:s0] =	ssyncadd.s32 @p0 $0xFFFFFFFC  }
0x33c: {  	v1 =	vld @p0 [tilespmem:$0x3638];
	_ =	sdelay $0x2  }
0x33d: {  	s0 =	sshll.u32 @p0 s3, $0x6  }
0x33e: {  	s5 =	sshll.u32 @!p0 s3, $0x6;
	s4 =	sshrl.u32 @p0 s0, $0x2  }
0x33f: {  	s5 =	smov.u32 @p0 s0;
	[tilespmem:s4+$0x3678] =	vst.add.f32.msk @p0 $0xffff, v1  }
0x340: {  	s0 =	sshrl.u32 s5, $0x2;
	[tilespmem:s2+$0x3658] =	vst.msk $0x1, v0  }
0x341: {  	v0 =	vld [tilespmem:s0+$0x3678];
	_ =	sdelay $0x2  }
0x342: {  	s31 =	sshll.u32 s2, $0x6  }
0x343: {  	s0 =	sshra.s32 s31, $0x2  }
0x344: {  	s2 =	sadd.s32 $0x1, s2;
	[tilespmem:s0+$0x3678] =	vst v0  }
.LBB3_30:
0x345: {  	s3 =	sadd.s32 $0x1, s3  }
0x346: {  	p0 =	sne.s32 s3, $0x20  }
.Ltmp26:
0x347: {  	_ = 	snop;
	(pc) =	sbr.rel @!p0 .LBB3_31-.Ltmp26, $1  }
0x348: {  	_ =	sdelay $0x3  }
.LBB3_23:
0x349: {  	v0 =	vld.msk [tilespmem:s3+$0x3658], $0x1;
	_ =	sdelay $0x4  }
0x34a: {  	(v2sf) =	vpush v0, $0x0;
	_ =	sdelay $0xe  }
0x34b: {  	s4 =	spop (v2sf)  }
0x34c: {  	p0 =	seq.s32 s4, $0xFFFFFFFF  }
.Ltmp27:
0x34d: {  	_ = 	snop;
	(pc) =	sbr.rel @p0 .LBB3_30-.Ltmp27, $1  }
0x34e: {  	_ =	sdelay $0x3  }
0x34f: {  	p0 =	slt.s32 s2, $0x1  }
.Ltmp28:
0x350: {  	_ = 	snop;
	(pc) =	sbr.rel @p0 .LBB3_28-.Ltmp28, $1  }
0x351: {  	_ =	sdelay $0x3  }
0x352: {  	s5 =	simm.s32 $0x3658;
	p0 =	por $0x0, $0x0  }
0x353: {  	v1 =	vld.msk @!p0 [tilespmem:s5+$0x0], $0x1;
	_ =	sdelay $0x4  }
0x354: {  	(v2sf) =	vpush @!p0 v1, $0x0;
	_ =	sdelay $0xd  }
0x355: {  	p2 =	sne.s32 s2, $0x1  }
.Ltmp29:
0x356: {  	s0 =	spop @!p0 (v2sf);
	(pc) =	sbr.rel @!p2 .LBB3_27-.Ltmp29, $4  }
0x357: {  	p1 =	seq.s32 @!p0 s4, s0  }
0x358: {  	s6 =	simm.s32 $0x0;
	p1 =	por !p1, p0  }
0x359: {  	s0 =	simm.s32 $0xFFFFFFFF;
	s6 =	simm.s32 @p1 $0xFFFFFFFF  }
0x35a: {  	s7 =	simm.s32 $0x1;
	s6 =	smov.u32 @p0 s0  }
.LBB3_26:
0x35b: {  	s0 =	smov.u32 s6;
	p0 =	sne.s32 s6, $0xFFFFFFFF  }
0x35c: {  	s5 =	sadd.s32 $0x1, s5;
	s6 =	smov.u32 s7;
	s7 =	sadd.s32 $0x1, s7  }
0x35d: {  	p1 =	sne.s32 s2, s7;
	v1 =	vld.msk @!p0 [tilespmem:s5+$0x0], $0x1;
	_ =	sdelay $0x4  }
0x35e: {  	(v2sf) =	vpush @!p0 v1, $0x0;
	_ =	sdelay $0xe  }
.Ltmp30:
0x35f: {  	s8 =	spop @!p0 (v2sf);
	(pc) =	sbr.rel @p1 .LBB3_26-.Ltmp30, $4  }
0x360: {  	p2 =	seq.s32 @!p0 s4, s8  }
0x361: {  	p2 =	por !p2, p0  }
0x362: {  	s6 =	simm.s32 @p2 $0xFFFFFFFF  }
0x363: {  	s6 =	smov.u32 @p0 s0  }
.LBB3_27:
0x364: {  	p0 =	sne.s32 s6, $0xFFFFFFFF  }
.Ltmp31:
0x365: {  	_ = 	snop;
	(pc) =	sbr.rel @!p0 .LBB3_28-.Ltmp31, $1  }
0x366: {  	_ =	sdelay $0x3  }
0x367: {  	s0 =	sshll.u32 s3, $0x4  }
0x368: {  	s0 =	sand.u32 $0x3FFFFFF0, s0  }
0x369: {  	v0 =	vld [tilespmem:s0+$0x3678]  }
.Ltmp32:
0x36a: {  	_ = 	snop;
	(pc) =	sbr.rel .LBB3_30-.Ltmp32, $4  }
0x36b: {  	_ = 	snop  }
0x36c: {  	s31 =	sshll.u32 s6, $0x6  }
0x36d: {  	s0 =	sshra.s32 s31, $0x2  }
0x36e: {  	[tilespmem:s0+$0x3678] =	vst.add.f32.msk $0xffff, v0  }
.LBB3_31:
0x36f: {  	p0 =	slt.s32 s2, $0x1  }
.Ltmp33:
0x370: {  	_ = 	snop;
	(pc) =	sbr.rel @p0 .LBB3_35-.Ltmp33, $3  }
0x371: {  	_ =	sdelay $0x1  }
0x372: {  	s0 =	simm.s32 $0x6  }
0x373: {  	s3 =	simm.s32 $0x0;
	[sflag:s0] =	ssyncpa.u1 $0x1  }
0x374: {  	s0 =	simm.s32 $0x3658  }
0x375: {  	v0 =	vld.msk [tilespmem:s0+$0x0], $0x1;
	_ =	sdelay $0x4  }
0x376: {  	(v2sf) =	vpush v0, $0x0;
	_ =	sdelay $0xd  }
0x377: {  	s2 =	sadd.s32 $0xFFFFFFFF, s2  }
0x378: {  	p1 =	sne.s32 s2, $0x0;
	s0 =	spop (v2sf)  }
.Ltmp34:
0x379: {  	p0 =	sgt.u32 s0, $0x270FF;
	(pc) =	sbr.rel @!p1 .LBB3_34-.Ltmp34, $4  }
0x37a: {  	s4 =	simm.s32 $0x3678;
	s5 =	sand.u32 @!p0 $0x3FFF8, s0  }
0x37b: {  	s6 =	simm.s32 $0x0;
	s0 =	sand.u32 @!p0 $0x7, s0;
	s5 =	sadd.s32 @!p0 s1, s5  }
0x37c: {  	[hbm4b:s5+s0] =	stream.linear.scatter @!p0 [tilespmem:s4], [sflag:$0x5], $0x4, $0x38;
	[tilespmem:$0x1F0E8] =	vst v63  }
0x37d: {  	s6 =	simm.s32 @!p0 $0x10;
	s5 =	simm.s32 $0x3659  }
.LBB3_33:
0x37e: {  	v0 =	vld.msk [tilespmem:s5+$0x0], $0x1;
	s2 =	sadd.s32 $0xFFFFFFFF, s2;
	s3 =	sadd.s32 s3, s6  }
0x37f: {  	p0 =	sne.s32 s2, $0x0;
	_ =	sdelay $0x3  }
0x380: {  	(v2sf) =	vpush v0, $0x0;
	_ =	sdelay $0xe  }
.Ltmp35:
0x381: {  	s0 =	spop (v2sf);
	(pc) =	sbr.rel @p0 .LBB3_33-.Ltmp35, $4  }
0x382: {  	s6 =	simm.s32 $0x0;
	p1 =	sgt.u32 s0, $0x270FF  }
0x383: {  	s4 =	sadd.s32 $0x10, s4;
	s6 =	simm.s32 @!p1 $0x10;
	s7 =	sand.u32 @!p1 $0x3FFF8, s0  }
0x384: {  	s5 =	sadd.s32 $0x1, s5;
	s0 =	sand.u32 @!p1 $0x7, s0;
	s7 =	sadd.s32 @!p1 s1, s7  }
0x385: {  	[hbm4b:s7+s0] =	stream.linear.scatter @!p1 [tilespmem:s4], [sflag:$0x5], $0x4, $0x38;
	[tilespmem:$0x1F0E8] =	vst v63  }
.LBB3_34:
0x386: {  	s0 =	sadd.s32 s3, s6  }
0x387: {  	s3 =	sshrl.u32 s0, $0x2  }
.LBB3_35:
0x388: {  	s0 =	simm.s32 $0x5  }
0x389: {  	_ =	swait.ge [sflag:s0], s3  }
0x38a: {  	s1 =	ssub.s32 $0x0, s3;
	[sflag:s0] =	ssyncset.done $0x0  }
0x38b: {  	[sflag:s0] =	ssyncadd.s32 s1  }
0x38c: {  	[sflag:s0] =	ssyncpa.u1 $0x1  }
0x38d: {  	s30 =	simm.s32 $0x1;
	_ =	sfence  }
0x38e: {  	[sflag:s30] =	ssyncpa.u1 $0x1  }
0x38f: {  	_ =	strace $0x90000050  }
0x390: {  	[bflag:$0x2] =	sbarrier.arrive $0xFFFF  }
0x391: {  	s31 =	rddreg [dreg:$0x1]  }
0x392: {  	s0 =	sadd.s32 $0x100000, s31  }
0x393: {  	[sflag:s0] =	ssyncadd.tile.s32 $0x1;
	_ =	shalt  }
.Lfunc_end3:
_tile_overlayer_lowered:
.L_overlay_start_3:
0x394: {  	(tag) =	ssettag $0x3  }
0x395: {  	s0 =	rddreg [dreg:$0x0];
	s2 =	stileid.u32  }
0x396: {  	s1 =	rddreg [dreg:$0x1];
	p0 =	sne.s32 s2, $0x0  }
0x397: {  	s3 =	rddreg [dreg:$0x2];
	[bflag:$0x3] =	sbarrier.arrive $0xFFFF;
	s2 =	simm.s32 @!p0 $0x1C01  }
0x398: {  	[timem:s3], [sflag:s2] =	dma.local @!p0 [hbm:s0], s1  }
0x399: {  	s0 =	simm.s32 @!p0 $0x1  }
0x39a: {  	_ =	swait.ge @!p0 [sflag:s0], s1  }
0x39b: {  	s1 =	ssub.s32 @!p0 $0x0, s1;
	[sflag:s0] =	ssyncset.done @!p0 $0x0  }
0x39c: {  	[sflag:s0] =	ssyncadd.s32 @!p0 s1  }
0x39d: {  	[bflag:$0x3] =	sbarrier.arrive $0xFFFF  }
0x39e: {  	_ =	shalt  }

// kernel: scatter_offload_async_start.2
scs
__scs_entry_jumppad:
0x0: {  	(pc) =	sbr.rel $0x88, $3  }
0x1: {  	(tag) =	ssettag $0x0;
	lr =	simm.s32 $0x1  }
0x2: {  	[smem:$0x3F96] =	sst lr;
	_ =	strace $0xD0000000  }
0x3: {  	_ = 	snop  }
0x4: {  	_ = 	snop  }
0x5: {  	_ = 	snop  }
0x6: {  	_ = 	snop  }
0x7: {  	_ = 	snop  }
__scs_overlays_trampoline_lowered:
0x8: {  	[smem:$0x3FA5] =	sst s0  }
0x9: {  	[smem:$0x3FA6] =	sst s1  }
0xa: {  	[smem:$0x3FA7] =	sst s2  }
0xb: {  	[smem:$0x3FA8] =	sst s3  }
0xc: {  	[smem:$0x3FA9] =	sst s4  }
0xd: {  	[smem:$0x3FAA] =	sst s5  }
0xe: {  	[smem:$0x3FAB] =	sst s6  }
0xf: {  	[smem:$0x3FAC] =	sst s7  }
0x10: {  	[smem:$0x3FAD] =	sst s8  }
0x11: {  	[smem:$0x3FAE] =	sst s9;
	s0 =	simm.s32 @!p0 $0x0  }
0x12: {  	s1 =	sld [smem:$0x3F94];
	s0 =	simm.s32 @p0 $0x1  }
0x13: {  	[smem:$0x3FAF] =	sst s0;
	s0 =	simm.s32 @!p1 $0x0  }
0x14: {  	s2 =	sld [smem:$0x3F93];
	s0 =	simm.s32 @p1 $0x1  }
0x15: {  	[smem:$0x3FB0] =	sst s0;
	s0 =	simm.s32 @!p2 $0x0  }
0x16: {  	s3 =	sld [smem:$0x3FDB];
	s0 =	simm.s32 @p2 $0x1  }
0x17: {  	s4 =	simm.s32 $0x1BF5;
	[smem:$0x3FB2] =	sst s0  }
0x18: {  	s0 =	sld [smem:$0x3F95];
	_ =	swait.ge [sflag:s4], $0x0  }
0x19: {  	s7 =	sld [smem:$0x3F96]  }
0x1a: {  	s8 =	sadd.s32 $0xFFFFE003, lr  }
0x1b: {  	s9 =	sadd.s32 $0xFFFFFEF7, lr;
	s5 =	simm.s32 $0xFFFFFFFF;
	p2 =	slt.u32 s8, $0xFFFFF086  }
0x1c: {  	p1 =	slt.u32 s9, $0xF7A;
	s5 =	simm.s32 @!p2 $0x0  }
0x1d: {  	s5 =	simm.s32 @p1 $0x1;
	p0 =	seq.s32 s7, s2  }
0x1e: {  	s7 =	smul.u32 @!p0 $0xF7A, s2;
	p2 =	seq.s32 @!p0 s5, $0x0  }
0x1f: {  	s9 =	smul.u32 $0xF7A, s1;
	s8 =	simm.s32 @!p0 $0x1BF5;
	p2 =	por !p2, p0  }
0x20: {  	[sflag:s8] =	ssyncset.s32 @!p0 $0xFFFFF086;
	s6 =	sadd.s32 @!p0 s3, s7;
	s7 =	simm.s32 @!p0 $0x108  }
0x21: {  	s3 =	sadd.s32 s3, s9;
	s6 =	sadd.s32 @!p0 $0x88, s6;
	s7 =	simm.s32 @p2 $0x1082  }
0x22: {  	[simem:s7], [sflag:s8] =	dma.local @!p0 [hbm:s6], $0xF7A  }
0x23: {  	s9 =	sor.u32 $0xD0000000, s2;
	s6 =	simm.s32 $0x108;
	_ =	swait.ge @!p0 [sflag:s8], $0x0  }
0x24: {  	s3 =	sadd.s32 $0x88, s3;
	s6 =	simm.s32 @!p1 $0x1082;
	[sflag:s4] =	ssyncset.s32 $0xFFFFF086  }
0x25: {  	[simem:s6], [sflag:s4] =	dma.local [hbm:s3], $0xF7A  }
0x26: {  	[smem:$0x3F96] =	sst s1;
	(tag) =	ssettag s2;
	_ =	strace s9  }
0x27: {  	s1 =	sld [smem:$0x3FA6]  }
0x28: {  	s2 =	sld [smem:$0x3FA7]  }
0x29: {  	s4 =	sld [smem:$0x3FA9]  }
0x2a: {  	p0 =	seq.s32 s5, $0x0;
	s5 =	sld [smem:$0x3FAA]  }
0x2b: {  	s6 =	sld [smem:$0x3FAB]  }
0x2c: {  	s7 =	sld [smem:$0x3FAC]  }
0x2d: {  	s3 =	simm.s32 $0x108;
	s8 =	sld [smem:$0x3FAD]  }
0x2e: {  	s3 =	simm.s32 @!p0 $0x1082;
	s9 =	sld [smem:$0x3FAE]  }
0x2f: {  	lr =	sadd.s32 s0, s3;
	s0 =	sld [smem:$0x3FA5]  }
0x30: {  	s3 =	sld [smem:$0x3FA8]  }
0x31: {  	[smem:$0x3FB1] =	sst s10  }
0x32: {  	s10 =	sld [smem:$0x3FAF];
	_ =	sdelay $0x3  }
0x33: {  	p0 =	seq.s32 s10, $0x1;
	s10 =	sld [smem:$0x3FB1];
	_ =	sdelay $0x3  }
0x34: {  	[smem:$0x3FB1] =	sst s10  }
0x35: {  	s10 =	sld [smem:$0x3FB0];
	_ =	sdelay $0x3  }
0x36: {  	p1 =	seq.s32 s10, $0x1;
	s10 =	sld [smem:$0x3FB1];
	_ =	sdelay $0x3  }
0x37: {  	[smem:$0x3FB1] =	sst s10  }
0x38: {  	s10 =	sld [smem:$0x3FB2]  }
0x39: {  	_ = 	snop;
	(pc) =	sbr.ind lr, $3  }
0x3a: {  	_ = 	snop  }
0x3b: {  	_ = 	snop  }
0x3c: {  	p2 =	seq.s32 s10, $0x1;
	s10 =	sld [smem:$0x3FB1]  }
0x3d: {  	_ =	shalt  }
0x3e: {  	_ =	shalt  }
0x3f: {  	_ =	shalt  }
0x40: {  	_ =	shalt  }
0x41: {  	_ =	shalt  }
0x42: {  	_ =	shalt  }
0x43: {  	_ =	shalt  }
0x44: {  	_ =	shalt  }
0x45: {  	_ =	shalt  }
0x46: {  	_ =	shalt  }
0x47: {  	_ =	shalt  }
0x48: {  	_ =	shalt  }
0x49: {  	_ =	shalt  }
0x4a: {  	_ =	shalt  }
0x4b: {  	_ =	shalt  }
0x4c: {  	_ =	shalt  }
0x4d: {  	_ =	shalt  }
0x4e: {  	_ =	shalt  }
0x4f: {  	_ =	shalt  }
0x50: {  	_ =	shalt  }
0x51: {  	_ =	shalt  }
0x52: {  	_ =	shalt  }
0x53: {  	_ =	shalt  }
0x54: {  	_ =	shalt  }
0x55: {  	_ =	shalt  }
0x56: {  	_ =	shalt  }
0x57: {  	_ =	shalt  }
0x58: {  	_ =	shalt  }
0x59: {  	_ =	shalt  }
0x5a: {  	_ =	shalt  }
0x5b: {  	_ =	shalt  }
0x5c: {  	_ =	shalt  }
0x5d: {  	_ =	shalt  }
0x5e: {  	_ =	shalt  }
0x5f: {  	_ =	shalt  }
0x60: {  	_ =	shalt  }
0x61: {  	_ =	shalt  }
0x62: {  	_ =	shalt  }
0x63: {  	_ =	shalt  }
0x64: {  	_ =	shalt  }
0x65: {  	_ =	shalt  }
0x66: {  	_ =	shalt  }
0x67: {  	_ =	shalt  }
0x68: {  	_ =	shalt  }
0x69: {  	_ =	shalt  }
0x6a: {  	_ =	shalt  }
0x6b: {  	_ =	shalt  }
0x6c: {  	_ =	shalt  }
0x6d: {  	_ =	shalt  }
0x6e: {  	_ =	shalt  }
0x6f: {  	_ =	shalt  }
0x70: {  	_ =	shalt  }
0x71: {  	_ =	shalt  }
0x72: {  	_ =	shalt  }
0x73: {  	_ =	shalt  }
0x74: {  	_ =	shalt  }
0x75: {  	_ =	shalt  }
0x76: {  	_ =	shalt  }
0x77: {  	_ =	shalt  }
0x78: {  	_ =	shalt  }
0x79: {  	_ =	shalt  }
0x7a: {  	_ =	shalt  }
0x7b: {  	_ =	shalt  }
0x7c: {  	_ =	shalt  }
0x7d: {  	_ =	shalt  }
0x7e: {  	_ =	shalt  }
0x7f: {  	_ =	shalt  }
0x80: {  	_ =	shalt  }
0x81: {  	_ =	shalt  }
0x82: {  	_ =	shalt  }
0x83: {  	_ =	shalt  }
0x84: {  	_ =	shalt  }
0x85: {  	_ =	shalt  }
0x86: {  	_ =	shalt  }
0x87: {  	_ =	shalt  }
.Lfunc_end0:
.L_simem_size_0:
called_computation.2_lowered:
.L_overlay_start_0:
0x88: {  	s0 =	sld [smem:$0x3FD9]  }
0x89: {  	s1 =	sld [smem:$0x3FFE];
	_ =	sdelay $0x3  }
0x8a: {  	s0 =	sadd.s32 s1, s0  }
0x8b: {  	[smem:$0x3FBD] =	sst s0  }
0x8c: {  	_ = 	snop  }
0x8d: {  	(tm) =	ssettm $0x1  }
0x8e: {  	s15 =	sld [smem:$0x3FFB];
	_ =	sdelay $0x3  }
0x8f: {  	_ =	strace s15  }
0x90: {  	s0 =	sld [smem:$0x3FFC];
	_ =	sdelay $0x3  }
0x91: {  	_ =	strace s0  }
0x92: {  	s0 =	sld [smem:$0x3FFD];
	_ =	sdelay $0x3  }
0x93: {  	_ =	strace s0  }
0x94: {  	_ =	strace $0x8FFFFFFF  }
0x95: {  	s16 =	sld [smem:$0x3FDB];
	_ =	sdelay $0x1  }
0x96: {  	s17 =	simm.s32 $_scs_section_size  }
0x97: {  	s2 =	simm.s32 $_size__tile_overlayer_lowered;
	s3 =	simm.s32 $_tile_overlayer_lowered  }
0x98: {  	s20 =	simm.s32 $0x1BFF;
	s19 =	sshll.u32 s3, $0x1;
	s0 =	sadd.s32 s17, s16  }
0x99: {  	s4 =	simm.s32 $0x0;
	s18 =	sshll.u32 s2, $0x1;
	s2 =	sadd.s32 s19, s0  }
0x9a: {  	[timem:s4], [sflag:s20] =	dma.local [hbm:s2], s18  }
0x9b: {  	_ =	swait.ge [sflag:s20], s18  }
0x9c: {  	s1 =	ssub.s32 $0x0, s18;
	[sflag:s20] =	ssyncset.done $0x0  }
0x9d: {  	[sflag:s20] =	ssyncadd.s32 s1;
	_ =	sdelay $0x1  }
0x9e: {  	s21 =	simm.s32 $0x1B8B  }
0x9f: {  	_ =	swait.ge [sflag:s21], $0x1  }
0xa0: {  	[sflag:s21] =	ssyncset.done $0x0  }
0xa1: {  	s23 =	simm.s32 $0x1B8E;
	s22 =	sld [smem:$0x3FFE];
	[sflag:s21] =	ssyncadd.s32 $0xFFFFFFFF  }
0xa2: {  	s24 =	simm.s32 $execute0_lowered;
	[smem:$0x3FD2] =	sst s23  }
0xa3: {  	s2 =	sshll.u32 s24, $0x1;
	_ =	strace $0x80000052;
	[dreg:$0x1] =	wrdreg $0xFFFFFFFF  }
0xa4: {  	s25 =	simm.s32 $_size_execute0_lowered;
	s0 =	sadd.s32 s0, s2;
	[dreg:$0x0] =	wrdreg $0x0  }
0xa5: {  	s2 =	sshll.u32 s25, $0x1;
	[dreg:$0x2] =	wrdreg s0  }
0xa6: {  	[dreg:$0x3] =	wrdreg s2  }
0xa7: {  	[dreg:$0x4] =	wrdreg $0xC0  }
0xa8: {  	_ =	task [dreg:s4], $0x5FFFF  }
0xa9: {  	[dreg:$0x1] =	wrdreg $0xFFFFFFFF  }
0xaa: {  	[dreg:$0x0] =	wrdreg $0x60  }
0xab: {  	[dreg:$0x2] =	wrdreg s22  }
0xac: {  	[dreg:$0x3] =	wrdreg $0x9  }
0xad: {  	_ =	task.clear_ibuf [dreg:s4], $0x4FFFF;
	_ =	strace $0x90000052  }
0xae: {  	s26 =	simm.s32 $0x9;
	_ =	strace $0x80000054  }
0xaf: {  	_ =	swait.ge [sflag:s26], $0x1  }
0xb0: {  	[sflag:s26] =	ssyncadd.s32 $0xFFFFFFFF  }
0xb1: {  	_ =	strace $0x90000054  }
0xb2: {  	_ =	sfence  }
0xb3: {  	s28 =	sld [smem:$0x0];
	_ =	sdelay $0x1  }
0xb4: {  	s29 =	srdreg.scid  }
0xb5: {  	s30 =	sshll.u32 s29, $0xD;
	s31 =	sshrl.u32 s29, $0x2  }
0xb6: {  	s1 =	sand.u32 $0x1, s29;
	s2 =	sand.u32 $0x4000, s30;
	s0 =	sadd.s32 s31, s28  }
0xb7: {  	s1 =	sor.u32 s2, s1;
	s0 =	sshll.u32 s0, $0x11  }
0xb8: {  	s0 =	sor.u32 s0, s1  }
0xb9: {  	s0 =	sadd.s32 $0x8F2B, s0  }
0xba: {  	[sflag:s0] =	ssyncadd.remote.s32 $0x1  }
0xbb: {  	_ =	sfence.sel $0xFFFF  }
0xbc: {  	[dreg:$0x0] =	wrdreg $0xFFFFFFFF;
	(pc) =	sbr.abs _section_cstart, $3  }
0xbd: {  	[dreg:$0x1] =	wrdreg $0xFFFFFFFF  }
0xbe: {  	_ =	task.clear_ibuf [dreg:s4], $0x2FFFF;
	_ =	strace $0x9FFFFFFF  }
0xbf: {  	(tm) =	ssettm $0x7FFFFFFF  }
tec
execute0_lowered:
.L_overlay_start_1:
0x0: {  	(tag) =	ssettag $0x1  }
0x1: {  	s8 =	rddreg [dreg:$0x0];
	_ =	strace $0x80000053;
	s11 =	simm.s32 $0x1  }
0x2: {  	v0 =	vimm.s32 $0x0;
	[sflag:s11] =	ssyncpa.u1 $0x0  }
0x3: {  	[tilespmem:$0x28] =	vst v0  }
0x4: {  	[tilespmem:$0x38] =	vst v0  }
0x5: {  	[tilespmem:$0x48] =	vst v0  }
0x6: {  	[tilespmem:$0x58] =	vst v0  }
0x7: {  	[tilespmem:$0x68] =	vst v0  }
0x8: {  	[tilespmem:$0x78] =	vst v0  }
0x9: {  	[tilespmem:$0x88] =	vst v0  }
0xa: {  	[tilespmem:$0x98] =	vst v0  }
0xb: {  	[tilespmem:$0xA8] =	vst v0  }
0xc: {  	[tilespmem:$0xB8] =	vst v0  }
0xd: {  	[tilespmem:$0xC8] =	vst v0  }
0xe: {  	[tilespmem:$0xD8] =	vst v0  }
0xf: {  	[tilespmem:$0xE8] =	vst v0  }
0x10: {  	[tilespmem:$0xF8] =	vst v0  }
0x11: {  	[tilespmem:$0x108] =	vst v0  }
0x12: {  	[tilespmem:$0x118] =	vst v0  }
0x13: {  	[tilespmem:$0x128] =	vst v0  }
0x14: {  	[tilespmem:$0x138] =	vst v0  }
0x15: {  	[tilespmem:$0x148] =	vst v0  }
0x16: {  	[tilespmem:$0x158] =	vst v0  }
0x17: {  	[tilespmem:$0x168] =	vst v0  }
0x18: {  	[tilespmem:$0x178] =	vst v0  }
0x19: {  	[tilespmem:$0x188] =	vst v0  }
0x1a: {  	[tilespmem:$0x198] =	vst v0  }
0x1b: {  	[tilespmem:$0x1A8] =	vst v0  }
0x1c: {  	[tilespmem:$0x1B8] =	vst v0  }
0x1d: {  	[tilespmem:$0x1C8] =	vst v0  }
0x1e: {  	[tilespmem:$0x1D8] =	vst v0  }
0x1f: {  	[tilespmem:$0x1E8] =	vst v0  }
0x20: {  	[tilespmem:$0x1F8] =	vst v0  }
0x21: {  	[tilespmem:$0x208] =	vst v0  }
0x22: {  	[tilespmem:$0x218] =	vst v0  }
0x23: {  	[tilespmem:$0x228] =	vst v0  }
0x24: {  	[tilespmem:$0x238] =	vst v0  }
0x25: {  	[tilespmem:$0x248] =	vst v0  }
0x26: {  	[tilespmem:$0x258] =	vst v0  }
0x27: {  	[tilespmem:$0x268] =	vst v0  }
0x28: {  	[tilespmem:$0x278] =	vst v0  }
0x29: {  	[tilespmem:$0x288] =	vst v0  }
0x2a: {  	[tilespmem:$0x298] =	vst v0  }
0x2b: {  	[tilespmem:$0x2A8] =	vst v0  }
0x2c: {  	[tilespmem:$0x2B8] =	vst v0  }
0x2d: {  	[tilespmem:$0x2C8] =	vst v0  }
0x2e: {  	[tilespmem:$0x2D8] =	vst v0  }
0x2f: {  	[tilespmem:$0x2E8] =	vst v0  }
0x30: {  	[tilespmem:$0x2F8] =	vst v0  }
0x31: {  	[tilespmem:$0x308] =	vst v0  }
0x32: {  	[tilespmem:$0x318] =	vst v0  }
0x33: {  	[tilespmem:$0x328] =	vst v0  }
0x34: {  	[tilespmem:$0x338] =	vst v0  }
0x35: {  	[tilespmem:$0x348] =	vst v0  }
0x36: {  	[tilespmem:$0x358] =	vst v0  }
0x37: {  	[tilespmem:$0x368] =	vst v0  }
0x38: {  	[tilespmem:$0x378] =	vst v0  }
0x39: {  	[tilespmem:$0x388] =	vst v0  }
0x3a: {  	[tilespmem:$0x398] =	vst v0  }
0x3b: {  	[tilespmem:$0x3A8] =	vst v0  }
0x3c: {  	[tilespmem:$0x3B8] =	vst v0  }
0x3d: {  	[tilespmem:$0x3C8] =	vst v0  }
0x3e: {  	[tilespmem:$0x3D8] =	vst v0  }
0x3f: {  	[tilespmem:$0x3E8] =	vst v0  }
0x40: {  	[tilespmem:$0x3F8] =	vst v0  }
0x41: {  	[tilespmem:$0x408] =	vst v0  }
0x42: {  	[tilespmem:$0x418] =	vst v0  }
0x43: {  	[tilespmem:$0x428] =	vst v0  }
0x44: {  	[tilespmem:$0x438] =	vst v0  }
0x45: {  	[tilespmem:$0x448] =	vst v0  }
0x46: {  	[tilespmem:$0x458] =	vst v0  }
0x47: {  	[tilespmem:$0x468] =	vst v0  }
0x48: {  	[tilespmem:$0x478] =	vst v0  }
0x49: {  	[tilespmem:$0x488] =	vst v0  }
0x4a: {  	[tilespmem:$0x498] =	vst v0  }
0x4b: {  	[tilespmem:$0x4A8] =	vst v0  }
0x4c: {  	[tilespmem:$0x4B8] =	vst v0  }
0x4d: {  	[tilespmem:$0x4C8] =	vst v0  }
0x4e: {  	[tilespmem:$0x4D8] =	vst v0  }
0x4f: {  	[tilespmem:$0x4E8] =	vst v0  }
0x50: {  	[tilespmem:$0x4F8] =	vst v0  }
0x51: {  	[tilespmem:$0x508] =	vst v0  }
0x52: {  	[tilespmem:$0x518] =	vst v0  }
0x53: {  	[tilespmem:$0x528] =	vst v0  }
0x54: {  	[tilespmem:$0x538] =	vst v0  }
0x55: {  	[tilespmem:$0x548] =	vst v0  }
0x56: {  	[tilespmem:$0x558] =	vst v0  }
0x57: {  	[tilespmem:$0x568] =	vst v0  }
0x58: {  	[tilespmem:$0x578] =	vst v0  }
0x59: {  	[tilespmem:$0x588] =	vst v0  }
0x5a: {  	[tilespmem:$0x598] =	vst v0  }
0x5b: {  	[tilespmem:$0x5A8] =	vst v0  }
0x5c: {  	[tilespmem:$0x5B8] =	vst v0  }
0x5d: {  	[tilespmem:$0x5C8] =	vst v0  }
0x5e: {  	[tilespmem:$0x5D8] =	vst v0  }
0x5f: {  	[tilespmem:$0x5E8] =	vst v0  }
0x60: {  	[tilespmem:$0x5F8] =	vst v0  }
0x61: {  	[tilespmem:$0x608] =	vst v0  }
0x62: {  	[tilespmem:$0x618] =	vst v0  }
0x63: {  	[tilespmem:$0x628] =	vst v0  }
0x64: {  	[tilespmem:$0x638] =	vst v0  }
0x65: {  	[tilespmem:$0x648] =	vst v0  }
0x66: {  	[tilespmem:$0x658] =	vst v0  }
0x67: {  	[tilespmem:$0x668] =	vst v0  }
0x68: {  	[tilespmem:$0x678] =	vst v0  }
0x69: {  	[tilespmem:$0x688] =	vst v0  }
0x6a: {  	[tilespmem:$0x698] =	vst v0  }
0x6b: {  	[tilespmem:$0x6A8] =	vst v0  }
0x6c: {  	[tilespmem:$0x6B8] =	vst v0  }
0x6d: {  	[tilespmem:$0x6C8] =	vst v0  }
0x6e: {  	[tilespmem:$0x6D8] =	vst v0  }
0x6f: {  	[tilespmem:$0x6E8] =	vst v0  }
0x70: {  	[tilespmem:$0x6F8] =	vst v0  }
0x71: {  	[tilespmem:$0x708] =	vst v0  }
0x72: {  	[tilespmem:$0x718] =	vst v0  }
0x73: {  	[tilespmem:$0x728] =	vst v0  }
0x74: {  	[tilespmem:$0x738] =	vst v0  }
0x75: {  	[tilespmem:$0x748] =	vst v0  }
0x76: {  	[tilespmem:$0x758] =	vst v0  }
0x77: {  	[tilespmem:$0x768] =	vst v0  }
0x78: {  	[tilespmem:$0x778] =	vst v0  }
0x79: {  	[tilespmem:$0x788] =	vst v0  }
0x7a: {  	[tilespmem:$0x798] =	vst v0  }
0x7b: {  	[tilespmem:$0x7A8] =	vst v0  }
0x7c: {  	[tilespmem:$0x7B8] =	vst v0  }
0x7d: {  	[tilespmem:$0x7C8] =	vst v0  }
0x7e: {  	[tilespmem:$0x7D8] =	vst v0  }
0x7f: {  	[tilespmem:$0x7E8] =	vst v0  }
0x80: {  	[tilespmem:$0x7F8] =	vst v0  }
0x81: {  	[tilespmem:$0x808] =	vst v0  }
0x82: {  	[tilespmem:$0x818] =	vst v0  }
0x83: {  	[tilespmem:$0x828] =	vst v0  }
0x84: {  	[tilespmem:$0x838] =	vst v0  }
0x85: {  	[tilespmem:$0x848] =	vst v0  }
0x86: {  	[tilespmem:$0x858] =	vst v0  }
0x87: {  	[tilespmem:$0x868] =	vst v0  }
0x88: {  	[tilespmem:$0x878] =	vst v0  }
0x89: {  	[tilespmem:$0x888] =	vst v0  }
0x8a: {  	[tilespmem:$0x898] =	vst v0  }
0x8b: {  	[tilespmem:$0x8A8] =	vst v0  }
0x8c: {  	[tilespmem:$0x8B8] =	vst v0  }
0x8d: {  	[tilespmem:$0x8C8] =	vst v0  }
0x8e: {  	[tilespmem:$0x8D8] =	vst v0  }
0x8f: {  	[tilespmem:$0x8E8] =	vst v0  }
0x90: {  	[tilespmem:$0x8F8] =	vst v0  }
0x91: {  	[tilespmem:$0x908] =	vst v0  }
0x92: {  	[tilespmem:$0x918] =	vst v0  }
0x93: {  	[tilespmem:$0x928] =	vst v0  }
0x94: {  	[tilespmem:$0x938] =	vst v0  }
0x95: {  	[tilespmem:$0x948] =	vst v0  }
0x96: {  	[tilespmem:$0x958] =	vst v0  }
0x97: {  	[tilespmem:$0x968] =	vst v0  }
0x98: {  	[tilespmem:$0x978] =	vst v0  }
0x99: {  	[tilespmem:$0x988] =	vst v0  }
0x9a: {  	[tilespmem:$0x998] =	vst v0  }
0x9b: {  	[tilespmem:$0x9A8] =	vst v0  }
0x9c: {  	[tilespmem:$0x9B8] =	vst v0  }
0x9d: {  	[tilespmem:$0x9C8] =	vst v0  }
0x9e: {  	[tilespmem:$0x9D8] =	vst v0  }
0x9f: {  	[tilespmem:$0x9E8] =	vst v0  }
0xa0: {  	[tilespmem:$0x9F8] =	vst v0  }
0xa1: {  	[tilespmem:$0xA08] =	vst v0  }
0xa2: {  	[tilespmem:$0xA18] =	vst v0  }
0xa3: {  	[tilespmem:$0xA28] =	vst v0  }
0xa4: {  	[tilespmem:$0xA38] =	vst v0  }
0xa5: {  	[tilespmem:$0xA48] =	vst v0  }
0xa6: {  	[tilespmem:$0xA58] =	vst v0  }
0xa7: {  	[tilespmem:$0xA68] =	vst v0  }
0xa8: {  	[tilespmem:$0xA78] =	vst v0  }
0xa9: {  	[tilespmem:$0xA88] =	vst v0  }
0xaa: {  	[tilespmem:$0xA98] =	vst v0  }
0xab: {  	[tilespmem:$0xAA8] =	vst v0  }
0xac: {  	[tilespmem:$0xAB8] =	vst v0  }
0xad: {  	[tilespmem:$0xAC8] =	vst v0  }
0xae: {  	[tilespmem:$0xAD8] =	vst v0  }
0xaf: {  	[tilespmem:$0xAE8] =	vst v0  }
0xb0: {  	[tilespmem:$0xAF8] =	vst v0  }
0xb1: {  	[tilespmem:$0xB08] =	vst v0  }
0xb2: {  	[tilespmem:$0xB18] =	vst v0  }
0xb3: {  	[tilespmem:$0xB28] =	vst v0  }
0xb4: {  	[tilespmem:$0xB38] =	vst v0  }
0xb5: {  	[tilespmem:$0xB48] =	vst v0  }
0xb6: {  	[tilespmem:$0xB58] =	vst v0  }
0xb7: {  	[tilespmem:$0xB68] =	vst v0  }
0xb8: {  	[tilespmem:$0xB78] =	vst v0  }
0xb9: {  	[tilespmem:$0xB88] =	vst v0  }
0xba: {  	[tilespmem:$0xB98] =	vst v0  }
0xbb: {  	[tilespmem:$0xBA8] =	vst v0  }
0xbc: {  	[tilespmem:$0xBB8] =	vst v0  }
0xbd: {  	[tilespmem:$0xBC8] =	vst v0  }
0xbe: {  	[tilespmem:$0xBD8] =	vst v0  }
0xbf: {  	[tilespmem:$0xBE8] =	vst v0  }
0xc0: {  	[tilespmem:$0xBF8] =	vst v0  }
0xc1: {  	[tilespmem:$0xC08] =	vst v0  }
0xc2: {  	[tilespmem:$0xC18] =	vst v0  }
0xc3: {  	[tilespmem:$0xC28] =	vst v0  }
0xc4: {  	[tilespmem:$0xC38] =	vst v0  }
0xc5: {  	[tilespmem:$0xC48] =	vst v0  }
0xc6: {  	[tilespmem:$0xC58] =	vst v0  }
0xc7: {  	[tilespmem:$0xC68] =	vst v0  }
0xc8: {  	[tilespmem:$0xC78] =	vst v0  }
0xc9: {  	[tilespmem:$0xC88] =	vst v0  }
0xca: {  	[tilespmem:$0xC98] =	vst v0  }
0xcb: {  	[tilespmem:$0xCA8] =	vst v0  }
0xcc: {  	[tilespmem:$0xCB8] =	vst v0  }
0xcd: {  	[tilespmem:$0xCC8] =	vst v0  }
0xce: {  	[tilespmem:$0xCD8] =	vst v0  }
0xcf: {  	[tilespmem:$0xCE8] =	vst v0  }
0xd0: {  	[tilespmem:$0xCF8] =	vst v0  }
0xd1: {  	[tilespmem:$0xD08] =	vst v0  }
0xd2: {  	[tilespmem:$0xD18] =	vst v0  }
0xd3: {  	[tilespmem:$0xD28] =	vst v0  }
0xd4: {  	[tilespmem:$0xD38] =	vst v0  }
0xd5: {  	[tilespmem:$0xD48] =	vst v0  }
0xd6: {  	[tilespmem:$0xD58] =	vst v0  }
0xd7: {  	[tilespmem:$0xD68] =	vst v0  }
0xd8: {  	[tilespmem:$0xD78] =	vst v0  }
0xd9: {  	[tilespmem:$0xD88] =	vst v0  }
0xda: {  	[tilespmem:$0xD98] =	vst v0  }
0xdb: {  	[tilespmem:$0xDA8] =	vst v0  }
0xdc: {  	[tilespmem:$0xDB8] =	vst v0  }
0xdd: {  	[tilespmem:$0xDC8] =	vst v0  }
0xde: {  	[tilespmem:$0xDD8] =	vst v0  }
0xdf: {  	[tilespmem:$0xDE8] =	vst v0  }
0xe0: {  	[tilespmem:$0xDF8] =	vst v0  }
0xe1: {  	[tilespmem:$0xE08] =	vst v0  }
0xe2: {  	[tilespmem:$0xE18] =	vst v0  }
0xe3: {  	[tilespmem:$0xE28] =	vst v0  }
0xe4: {  	[tilespmem:$0xE38] =	vst v0  }
0xe5: {  	[tilespmem:$0xE48] =	vst v0  }
0xe6: {  	[tilespmem:$0xE58] =	vst v0  }
0xe7: {  	[tilespmem:$0xE68] =	vst v0  }
0xe8: {  	[tilespmem:$0xE78] =	vst v0  }
0xe9: {  	[tilespmem:$0xE88] =	vst v0  }
0xea: {  	[tilespmem:$0xE98] =	vst v0  }
0xeb: {  	[tilespmem:$0xEA8] =	vst v0  }
0xec: {  	[tilespmem:$0xEB8] =	vst v0  }
0xed: {  	[tilespmem:$0xEC8] =	vst v0  }
0xee: {  	[tilespmem:$0xED8] =	vst v0  }
0xef: {  	[tilespmem:$0xEE8] =	vst v0  }
0xf0: {  	[tilespmem:$0xEF8] =	vst v0  }
0xf1: {  	[tilespmem:$0xF08] =	vst v0  }
0xf2: {  	[tilespmem:$0xF18] =	vst v0  }
0xf3: {  	[tilespmem:$0xF28] =	vst v0  }
0xf4: {  	[tilespmem:$0xF38] =	vst v0  }
0xf5: {  	[tilespmem:$0xF48] =	vst v0  }
0xf6: {  	[tilespmem:$0xF58] =	vst v0  }
0xf7: {  	[tilespmem:$0xF68] =	vst v0  }
0xf8: {  	[tilespmem:$0xF78] =	vst v0  }
0xf9: {  	[tilespmem:$0xF88] =	vst v0  }
0xfa: {  	[tilespmem:$0xF98] =	vst v0  }
0xfb: {  	[tilespmem:$0xFA8] =	vst v0  }
0xfc: {  	[tilespmem:$0xFB8] =	vst v0  }
0xfd: {  	[tilespmem:$0xFC8] =	vst v0  }
0xfe: {  	[tilespmem:$0xFD8] =	vst v0  }
0xff: {  	[tilespmem:$0xFE8] =	vst v0  }
0x100: {  	[tilespmem:$0xFF8] =	vst v0  }
0x101: {  	[tilespmem:$0x1018] =	vst v0  }
0x102: {  	[tilespmem:$0x10D8] =	vst v0  }
0x103: {  	[tilespmem:$0x1B28] =	vst v0  }
0x104: {  	[tilespmem:$0x1B18] =	vst v0  }
0x105: {  	[tilespmem:$0x1B08] =	vst v0  }
0x106: {  	[tilespmem:$0x1AF8] =	vst v0  }
0x107: {  	[tilespmem:$0x1AE8] =	vst v0  }
0x108: {  	[tilespmem:$0x1AD8] =	vst v0  }
0x109: {  	[tilespmem:$0x1AC8] =	vst v0  }
0x10a: {  	[tilespmem:$0x1AB8] =	vst v0  }
0x10b: {  	[tilespmem:$0x1AA8] =	vst v0  }
0x10c: {  	[tilespmem:$0x1A98] =	vst v0  }
0x10d: {  	[tilespmem:$0x1A88] =	vst v0  }
0x10e: {  	[tilespmem:$0x1A78] =	vst v0  }
0x10f: {  	[tilespmem:$0x1A68] =	vst v0  }
0x110: {  	[tilespmem:$0x1A58] =	vst v0  }
0x111: {  	[tilespmem:$0x1A48] =	vst v0  }
0x112: {  	[tilespmem:$0x1A38] =	vst v0  }
0x113: {  	[tilespmem:$0x1A28] =	vst v0  }
0x114: {  	[tilespmem:$0x1A18] =	vst v0  }
0x115: {  	[tilespmem:$0x1A08] =	vst v0  }
0x116: {  	[tilespmem:$0x19F8] =	vst v0  }
0x117: {  	[tilespmem:$0x19E8] =	vst v0  }
0x118: {  	[tilespmem:$0x19D8] =	vst v0  }
0x119: {  	[tilespmem:$0x19C8] =	vst v0  }
0x11a: {  	[tilespmem:$0x19B8] =	vst v0  }
0x11b: {  	[tilespmem:$0x19A8] =	vst v0  }
0x11c: {  	[tilespmem:$0x1998] =	vst v0  }
0x11d: {  	[tilespmem:$0x1988] =	vst v0  }
0x11e: {  	[tilespmem:$0x1978] =	vst v0  }
0x11f: {  	[tilespmem:$0x1968] =	vst v0  }
0x120: {  	[tilespmem:$0x1958] =	vst v0  }
0x121: {  	[tilespmem:$0x1948] =	vst v0  }
0x122: {  	[tilespmem:$0x1938] =	vst v0  }
0x123: {  	[tilespmem:$0x1928] =	vst v0  }
0x124: {  	[tilespmem:$0x1918] =	vst v0  }
0x125: {  	[tilespmem:$0x1908] =	vst v0  }
0x126: {  	[tilespmem:$0x18F8] =	vst v0  }
0x127: {  	[tilespmem:$0x18E8] =	vst v0  }
0x128: {  	[tilespmem:$0x18D8] =	vst v0  }
0x129: {  	[tilespmem:$0x18C8] =	vst v0  }
0x12a: {  	[tilespmem:$0x18B8] =	vst v0  }
0x12b: {  	[tilespmem:$0x18A8] =	vst v0  }
0x12c: {  	[tilespmem:$0x1898] =	vst v0  }
0x12d: {  	[tilespmem:$0x1888] =	vst v0  }
0x12e: {  	[tilespmem:$0x1878] =	vst v0  }
0x12f: {  	[tilespmem:$0x1868] =	vst v0  }
0x130: {  	[tilespmem:$0x1858] =	vst v0  }
0x131: {  	[tilespmem:$0x1848] =	vst v0  }
0x132: {  	[tilespmem:$0x1838] =	vst v0  }
0x133: {  	[tilespmem:$0x1828] =	vst v0  }
0x134: {  	[tilespmem:$0x1818] =	vst v0  }
0x135: {  	[tilespmem:$0x1808] =	vst v0  }
0x136: {  	[tilespmem:$0x17F8] =	vst v0  }
0x137: {  	[tilespmem:$0x17E8] =	vst v0  }
0x138: {  	[tilespmem:$0x17D8] =	vst v0  }
0x139: {  	[tilespmem:$0x17C8] =	vst v0  }
0x13a: {  	[tilespmem:$0x17B8] =	vst v0  }
0x13b: {  	[tilespmem:$0x17A8] =	vst v0  }
0x13c: {  	[tilespmem:$0x1798] =	vst v0  }
0x13d: {  	[tilespmem:$0x1788] =	vst v0  }
0x13e: {  	[tilespmem:$0x1778] =	vst v0  }
0x13f: {  	[tilespmem:$0x1768] =	vst v0  }
0x140: {  	[tilespmem:$0x1758] =	vst v0  }
0x141: {  	[tilespmem:$0x1748] =	vst v0  }
0x142: {  	[tilespmem:$0x1738] =	vst v0  }
0x143: {  	[tilespmem:$0x1728] =	vst v0  }
0x144: {  	[tilespmem:$0x1718] =	vst v0  }
0x145: {  	[tilespmem:$0x1708] =	vst v0  }
0x146: {  	[tilespmem:$0x16F8] =	vst v0  }
0x147: {  	[tilespmem:$0x16E8] =	vst v0  }
0x148: {  	[tilespmem:$0x16D8] =	vst v0  }
0x149: {  	[tilespmem:$0x16C8] =	vst v0  }
0x14a: {  	[tilespmem:$0x16B8] =	vst v0  }
0x14b: {  	[tilespmem:$0x16A8] =	vst v0  }
0x14c: {  	[tilespmem:$0x1698] =	vst v0  }
0x14d: {  	[tilespmem:$0x1688] =	vst v0  }
0x14e: {  	[tilespmem:$0x1678] =	vst v0  }
0x14f: {  	[tilespmem:$0x1668] =	vst v0  }
0x150: {  	[tilespmem:$0x1658] =	vst v0  }
0x151: {  	[tilespmem:$0x1648] =	vst v0  }
0x152: {  	[tilespmem:$0x1638] =	vst v0  }
0x153: {  	[tilespmem:$0x1628] =	vst v0  }
0x154: {  	[tilespmem:$0x1618] =	vst v0  }
0x155: {  	[tilespmem:$0x1608] =	vst v0  }
0x156: {  	[tilespmem:$0x15F8] =	vst v0  }
0x157: {  	[tilespmem:$0x15E8] =	vst v0  }
0x158: {  	[tilespmem:$0x15D8] =	vst v0  }
0x159: {  	[tilespmem:$0x15C8] =	vst v0  }
0x15a: {  	[tilespmem:$0x15B8] =	vst v0  }
0x15b: {  	[tilespmem:$0x15A8] =	vst v0  }
0x15c: {  	[tilespmem:$0x1598] =	vst v0  }
0x15d: {  	[tilespmem:$0x1588] =	vst v0  }
0x15e: {  	[tilespmem:$0x1578] =	vst v0  }
0x15f: {  	[tilespmem:$0x1568] =	vst v0  }
0x160: {  	[tilespmem:$0x1558] =	vst v0  }
0x161: {  	[tilespmem:$0x1548] =	vst v0  }
0x162: {  	[tilespmem:$0x1538] =	vst v0  }
0x163: {  	[tilespmem:$0x1528] =	vst v0  }
0x164: {  	[tilespmem:$0x1518] =	vst v0  }
0x165: {  	[tilespmem:$0x1508] =	vst v0  }
0x166: {  	[tilespmem:$0x14F8] =	vst v0  }
0x167: {  	[tilespmem:$0x14E8] =	vst v0  }
0x168: {  	[tilespmem:$0x14D8] =	vst v0  }
0x169: {  	[tilespmem:$0x14C8] =	vst v0  }
0x16a: {  	[tilespmem:$0x14B8] =	vst v0  }
0x16b: {  	[tilespmem:$0x14A8] =	vst v0  }
0x16c: {  	[tilespmem:$0x1498] =	vst v0  }
0x16d: {  	[tilespmem:$0x1488] =	vst v0  }
0x16e: {  	[tilespmem:$0x1478] =	vst v0  }
0x16f: {  	[tilespmem:$0x1468] =	vst v0  }
0x170: {  	[tilespmem:$0x1458] =	vst v0  }
0x171: {  	[tilespmem:$0x1448] =	vst v0  }
0x172: {  	[tilespmem:$0x1438] =	vst v0  }
0x173: {  	[tilespmem:$0x1428] =	vst v0  }
0x174: {  	[tilespmem:$0x1418] =	vst v0  }
0x175: {  	[tilespmem:$0x1408] =	vst v0  }
0x176: {  	[tilespmem:$0x13F8] =	vst v0  }
0x177: {  	[tilespmem:$0x13E8] =	vst v0  }
0x178: {  	[tilespmem:$0x13D8] =	vst v0  }
0x179: {  	[tilespmem:$0x13C8] =	vst v0  }
0x17a: {  	[tilespmem:$0x13B8] =	vst v0  }
0x17b: {  	[tilespmem:$0x13A8] =	vst v0  }
0x17c: {  	[tilespmem:$0x1398] =	vst v0  }
0x17d: {  	[tilespmem:$0x1388] =	vst v0  }
0x17e: {  	[tilespmem:$0x1378] =	vst v0  }
0x17f: {  	[tilespmem:$0x1368] =	vst v0  }
0x180: {  	[tilespmem:$0x1358] =	vst v0  }
0x181: {  	[tilespmem:$0x1348] =	vst v0  }
0x182: {  	[tilespmem:$0x1338] =	vst v0  }
0x183: {  	[tilespmem:$0x1328] =	vst v0  }
0x184: {  	[tilespmem:$0x1318] =	vst v0  }
0x185: {  	[tilespmem:$0x1308] =	vst v0  }
0x186: {  	[tilespmem:$0x12F8] =	vst v0  }
0x187: {  	[tilespmem:$0x12E8] =	vst v0  }
0x188: {  	[tilespmem:$0x12D8] =	vst v0  }
0x189: {  	[tilespmem:$0x12C8] =	vst v0  }
0x18a: {  	[tilespmem:$0x12B8] =	vst v0  }
0x18b: {  	[tilespmem:$0x12A8] =	vst v0  }
0x18c: {  	[tilespmem:$0x1298] =	vst v0  }
0x18d: {  	[tilespmem:$0x1288] =	vst v0  }
0x18e: {  	[tilespmem:$0x1278] =	vst v0  }
0x18f: {  	[tilespmem:$0x1268] =	vst v0  }
0x190: {  	[tilespmem:$0x1258] =	vst v0  }
0x191: {  	[tilespmem:$0x1248] =	vst v0  }
0x192: {  	[tilespmem:$0x1238] =	vst v0  }
0x193: {  	[tilespmem:$0x1228] =	vst v0  }
0x194: {  	[tilespmem:$0x1218] =	vst v0  }
0x195: {  	[tilespmem:$0x1208] =	vst v0  }
0x196: {  	[tilespmem:$0x11F8] =	vst v0  }
0x197: {  	[tilespmem:$0x11E8] =	vst v0  }
0x198: {  	[tilespmem:$0x11D8] =	vst v0  }
0x199: {  	[tilespmem:$0x11C8] =	vst v0  }
0x19a: {  	[tilespmem:$0x11B8] =	vst v0  }
0x19b: {  	[tilespmem:$0x11A8] =	vst v0  }
0x19c: {  	[tilespmem:$0x1198] =	vst v0  }
0x19d: {  	[tilespmem:$0x1188] =	vst v0  }
0x19e: {  	[tilespmem:$0x1178] =	vst v0  }
0x19f: {  	[tilespmem:$0x1168] =	vst v0  }
0x1a0: {  	[tilespmem:$0x1158] =	vst v0  }
0x1a1: {  	[tilespmem:$0x1148] =	vst v0  }
0x1a2: {  	[tilespmem:$0x1138] =	vst v0  }
0x1a3: {  	[tilespmem:$0x1128] =	vst v0  }
0x1a4: {  	[tilespmem:$0x1118] =	vst v0  }
0x1a5: {  	s2 =	stileid.u32;
	[tilespmem:$0x1108] =	vst v0  }
0x1a6: {  	s0 =	simm.s32 $0x1;
	p0 =	sne.s32 s2, $0x0;
	s1 =	smul.u32 $0x5E, s2;
	[tilespmem:$0x10F8] =	vst v0  }
0x1a7: {  	[tilespmem:$0x10E8] =	vst v0;
	s0 =	simm.s32 @!p0 $0x0;
	s3 =	simm.s32 @!p0 $0x0  }
0x1a8: {  	[tilespmem:$0x10B8] =	vst v0;
	s3 =	simm.s32 @p0 $0x1;
	s0 =	sor.u32 s0, s1;
	s1 =	simm.s32 $0xA050  }
0x1a9: {  	[tilespmem:$0x10C8] =	vst v0;
	p0 =	seq.s32 s2, $0x0;
	[smem:$0x7FD] =	sst s3;
	s3 =	smul.u32 $0x1B0, s0  }
0x1aa: {  	s1 =	simm.s32 @!p0 $0x9EA0;
	[tilespmem:$0x10A8] =	vst v0  }
0x1ab: {  	[tilespmem:$0x1038] =	vst v0;
	s0 =	sadd.s32 s1, s3  }
0x1ac: {  	[tilespmem:$0x1098] =	vst v0;
	s4 =	smin.u32 s0, $0x9EB10  }
0x1ad: {  	[tilespmem:$0x1088] =	vst v0;
	s0 =	ssub.s32 s4, s3  }
0x1ae: {  	s5 =	simm.s32 $0x2;
	[tilespmem:$0x1078] =	vst v0;
	p0 =	sgt.s32 s0, $0x0  }
0x1af: {  	s29 =	simm.s32 $0x7;
	s13 =	simm.s32 $0x8;
	[tilespmem:$0x1068] =	vst v0;
	s0 =	simm.s32 @!p0 $0x0  }
0x1b0: {  	s30 =	simm.s32 $0x9;
	p1 =	por $0x1, $0x1;
	[tilespmem:$0x1058] =	vst v0;
	s6 =	smulhi.u32 $0x4BDA12F7, s0  }
0x1b1: {  	p2 =	por $0x0, $0x0;
	s14 =	simm.s32 $0xA;
	s18 =	simm.s32 $0x0;
	[tilespmem:$0x1048] =	vst v0  }
0x1b2: {  	s15 =	simm.s32 $0x0;
	s17 =	simm.s32 $0x0;
	[tilespmem:$0x1028] =	vst v0;
	s12 =	sshrl.u32 s6, $0x7  }
0x1b3: {  	s7 =	sadd.s32 $0x19BE00, s8;
	[tilespmem:$0x1008] =	vst v0;
	[sflag:s5] =	ssyncpa.u1 $0x0;
	v0 =	vimm.s32 $0xFFFFFFFF;
	s10 =	smul.u32 $0x1B0, s12  }
.Ltmp0:
0x1b4: {  	s31 =	sshll.u32 s2, $0x5;
	[tilespmem:$0x3648] =	vst v0;
	[sflag:s29] =	ssyncpa.u1 $0x0;
	(pc) =	sbr.rel .LBB2_1-.Ltmp0, $4  }
0x1b5: {  	[dreg:$0x2] =	wrdreg s31;
	[sflag:s13] =	ssyncpa.u1 $0x0;
	p0 =	sne.s32 s0, s10  }
0x1b6: {  	s13 =	simm.s32 $0x0;
	[sflag:s30] =	ssyncpa.u1 $0x0;
	s11 =	simm.s32 @!p0 $0x0  }
0x1b7: {  	s1 =	sadd.s32 $0xB1600, s8;
	s16 =	smov.u32 s3;
	s11 =	sadd.s32 s11, s12  }
0x1b8: {  	v0 =	vlaneseq.u32;
	s6 =	sadd.s32 $0x89A00, s8;
	s8 =	sadd.s32 $0x9D800, s8;
	s12 =	sadd.s32 $0x1, s11  }
.LBB2_18:
0x1b9: {  	s0 =	simm.s32 $0x2  }
0x1ba: {  	_ =	swait.ge [sflag:s0], $0x0  }
0x1bb: {  	[sflag:s0] =	ssyncset.done $0x0;
	s0 =	simm.s32 $0x0  }
.LBB2_19:
0x1bc: {  	_ =	swait.ge [sflag:s14], s0  }
0x1bd: {  	s31 =	ssub.s32 $0x0, s0;
	v1 =	vmov s20;
	vm0 =	veq.s32 v0, $0x0;
	[sflag:s14] =	ssyncset.done $0x0  }
0x1be: {  	vm15 =	veq.s32 v0, $0x2;
	v1 =	vsel vm0, s24, v1;
	[sflag:s14] =	ssyncadd.s32 s31  }
0x1bf: {  	v1 =	vsel vm15, s18, v1;
	[sflag:s14] =	ssyncpa.u1 $0x1  }
0x1c0: {  	[tilespmem:$0x3648] =	vst v1  }
.LBB2_20:
0x1c1: {  	s0 =	sadd.s32 $0x1B0, s16  }
0x1c2: {  	s2 =	smov.u32 s3;
	p0 =	slt.s32 s0, s4  }
0x1c3: {  	s2 =	smov.u32 @p0 s0;
	p0 =	sne.s32 s17, s12  }
.Ltmp1:
0x1c4: {  	_ = 	snop;
	(pc) =	sbr.rel @!p0 .LBB2_21-.Ltmp1, $4  }
0x1c5: {  	_ = 	snop  }
0x1c6: {  	s18 =	smov.u32 s15  }
0x1c7: {  	s31 =	sadd.s32 $0x1, s17;
	s15 =	smov.u32 s16;
	p1 =	por !p1, !p1  }
0x1c8: {  	p2 =	por !p2, !p2;
	s17 =	smov.u32 s31;
	s16 =	smov.u32 s2  }
.LBB2_1:
0x1c9: {  	p0 =	sge.u32 s17, s11  }
0x1ca: {  	s0 =	smulhi.u32 @!p0 $0xAAAAAAAB, s17  }
0x1cb: {  	s19 =	smov.u32 s16;
	p3 =	sgt.s32 @!p0 s16, $0x9E960  }
0x1cc: {  	s20 =	sshra.s32 @!p0 s16, $0x1F;
	p3 =	por !p3, p0;
	s0 =	sshrl.u32 @!p0 s0, $0x1  }
0x1cd: {  	s20 =	sand.u32 @!p0 s20, s16;
	s19 =	simm.s32 @p3 $0x9E960;
	s0 =	smul.u32 @!p0 $0x3, s0  }
0x1ce: {  	s19 =	ssub.s32 @!p0 s19, s20  }
0x1cf: {  	s19 =	sadd.s32 @!p0 $0xFFF616A0, s19;
	s0 =	ssub.s32 @!p0 s17, s0  }
0x1d0: {  	s20 =	sshll.u32 @!p0 s19, $0x2;
	p3 =	sgt.s32 @!p0 s19, $0x1AF;
	s0 =	smul.u32 @!p0 $0x6C0, s0  }
0x1d1: {  	s21 =	sand.u32 @!p0 $0x7, s16;
	s19 =	ssub.s32 @!p0 $0x6C0, s20;
	p3 =	por !p3, p0  }
0x1d2: {  	s20 =	sshrl.u32 @!p0 s16, $0x3;
	s19 =	sshrl.u32 @!p0 s19, $0x2;
	s0 =	sshrl.u32 @!p0 s0, $0x2  }
0x1d3: {  	s20 =	sadd.s32 @!p0 s8, s20;
	s19 =	simm.s32 @!p3 $0x0;
	s0 =	sadd.s32 @!p0 $0x3878, s0  }
0x1d4: {  	[tilespmem:s0], [sflag:$0x8] =	stream.linear.gather @!p0 [hbm4b:s20+s21], s19, $0x38;
	[tilespmem:$0x1F0E8] =	vst v63  }
0x1d5: {  	s20 =	sadd.s32 $0xFFFFFFFF, s17  }
0x1d6: {  	p3 =	sge.u32 s20, s11  }
0x1d7: {  	p0 =	sgt.s32 @!p3 s15, $0x9E960  }
0x1d8: {  	s0 =	smov.u32 s15;
	s19 =	sshra.s32 @!p3 s15, $0x1F;
	p0 =	por !p0, p3  }
0x1d9: {  	s19 =	sand.u32 @!p3 s19, s15;
	s0 =	simm.s32 @p0 $0x9E960  }
0x1da: {  	s0 =	ssub.s32 @!p3 s0, s19  }
0x1db: {  	s0 =	sadd.s32 @!p3 $0xFFF616A0, s0  }
0x1dc: {  	s19 =	sshll.u32 @!p3 s0, $0x2  }
0x1dd: {  	p0 =	sgt.s32 @!p3 s0, $0x1AF;
	s0 =	ssub.s32 @!p3 $0x6C0, s19  }
0x1de: {  	p0 =	por !p0, p3;
	s0 =	sshrl.u32 @!p3 s0, $0x2  }
0x1df: {  	s21 =	simm.s32 @!p3 $0x8;
	s19 =	sand.u32 @!p3 $0x1, s20;
	s0 =	simm.s32 @!p0 $0x0  }
0x1e0: {  	s19 =	smul.u32 @!p3 $0x6C0, s19;
	_ =	swait.ge @!p3 [sflag:s21], s0  }
0x1e1: {  	s22 =	ssub.s32 @!p3 $0x0, s0;
	[sflag:s21] =	ssyncset.done @!p3 $0x0  }
0x1e2: {  	s19 =	sshrl.u32 @!p3 s19, $0x2;
	[sflag:s21] =	ssyncadd.s32 @!p3 s22;
	s21 =	sshrl.u32 @!p3 s15, $0x3  }
0x1e3: {  	s19 =	sadd.s32 @!p3 $0x3D88, s19;
	s22 =	sand.u32 @!p3 $0x7, s15;
	s21 =	sadd.s32 @!p3 s6, s21  }
0x1e4: {  	[tilespmem:s19], [sflag:$0x9] =	stream.linear.gather @!p3 [hbm4b:s21+s22], s0, $0x38;
	[tilespmem:$0x1F0E8] =	vst v63  }
0x1e5: {  	s19 =	ssub.s32 @!p3 $0x9EB10, s15  }
0x1e6: {  	p0 =	slt.s32 @!p3 s19, $0x1  }
0x1e7: {  	p0 =	por p3, p0  }
.Ltmp2:
0x1e8: {  	_ = 	snop;
	(pc) =	sbr.rel @p0 .LBB2_7-.Ltmp2, $1  }
0x1e9: {  	_ =	sdelay $0x3  }
0x1ea: {  	s0 =	smulhi.u32 $0xAAAAAAAB, s20;
	_ =	sdelay $0x1  }
0x1eb: {  	s0 =	sshrl.u32 s0, $0x1  }
0x1ec: {  	s0 =	smul.u32 $0x3, s0;
	_ =	sdelay $0x1  }
0x1ed: {  	s0 =	ssub.s32 s20, s0  }
0x1ee: {  	s21 =	simm.s32 $0x1;
	s0 =	smul.u32 $0x6C0, s0  }
.Ltmp3:
0x1ef: {  	s21 =	simm.s32 @!p1 $0x0;
	(pc) =	sbr.rel .LBB2_4-.Ltmp3, $4  }
0x1f0: {  	s31 =	smul.u32 $0x36000, s21  }
0x1f1: {  	p0 =	slt.s32 @!p3 s19, $0x1B0;
	s0 =	sshrl.u32 s0, $0x2  }
0x1f2: {  	p0 =	por !p0, p3;
	s20 =	sshrl.u32 s31, $0x2;
	s0 =	sadd.s32 $0x3878, s0  }
0x1f3: {  	s19 =	simm.s32 @p0 $0x1B0;
	s21 =	simm.s32 $0x0;
	s20 =	sadd.s32 $0x40E8, s20;
	v1 =	vmov s0  }
.LBB2_3:
0x1f4: {  	p0 =	sge.s32 s21, s19  }
.Ltmp4:
0x1f5: {  	_ = 	snop;
	(pc) =	sbr.rel @p0 .LBB2_7-.Ltmp4, $2  }
0x1f6: {  	_ =	sdelay $0x2  }
0x1f7: {  	s20 =	sadd.s32 $0x800, s20  }
.LBB2_4:
0x1f8: {  	p0 =	sle.s32 s19, s21  }
.Ltmp5:
0x1f9: {  	_ = 	snop;
	(pc) =	sbr.rel @p0 .LBB2_3-.Ltmp5, $2  }
0x1fa: {  	_ =	sdelay $0x2  }
0x1fb: {  	s22 =	smov.u32 s21;
	s21 =	sadd.s32 $0x10, s21  }
0x1fc: {  	s0 =	ssub.s32 s19, s22  }
0x1fd: {  	p0 =	slt.s32 s0, $0x10  }
0x1fe: {  	s0 =	simm.s32 @!p0 $0x10  }
0x1ff: {  	v2 =	vmov s0  }
0x200: {  	vm0 =	vgt.s32 v2, v0;
	_ =	sdelay $0x5  }
0x201: {  	v2 =	vld.idx.msk [tilespmem:v1+s22+$0x0 ss:$0x1], vm0;
	_ =	sdelay $0x2  }
0x202: {  	s23 =	smov.u32 s19;
	p0 =	slt.s32 s21, s19  }
0x203: {  	s24 =	smov.u32 s20;
	s25 =	simm.s32 $0x0;
	s23 =	smov.u32 @p0 s21  }
.LBB2_6:
0x204: {  	(v2sf) =	vpush v2, s25;
	_ =	sdelay $0xc  }
0x205: {  	s25 =	sadd.s32 $0x1, s25  }
0x206: {  	s31 =	sadd.s32 s25, s22  }
0x207: {  	p0 =	slt.s32 s31, s23;
	s0 =	spop (v2sf)  }
.Ltmp6:
0x208: {  	s0 =	sshll.u32 s0, $0x4;
	(pc) =	sbr.rel @p0 .LBB2_6-.Ltmp6, $4  }
0x209: {  	s0 =	sand.u32 $0x1FFFFFF0, s0  }
0x20a: {  	s0 =	sadd.s32 s7, s0  }
0x20b: {  	[tilespmem:s24], [sflag:$0x7] =	stream.linear.gather [hbm4b:s0+s13], $0x4, $0x38;
	[tilespmem:$0x1F0E8] =	vst v63  }
0x20c: {  	s24 =	sadd.s32 $0x80, s24  }
.Ltmp7:
0x20d: {  	_ = 	snop;
	(pc) =	sbr.rel .LBB2_3-.Ltmp7, $1  }
0x20e: {  	_ =	sdelay $0x3  }
.LBB2_7:
0x20f: {  	p0 =	slt.u32 s17, $0x2  }
.Ltmp8:
0x210: {  	_ = 	snop;
	(pc) =	sbr.rel @p0 .LBB2_20-.Ltmp8, $1  }
0x211: {  	_ =	sdelay $0x3  }
0x212: {  	p0 =	sgt.s32 s18, $0x9E960;
	s0 =	smov.u32 s18  }
0x213: {  	s19 =	sshra.s32 s18, $0x1F;
	s20 =	ssub.s32 $0x9EB10, s18;
	s0 =	simm.s32 @!p0 $0x9E960  }
0x214: {  	s19 =	sand.u32 s19, s18;
	p0 =	slt.s32 s20, $0x1B0;
	s21 =	smov.u32 s20  }
0x215: {  	s0 =	ssub.s32 s0, s19;
	s21 =	simm.s32 @!p0 $0x1B0  }
0x216: {  	s0 =	sadd.s32 $0xFFF616A0, s0;
	s26 =	sshll.u32 s21, $0x2  }
0x217: {  	s2 =	simm.s32 $0x7;
	s28 =	sshll.u32 s0, $0x2;
	s19 =	sand.u32 $0x3FFFFFFC, s26  }
0x218: {  	p0 =	sgt.s32 s0, $0x1AF;
	s29 =	ssub.s32 $0x6C0, s28;
	_ =	swait.ge [sflag:s2], s19  }
0x219: {  	s19 =	ssub.s32 $0x0, s19;
	[sflag:s2] =	ssyncset.done $0x0;
	s0 =	sshrl.u32 s29, $0x2  }
0x21a: {  	s30 =	simm.s32 $0x9;
	[sflag:s2] =	ssyncadd.s32 s19;
	s0 =	simm.s32 @p0 $0x0  }
0x21b: {  	_ =	swait.ge [sflag:s30], s0  }
0x21c: {  	s0 =	ssub.s32 $0x0, s0;
	[sflag:s30] =	ssyncset.done $0x0  }
0x21d: {  	[sflag:s30] =	ssyncadd.s32 s0  }
0x21e: {  	v1 =	vld [tilespmem:$0x3648];
	_ =	sdelay $0x4  }
0x21f: {  	(v2sf) =	vpush v1, $0x0  }
0x220: {  	(v2sf) =	vpush v1, $0x1  }
0x221: {  	(v2sf) =	vpush v1, $0x2;
	_ =	sdelay $0x3  }
0x222: {  	s0 =	sadd.s32 $0x1B0, s18  }
0x223: {  	p0 =	slt.s32 s4, s0  }
0x224: {  	s0 =	smov.u32 @p0 s4;
	p0 =	sgt.s32 s20, $0x0  }
0x225: {  	s22 =	ssub.s32 s0, s18;
	s20 =	simm.s32 @!p0 $0x0  }
0x226: {  	p0 =	slt.s32 s20, s22  }
0x227: {  	s22 =	smov.u32 @p0 s20  }
0x228: {  	s21 =	simm.s32 $0x1;
	p3 =	slt.s32 s22, $0x1  }
.Ltmp9:
0x229: {  	s21 =	simm.s32 @!p2 $0x0;
	(pc) =	sbr.rel @p3 .LBB2_12-.Ltmp9, $4  }
0x22a: {  	s31 =	smul.u32 $0x6C0, s21  }
0x22b: {  	s23 =	spop (v2sf)  }
0x22c: {  	s0 =	sshrl.u32 s31, $0x2;
	s25 =	spop (v2sf)  }
0x22d: {  	s19 =	sadd.s32 $0x3D88, s0;
	s18 =	spop (v2sf)  }
0x22e: {  	s0 =	smin.u32 s22, $0x10  }
0x22f: {  	v1 =	vmov s0  }
0x230: {  	p0 =	sgt.s32 s22, $0x10;
	vm1 =	vgt.u32 v1, v0  }
.Ltmp10:
0x231: {  	_ = 	snop;
	(pc) =	sbr.rel @!p0 .LBB2_11-.Ltmp10, $2  }
0x232: {  	_ =	sdelay $0x2  }
0x233: {  	s24 =	simm.s32 $0x10;
	s26 =	sadd.s32 $0xFFFFFFF0, s22;
	s20 =	smov.u32 s19;
	vm0 =	vmmov vm1  }
.LBB2_10:
0x234: {  	s0 =	smin.u32 s26, $0x10;
	s24 =	sadd.s32 $0x10, s24;
	v1 =	vld.msk [tilespmem:s20+$0x0 ss:$0x1], vm1  }
0x235: {  	v2 =	vmov s0;
	p0 =	slt.s32 s24, s22  }
0x236: {  	vm1 =	vgt.u32 v2, v0  }
.Ltmp11:
0x237: {  	(pc) =	sbr.rel @p0 .LBB2_10-.Ltmp11, $3  }
0x238: {  	_ =	sdelay $0x1  }
0x239: {  	v1 =	vshll.u32 v1, $0x4  }
0x23a: {  	s26 =	sadd.s32 $0xFFFFFFF0, s26;
	[tilespmem:s20+$0x0] =	vst.msk vm0, v1;
	s20 =	sadd.s32 $0x10, s20;
	vm0 =	vmmov vm1  }
.LBB2_11:
0x23b: {  	_ =	sdelay $0x4  }
0x23c: {  	v1 =	vld.msk [tilespmem:s20+$0x0 ss:$0x1], vm1;
	_ =	sdelay $0x4  }
0x23d: {  	v1 =	vshll.u32 v1, $0x4  }
0x23e: {  	[tilespmem:s20+$0x0] =	vst.msk vm0, v1  }
.LBB2_12:
0x23f: {  	s0 =	sand.u32 $0x1, s17  }
0x240: {  	s20 =	smul.u32 $0x1B0, s0  }
0x241: {  	p0 =	sne.s32 s25, $0xFFFFFFFF  }
0x242: {  	v1 =	vld.msk @!p0 [tilespmem:s20+$0x3D88], $0x1;
	_ =	sdelay $0x4  }
0x243: {  	(v2sf) =	vpush @!p0 v1, $0x0;
	_ =	sdelay $0x9  }
0x244: {  	s0 =	smul.u32 $0xD800, s0;
	_ =	sdelay $0x1  }
0x245: {  	v1 =	vld.msk @!p0 [tilespmem:s0+$0x40E8], $0xf  }
.Ltmp12:
0x246: {  	_ = 	snop;
	(pc) =	sbr.rel @p3 .LBB2_18-.Ltmp12, $4  }
0x247: {  	_ = 	snop  }
0x248: {  	s24 =	spop @!p0 (v2sf)  }
0x249: {  	s18 =	simm.s32 @!p0 $0x0;
	s0 =	simm.s32 @!p0 $0x28;
	s20 =	smov.u32 s24  }
0x24a: {  	[tilespmem:s0+$0x0] =	vst.msk @!p0 $0xf, v1;
	[sflag:s14] =	ssyncpa.u1 $0x0;
	s24 =	smov.u32 @p0 s23;
	s20 =	smov.u32 @p0 s25  }
0x24b: {  	v1 =	vld.msk [tilespmem:s19+$0x0], $0x1;
	_ =	sdelay $0x4  }
0x24c: {  	(v2sf) =	vpush v1, $0x0;
	_ =	sdelay $0xd  }
0x24d: {  	s0 =	simm.s32 @!p2 $0x0  }
0x24e: {  	s26 =	smul.u32 $0x36000, s21;
	s25 =	ssub.s32 $0x0, s22;
	s28 =	spop (v2sf)  }
0x24f: {  	s0 =	simm.s32 @p2 $0x1;
	s23 =	sadd.s32 $0x1, s25;
	p3 =	seq.s32 s24, s28  }
0x250: {  	[smem:$0x7FC] =	sst s0;
	s0 =	sshrl.u32 s26, $0x2;
	p0 =	sgt.s32 @!p3 s24, $0x0  }
0x251: {  	s21 =	sadd.s32 $0x40E8, s0;
	s0 =	smov.u32 s24;
	p0 =	por !p0, p3  }
0x252: {  	s0 =	simm.s32 @p0 $0x0;
	p0 =	seq.s32 s23, $0x0  }
.Ltmp13:
0x253: {  	_ = 	snop;
	(pc) =	sbr.rel @p0 .LBB2_15-.Ltmp13, $4  }
0x254: {  	_ = 	snop  }
0x255: {  	s22 =	simm.s32 $0x0;
	s29 =	simm.s32 @!p3 $0x1;
	s0 =	smin.u32 @!p3 s0, $0x270FF  }
0x256: {  	s30 =	simm.s32 @!p3 $0x1B38;
	s29 =	smov.u32 @p3 s22;
	s26 =	sand.u32 @!p3 $0x3FFF8, s0  }
0x257: {  	s31 =	sand.u32 @!p3 $0x7, s0;
	s0 =	sadd.s32 @!p3 s1, s26;
	s26 =	sadd.s32 $0x1, s19  }
.LBB2_14:
0x258: {  	s2 =	smov.u32 s29  }
0x259: {  	[tilespmem:s30], [sflag:$0x2] =	stream.linear.gather @!p3 [hbm4b:s0+s31], $0x4, $0x38;
	[tilespmem:$0x1F0E8] =	vst v63  }
0x25a: {  	s23 =	sadd.s32 $0x1, s23;
	s0 =	smov.u32 s28;
	v1 =	vld.msk [tilespmem:s26+$0x0], $0x1  }
0x25b: {  	p4 =	seq.s32 s23, $0x0;
	_ =	sdelay $0x3  }
0x25c: {  	(v2sf) =	vpush v1, $0x0;
	_ =	sdelay $0xe  }
0x25d: {  	s28 =	spop (v2sf)  }
0x25e: {  	p3 =	seq.s32 s0, s28  }
0x25f: {  	p0 =	sgt.s32 @!p3 s0, $0x0;
	s30 =	sshll.u32 @!p3 s29, $0x6;
	s29 =	sadd.s32 @!p3 $0x1, s29  }
.Ltmp14:
0x260: {  	p0 =	por !p0, p3;
	s30 =	sshra.s32 @!p3 s30, $0x2;
	(pc) =	sbr.rel @!p4 .LBB2_14-.Ltmp14, $4  }
0x261: {  	s29 =	smov.u32 @p3 s2;
	s0 =	simm.s32 @p0 $0x0;
	s30 =	sadd.s32 @!p3 $0x1B38, s30  }
0x262: {  	s0 =	smin.u32 @!p3 s0, $0x270FF  }
0x263: {  	s2 =	sand.u32 @!p3 $0x3FFF8, s0;
	s31 =	sand.u32 @!p3 $0x7, s0  }
0x264: {  	s26 =	sadd.s32 $0x1, s26;
	s0 =	sadd.s32 @!p3 s1, s2  }
.LBB2_15:
0x265: {  	[tilespmem:s30], [sflag:$0x2] =	stream.linear.gather @!p3 [hbm4b:s0+s31], $0x4, $0x38;
	[tilespmem:$0x1F0E8] =	vst v63  }
0x266: {  	s31 =	sshll.u32 s29, $0x2  }
0x267: {  	s2 =	simm.s32 $0x2;
	s0 =	sand.u32 $0x3FFFFFFC, s31  }
0x268: {  	_ =	swait.ge [sflag:s2], s0  }
0x269: {  	s0 =	ssub.s32 $0x0, s0;
	[sflag:s2] =	ssyncset.done $0x0  }
0x26a: {  	[sflag:s2] =	ssyncadd.s32 s0  }
0x26b: {  	v1 =	vld.msk [tilespmem:s19+$0x0], $0x1;
	_ =	sdelay $0x4  }
0x26c: {  	(v2sf) =	vpush v1, $0x0;
	_ =	sdelay $0xe  }
0x26d: {  	s23 =	spop (v2sf)  }
0x26e: {  	p3 =	sne.s32 s24, s23  }
0x26f: {  	p5 =	sne.s32 @p3 s24, s20  }
0x270: {  	p4 =	por !p5, !p3  }
0x271: {  	s0 =	sshll.u32 @!p4 s18, $0x6;
	s2 =	simm.s32 @!p4 $0x0  }
0x272: {  	s0 =	sshra.s32 @!p4 s0, $0x2;
	v1 =	vld.msk @!p4 [tilespmem:s2+$0x1B38], $0xf  }
0x273: {  	v2 =	vld.msk @!p4 [tilespmem:s0+$0x28], $0xf;
	_ =	sdelay $0x1  }
0x274: {  	p0 =	sgt.u32 @!p4 s24, $0x270FF  }
0x275: {  	p6 =	por @p3 p0, !p5  }
0x276: {  	p2 =	por p6, !p3;
	p6 =	por p5, !p3  }
0x277: {  	s26 =	sadd.s32 @!p4 $0x28, s0;
	s2 =	sand.u32 @!p2 $0x3FFF8, s24;
	s28 =	sshll.u32 @!p6 s18, $0x6;
	v1 =	vmax.f32 @!p4 v1, v2  }
0x278: {  	s24 =	sand.u32 @!p2 $0x7, s24;
	s2 =	sadd.s32 @!p2 s1, s2;
	[tilespmem:s0+$0x28] =	vst.msk @!p4 $0xf, v1;
	s0 =	sshra.s32 @!p6 s28, $0x2  }
0x279: {  	[hbm4b:s2+s24] =	stream.linear.scatter @!p2 [tilespmem:s26], [sflag:$0xA], $0x4, $0x38;
	[tilespmem:$0x1F0E8] =	vst v63  }
0x27a: {  	s29 =	rddreg [dreg:$0x2];
	s0 =	sadd.s32 @!p6 $0x28, s0;
	s2 =	simm.s32 @!p6 $0x1  }
0x27b: {  	[spmem:s29] =	stream.linear.scatter @!p6 [tilespmem:s0], [sflag:$0x1], $0x4, $0x38;
	[tilespmem:$0x1F0E8] =	vst v63  }
0x27c: {  	s0 =	sadd.s32 @p3 $0x1, s18;
	_ =	swait.ge @!p6 [sflag:s2], $0x4  }
0x27d: {  	s24 =	sshrl.u32 @p3 s0, $0x4;
	[sflag:s2] =	ssyncset.done @!p6 $0x0  }
0x27e: {  	s26 =	smulhi.u32 @p3 $0x97B425F, s24;
	[sflag:s2] =	ssyncadd.s32 @!p6 $0xFFFFFFFC  }
0x27f: {  	v1 =	vld.msk @p3 [tilespmem:s21+$0x0], $0xf  }
0x280: {  	p0 =	por @p3 !p0, !p5;
	s24 =	sadd.s32 $0x1, s25;
	s2 =	smul.u32 @p3 $0x1B0, s26  }
0x281: {  	p0 =	por !p0, !p3;
	p6 =	seq.s32 s24, $0x0  }
.Ltmp15:
0x282: {  	s26 =	simm.s32 @!p4 $0x0;
	s0 =	ssub.s32 @p3 s0, s2;
	(pc) =	sbr.rel @p6 .LBB2_17-.Ltmp15, $4  }
0x283: {  	s26 =	simm.s32 @!p0 $0x10;
	s28 =	sshll.u32 @p3 s0, $0x4  }
0x284: {  	s29 =	simm.s32 @p3 $0x1;
	s2 =	sshll.u32 @!p3 s18, $0x6;
	s26 =	sadd.s32 @!p4 $0x0, s26;
	[tilespmem:s28+$0x28] =	vst.msk @p3 $0xf, v1  }
0x285: {  	s25 =	simm.s32 $0x0;
	s26 =	smov.u32 @p4 s22;
	s28 =	sshra.s32 @!p3 s2, $0x2;
	v1 =	vld.msk @!p3 [tilespmem:s21+$0x0], $0xf  }
0x286: {  	s25 =	smov.u32 @p3 s29;
	s18 =	smov.u32 @p3 s0;
	s22 =	smov.u32 @p3 s26;
	v2 =	vld.msk @!p3 [tilespmem:s28+$0x28], $0xf  }
.LBB2_16:
0x287: {  	_ =	sdelay $0x3  }
0x288: {  	v1 =	vmax.f32 @!p3 v1, v2  }
0x289: {  	s19 =	sadd.s32 $0x1, s19;
	[tilespmem:s28+$0x28] =	vst.msk @!p3 $0xf, v1  }
0x28a: {  	v1 =	vld.msk [tilespmem:s19+$0x0], $0x1;
	_ =	sdelay $0x4  }
0x28b: {  	(v2sf) =	vpush v1, $0x0;
	_ =	sdelay $0xe  }
0x28c: {  	s26 =	smov.u32 s23;
	s23 =	spop (v2sf)  }
0x28d: {  	p3 =	sne.s32 s26, s23  }
0x28e: {  	p6 =	sne.s32 @p3 s26, s20  }
0x28f: {  	s0 =	sadd.s32 @p3 $0x1, s18;
	p5 =	por !p6, !p3  }
0x290: {  	s28 =	sshll.u32 @!p3 s18, $0x6;
	s29 =	sadd.s32 @p3 $0x1, s25;
	s30 =	sshll.u32 @!p5 s25, $0x6  }
0x291: {  	s2 =	sshrl.u32 @p3 s0, $0x4;
	s31 =	sshll.u32 @!p5 s18, $0x6;
	s30 =	sshra.s32 @!p5 s30, $0x2  }
0x292: {  	p2 =	sgt.u32 @!p5 s26, $0x270FF;
	s2 =	smulhi.u32 @p3 $0x97B425F, s2;
	s31 =	sshra.s32 @!p5 s31, $0x2;
	v1 =	vld.msk @!p5 [tilespmem:s30+$0x1B38], $0xf  }
0x293: {  	s5 =	simm.s32 @!p5 $0x0;
	s25 =	smov.u32 @p3 s29;
	s29 =	rddreg [dreg:$0x2];
	v2 =	vld.msk @!p5 [tilespmem:s31+$0x28], $0xf  }
0x294: {  	p0 =	por @p3 p2, !p6;
	p2 =	por @p3 !p2, !p6;
	p6 =	por p6, !p3  }
0x295: {  	s30 =	sadd.s32 @!p5 $0x28, s31;
	p0 =	por p0, !p3;
	p2 =	por !p2, !p3  }
0x296: {  	s2 =	smul.u32 @p3 $0x1B0, s2;
	s10 =	sshll.u32 @!p6 s18, $0x6;
	s5 =	simm.s32 @!p2 $0x10  }
0x297: {  	s9 =	sand.u32 @!p0 $0x3FFF8, s26;
	s26 =	sand.u32 @!p0 $0x7, s26;
	s5 =	sadd.s32 @!p5 s5, s22  }
0x298: {  	s9 =	sadd.s32 @!p0 s1, s9;
	s0 =	ssub.s32 @p3 s0, s2;
	s5 =	smov.u32 @p5 s22;
	v1 =	vmax.f32 @!p5 v1, v2  }
0x299: {  	s2 =	sshll.u32 @p3 s0, $0x4;
	s22 =	smov.u32 @p3 s5;
	s5 =	sshra.s32 @!p6 s10, $0x2;
	[tilespmem:s31+$0x28] =	vst.msk @!p5 $0xf, v1  }
0x29a: {  	[hbm4b:s9+s26] =	stream.linear.scatter @!p0 [tilespmem:s30], [sflag:$0xA], $0x4, $0x38;
	[tilespmem:$0x1F0E8] =	vst v63  }
0x29b: {  	s18 =	smov.u32 @p3 s0;
	s0 =	sadd.s32 @!p6 $0x28, s5;
	s5 =	simm.s32 @!p6 $0x1  }
0x29c: {  	[spmem:s29] =	stream.linear.scatter @!p6 [tilespmem:s0], [sflag:$0x1], $0x4, $0x38;
	[tilespmem:$0x1F0E8] =	vst v63  }
0x29d: {  	_ =	swait.ge @!p6 [sflag:s5], $0x4  }
0x29e: {  	[sflag:s5] =	ssyncset.done @!p6 $0x0  }
0x29f: {  	s21 =	sadd.s32 $0x80, s21;
	[sflag:s5] =	ssyncadd.s32 @!p6 $0xFFFFFFFC  }
0x2a0: {  	v1 =	vld.msk @p3 [tilespmem:s21+$0x0], $0xf  }
0x2a1: {  	s24 =	sadd.s32 $0x1, s24  }
0x2a2: {  	p4 =	seq.s32 s24, $0x0  }
.Ltmp16:
0x2a3: {  	_ = 	snop;
	(pc) =	sbr.rel @!p4 .LBB2_16-.Ltmp16, $4  }
0x2a4: {  	_ = 	snop  }
0x2a5: {  	[tilespmem:s2+$0x28] =	vst.msk @p3 $0xf, v1  }
0x2a6: {  	s28 =	sshra.s32 @!p3 s28, $0x2;
	v1 =	vld.msk @!p3 [tilespmem:s21+$0x0], $0xf  }
0x2a7: {  	v2 =	vld.msk @!p3 [tilespmem:s28+$0x28], $0xf  }
.LBB2_17:
0x2a8: {  	_ = 	snop  }
.Ltmp17:
0x2a9: {  	_ = 	snop;
	(pc) =	sbr.rel .LBB2_19-.Ltmp17, $3  }
0x2aa: {  	s2 =	sld [smem:$0x7FC];
	_ =	sdelay $0x1  }
0x2ab: {  	v1 =	vmax.f32 @!p3 v1, v2  }
0x2ac: {  	s0 =	sshrl.u32 s22, $0x2;
	s24 =	smov.u32 s23;
	p2 =	seq.s32 s2, $0x1;
	[tilespmem:s28+$0x28] =	vst.msk @!p3 $0xf, v1  }
.LBB2_21:
0x2ad: {  	_ =	sfence.sel $0x180000  }
0x2ae: {  	s0 =	simm.s32 $0x7;
	[bflag:$0x0] =	sbarrier.arrive $0xFFFF  }
0x2af: {  	s23 =	simm.s32 $0x8;
	[sflag:s0] =	ssyncpa.u1 $0x1  }
0x2b0: {  	s24 =	simm.s32 $0x9;
	[sflag:s23] =	ssyncpa.u1 $0x1  }
0x2b1: {  	s25 =	simm.s32 $0x2;
	[sflag:s24] =	ssyncpa.u1 $0x1  }
0x2b2: {  	[sflag:s25] =	ssyncpa.u1 $0x1  }
0x2b3: {  	v0 =	vld [tilespmem:$0x3648];
	_ =	sdelay $0x4  }
0x2b4: {  	(v2sf) =	vpush v0, $0x0  }
0x2b5: {  	(v2sf) =	vpush v0, $0x1;
	_ =	sdelay $0x1  }
0x2b6: {  	(v2sf) =	vpush v0, $0x2;
	_ =	sdelay $0xb  }
0x2b7: {  	s0 =	spop (v2sf)  }
0x2b8: {  	s2 =	spop (v2sf)  }
0x2b9: {  	s3 =	smov.u32 s0;
	p0 =	sne.s32 s0, s2  }
0x2ba: {  	s4 =	spop (v2sf);
	s3 =	simm.s32 @!p0 $0xFFFFFFFF  }
0x2bb: {  	v2 =	vimm.s32 $0x1;
	v3 =	vlaneseq.u32;
	p0 =	seq.s32 s4, $0xFFFFFFFF;
	v1 =	vmov s3  }
0x2bc: {  	s26 =	stileid.u32;
	v0 =	vperm.xlane v0, v2;
	p1 =	sne.s32 @!p0 s0, s2;
	v1 =	vperm.xlane v1, v3  }
0x2bd: {  	vm0 =	vcmask $0x3F04;
	s6 =	simm.s32 $0x3648;
	s0 =	simm.s32 @!p0 $0x1;
	p1 =	por !p1, p0  }
0x2be: {  	s3 =	sshll.u32 s26, $0x1;
	s2 =	sshll.u32 @!p0 s4, $0x6;
	s0 =	simm.s32 @p1 $0x0;
	v0 =	vsel vm0, v1, v0  }
0x2bf: {  	s5 =	sor.u32 $0x200, s3;
	s2 =	sshra.s32 @!p0 s2, $0x2;
	s0 =	sor.u32 @!p0 s0, s3;
	[tilespmem:$0x3648] =	vst v0  }
0x2c0: {  	[spmem:s5] =	stream.linear.scatter [tilespmem:s6], [sflag:$0x1], $0x2, $0x38;
	[tilespmem:$0x1F0E8] =	vst v63  }
0x2c1: {  	s2 =	sadd.s32 @!p0 $0x28, s2;
	s0 =	sshll.u32 @!p0 s0, $0x4  }
0x2c2: {  	[spmem:s0] =	stream.linear.scatter @!p0 [tilespmem:s2], [sflag:$0x1], $0x10, $0x38;
	[tilespmem:$0x1F0E8] =	vst v63  }
0x2c3: {  	s0 =	simm.s32 @!p0 $0x12  }
0x2c4: {  	s2 =	simm.s32 $0x1;
	s0 =	simm.s32 @p0 $0x2  }
0x2c5: {  	_ =	swait.ge [sflag:s2], s0  }
0x2c6: {  	s0 =	ssub.s32 $0x0, s0;
	[sflag:s2] =	ssyncset.done $0x0  }
0x2c7: {  	[sflag:s2] =	ssyncadd.s32 s0  }
0x2c8: {  	_ =	sfence.stream.spmem  }
0x2c9: {  	[bflag:$0x0] =	sbarrier.arrive $0xFFFF  }
0x2ca: {  	s28 =	simm.s32 $0x3;
	s31 =	sld [smem:$0x7FD]  }
0x2cb: {  	s29 =	simm.s32 $0x4;
	[sflag:s28] =	ssyncpa.u1 $0x1  }
0x2cc: {  	s30 =	simm.s32 $0x3C;
	[sflag:s29] =	ssyncpa.u1 $0x1  }
0x2cd: {  	[sflag:s30] =	ssyncpa.u1 $0x1;
	p0 =	seq.s32 s31, $0x1  }
0x2ce: {  	_ =	sfence @p0  }
0x2cf: {  	[sflag:s2] =	ssyncpa.u1 @p0 $0x1  }
0x2d0: {  	_ =	strace @p0 $0x90000053  }
0x2d1: {  	[bflag:$0x2] =	sbarrier.arrive @p0 $0xFFFF  }
0x2d2: {  	_ =	shalt @p0  }
.LBB2_22:
0x2d3: {  	_ =	sfence.stream.spmem;
	s0 =	simm.s32 $0x5  }
0x2d4: {  	s2 =	simm.s32 $0x200;
	s3 =	simm.s32 $0x3658;
	[sflag:s0] =	ssyncpa.u1 $0x0  }
0x2d5: {  	[tilespmem:s3], [sflag:$0x5] =	stream.linear.gather [spmem:s2], $0x20, $0x38;
	[tilespmem:$0x1F0E8] =	vst v63  }
0x2d6: {  	s30 =	simm.s32 $0x3678;
	s2 =	simm.s32 $0x0  }
0x2d7: {  	[tilespmem:s30], [sflag:$0x5] =	stream.linear.gather [spmem:s2], $0x200, $0x38;
	[tilespmem:$0x1F0E8] =	vst v63  }
.Ltmp18:
0x2d8: {  	_ = 	snop;
	(pc) =	sbr.rel .LBB2_23-.Ltmp18, $4  }
0x2d9: {  	_ =	swait.ge [sflag:s0], $0x220  }
0x2da: {  	[sflag:s0] =	ssyncset.done $0x0  }
0x2db: {  	s31 =	simm.s32 $0x6;
	[sflag:s0] =	ssyncadd.s32 $0xFFFFFDE0  }
0x2dc: {  	s3 =	simm.s32 $0x0;
	[sflag:s31] =	ssyncpa.u1 $0x0  }
.LBB2_28:
0x2dd: {  	p0 =	slt.u32 s4, $0x27100  }
0x2de: {  	s0 =	sand.u32 @p0 $0x3FFF8, s4  }
0x2df: {  	s4 =	sand.u32 @p0 $0x7, s4;
	s5 =	simm.s32 @p0 $0x3638;
	s0 =	sadd.s32 @p0 s1, s0  }
0x2e0: {  	[tilespmem:s5], [sflag:$0x6] =	stream.linear.gather @p0 [hbm4b:s0+s4], $0x4, $0x38;
	[tilespmem:$0x1F0E8] =	vst v63  }
0x2e1: {  	s0 =	simm.s32 @p0 $0x6  }
0x2e2: {  	_ =	swait.ge @p0 [sflag:s0], $0x4  }
0x2e3: {  	[sflag:s0] =	ssyncset.done @p0 $0x0  }
0x2e4: {  	[sflag:s0] =	ssyncadd.s32 @p0 $0xFFFFFFFC;
	s0 =	sshll.u32 @p0 s3, $0x6  }
0x2e5: {  	v1 =	vld @p0 [tilespmem:$0x3638];
	s4 =	sshrl.u32 @p0 s0, $0x2  }
0x2e6: {  	v2 =	vld @p0 [tilespmem:s4+$0x3678];
	_ =	sdelay $0x4  }
0x2e7: {  	s5 =	sshll.u32 @!p0 s3, $0x6;
	v1 =	vmax.f32 @p0 v1, v2  }
0x2e8: {  	s5 =	smov.u32 @p0 s0;
	[tilespmem:s4+$0x3678] =	vst @p0 v1  }
0x2e9: {  	s0 =	sshrl.u32 s5, $0x2;
	[tilespmem:s2+$0x3658] =	vst.msk $0x1, v0  }
0x2ea: {  	v0 =	vld [tilespmem:s0+$0x3678];
	_ =	sdelay $0x2  }
0x2eb: {  	s31 =	sshll.u32 s2, $0x6  }
0x2ec: {  	s0 =	sshra.s32 s31, $0x2  }
0x2ed: {  	s2 =	sadd.s32 $0x1, s2;
	[tilespmem:s0+$0x3678] =	vst v0  }
.LBB2_30:
0x2ee: {  	s3 =	sadd.s32 $0x1, s3  }
0x2ef: {  	p0 =	sne.s32 s3, $0x20  }
.Ltmp19:
0x2f0: {  	_ = 	snop;
	(pc) =	sbr.rel @!p0 .LBB2_31-.Ltmp19, $1  }
0x2f1: {  	_ =	sdelay $0x3  }
.LBB2_23:
0x2f2: {  	v0 =	vld.msk [tilespmem:s3+$0x3658], $0x1;
	_ =	sdelay $0x4  }
0x2f3: {  	(v2sf) =	vpush v0, $0x0;
	_ =	sdelay $0xe  }
0x2f4: {  	s4 =	spop (v2sf)  }
0x2f5: {  	p0 =	seq.s32 s4, $0xFFFFFFFF  }
.Ltmp20:
0x2f6: {  	_ = 	snop;
	(pc) =	sbr.rel @p0 .LBB2_30-.Ltmp20, $1  }
0x2f7: {  	_ =	sdelay $0x3  }
0x2f8: {  	p0 =	slt.s32 s2, $0x1  }
.Ltmp21:
0x2f9: {  	_ = 	snop;
	(pc) =	sbr.rel @p0 .LBB2_28-.Ltmp21, $1  }
0x2fa: {  	_ =	sdelay $0x3  }
0x2fb: {  	s5 =	simm.s32 $0x3658;
	p0 =	por $0x0, $0x0  }
0x2fc: {  	v1 =	vld.msk @!p0 [tilespmem:s5+$0x0], $0x1;
	_ =	sdelay $0x4  }
0x2fd: {  	(v2sf) =	vpush @!p0 v1, $0x0;
	_ =	sdelay $0xd  }
0x2fe: {  	p2 =	sne.s32 s2, $0x1  }
.Ltmp22:
0x2ff: {  	s0 =	spop @!p0 (v2sf);
	(pc) =	sbr.rel @!p2 .LBB2_27-.Ltmp22, $4  }
0x300: {  	p1 =	seq.s32 @!p0 s4, s0  }
0x301: {  	s6 =	simm.s32 $0x0;
	p1 =	por !p1, p0  }
0x302: {  	s0 =	simm.s32 $0xFFFFFFFF;
	s6 =	simm.s32 @p1 $0xFFFFFFFF  }
0x303: {  	s7 =	simm.s32 $0x1;
	s6 =	smov.u32 @p0 s0  }
.LBB2_26:
0x304: {  	s0 =	smov.u32 s6;
	p0 =	sne.s32 s6, $0xFFFFFFFF  }
0x305: {  	s5 =	sadd.s32 $0x1, s5;
	s6 =	smov.u32 s7;
	s7 =	sadd.s32 $0x1, s7  }
0x306: {  	p1 =	sne.s32 s2, s7;
	v1 =	vld.msk @!p0 [tilespmem:s5+$0x0], $0x1;
	_ =	sdelay $0x4  }
0x307: {  	(v2sf) =	vpush @!p0 v1, $0x0;
	_ =	sdelay $0xe  }
.Ltmp23:
0x308: {  	s8 =	spop @!p0 (v2sf);
	(pc) =	sbr.rel @p1 .LBB2_26-.Ltmp23, $4  }
0x309: {  	p2 =	seq.s32 @!p0 s4, s8  }
0x30a: {  	p2 =	por !p2, p0  }
0x30b: {  	s6 =	simm.s32 @p2 $0xFFFFFFFF  }
0x30c: {  	s6 =	smov.u32 @p0 s0  }
.LBB2_27:
0x30d: {  	p0 =	sne.s32 s6, $0xFFFFFFFF  }
.Ltmp24:
0x30e: {  	_ = 	snop;
	(pc) =	sbr.rel @!p0 .LBB2_28-.Ltmp24, $1  }
0x30f: {  	_ =	sdelay $0x3  }
0x310: {  	s0 =	sshll.u32 s3, $0x4  }
0x311: {  	s4 =	sshll.u32 s6, $0x6;
	s0 =	sand.u32 $0x3FFFFFF0, s0  }
0x312: {  	s31 =	sshra.s32 s4, $0x2;
	v0 =	vld [tilespmem:s0+$0x3678]  }
0x313: {  	v1 =	vld [tilespmem:s31+$0x3678];
	_ =	sdelay $0x1  }
.Ltmp25:
0x314: {  	_ = 	snop;
	(pc) =	sbr.rel .LBB2_30-.Ltmp25, $3  }
0x315: {  	_ =	sdelay $0x1  }
0x316: {  	v0 =	vmax.f32 v0, v1  }
0x317: {  	[tilespmem:s31+$0x3678] =	vst v0  }
.LBB2_31:
0x318: {  	p0 =	slt.s32 s2, $0x1  }
.Ltmp26:
0x319: {  	_ = 	snop;
	(pc) =	sbr.rel @p0 .LBB2_35-.Ltmp26, $3  }
0x31a: {  	_ =	sdelay $0x1  }
0x31b: {  	s0 =	simm.s32 $0x6  }
0x31c: {  	s3 =	simm.s32 $0x0;
	[sflag:s0] =	ssyncpa.u1 $0x1  }
0x31d: {  	s0 =	simm.s32 $0x3658  }
0x31e: {  	v0 =	vld.msk [tilespmem:s0+$0x0], $0x1;
	_ =	sdelay $0x4  }
0x31f: {  	(v2sf) =	vpush v0, $0x0;
	_ =	sdelay $0xd  }
0x320: {  	s2 =	sadd.s32 $0xFFFFFFFF, s2  }
0x321: {  	p1 =	sne.s32 s2, $0x0;
	s0 =	spop (v2sf)  }
.Ltmp27:
0x322: {  	p0 =	sgt.u32 s0, $0x270FF;
	(pc) =	sbr.rel @!p1 .LBB2_34-.Ltmp27, $4  }
0x323: {  	s4 =	simm.s32 $0x3678;
	s5 =	sand.u32 @!p0 $0x3FFF8, s0  }
0x324: {  	s6 =	simm.s32 $0x0;
	s0 =	sand.u32 @!p0 $0x7, s0;
	s5 =	sadd.s32 @!p0 s1, s5  }
0x325: {  	[hbm4b:s5+s0] =	stream.linear.scatter @!p0 [tilespmem:s4], [sflag:$0x5], $0x4, $0x38;
	[tilespmem:$0x1F0E8] =	vst v63  }
0x326: {  	s6 =	simm.s32 @!p0 $0x10;
	s5 =	simm.s32 $0x3659  }
.LBB2_33:
0x327: {  	v0 =	vld.msk [tilespmem:s5+$0x0], $0x1;
	s2 =	sadd.s32 $0xFFFFFFFF, s2;
	s3 =	sadd.s32 s3, s6  }
0x328: {  	p0 =	sne.s32 s2, $0x0;
	_ =	sdelay $0x3  }
0x329: {  	(v2sf) =	vpush v0, $0x0;
	_ =	sdelay $0xe  }
.Ltmp28:
0x32a: {  	s0 =	spop (v2sf);
	(pc) =	sbr.rel @p0 .LBB2_33-.Ltmp28, $4  }
0x32b: {  	s6 =	simm.s32 $0x0;
	p1 =	sgt.u32 s0, $0x270FF  }
0x32c: {  	s4 =	sadd.s32 $0x10, s4;
	s6 =	simm.s32 @!p1 $0x10;
	s7 =	sand.u32 @!p1 $0x3FFF8, s0  }
0x32d: {  	s5 =	sadd.s32 $0x1, s5;
	s0 =	sand.u32 @!p1 $0x7, s0;
	s7 =	sadd.s32 @!p1 s1, s7  }
0x32e: {  	[hbm4b:s7+s0] =	stream.linear.scatter @!p1 [tilespmem:s4], [sflag:$0x5], $0x4, $0x38;
	[tilespmem:$0x1F0E8] =	vst v63  }
.LBB2_34:
0x32f: {  	s0 =	sadd.s32 s3, s6  }
0x330: {  	s3 =	sshrl.u32 s0, $0x2  }
.LBB2_35:
0x331: {  	s0 =	simm.s32 $0x5  }
0x332: {  	_ =	swait.ge [sflag:s0], s3  }
0x333: {  	s1 =	ssub.s32 $0x0, s3;
	[sflag:s0] =	ssyncset.done $0x0  }
0x334: {  	[sflag:s0] =	ssyncadd.s32 s1  }
0x335: {  	[sflag:s0] =	ssyncpa.u1 $0x1  }
0x336: {  	s30 =	simm.s32 $0x1;
	_ =	sfence  }
0x337: {  	[sflag:s30] =	ssyncpa.u1 $0x1  }
0x338: {  	_ =	strace $0x90000053  }
0x339: {  	[bflag:$0x2] =	sbarrier.arrive $0xFFFF  }
0x33a: {  	s31 =	rddreg [dreg:$0x1]  }
0x33b: {  	s0 =	sadd.s32 $0x100000, s31  }
0x33c: {  	[sflag:s0] =	ssyncadd.tile.s32 $0x1;
	_ =	shalt  }
.Lfunc_end2:
_tile_overlayer_lowered:
.L_overlay_start_2:
0x33d: {  	(tag) =	ssettag $0x2  }
0x33e: {  	s0 =	rddreg [dreg:$0x0];
	s2 =	stileid.u32  }
0x33f: {  	s1 =	rddreg [dreg:$0x1];
	p0 =	sne.s32 s2, $0x0  }
0x340: {  	s3 =	rddreg [dreg:$0x2];
	[bflag:$0x3] =	sbarrier.arrive $0xFFFF;
	s2 =	simm.s32 @!p0 $0x1C01  }
0x341: {  	[timem:s3], [sflag:s2] =	dma.local @!p0 [hbm:s0], s1  }
0x342: {  	s0 =	simm.s32 @!p0 $0x1  }
0x343: {  	_ =	swait.ge @!p0 [sflag:s0], s1  }
0x344: {  	s1 =	ssub.s32 @!p0 $0x0, s1;
	[sflag:s0] =	ssyncset.done @!p0 $0x0  }
0x345: {  	[sflag:s0] =	ssyncadd.s32 @!p0 s1  }
0x346: {  	[bflag:$0x3] =	sbarrier.arrive $0xFFFF  }
0x347: {  	_ =	shalt  }

// kernel: scatter_offload_async_start.3
scs
__scs_entry_jumppad:
0x0: {  	(pc) =	sbr.rel $0x88, $3  }
0x1: {  	(tag) =	ssettag $0x0;
	lr =	simm.s32 $0x1  }
0x2: {  	[smem:$0x3F96] =	sst lr;
	_ =	strace $0xD0000000  }
0x3: {  	_ = 	snop  }
0x4: {  	_ = 	snop  }
0x5: {  	_ = 	snop  }
0x6: {  	_ = 	snop  }
0x7: {  	_ = 	snop  }
__scs_overlays_trampoline_lowered:
0x8: {  	[smem:$0x3FA5] =	sst s0  }
0x9: {  	[smem:$0x3FA6] =	sst s1  }
0xa: {  	[smem:$0x3FA7] =	sst s2  }
0xb: {  	[smem:$0x3FA8] =	sst s3  }
0xc: {  	[smem:$0x3FA9] =	sst s4  }
0xd: {  	[smem:$0x3FAA] =	sst s5  }
0xe: {  	[smem:$0x3FAB] =	sst s6  }
0xf: {  	[smem:$0x3FAC] =	sst s7  }
0x10: {  	[smem:$0x3FAD] =	sst s8  }
0x11: {  	[smem:$0x3FAE] =	sst s9;
	s0 =	simm.s32 @!p0 $0x0  }
0x12: {  	s1 =	sld [smem:$0x3F94];
	s0 =	simm.s32 @p0 $0x1  }
0x13: {  	[smem:$0x3FAF] =	sst s0;
	s0 =	simm.s32 @!p1 $0x0  }
0x14: {  	s2 =	sld [smem:$0x3F93];
	s0 =	simm.s32 @p1 $0x1  }
0x15: {  	[smem:$0x3FB0] =	sst s0;
	s0 =	simm.s32 @!p2 $0x0  }
0x16: {  	s3 =	sld [smem:$0x3FDB];
	s0 =	simm.s32 @p2 $0x1  }
0x17: {  	s4 =	simm.s32 $0x1BF5;
	[smem:$0x3FB2] =	sst s0  }
0x18: {  	s0 =	sld [smem:$0x3F95];
	_ =	swait.ge [sflag:s4], $0x0  }
0x19: {  	s7 =	sld [smem:$0x3F96]  }
0x1a: {  	s8 =	sadd.s32 $0xFFFFE003, lr  }
0x1b: {  	s9 =	sadd.s32 $0xFFFFFEF7, lr;
	s5 =	simm.s32 $0xFFFFFFFF;
	p2 =	slt.u32 s8, $0xFFFFF086  }
0x1c: {  	p1 =	slt.u32 s9, $0xF7A;
	s5 =	simm.s32 @!p2 $0x0  }
0x1d: {  	s5 =	simm.s32 @p1 $0x1;
	p0 =	seq.s32 s7, s2  }
0x1e: {  	s7 =	smul.u32 @!p0 $0xF7A, s2;
	p2 =	seq.s32 @!p0 s5, $0x0  }
0x1f: {  	s9 =	smul.u32 $0xF7A, s1;
	s8 =	simm.s32 @!p0 $0x1BF5;
	p2 =	por !p2, p0  }
0x20: {  	[sflag:s8] =	ssyncset.s32 @!p0 $0xFFFFF086;
	s6 =	sadd.s32 @!p0 s3, s7;
	s7 =	simm.s32 @!p0 $0x108  }
0x21: {  	s3 =	sadd.s32 s3, s9;
	s6 =	sadd.s32 @!p0 $0x88, s6;
	s7 =	simm.s32 @p2 $0x1082  }
0x22: {  	[simem:s7], [sflag:s8] =	dma.local @!p0 [hbm:s6], $0xF7A  }
0x23: {  	s9 =	sor.u32 $0xD0000000, s2;
	s6 =	simm.s32 $0x108;
	_ =	swait.ge @!p0 [sflag:s8], $0x0  }
0x24: {  	s3 =	sadd.s32 $0x88, s3;
	s6 =	simm.s32 @!p1 $0x1082;
	[sflag:s4] =	ssyncset.s32 $0xFFFFF086  }
0x25: {  	[simem:s6], [sflag:s4] =	dma.local [hbm:s3], $0xF7A  }
0x26: {  	[smem:$0x3F96] =	sst s1;
	(tag) =	ssettag s2;
	_ =	strace s9  }
0x27: {  	s1 =	sld [smem:$0x3FA6]  }
0x28: {  	s2 =	sld [smem:$0x3FA7]  }
0x29: {  	s4 =	sld [smem:$0x3FA9]  }
0x2a: {  	p0 =	seq.s32 s5, $0x0;
	s5 =	sld [smem:$0x3FAA]  }
0x2b: {  	s6 =	sld [smem:$0x3FAB]  }
0x2c: {  	s7 =	sld [smem:$0x3FAC]  }
0x2d: {  	s3 =	simm.s32 $0x108;
	s8 =	sld [smem:$0x3FAD]  }
0x2e: {  	s3 =	simm.s32 @!p0 $0x1082;
	s9 =	sld [smem:$0x3FAE]  }
0x2f: {  	lr =	sadd.s32 s0, s3;
	s0 =	sld [smem:$0x3FA5]  }
0x30: {  	s3 =	sld [smem:$0x3FA8]  }
0x31: {  	[smem:$0x3FB1] =	sst s10  }
0x32: {  	s10 =	sld [smem:$0x3FAF];
	_ =	sdelay $0x3  }
0x33: {  	p0 =	seq.s32 s10, $0x1;
	s10 =	sld [smem:$0x3FB1];
	_ =	sdelay $0x3  }
0x34: {  	[smem:$0x3FB1] =	sst s10  }
0x35: {  	s10 =	sld [smem:$0x3FB0];
	_ =	sdelay $0x3  }
0x36: {  	p1 =	seq.s32 s10, $0x1;
	s10 =	sld [smem:$0x3FB1];
	_ =	sdelay $0x3  }
0x37: {  	[smem:$0x3FB1] =	sst s10  }
0x38: {  	s10 =	sld [smem:$0x3FB2]  }
0x39: {  	_ = 	snop;
	(pc) =	sbr.ind lr, $3  }
0x3a: {  	_ = 	snop  }
0x3b: {  	_ = 	snop  }
0x3c: {  	p2 =	seq.s32 s10, $0x1;
	s10 =	sld [smem:$0x3FB1]  }
0x3d: {  	_ =	shalt  }
0x3e: {  	_ =	shalt  }
0x3f: {  	_ =	shalt  }
0x40: {  	_ =	shalt  }
0x41: {  	_ =	shalt  }
0x42: {  	_ =	shalt  }
0x43: {  	_ =	shalt  }
0x44: {  	_ =	shalt  }
0x45: {  	_ =	shalt  }
0x46: {  	_ =	shalt  }
0x47: {  	_ =	shalt  }
0x48: {  	_ =	shalt  }
0x49: {  	_ =	shalt  }
0x4a: {  	_ =	shalt  }
0x4b: {  	_ =	shalt  }
0x4c: {  	_ =	shalt  }
0x4d: {  	_ =	shalt  }
0x4e: {  	_ =	shalt  }
0x4f: {  	_ =	shalt  }
0x50: {  	_ =	shalt  }
0x51: {  	_ =	shalt  }
0x52: {  	_ =	shalt  }
0x53: {  	_ =	shalt  }
0x54: {  	_ =	shalt  }
0x55: {  	_ =	shalt  }
0x56: {  	_ =	shalt  }
0x57: {  	_ =	shalt  }
0x58: {  	_ =	shalt  }
0x59: {  	_ =	shalt  }
0x5a: {  	_ =	shalt  }
0x5b: {  	_ =	shalt  }
0x5c: {  	_ =	shalt  }
0x5d: {  	_ =	shalt  }
0x5e: {  	_ =	shalt  }
0x5f: {  	_ =	shalt  }
0x60: {  	_ =	shalt  }
0x61: {  	_ =	shalt  }
0x62: {  	_ =	shalt  }
0x63: {  	_ =	shalt  }
0x64: {  	_ =	shalt  }
0x65: {  	_ =	shalt  }
0x66: {  	_ =	shalt  }
0x67: {  	_ =	shalt  }
0x68: {  	_ =	shalt  }
0x69: {  	_ =	shalt  }
0x6a: {  	_ =	shalt  }
0x6b: {  	_ =	shalt  }
0x6c: {  	_ =	shalt  }
0x6d: {  	_ =	shalt  }
0x6e: {  	_ =	shalt  }
0x6f: {  	_ =	shalt  }
0x70: {  	_ =	shalt  }
0x71: {  	_ =	shalt  }
0x72: {  	_ =	shalt  }
0x73: {  	_ =	shalt  }
0x74: {  	_ =	shalt  }
0x75: {  	_ =	shalt  }
0x76: {  	_ =	shalt  }
0x77: {  	_ =	shalt  }
0x78: {  	_ =	shalt  }
0x79: {  	_ =	shalt  }
0x7a: {  	_ =	shalt  }
0x7b: {  	_ =	shalt  }
0x7c: {  	_ =	shalt  }
0x7d: {  	_ =	shalt  }
0x7e: {  	_ =	shalt  }
0x7f: {  	_ =	shalt  }
0x80: {  	_ =	shalt  }
0x81: {  	_ =	shalt  }
0x82: {  	_ =	shalt  }
0x83: {  	_ =	shalt  }
0x84: {  	_ =	shalt  }
0x85: {  	_ =	shalt  }
0x86: {  	_ =	shalt  }
0x87: {  	_ =	shalt  }
.Lfunc_end0:
.L_simem_size_0:
called_computation.3_lowered:
.L_overlay_start_0:
0x88: {  	s0 =	sld [smem:$0x3FD9]  }
0x89: {  	s1 =	sld [smem:$0x3FFE];
	_ =	sdelay $0x3  }
0x8a: {  	s0 =	sadd.s32 s1, s0  }
0x8b: {  	[smem:$0x3FBD] =	sst s0  }
0x8c: {  	_ = 	snop  }
0x8d: {  	(tm) =	ssettm $0x1  }
0x8e: {  	s15 =	sld [smem:$0x3FFB];
	_ =	sdelay $0x3  }
0x8f: {  	_ =	strace s15  }
0x90: {  	s0 =	sld [smem:$0x3FFC];
	_ =	sdelay $0x3  }
0x91: {  	_ =	strace s0  }
0x92: {  	s0 =	sld [smem:$0x3FFD];
	_ =	sdelay $0x3  }
0x93: {  	_ =	strace s0  }
0x94: {  	_ =	strace $0x8FFFFFFF  }
0x95: {  	s16 =	sld [smem:$0x3FDB];
	_ =	sdelay $0x1  }
0x96: {  	s17 =	simm.s32 $_scs_section_size  }
0x97: {  	s2 =	simm.s32 $_size__tile_overlayer_lowered;
	s3 =	simm.s32 $_tile_overlayer_lowered  }
0x98: {  	s20 =	simm.s32 $0x1BFF;
	s19 =	sshll.u32 s3, $0x1;
	s0 =	sadd.s32 s17, s16  }
0x99: {  	s4 =	simm.s32 $0x0;
	s18 =	sshll.u32 s2, $0x1;
	s2 =	sadd.s32 s19, s0  }
0x9a: {  	[timem:s4], [sflag:s20] =	dma.local [hbm:s2], s18  }
0x9b: {  	_ =	swait.ge [sflag:s20], s18  }
0x9c: {  	s1 =	ssub.s32 $0x0, s18;
	[sflag:s20] =	ssyncset.done $0x0  }
0x9d: {  	[sflag:s20] =	ssyncadd.s32 s1;
	_ =	sdelay $0x1  }
0x9e: {  	s21 =	simm.s32 $0x1B8B  }
0x9f: {  	_ =	swait.ge [sflag:s21], $0x1  }
0xa0: {  	[sflag:s21] =	ssyncset.done $0x0  }
0xa1: {  	s23 =	simm.s32 $0x1B8E;
	s22 =	sld [smem:$0x3FFE];
	[sflag:s21] =	ssyncadd.s32 $0xFFFFFFFF  }
0xa2: {  	s24 =	simm.s32 $execute0_lowered;
	[smem:$0x3FD2] =	sst s23  }
0xa3: {  	s2 =	sshll.u32 s24, $0x1;
	_ =	strace $0x80000055;
	[dreg:$0x1] =	wrdreg $0xFFFFFFFF  }
0xa4: {  	s25 =	simm.s32 $_size_execute0_lowered;
	s0 =	sadd.s32 s0, s2;
	[dreg:$0x0] =	wrdreg $0x0  }
0xa5: {  	s2 =	sshll.u32 s25, $0x1;
	[dreg:$0x2] =	wrdreg s0  }
0xa6: {  	[dreg:$0x3] =	wrdreg s2  }
0xa7: {  	[dreg:$0x4] =	wrdreg $0xC0  }
0xa8: {  	_ =	task [dreg:s4], $0x5FFFF  }
0xa9: {  	[dreg:$0x1] =	wrdreg $0xFFFFFFFF  }
0xaa: {  	[dreg:$0x0] =	wrdreg $0x60  }
0xab: {  	[dreg:$0x2] =	wrdreg s22  }
0xac: {  	[dreg:$0x3] =	wrdreg $0x9  }
0xad: {  	_ =	task.clear_ibuf [dreg:s4], $0x4FFFF;
	_ =	strace $0x90000055  }
0xae: {  	s26 =	simm.s32 $0x9;
	_ =	strace $0x80000057  }
0xaf: {  	_ =	swait.ge [sflag:s26], $0x1  }
0xb0: {  	[sflag:s26] =	ssyncadd.s32 $0xFFFFFFFF  }
0xb1: {  	_ =	strace $0x90000057  }
0xb2: {  	_ =	sfence  }
0xb3: {  	s28 =	sld [smem:$0x0];
	_ =	sdelay $0x1  }
0xb4: {  	s29 =	srdreg.scid  }
0xb5: {  	s30 =	sshll.u32 s29, $0xD;
	s31 =	sshrl.u32 s29, $0x2  }
0xb6: {  	s1 =	sand.u32 $0x1, s29;
	s2 =	sand.u32 $0x4000, s30;
	s0 =	sadd.s32 s31, s28  }
0xb7: {  	s1 =	sor.u32 s2, s1;
	s0 =	sshll.u32 s0, $0x11  }
0xb8: {  	s0 =	sor.u32 s0, s1  }
0xb9: {  	s0 =	sadd.s32 $0x8F2B, s0  }
0xba: {  	[sflag:s0] =	ssyncadd.remote.s32 $0x1  }
0xbb: {  	_ =	sfence.sel $0xFFFF  }
0xbc: {  	[dreg:$0x0] =	wrdreg $0xFFFFFFFF;
	(pc) =	sbr.abs _section_cstart, $3  }
0xbd: {  	[dreg:$0x1] =	wrdreg $0xFFFFFFFF  }
0xbe: {  	_ =	task.clear_ibuf [dreg:s4], $0x2FFFF;
	_ =	strace $0x9FFFFFFF  }
0xbf: {  	(tm) =	ssettm $0x7FFFFFFF  }
tec
execute0_lowered:
.L_overlay_start_1:
0x0: {  	(tag) =	ssettag $0x1  }
0x1: {  	s8 =	rddreg [dreg:$0x0];
	_ =	strace $0x80000056;
	s11 =	simm.s32 $0x1  }
0x2: {  	v0 =	vimm.s32 $0x0;
	[sflag:s11] =	ssyncpa.u1 $0x0  }
0x3: {  	[tilespmem:$0x28] =	vst v0  }
0x4: {  	[tilespmem:$0x38] =	vst v0  }
0x5: {  	[tilespmem:$0x48] =	vst v0  }
0x6: {  	[tilespmem:$0x58] =	vst v0  }
0x7: {  	[tilespmem:$0x68] =	vst v0  }
0x8: {  	[tilespmem:$0x78] =	vst v0  }
0x9: {  	[tilespmem:$0x88] =	vst v0  }
0xa: {  	[tilespmem:$0x98] =	vst v0  }
0xb: {  	[tilespmem:$0xA8] =	vst v0  }
0xc: {  	[tilespmem:$0xB8] =	vst v0  }
0xd: {  	[tilespmem:$0xC8] =	vst v0  }
0xe: {  	[tilespmem:$0xD8] =	vst v0  }
0xf: {  	[tilespmem:$0xE8] =	vst v0  }
0x10: {  	[tilespmem:$0xF8] =	vst v0  }
0x11: {  	[tilespmem:$0x108] =	vst v0  }
0x12: {  	[tilespmem:$0x118] =	vst v0  }
0x13: {  	[tilespmem:$0x128] =	vst v0  }
0x14: {  	[tilespmem:$0x138] =	vst v0  }
0x15: {  	[tilespmem:$0x148] =	vst v0  }
0x16: {  	[tilespmem:$0x158] =	vst v0  }
0x17: {  	[tilespmem:$0x168] =	vst v0  }
0x18: {  	[tilespmem:$0x178] =	vst v0  }
0x19: {  	[tilespmem:$0x188] =	vst v0  }
0x1a: {  	[tilespmem:$0x198] =	vst v0  }
0x1b: {  	[tilespmem:$0x1A8] =	vst v0  }
0x1c: {  	[tilespmem:$0x1B8] =	vst v0  }
0x1d: {  	[tilespmem:$0x1C8] =	vst v0  }
0x1e: {  	[tilespmem:$0x1D8] =	vst v0  }
0x1f: {  	[tilespmem:$0x1E8] =	vst v0  }
0x20: {  	[tilespmem:$0x1F8] =	vst v0  }
0x21: {  	[tilespmem:$0x208] =	vst v0  }
0x22: {  	[tilespmem:$0x218] =	vst v0  }
0x23: {  	[tilespmem:$0x228] =	vst v0  }
0x24: {  	[tilespmem:$0x238] =	vst v0  }
0x25: {  	[tilespmem:$0x248] =	vst v0  }
0x26: {  	[tilespmem:$0x258] =	vst v0  }
0x27: {  	[tilespmem:$0x268] =	vst v0  }
0x28: {  	[tilespmem:$0x278] =	vst v0  }
0x29: {  	[tilespmem:$0x288] =	vst v0  }
0x2a: {  	[tilespmem:$0x298] =	vst v0  }
0x2b: {  	[tilespmem:$0x2A8] =	vst v0  }
0x2c: {  	[tilespmem:$0x2B8] =	vst v0  }
0x2d: {  	[tilespmem:$0x2C8] =	vst v0  }
0x2e: {  	[tilespmem:$0x2D8] =	vst v0  }
0x2f: {  	[tilespmem:$0x2E8] =	vst v0  }
0x30: {  	[tilespmem:$0x2F8] =	vst v0  }
0x31: {  	[tilespmem:$0x308] =	vst v0  }
0x32: {  	[tilespmem:$0x318] =	vst v0  }
0x33: {  	[tilespmem:$0x328] =	vst v0  }
0x34: {  	[tilespmem:$0x338] =	vst v0  }
0x35: {  	[tilespmem:$0x348] =	vst v0  }
0x36: {  	[tilespmem:$0x358] =	vst v0  }
0x37: {  	[tilespmem:$0x368] =	vst v0  }
0x38: {  	[tilespmem:$0x378] =	vst v0  }
0x39: {  	[tilespmem:$0x388] =	vst v0  }
0x3a: {  	[tilespmem:$0x398] =	vst v0  }
0x3b: {  	[tilespmem:$0x3A8] =	vst v0  }
0x3c: {  	[tilespmem:$0x3B8] =	vst v0  }
0x3d: {  	[tilespmem:$0x3C8] =	vst v0  }
0x3e: {  	[tilespmem:$0x3D8] =	vst v0  }
0x3f: {  	[tilespmem:$0x3E8] =	vst v0  }
0x40: {  	[tilespmem:$0x3F8] =	vst v0  }
0x41: {  	[tilespmem:$0x408] =	vst v0  }
0x42: {  	[tilespmem:$0x418] =	vst v0  }
0x43: {  	[tilespmem:$0x428] =	vst v0  }
0x44: {  	[tilespmem:$0x438] =	vst v0  }
0x45: {  	[tilespmem:$0x448] =	vst v0  }
0x46: {  	[tilespmem:$0x458] =	vst v0  }
0x47: {  	[tilespmem:$0x468] =	vst v0  }
0x48: {  	[tilespmem:$0x478] =	vst v0  }
0x49: {  	[tilespmem:$0x488] =	vst v0  }
0x4a: {  	[tilespmem:$0x498] =	vst v0  }
0x4b: {  	[tilespmem:$0x4A8] =	vst v0  }
0x4c: {  	[tilespmem:$0x4B8] =	vst v0  }
0x4d: {  	[tilespmem:$0x4C8] =	vst v0  }
0x4e: {  	[tilespmem:$0x4D8] =	vst v0  }
0x4f: {  	[tilespmem:$0x4E8] =	vst v0  }
0x50: {  	[tilespmem:$0x4F8] =	vst v0  }
0x51: {  	[tilespmem:$0x508] =	vst v0  }
0x52: {  	[tilespmem:$0x518] =	vst v0  }
0x53: {  	[tilespmem:$0x528] =	vst v0  }
0x54: {  	[tilespmem:$0x538] =	vst v0  }
0x55: {  	[tilespmem:$0x548] =	vst v0  }
0x56: {  	[tilespmem:$0x558] =	vst v0  }
0x57: {  	[tilespmem:$0x568] =	vst v0  }
0x58: {  	[tilespmem:$0x578] =	vst v0  }
0x59: {  	[tilespmem:$0x588] =	vst v0  }
0x5a: {  	[tilespmem:$0x598] =	vst v0  }
0x5b: {  	[tilespmem:$0x5A8] =	vst v0  }
0x5c: {  	[tilespmem:$0x5B8] =	vst v0  }
0x5d: {  	[tilespmem:$0x5C8] =	vst v0  }
0x5e: {  	[tilespmem:$0x5D8] =	vst v0  }
0x5f: {  	[tilespmem:$0x5E8] =	vst v0  }
0x60: {  	[tilespmem:$0x5F8] =	vst v0  }
0x61: {  	[tilespmem:$0x608] =	vst v0  }
0x62: {  	[tilespmem:$0x618] =	vst v0  }
0x63: {  	[tilespmem:$0x628] =	vst v0  }
0x64: {  	[tilespmem:$0x638] =	vst v0  }
0x65: {  	[tilespmem:$0x648] =	vst v0  }
0x66: {  	[tilespmem:$0x658] =	vst v0  }
0x67: {  	[tilespmem:$0x668] =	vst v0  }
0x68: {  	[tilespmem:$0x678] =	vst v0  }
0x69: {  	[tilespmem:$0x688] =	vst v0  }
0x6a: {  	[tilespmem:$0x698] =	vst v0  }
0x6b: {  	[tilespmem:$0x6A8] =	vst v0  }
0x6c: {  	[tilespmem:$0x6B8] =	vst v0  }
0x6d: {  	[tilespmem:$0x6C8] =	vst v0  }
0x6e: {  	[tilespmem:$0x6D8] =	vst v0  }
0x6f: {  	[tilespmem:$0x6E8] =	vst v0  }
0x70: {  	[tilespmem:$0x6F8] =	vst v0  }
0x71: {  	[tilespmem:$0x708] =	vst v0  }
0x72: {  	[tilespmem:$0x718] =	vst v0  }
0x73: {  	[tilespmem:$0x728] =	vst v0  }
0x74: {  	[tilespmem:$0x738] =	vst v0  }
0x75: {  	[tilespmem:$0x748] =	vst v0  }
0x76: {  	[tilespmem:$0x758] =	vst v0  }
0x77: {  	[tilespmem:$0x768] =	vst v0  }
0x78: {  	[tilespmem:$0x778] =	vst v0  }
0x79: {  	[tilespmem:$0x788] =	vst v0  }
0x7a: {  	[tilespmem:$0x798] =	vst v0  }
0x7b: {  	[tilespmem:$0x7A8] =	vst v0  }
0x7c: {  	[tilespmem:$0x7B8] =	vst v0  }
0x7d: {  	[tilespmem:$0x7C8] =	vst v0  }
0x7e: {  	[tilespmem:$0x7D8] =	vst v0  }
0x7f: {  	[tilespmem:$0x7E8] =	vst v0  }
0x80: {  	[tilespmem:$0x7F8] =	vst v0  }
0x81: {  	[tilespmem:$0x808] =	vst v0  }
0x82: {  	[tilespmem:$0x818] =	vst v0  }
0x83: {  	[tilespmem:$0x828] =	vst v0  }
0x84: {  	[tilespmem:$0x838] =	vst v0  }
0x85: {  	[tilespmem:$0x848] =	vst v0  }
0x86: {  	[tilespmem:$0x858] =	vst v0  }
0x87: {  	[tilespmem:$0x868] =	vst v0  }
0x88: {  	[tilespmem:$0x878] =	vst v0  }
0x89: {  	[tilespmem:$0x888] =	vst v0  }
0x8a: {  	[tilespmem:$0x898] =	vst v0  }
0x8b: {  	[tilespmem:$0x8A8] =	vst v0  }
0x8c: {  	[tilespmem:$0x8B8] =	vst v0  }
0x8d: {  	[tilespmem:$0x8C8] =	vst v0  }
0x8e: {  	[tilespmem:$0x8D8] =	vst v0  }
0x8f: {  	[tilespmem:$0x8E8] =	vst v0  }
0x90: {  	[tilespmem:$0x8F8] =	vst v0  }
0x91: {  	[tilespmem:$0x908] =	vst v0  }
0x92: {  	[tilespmem:$0x918] =	vst v0  }
0x93: {  	[tilespmem:$0x928] =	vst v0  }
0x94: {  	[tilespmem:$0x938] =	vst v0  }
0x95: {  	[tilespmem:$0x948] =	vst v0  }
0x96: {  	[tilespmem:$0x958] =	vst v0  }
0x97: {  	[tilespmem:$0x968] =	vst v0  }
0x98: {  	[tilespmem:$0x978] =	vst v0  }
0x99: {  	[tilespmem:$0x988] =	vst v0  }
0x9a: {  	[tilespmem:$0x998] =	vst v0  }
0x9b: {  	[tilespmem:$0x9A8] =	vst v0  }
0x9c: {  	[tilespmem:$0x9B8] =	vst v0  }
0x9d: {  	[tilespmem:$0x9C8] =	vst v0  }
0x9e: {  	[tilespmem:$0x9D8] =	vst v0  }
0x9f: {  	[tilespmem:$0x9E8] =	vst v0  }
0xa0: {  	[tilespmem:$0x9F8] =	vst v0  }
0xa1: {  	[tilespmem:$0xA08] =	vst v0  }
0xa2: {  	[tilespmem:$0xA18] =	vst v0  }
0xa3: {  	[tilespmem:$0xA28] =	vst v0  }
0xa4: {  	[tilespmem:$0xA38] =	vst v0  }
0xa5: {  	[tilespmem:$0xA48] =	vst v0  }
0xa6: {  	[tilespmem:$0xA58] =	vst v0  }
0xa7: {  	[tilespmem:$0xA68] =	vst v0  }
0xa8: {  	[tilespmem:$0xA78] =	vst v0  }
0xa9: {  	[tilespmem:$0xA88] =	vst v0  }
0xaa: {  	[tilespmem:$0xA98] =	vst v0  }
0xab: {  	[tilespmem:$0xAA8] =	vst v0  }
0xac: {  	[tilespmem:$0xAB8] =	vst v0  }
0xad: {  	[tilespmem:$0xAC8] =	vst v0  }
0xae: {  	[tilespmem:$0xAD8] =	vst v0  }
0xaf: {  	[tilespmem:$0xAE8] =	vst v0  }
0xb0: {  	[tilespmem:$0xAF8] =	vst v0  }
0xb1: {  	[tilespmem:$0xB08] =	vst v0  }
0xb2: {  	[tilespmem:$0xB18] =	vst v0  }
0xb3: {  	[tilespmem:$0xB28] =	vst v0  }
0xb4: {  	[tilespmem:$0xB38] =	vst v0  }
0xb5: {  	[tilespmem:$0xB48] =	vst v0  }
0xb6: {  	[tilespmem:$0xB58] =	vst v0  }
0xb7: {  	[tilespmem:$0xB68] =	vst v0  }
0xb8: {  	[tilespmem:$0xB78] =	vst v0  }
0xb9: {  	[tilespmem:$0xB88] =	vst v0  }
0xba: {  	[tilespmem:$0xB98] =	vst v0  }
0xbb: {  	[tilespmem:$0xBA8] =	vst v0  }
0xbc: {  	[tilespmem:$0xBB8] =	vst v0  }
0xbd: {  	[tilespmem:$0xBC8] =	vst v0  }
0xbe: {  	[tilespmem:$0xBD8] =	vst v0  }
0xbf: {  	[tilespmem:$0xBE8] =	vst v0  }
0xc0: {  	[tilespmem:$0xBF8] =	vst v0  }
0xc1: {  	[tilespmem:$0xC08] =	vst v0  }
0xc2: {  	[tilespmem:$0xC18] =	vst v0  }
0xc3: {  	[tilespmem:$0xC28] =	vst v0  }
0xc4: {  	[tilespmem:$0xC38] =	vst v0  }
0xc5: {  	[tilespmem:$0xC48] =	vst v0  }
0xc6: {  	[tilespmem:$0xC58] =	vst v0  }
0xc7: {  	[tilespmem:$0xC68] =	vst v0  }
0xc8: {  	[tilespmem:$0xC78] =	vst v0  }
0xc9: {  	[tilespmem:$0xC88] =	vst v0  }
0xca: {  	[tilespmem:$0xC98] =	vst v0  }
0xcb: {  	[tilespmem:$0xCA8] =	vst v0  }
0xcc: {  	[tilespmem:$0xCB8] =	vst v0  }
0xcd: {  	[tilespmem:$0xCC8] =	vst v0  }
0xce: {  	[tilespmem:$0xCD8] =	vst v0  }
0xcf: {  	[tilespmem:$0xCE8] =	vst v0  }
0xd0: {  	[tilespmem:$0xCF8] =	vst v0  }
0xd1: {  	[tilespmem:$0xD08] =	vst v0  }
0xd2: {  	[tilespmem:$0xD18] =	vst v0  }
0xd3: {  	[tilespmem:$0xD28] =	vst v0  }
0xd4: {  	[tilespmem:$0xD38] =	vst v0  }
0xd5: {  	[tilespmem:$0xD48] =	vst v0  }
0xd6: {  	[tilespmem:$0xD58] =	vst v0  }
0xd7: {  	[tilespmem:$0xD68] =	vst v0  }
0xd8: {  	[tilespmem:$0xD78] =	vst v0  }
0xd9: {  	[tilespmem:$0xD88] =	vst v0  }
0xda: {  	[tilespmem:$0xD98] =	vst v0  }
0xdb: {  	[tilespmem:$0xDA8] =	vst v0  }
0xdc: {  	[tilespmem:$0xDB8] =	vst v0  }
0xdd: {  	[tilespmem:$0xDC8] =	vst v0  }
0xde: {  	[tilespmem:$0xDD8] =	vst v0  }
0xdf: {  	[tilespmem:$0xDE8] =	vst v0  }
0xe0: {  	[tilespmem:$0xDF8] =	vst v0  }
0xe1: {  	[tilespmem:$0xE08] =	vst v0  }
0xe2: {  	[tilespmem:$0xE18] =	vst v0  }
0xe3: {  	[tilespmem:$0xE28] =	vst v0  }
0xe4: {  	[tilespmem:$0xE38] =	vst v0  }
0xe5: {  	[tilespmem:$0xE48] =	vst v0  }
0xe6: {  	[tilespmem:$0xE58] =	vst v0  }
0xe7: {  	[tilespmem:$0xE68] =	vst v0  }
0xe8: {  	[tilespmem:$0xE78] =	vst v0  }
0xe9: {  	[tilespmem:$0xE88] =	vst v0  }
0xea: {  	[tilespmem:$0xE98] =	vst v0  }
0xeb: {  	[tilespmem:$0xEA8] =	vst v0  }
0xec: {  	[tilespmem:$0xEB8] =	vst v0  }
0xed: {  	[tilespmem:$0xEC8] =	vst v0  }
0xee: {  	[tilespmem:$0xED8] =	vst v0  }
0xef: {  	[tilespmem:$0xEE8] =	vst v0  }
0xf0: {  	[tilespmem:$0xEF8] =	vst v0  }
0xf1: {  	[tilespmem:$0xF08] =	vst v0  }
0xf2: {  	[tilespmem:$0xF18] =	vst v0  }
0xf3: {  	[tilespmem:$0xF28] =	vst v0  }
0xf4: {  	[tilespmem:$0xF38] =	vst v0  }
0xf5: {  	[tilespmem:$0xF48] =	vst v0  }
0xf6: {  	[tilespmem:$0xF58] =	vst v0  }
0xf7: {  	[tilespmem:$0xF68] =	vst v0  }
0xf8: {  	[tilespmem:$0xF78] =	vst v0  }
0xf9: {  	[tilespmem:$0xF88] =	vst v0  }
0xfa: {  	[tilespmem:$0xF98] =	vst v0  }
0xfb: {  	[tilespmem:$0xFA8] =	vst v0  }
0xfc: {  	[tilespmem:$0xFB8] =	vst v0  }
0xfd: {  	[tilespmem:$0xFC8] =	vst v0  }
0xfe: {  	[tilespmem:$0xFD8] =	vst v0  }
0xff: {  	[tilespmem:$0xFE8] =	vst v0  }
0x100: {  	[tilespmem:$0xFF8] =	vst v0  }
0x101: {  	[tilespmem:$0x1018] =	vst v0  }
0x102: {  	[tilespmem:$0x10D8] =	vst v0  }
0x103: {  	[tilespmem:$0x1B28] =	vst v0  }
0x104: {  	[tilespmem:$0x1B18] =	vst v0  }
0x105: {  	[tilespmem:$0x1B08] =	vst v0  }
0x106: {  	[tilespmem:$0x1AF8] =	vst v0  }
0x107: {  	[tilespmem:$0x1AE8] =	vst v0  }
0x108: {  	[tilespmem:$0x1AD8] =	vst v0  }
0x109: {  	[tilespmem:$0x1AC8] =	vst v0  }
0x10a: {  	[tilespmem:$0x1AB8] =	vst v0  }
0x10b: {  	[tilespmem:$0x1AA8] =	vst v0  }
0x10c: {  	[tilespmem:$0x1A98] =	vst v0  }
0x10d: {  	[tilespmem:$0x1A88] =	vst v0  }
0x10e: {  	[tilespmem:$0x1A78] =	vst v0  }
0x10f: {  	[tilespmem:$0x1A68] =	vst v0  }
0x110: {  	[tilespmem:$0x1A58] =	vst v0  }
0x111: {  	[tilespmem:$0x1A48] =	vst v0  }
0x112: {  	[tilespmem:$0x1A38] =	vst v0  }
0x113: {  	[tilespmem:$0x1A28] =	vst v0  }
0x114: {  	[tilespmem:$0x1A18] =	vst v0  }
0x115: {  	[tilespmem:$0x1A08] =	vst v0  }
0x116: {  	[tilespmem:$0x19F8] =	vst v0  }
0x117: {  	[tilespmem:$0x19E8] =	vst v0  }
0x118: {  	[tilespmem:$0x19D8] =	vst v0  }
0x119: {  	[tilespmem:$0x19C8] =	vst v0  }
0x11a: {  	[tilespmem:$0x19B8] =	vst v0  }
0x11b: {  	[tilespmem:$0x19A8] =	vst v0  }
0x11c: {  	[tilespmem:$0x1998] =	vst v0  }
0x11d: {  	[tilespmem:$0x1988] =	vst v0  }
0x11e: {  	[tilespmem:$0x1978] =	vst v0  }
0x11f: {  	[tilespmem:$0x1968] =	vst v0  }
0x120: {  	[tilespmem:$0x1958] =	vst v0  }
0x121: {  	[tilespmem:$0x1948] =	vst v0  }
0x122: {  	[tilespmem:$0x1938] =	vst v0  }
0x123: {  	[tilespmem:$0x1928] =	vst v0  }
0x124: {  	[tilespmem:$0x1918] =	vst v0  }
0x125: {  	[tilespmem:$0x1908] =	vst v0  }
0x126: {  	[tilespmem:$0x18F8] =	vst v0  }
0x127: {  	[tilespmem:$0x18E8] =	vst v0  }
0x128: {  	[tilespmem:$0x18D8] =	vst v0  }
0x129: {  	[tilespmem:$0x18C8] =	vst v0  }
0x12a: {  	[tilespmem:$0x18B8] =	vst v0  }
0x12b: {  	[tilespmem:$0x18A8] =	vst v0  }
0x12c: {  	[tilespmem:$0x1898] =	vst v0  }
0x12d: {  	[tilespmem:$0x1888] =	vst v0  }
0x12e: {  	[tilespmem:$0x1878] =	vst v0  }
0x12f: {  	[tilespmem:$0x1868] =	vst v0  }
0x130: {  	[tilespmem:$0x1858] =	vst v0  }
0x131: {  	[tilespmem:$0x1848] =	vst v0  }
0x132: {  	[tilespmem:$0x1838] =	vst v0  }
0x133: {  	[tilespmem:$0x1828] =	vst v0  }
0x134: {  	[tilespmem:$0x1818] =	vst v0  }
0x135: {  	[tilespmem:$0x1808] =	vst v0  }
0x136: {  	[tilespmem:$0x17F8] =	vst v0  }
0x137: {  	[tilespmem:$0x17E8] =	vst v0  }
0x138: {  	[tilespmem:$0x17D8] =	vst v0  }
0x139: {  	[tilespmem:$0x17C8] =	vst v0  }
0x13a: {  	[tilespmem:$0x17B8] =	vst v0  }
0x13b: {  	[tilespmem:$0x17A8] =	vst v0  }
0x13c: {  	[tilespmem:$0x1798] =	vst v0  }
0x13d: {  	[tilespmem:$0x1788] =	vst v0  }
0x13e: {  	[tilespmem:$0x1778] =	vst v0  }
0x13f: {  	[tilespmem:$0x1768] =	vst v0  }
0x140: {  	[tilespmem:$0x1758] =	vst v0  }
0x141: {  	[tilespmem:$0x1748] =	vst v0  }
0x142: {  	[tilespmem:$0x1738] =	vst v0  }
0x143: {  	[tilespmem:$0x1728] =	vst v0  }
0x144: {  	[tilespmem:$0x1718] =	vst v0  }
0x145: {  	[tilespmem:$0x1708] =	vst v0  }
0x146: {  	[tilespmem:$0x16F8] =	vst v0  }
0x147: {  	[tilespmem:$0x16E8] =	vst v0  }
0x148: {  	[tilespmem:$0x16D8] =	vst v0  }
0x149: {  	[tilespmem:$0x16C8] =	vst v0  }
0x14a: {  	[tilespmem:$0x16B8] =	vst v0  }
0x14b: {  	[tilespmem:$0x16A8] =	vst v0  }
0x14c: {  	[tilespmem:$0x1698] =	vst v0  }
0x14d: {  	[tilespmem:$0x1688] =	vst v0  }
0x14e: {  	[tilespmem:$0x1678] =	vst v0  }
0x14f: {  	[tilespmem:$0x1668] =	vst v0  }
0x150: {  	[tilespmem:$0x1658] =	vst v0  }
0x151: {  	[tilespmem:$0x1648] =	vst v0  }
0x152: {  	[tilespmem:$0x1638] =	vst v0  }
0x153: {  	[tilespmem:$0x1628] =	vst v0  }
0x154: {  	[tilespmem:$0x1618] =	vst v0  }
0x155: {  	[tilespmem:$0x1608] =	vst v0  }
0x156: {  	[tilespmem:$0x15F8] =	vst v0  }
0x157: {  	[tilespmem:$0x15E8] =	vst v0  }
0x158: {  	[tilespmem:$0x15D8] =	vst v0  }
0x159: {  	[tilespmem:$0x15C8] =	vst v0  }
0x15a: {  	[tilespmem:$0x15B8] =	vst v0  }
0x15b: {  	[tilespmem:$0x15A8] =	vst v0  }
0x15c: {  	[tilespmem:$0x1598] =	vst v0  }
0x15d: {  	[tilespmem:$0x1588] =	vst v0  }
0x15e: {  	[tilespmem:$0x1578] =	vst v0  }
0x15f: {  	[tilespmem:$0x1568] =	vst v0  }
0x160: {  	[tilespmem:$0x1558] =	vst v0  }
0x161: {  	[tilespmem:$0x1548] =	vst v0  }
0x162: {  	[tilespmem:$0x1538] =	vst v0  }
0x163: {  	[tilespmem:$0x1528] =	vst v0  }
0x164: {  	[tilespmem:$0x1518] =	vst v0  }
0x165: {  	[tilespmem:$0x1508] =	vst v0  }
0x166: {  	[tilespmem:$0x14F8] =	vst v0  }
0x167: {  	[tilespmem:$0x14E8] =	vst v0  }
0x168: {  	[tilespmem:$0x14D8] =	vst v0  }
0x169: {  	[tilespmem:$0x14C8] =	vst v0  }
0x16a: {  	[tilespmem:$0x14B8] =	vst v0  }
0x16b: {  	[tilespmem:$0x14A8] =	vst v0  }
0x16c: {  	[tilespmem:$0x1498] =	vst v0  }
0x16d: {  	[tilespmem:$0x1488] =	vst v0  }
0x16e: {  	[tilespmem:$0x1478] =	vst v0  }
0x16f: {  	[tilespmem:$0x1468] =	vst v0  }
0x170: {  	[tilespmem:$0x1458] =	vst v0  }
0x171: {  	[tilespmem:$0x1448] =	vst v0  }
0x172: {  	[tilespmem:$0x1438] =	vst v0  }
0x173: {  	[tilespmem:$0x1428] =	vst v0  }
0x174: {  	[tilespmem:$0x1418] =	vst v0  }
0x175: {  	[tilespmem:$0x1408] =	vst v0  }
0x176: {  	[tilespmem:$0x13F8] =	vst v0  }
0x177: {  	[tilespmem:$0x13E8] =	vst v0  }
0x178: {  	[tilespmem:$0x13D8] =	vst v0  }
0x179: {  	[tilespmem:$0x13C8] =	vst v0  }
0x17a: {  	[tilespmem:$0x13B8] =	vst v0  }
0x17b: {  	[tilespmem:$0x13A8] =	vst v0  }
0x17c: {  	[tilespmem:$0x1398] =	vst v0  }
0x17d: {  	[tilespmem:$0x1388] =	vst v0  }
0x17e: {  	[tilespmem:$0x1378] =	vst v0  }
0x17f: {  	[tilespmem:$0x1368] =	vst v0  }
0x180: {  	[tilespmem:$0x1358] =	vst v0  }
0x181: {  	[tilespmem:$0x1348] =	vst v0  }
0x182: {  	[tilespmem:$0x1338] =	vst v0  }
0x183: {  	[tilespmem:$0x1328] =	vst v0  }
0x184: {  	[tilespmem:$0x1318] =	vst v0  }
0x185: {  	[tilespmem:$0x1308] =	vst v0  }
0x186: {  	[tilespmem:$0x12F8] =	vst v0  }
0x187: {  	[tilespmem:$0x12E8] =	vst v0  }
0x188: {  	[tilespmem:$0x12D8] =	vst v0  }
0x189: {  	[tilespmem:$0x12C8] =	vst v0  }
0x18a: {  	[tilespmem:$0x12B8] =	vst v0  }
0x18b: {  	[tilespmem:$0x12A8] =	vst v0  }
0x18c: {  	[tilespmem:$0x1298] =	vst v0  }
0x18d: {  	[tilespmem:$0x1288] =	vst v0  }
0x18e: {  	[tilespmem:$0x1278] =	vst v0  }
0x18f: {  	[tilespmem:$0x1268] =	vst v0  }
0x190: {  	[tilespmem:$0x1258] =	vst v0  }
0x191: {  	[tilespmem:$0x1248] =	vst v0  }
0x192: {  	[tilespmem:$0x1238] =	vst v0  }
0x193: {  	[tilespmem:$0x1228] =	vst v0  }
0x194: {  	[tilespmem:$0x1218] =	vst v0  }
0x195: {  	[tilespmem:$0x1208] =	vst v0  }
0x196: {  	[tilespmem:$0x11F8] =	vst v0  }
0x197: {  	[tilespmem:$0x11E8] =	vst v0  }
0x198: {  	[tilespmem:$0x11D8] =	vst v0  }
0x199: {  	[tilespmem:$0x11C8] =	vst v0  }
0x19a: {  	[tilespmem:$0x11B8] =	vst v0  }
0x19b: {  	[tilespmem:$0x11A8] =	vst v0  }
0x19c: {  	[tilespmem:$0x1198] =	vst v0  }
0x19d: {  	[tilespmem:$0x1188] =	vst v0  }
0x19e: {  	[tilespmem:$0x1178] =	vst v0  }
0x19f: {  	[tilespmem:$0x1168] =	vst v0  }
0x1a0: {  	[tilespmem:$0x1158] =	vst v0  }
0x1a1: {  	[tilespmem:$0x1148] =	vst v0  }
0x1a2: {  	[tilespmem:$0x1138] =	vst v0  }
0x1a3: {  	[tilespmem:$0x1128] =	vst v0  }
0x1a4: {  	[tilespmem:$0x1118] =	vst v0  }
0x1a5: {  	s2 =	stileid.u32;
	[tilespmem:$0x1108] =	vst v0  }
0x1a6: {  	s0 =	simm.s32 $0x1;
	p0 =	sne.s32 s2, $0x0;
	s1 =	smul.u32 $0x5E, s2;
	[tilespmem:$0x10F8] =	vst v0  }
0x1a7: {  	[tilespmem:$0x10E8] =	vst v0;
	s0 =	simm.s32 @!p0 $0x0;
	s3 =	simm.s32 @!p0 $0x0  }
0x1a8: {  	[tilespmem:$0x10B8] =	vst v0;
	s3 =	simm.s32 @p0 $0x1;
	s0 =	sor.u32 s0, s1;
	s1 =	simm.s32 $0xA050  }
0x1a9: {  	[tilespmem:$0x10C8] =	vst v0;
	p0 =	seq.s32 s2, $0x0;
	[smem:$0x7FD] =	sst s3;
	s3 =	smul.u32 $0x1B0, s0  }
0x1aa: {  	s1 =	simm.s32 @!p0 $0x9EA0;
	[tilespmem:$0x10A8] =	vst v0  }
0x1ab: {  	[tilespmem:$0x1038] =	vst v0;
	s0 =	sadd.s32 s1, s3  }
0x1ac: {  	[tilespmem:$0x1098] =	vst v0;
	s4 =	smin.u32 s0, $0x9EB10  }
0x1ad: {  	[tilespmem:$0x1088] =	vst v0;
	s0 =	ssub.s32 s4, s3  }
0x1ae: {  	s5 =	simm.s32 $0x2;
	s29 =	simm.s32 $0x7;
	[tilespmem:$0x1078] =	vst v0;
	p0 =	sgt.s32 s0, $0x0  }
0x1af: {  	s13 =	simm.s32 $0x8;
	s30 =	simm.s32 $0x9;
	[tilespmem:$0x1068] =	vst v0;
	s0 =	simm.s32 @!p0 $0x0  }
0x1b0: {  	p1 =	por $0x1, $0x1;
	p2 =	por $0x0, $0x0;
	[tilespmem:$0x1058] =	vst v0;
	s6 =	smulhi.u32 $0x4BDA12F7, s0  }
0x1b1: {  	s14 =	simm.s32 $0xA;
	s18 =	simm.s32 $0x0;
	s15 =	simm.s32 $0x0;
	[tilespmem:$0x1048] =	vst v0  }
0x1b2: {  	s17 =	simm.s32 $0x0;
	s7 =	sadd.s32 $0x19BE00, s8;
	[tilespmem:$0x1028] =	vst v0;
	s12 =	sshrl.u32 s6, $0x7  }
0x1b3: {  	s31 =	sshll.u32 s2, $0x5;
	[tilespmem:$0x1008] =	vst v0;
	[sflag:s5] =	ssyncpa.u1 $0x0;
	v0 =	vimm.s32 $0xFFFFFFFF;
	s10 =	smul.u32 $0x1B0, s12  }
.Ltmp0:
0x1b4: {  	s5 =	sadd.s32 $0x9D800, s8;
	[tilespmem:$0x3648] =	vst v0;
	[sflag:s29] =	ssyncpa.u1 $0x0;
	(pc) =	sbr.rel .LBB2_1-.Ltmp0, $4  }
0x1b5: {  	[dreg:$0x2] =	wrdreg s31;
	[sflag:s13] =	ssyncpa.u1 $0x0;
	p0 =	sne.s32 s0, s10  }
0x1b6: {  	s13 =	simm.s32 $0x0;
	[sflag:s30] =	ssyncpa.u1 $0x0;
	s11 =	simm.s32 @!p0 $0x0  }
0x1b7: {  	s1 =	sadd.s32 $0xD8800, s8;
	s16 =	smov.u32 s3;
	s11 =	sadd.s32 s11, s12  }
0x1b8: {  	v0 =	vlaneseq.u32;
	[dreg:$0x3] =	wrdreg s3;
	s6 =	sadd.s32 $0x89A00, s8;
	s8 =	sadd.s32 $0x1, s11  }
.LBB2_18:
0x1b9: {  	s0 =	simm.s32 $0x2  }
0x1ba: {  	_ =	swait.ge [sflag:s0], $0x0  }
0x1bb: {  	[sflag:s0] =	ssyncset.done $0x0;
	s0 =	simm.s32 $0x0  }
.LBB2_19:
0x1bc: {  	_ =	swait.ge [sflag:s14], s0  }
0x1bd: {  	s31 =	ssub.s32 $0x0, s0;
	v1 =	vmov s20;
	vm0 =	veq.s32 v0, $0x0;
	[sflag:s14] =	ssyncset.done $0x0  }
0x1be: {  	vm15 =	veq.s32 v0, $0x2;
	v1 =	vsel vm0, s24, v1;
	[sflag:s14] =	ssyncadd.s32 s31  }
0x1bf: {  	v1 =	vsel vm15, s18, v1;
	[sflag:s14] =	ssyncpa.u1 $0x1  }
0x1c0: {  	[tilespmem:$0x3648] =	vst v1  }
.LBB2_20:
0x1c1: {  	s0 =	sadd.s32 $0x1B0, s16  }
0x1c2: {  	s2 =	smov.u32 s3;
	p0 =	slt.s32 s0, s4  }
0x1c3: {  	s2 =	smov.u32 @p0 s0;
	p0 =	sne.s32 s17, s8  }
.Ltmp1:
0x1c4: {  	_ = 	snop;
	(pc) =	sbr.rel @!p0 .LBB2_21-.Ltmp1, $4  }
0x1c5: {  	_ = 	snop  }
0x1c6: {  	s18 =	smov.u32 s15  }
0x1c7: {  	s31 =	sadd.s32 $0x1, s17;
	s15 =	smov.u32 s16;
	p1 =	por !p1, !p1  }
0x1c8: {  	p2 =	por !p2, !p2;
	s17 =	smov.u32 s31;
	s16 =	smov.u32 s2  }
.LBB2_1:
0x1c9: {  	p3 =	sge.u32 s17, s11  }
0x1ca: {  	s0 =	smulhi.u32 @!p3 $0xAAAAAAAB, s17  }
0x1cb: {  	s19 =	smov.u32 s16;
	p0 =	sgt.s32 @!p3 s16, $0x9E960  }
0x1cc: {  	s20 =	sshra.s32 @!p3 s16, $0x1F;
	p0 =	por !p0, p3;
	s0 =	sshrl.u32 @!p3 s0, $0x1  }
0x1cd: {  	s20 =	sand.u32 @!p3 s20, s16;
	s19 =	simm.s32 @p0 $0x9E960;
	s0 =	smul.u32 @!p3 $0x3, s0  }
0x1ce: {  	s19 =	ssub.s32 @!p3 s19, s20  }
0x1cf: {  	s19 =	sadd.s32 @!p3 $0xFFF616A0, s19;
	s0 =	ssub.s32 @!p3 s17, s0  }
0x1d0: {  	s20 =	sshll.u32 @!p3 s19, $0x2;
	p0 =	sgt.s32 @!p3 s19, $0x1AF;
	s0 =	smul.u32 @!p3 $0x6C0, s0  }
0x1d1: {  	s21 =	sand.u32 @!p3 $0x7, s16;
	s19 =	ssub.s32 @!p3 $0x6C0, s20;
	p0 =	por !p0, p3  }
0x1d2: {  	s20 =	sshrl.u32 @!p3 s16, $0x3;
	s19 =	sshrl.u32 @!p3 s19, $0x2;
	s0 =	sshrl.u32 @!p3 s0, $0x2  }
0x1d3: {  	s20 =	sadd.s32 @!p3 s5, s20;
	s19 =	simm.s32 @!p0 $0x0;
	s0 =	sadd.s32 @!p3 $0x3878, s0  }
0x1d4: {  	[tilespmem:s0], [sflag:$0x8] =	stream.linear.gather @!p3 [hbm4b:s20+s21], s19, $0x38;
	[tilespmem:$0x1F0E8] =	vst v63  }
0x1d5: {  	s20 =	sadd.s32 $0xFFFFFFFF, s17  }
0x1d6: {  	p3 =	sge.u32 s20, s11  }
0x1d7: {  	p0 =	sgt.s32 @!p3 s15, $0x9E960  }
0x1d8: {  	s0 =	smov.u32 s15;
	s19 =	sshra.s32 @!p3 s15, $0x1F;
	p0 =	por !p0, p3  }
0x1d9: {  	s19 =	sand.u32 @!p3 s19, s15;
	s0 =	simm.s32 @p0 $0x9E960  }
0x1da: {  	s0 =	ssub.s32 @!p3 s0, s19  }
0x1db: {  	s0 =	sadd.s32 @!p3 $0xFFF616A0, s0  }
0x1dc: {  	s19 =	sshll.u32 @!p3 s0, $0x2  }
0x1dd: {  	p0 =	sgt.s32 @!p3 s0, $0x1AF;
	s0 =	ssub.s32 @!p3 $0x6C0, s19  }
0x1de: {  	p0 =	por !p0, p3;
	s0 =	sshrl.u32 @!p3 s0, $0x2  }
0x1df: {  	s21 =	simm.s32 @!p3 $0x8;
	s19 =	sand.u32 @!p3 $0x1, s20;
	s0 =	simm.s32 @!p0 $0x0  }
0x1e0: {  	s19 =	smul.u32 @!p3 $0x6C0, s19;
	_ =	swait.ge @!p3 [sflag:s21], s0  }
0x1e1: {  	s22 =	ssub.s32 @!p3 $0x0, s0;
	[sflag:s21] =	ssyncset.done @!p3 $0x0  }
0x1e2: {  	s19 =	sshrl.u32 @!p3 s19, $0x2;
	[sflag:s21] =	ssyncadd.s32 @!p3 s22;
	s21 =	sshrl.u32 @!p3 s15, $0x3  }
0x1e3: {  	s19 =	sadd.s32 @!p3 $0x3D88, s19;
	s22 =	sand.u32 @!p3 $0x7, s15;
	s21 =	sadd.s32 @!p3 s6, s21  }
0x1e4: {  	[tilespmem:s19], [sflag:$0x9] =	stream.linear.gather @!p3 [hbm4b:s21+s22], s0, $0x38;
	[tilespmem:$0x1F0E8] =	vst v63  }
0x1e5: {  	s19 =	ssub.s32 @!p3 $0x9EB10, s15  }
0x1e6: {  	p0 =	slt.s32 @!p3 s19, $0x1  }
0x1e7: {  	p0 =	por p3, p0  }
.Ltmp2:
0x1e8: {  	_ = 	snop;
	(pc) =	sbr.rel @p0 .LBB2_7-.Ltmp2, $1  }
0x1e9: {  	_ =	sdelay $0x3  }
0x1ea: {  	s0 =	smulhi.u32 $0xAAAAAAAB, s20;
	_ =	sdelay $0x1  }
0x1eb: {  	s0 =	sshrl.u32 s0, $0x1  }
0x1ec: {  	s0 =	smul.u32 $0x3, s0;
	_ =	sdelay $0x1  }
0x1ed: {  	s0 =	ssub.s32 s20, s0  }
0x1ee: {  	s21 =	simm.s32 $0x1;
	s0 =	smul.u32 $0x6C0, s0  }
.Ltmp3:
0x1ef: {  	s21 =	simm.s32 @!p1 $0x0;
	(pc) =	sbr.rel .LBB2_4-.Ltmp3, $4  }
0x1f0: {  	s31 =	smul.u32 $0x36000, s21  }
0x1f1: {  	p0 =	slt.s32 @!p3 s19, $0x1B0;
	s0 =	sshrl.u32 s0, $0x2  }
0x1f2: {  	p0 =	por !p0, p3;
	s20 =	sshrl.u32 s31, $0x2;
	s0 =	sadd.s32 $0x3878, s0  }
0x1f3: {  	s19 =	simm.s32 @p0 $0x1B0;
	s21 =	simm.s32 $0x0;
	s20 =	sadd.s32 $0x40E8, s20;
	v1 =	vmov s0  }
.LBB2_3:
0x1f4: {  	p0 =	sge.s32 s21, s19  }
.Ltmp4:
0x1f5: {  	_ = 	snop;
	(pc) =	sbr.rel @p0 .LBB2_7-.Ltmp4, $2  }
0x1f6: {  	_ =	sdelay $0x2  }
0x1f7: {  	s20 =	sadd.s32 $0x800, s20  }
.LBB2_4:
0x1f8: {  	p0 =	sle.s32 s19, s21  }
.Ltmp5:
0x1f9: {  	_ = 	snop;
	(pc) =	sbr.rel @p0 .LBB2_3-.Ltmp5, $2  }
0x1fa: {  	_ =	sdelay $0x2  }
0x1fb: {  	s22 =	smov.u32 s21;
	s21 =	sadd.s32 $0x10, s21  }
0x1fc: {  	s0 =	ssub.s32 s19, s22  }
0x1fd: {  	p0 =	slt.s32 s0, $0x10  }
0x1fe: {  	s0 =	simm.s32 @!p0 $0x10  }
0x1ff: {  	v2 =	vmov s0  }
0x200: {  	vm0 =	vgt.s32 v2, v0;
	_ =	sdelay $0x5  }
0x201: {  	v2 =	vld.idx.msk [tilespmem:v1+s22+$0x0 ss:$0x1], vm0;
	_ =	sdelay $0x2  }
0x202: {  	s23 =	smov.u32 s19;
	p0 =	slt.s32 s21, s19  }
0x203: {  	s24 =	smov.u32 s20;
	s25 =	simm.s32 $0x0;
	s23 =	smov.u32 @p0 s21  }
.LBB2_6:
0x204: {  	(v2sf) =	vpush v2, s25;
	_ =	sdelay $0xc  }
0x205: {  	s25 =	sadd.s32 $0x1, s25  }
0x206: {  	s31 =	sadd.s32 s25, s22  }
0x207: {  	p0 =	slt.s32 s31, s23;
	s0 =	spop (v2sf)  }
.Ltmp6:
0x208: {  	s0 =	sshll.u32 s0, $0x4;
	(pc) =	sbr.rel @p0 .LBB2_6-.Ltmp6, $4  }
0x209: {  	s0 =	sand.u32 $0x1FFFFFF0, s0  }
0x20a: {  	s0 =	sadd.s32 s7, s0  }
0x20b: {  	[tilespmem:s24], [sflag:$0x7] =	stream.linear.gather [hbm4b:s0+s13], $0x4, $0x38;
	[tilespmem:$0x1F0E8] =	vst v63  }
0x20c: {  	s24 =	sadd.s32 $0x80, s24  }
.Ltmp7:
0x20d: {  	_ = 	snop;
	(pc) =	sbr.rel .LBB2_3-.Ltmp7, $1  }
0x20e: {  	_ =	sdelay $0x3  }
.LBB2_7:
0x20f: {  	p0 =	slt.u32 s17, $0x2  }
.Ltmp8:
0x210: {  	_ = 	snop;
	(pc) =	sbr.rel @p0 .LBB2_20-.Ltmp8, $1  }
0x211: {  	_ =	sdelay $0x3  }
0x212: {  	p0 =	sgt.s32 s18, $0x9E960;
	s0 =	smov.u32 s18  }
0x213: {  	s19 =	sshra.s32 s18, $0x1F;
	s20 =	ssub.s32 $0x9EB10, s18;
	s0 =	simm.s32 @!p0 $0x9E960  }
0x214: {  	s19 =	sand.u32 s19, s18;
	p0 =	slt.s32 s20, $0x1B0;
	s21 =	smov.u32 s20  }
0x215: {  	s0 =	ssub.s32 s0, s19;
	s21 =	simm.s32 @!p0 $0x1B0  }
0x216: {  	s0 =	sadd.s32 $0xFFF616A0, s0;
	s26 =	sshll.u32 s21, $0x2  }
0x217: {  	s2 =	simm.s32 $0x7;
	s28 =	sshll.u32 s0, $0x2;
	s19 =	sand.u32 $0x3FFFFFFC, s26  }
0x218: {  	p0 =	sgt.s32 s0, $0x1AF;
	s29 =	ssub.s32 $0x6C0, s28;
	_ =	swait.ge [sflag:s2], s19  }
0x219: {  	s19 =	ssub.s32 $0x0, s19;
	[sflag:s2] =	ssyncset.done $0x0;
	s0 =	sshrl.u32 s29, $0x2  }
0x21a: {  	s30 =	simm.s32 $0x9;
	[sflag:s2] =	ssyncadd.s32 s19;
	s0 =	simm.s32 @p0 $0x0  }
0x21b: {  	_ =	swait.ge [sflag:s30], s0  }
0x21c: {  	s0 =	ssub.s32 $0x0, s0;
	[sflag:s30] =	ssyncset.done $0x0  }
0x21d: {  	[sflag:s30] =	ssyncadd.s32 s0  }
0x21e: {  	v1 =	vld [tilespmem:$0x3648];
	_ =	sdelay $0x4  }
0x21f: {  	(v2sf) =	vpush v1, $0x0  }
0x220: {  	(v2sf) =	vpush v1, $0x1  }
0x221: {  	(v2sf) =	vpush v1, $0x2;
	_ =	sdelay $0x3  }
0x222: {  	s0 =	sadd.s32 $0x1B0, s18  }
0x223: {  	p0 =	slt.s32 s4, s0  }
0x224: {  	s0 =	smov.u32 @p0 s4;
	p0 =	sgt.s32 s20, $0x0  }
0x225: {  	s22 =	ssub.s32 s0, s18;
	s20 =	simm.s32 @!p0 $0x0  }
0x226: {  	p0 =	slt.s32 s20, s22  }
0x227: {  	s22 =	smov.u32 @p0 s20  }
0x228: {  	s21 =	simm.s32 $0x1;
	p3 =	slt.s32 s22, $0x1  }
.Ltmp9:
0x229: {  	s21 =	simm.s32 @!p2 $0x0;
	(pc) =	sbr.rel @p3 .LBB2_12-.Ltmp9, $4  }
0x22a: {  	s31 =	smul.u32 $0x6C0, s21  }
0x22b: {  	s23 =	spop (v2sf)  }
0x22c: {  	s0 =	sshrl.u32 s31, $0x2;
	s25 =	spop (v2sf)  }
0x22d: {  	s19 =	sadd.s32 $0x3D88, s0;
	s18 =	spop (v2sf)  }
0x22e: {  	s0 =	smin.u32 s22, $0x10  }
0x22f: {  	v1 =	vmov s0  }
0x230: {  	p0 =	sgt.s32 s22, $0x10;
	vm1 =	vgt.u32 v1, v0  }
.Ltmp10:
0x231: {  	_ = 	snop;
	(pc) =	sbr.rel @!p0 .LBB2_11-.Ltmp10, $2  }
0x232: {  	_ =	sdelay $0x2  }
0x233: {  	s24 =	simm.s32 $0x10;
	s26 =	sadd.s32 $0xFFFFFFF0, s22;
	s20 =	smov.u32 s19;
	vm0 =	vmmov vm1  }
.LBB2_10:
0x234: {  	s0 =	smin.u32 s26, $0x10;
	s24 =	sadd.s32 $0x10, s24;
	v1 =	vld.msk [tilespmem:s20+$0x0 ss:$0x1], vm1  }
0x235: {  	v2 =	vmov s0;
	p0 =	slt.s32 s24, s22  }
0x236: {  	vm1 =	vgt.u32 v2, v0  }
.Ltmp11:
0x237: {  	(pc) =	sbr.rel @p0 .LBB2_10-.Ltmp11, $3  }
0x238: {  	_ =	sdelay $0x1  }
0x239: {  	v1 =	vshll.u32 v1, $0x4  }
0x23a: {  	s26 =	sadd.s32 $0xFFFFFFF0, s26;
	[tilespmem:s20+$0x0] =	vst.msk vm0, v1;
	s20 =	sadd.s32 $0x10, s20;
	vm0 =	vmmov vm1  }
.LBB2_11:
0x23b: {  	_ =	sdelay $0x4  }
0x23c: {  	v1 =	vld.msk [tilespmem:s20+$0x0 ss:$0x1], vm1;
	_ =	sdelay $0x4  }
0x23d: {  	v1 =	vshll.u32 v1, $0x4  }
0x23e: {  	[tilespmem:s20+$0x0] =	vst.msk vm0, v1  }
.LBB2_12:
0x23f: {  	s0 =	sand.u32 $0x1, s17  }
0x240: {  	s0 =	smul.u32 $0x1B0, s0  }
0x241: {  	p0 =	sne.s32 s25, $0xFFFFFFFF  }
0x242: {  	v1 =	vld.msk @!p0 [tilespmem:s0+$0x3D88], $0x1;
	_ =	sdelay $0x4  }
0x243: {  	(v2sf) =	vpush @!p0 v1, $0x0;
	_ =	sdelay $0xc  }
.Ltmp12:
0x244: {  	_ = 	snop;
	(pc) =	sbr.rel @p3 .LBB2_18-.Ltmp12, $4  }
0x245: {  	_ = 	snop  }
0x246: {  	s24 =	spop @!p0 (v2sf)  }
0x247: {  	s18 =	simm.s32 @!p0 $0x0;
	s20 =	smov.u32 s24  }
0x248: {  	[sflag:s14] =	ssyncpa.u1 $0x0;
	s24 =	smov.u32 @p0 s23;
	s20 =	smov.u32 @p0 s25  }
0x249: {  	v1 =	vld.msk [tilespmem:s19+$0x0], $0x1;
	_ =	sdelay $0x4  }
0x24a: {  	(v2sf) =	vpush v1, $0x0;
	_ =	sdelay $0xd  }
0x24b: {  	s0 =	simm.s32 @!p2 $0x0  }
0x24c: {  	s26 =	smul.u32 $0x36000, s21;
	s25 =	ssub.s32 $0x0, s22;
	s28 =	spop (v2sf)  }
0x24d: {  	s0 =	simm.s32 @p2 $0x1;
	s23 =	sadd.s32 $0x1, s25;
	p3 =	seq.s32 s24, s28  }
0x24e: {  	[smem:$0x7FC] =	sst s0;
	s0 =	sshrl.u32 s26, $0x2;
	p0 =	sgt.s32 @!p3 s24, $0x0  }
0x24f: {  	s21 =	sadd.s32 $0x40E8, s0;
	s0 =	smov.u32 s24;
	p0 =	por !p0, p3  }
0x250: {  	s0 =	simm.s32 @p0 $0x0;
	p0 =	seq.s32 s23, $0x0  }
.Ltmp13:
0x251: {  	_ = 	snop;
	(pc) =	sbr.rel @p0 .LBB2_15-.Ltmp13, $4  }
0x252: {  	s3 =	smov.u32 s8;
	s12 =	smov.u32 s5;
	s8 =	smov.u32 s6  }
0x253: {  	s22 =	simm.s32 $0x0;
	s29 =	simm.s32 @!p3 $0x1;
	s0 =	smin.u32 @!p3 s0, $0x270FF  }
0x254: {  	s30 =	simm.s32 @!p3 $0x1B38;
	s29 =	smov.u32 @p3 s22;
	s26 =	sand.u32 @!p3 $0x3FFF8, s0  }
0x255: {  	s31 =	sand.u32 @!p3 $0x7, s0;
	s0 =	sadd.s32 @!p3 s1, s26;
	s26 =	sadd.s32 $0x1, s19  }
.LBB2_14:
0x256: {  	s2 =	smov.u32 s29  }
0x257: {  	[tilespmem:s30], [sflag:$0x2] =	stream.linear.gather @!p3 [hbm4b:s0+s31], $0x4, $0x38;
	[tilespmem:$0x1F0E8] =	vst v63  }
0x258: {  	s23 =	sadd.s32 $0x1, s23;
	s0 =	smov.u32 s28;
	v1 =	vld.msk [tilespmem:s26+$0x0], $0x1  }
0x259: {  	p4 =	seq.s32 s23, $0x0;
	_ =	sdelay $0x3  }
0x25a: {  	(v2sf) =	vpush v1, $0x0;
	_ =	sdelay $0xe  }
0x25b: {  	s28 =	spop (v2sf)  }
0x25c: {  	p3 =	seq.s32 s0, s28  }
0x25d: {  	p0 =	sgt.s32 @!p3 s0, $0x0;
	s30 =	sshll.u32 @!p3 s29, $0x6;
	s29 =	sadd.s32 @!p3 $0x1, s29  }
.Ltmp14:
0x25e: {  	p0 =	por !p0, p3;
	s30 =	sshra.s32 @!p3 s30, $0x2;
	(pc) =	sbr.rel @!p4 .LBB2_14-.Ltmp14, $4  }
0x25f: {  	s29 =	smov.u32 @p3 s2;
	s0 =	simm.s32 @p0 $0x0;
	s30 =	sadd.s32 @!p3 $0x1B38, s30  }
0x260: {  	s0 =	smin.u32 @!p3 s0, $0x270FF  }
0x261: {  	s2 =	sand.u32 @!p3 $0x3FFF8, s0;
	s31 =	sand.u32 @!p3 $0x7, s0  }
0x262: {  	s26 =	sadd.s32 $0x1, s26;
	s0 =	sadd.s32 @!p3 s1, s2  }
.LBB2_15:
0x263: {  	[tilespmem:s30], [sflag:$0x2] =	stream.linear.gather @!p3 [hbm4b:s0+s31], $0x4, $0x38;
	[tilespmem:$0x1F0E8] =	vst v63  }
0x264: {  	s31 =	sshll.u32 s29, $0x2  }
0x265: {  	s2 =	simm.s32 $0x2;
	s0 =	sand.u32 $0x3FFFFFFC, s31  }
0x266: {  	_ =	swait.ge [sflag:s2], s0  }
0x267: {  	s0 =	ssub.s32 $0x0, s0;
	[sflag:s2] =	ssyncset.done $0x0  }
0x268: {  	[sflag:s2] =	ssyncadd.s32 s0  }
0x269: {  	v1 =	vld.msk [tilespmem:s19+$0x0], $0x1;
	_ =	sdelay $0x4  }
0x26a: {  	(v2sf) =	vpush v1, $0x0;
	_ =	sdelay $0xe  }
0x26b: {  	s23 =	spop (v2sf)  }
0x26c: {  	p3 =	sne.s32 s24, s23  }
0x26d: {  	p5 =	sne.s32 @p3 s24, s20  }
0x26e: {  	p4 =	por !p5, !p3  }
0x26f: {  	s0 =	simm.s32 @!p4 $0x0  }
0x270: {  	v1 =	vld.msk @!p4 [tilespmem:s0+$0x1B38], $0xf  }
0x271: {  	p6 =	sgt.u32 @!p4 s24, $0x270FF  }
0x272: {  	s2 =	sshll.u32 @!p4 s18, $0x6;
	p0 =	por @p3 p6, !p5  }
0x273: {  	s2 =	sshra.s32 @!p4 s2, $0x2;
	p2 =	por p0, !p3;
	p0 =	por p5, !p3  }
0x274: {  	s26 =	sadd.s32 @!p4 $0x28, s2;
	s28 =	sand.u32 @!p2 $0x3FFF8, s24;
	s29 =	sshll.u32 @!p0 s18, $0x6  }
0x275: {  	s24 =	sand.u32 @!p2 $0x7, s24;
	[tilespmem:s2+$0x28] =	vst.add.f32.msk @!p4 $0xf, v1;
	s2 =	sadd.s32 @!p2 s1, s28;
	s28 =	sshra.s32 @!p0 s29, $0x2  }
0x276: {  	[hbm4b:s2+s24] =	stream.linear.scatter @!p2 [tilespmem:s26], [sflag:$0xA], $0x4, $0x38;
	[tilespmem:$0x1F0E8] =	vst v63  }
0x277: {  	s0 =	rddreg [dreg:$0x2];
	s2 =	sadd.s32 @!p0 $0x28, s28;
	s24 =	simm.s32 @!p0 $0x1  }
0x278: {  	[spmem:s0] =	stream.linear.scatter @!p0 [tilespmem:s2], [sflag:$0x1], $0x4, $0x38;
	[tilespmem:$0x1F0E8] =	vst v63  }
0x279: {  	s0 =	sadd.s32 @p3 $0x1, s18;
	_ =	swait.ge @!p0 [sflag:s24], $0x4  }
0x27a: {  	s2 =	sshrl.u32 @p3 s0, $0x4;
	[sflag:s24] =	ssyncset.done @!p0 $0x0  }
0x27b: {  	s2 =	smulhi.u32 @p3 $0x97B425F, s2;
	[sflag:s24] =	ssyncadd.s32 @!p0 $0xFFFFFFFC  }
0x27c: {  	s24 =	sadd.s32 $0x1, s25;
	v1 =	vld.msk @p3 [tilespmem:s21+$0x0], $0xf  }
0x27d: {  	p0 =	por @p3 !p6, !p5;
	s2 =	smul.u32 @p3 $0x1B0, s2;
	p5 =	seq.s32 s24, $0x0  }
.Ltmp15:
0x27e: {  	s25 =	simm.s32 @!p4 $0x0;
	p0 =	por !p0, !p3;
	(pc) =	sbr.rel @p5 .LBB2_17-.Ltmp15, $4  }
0x27f: {  	s26 =	sshll.u32 @!p3 s18, $0x6;
	s25 =	simm.s32 @!p0 $0x10;
	s0 =	ssub.s32 @p3 s0, s2  }
0x280: {  	s26 =	sshra.s32 @!p3 s26, $0x2;
	s28 =	sadd.s32 @!p4 $0x0, s25;
	s29 =	sshll.u32 @p3 s0, $0x4  }
0x281: {  	s2 =	simm.s32 @p3 $0x1;
	s25 =	simm.s32 $0x0;
	s28 =	smov.u32 @p4 s22;
	[tilespmem:s29+$0x28] =	vst.msk @p3 $0xf, v1  }
0x282: {  	s18 =	smov.u32 @p3 s0;
	s22 =	smov.u32 @p3 s2;
	s25 =	smov.u32 @p3 s28;
	v1 =	vld.msk @!p3 [tilespmem:s21+$0x0], $0xf  }
.LBB2_16:
0x283: {  	_ =	sdelay $0x3  }
0x284: {  	s19 =	sadd.s32 $0x1, s19;
	[tilespmem:s26+$0x28] =	vst.add.f32.msk @!p3 $0xf, v1  }
0x285: {  	v1 =	vld.msk [tilespmem:s19+$0x0], $0x1;
	_ =	sdelay $0x4  }
0x286: {  	(v2sf) =	vpush v1, $0x0;
	_ =	sdelay $0xe  }
0x287: {  	s0 =	smov.u32 s23;
	s23 =	spop (v2sf)  }
0x288: {  	p3 =	sne.s32 s0, s23  }
0x289: {  	p6 =	sne.s32 @p3 s0, s20  }
0x28a: {  	p5 =	por !p6, !p3  }
0x28b: {  	s30 =	sshll.u32 @!p5 s22, $0x6  }
0x28c: {  	s30 =	sshra.s32 @!p5 s30, $0x2  }
0x28d: {  	p0 =	sgt.u32 @!p5 s0, $0x270FF;
	v1 =	vld.msk @!p5 [tilespmem:s30+$0x1B38], $0xf  }
0x28e: {  	s31 =	sshll.u32 @!p5 s18, $0x6;
	p2 =	por @p3 p0, !p6;
	p0 =	por @p3 !p0, !p6  }
0x28f: {  	s5 =	simm.s32 @!p5 $0x0;
	s31 =	sshra.s32 @!p5 s31, $0x2;
	p0 =	por !p0, !p3  }
0x290: {  	p6 =	por p6, !p3;
	s5 =	simm.s32 @!p0 $0x10;
	p0 =	por p2, !p3  }
0x291: {  	s30 =	sadd.s32 @!p5 $0x28, s31;
	s6 =	sshll.u32 @!p6 s18, $0x6;
	s10 =	sand.u32 @!p0 $0x3FFF8, s0  }
0x292: {  	s6 =	sshra.s32 @!p6 s6, $0x2;
	s0 =	sand.u32 @!p0 $0x7, s0;
	s10 =	sadd.s32 @!p0 s1, s10;
	[tilespmem:s31+$0x28] =	vst.add.f32.msk @!p5 $0xf, v1  }
0x293: {  	[hbm4b:s10+s0] =	stream.linear.scatter @!p0 [tilespmem:s30], [sflag:$0xA], $0x4, $0x38;
	[tilespmem:$0x1F0E8] =	vst v63  }
0x294: {  	s2 =	rddreg [dreg:$0x2];
	s0 =	sadd.s32 @!p6 $0x28, s6;
	s6 =	simm.s32 @!p6 $0x1  }
0x295: {  	[spmem:s2] =	stream.linear.scatter @!p6 [tilespmem:s0], [sflag:$0x1], $0x4, $0x38;
	[tilespmem:$0x1F0E8] =	vst v63  }
0x296: {  	s28 =	sadd.s32 @p3 $0x1, s18;
	_ =	swait.ge @!p6 [sflag:s6], $0x4  }
0x297: {  	s29 =	sshrl.u32 @p3 s28, $0x4;
	[sflag:s6] =	ssyncset.done @!p6 $0x0  }
0x298: {  	s21 =	sadd.s32 $0x80, s21;
	s29 =	smulhi.u32 @p3 $0x97B425F, s29;
	[sflag:s6] =	ssyncadd.s32 @!p6 $0xFFFFFFFC  }
0x299: {  	s24 =	sadd.s32 $0x1, s24;
	v1 =	vld.msk @p3 [tilespmem:s21+$0x0], $0xf  }
0x29a: {  	p4 =	seq.s32 s24, $0x0;
	s29 =	smul.u32 @p3 $0x1B0, s29  }
.Ltmp16:
0x29b: {  	_ = 	snop;
	(pc) =	sbr.rel @!p4 .LBB2_16-.Ltmp16, $4  }
0x29c: {  	s28 =	ssub.s32 @p3 s28, s29  }
0x29d: {  	s26 =	sshll.u32 @!p3 s18, $0x6;
	s5 =	sadd.s32 @!p5 s5, s25;
	s10 =	sshll.u32 @p3 s28, $0x4  }
0x29e: {  	s9 =	sadd.s32 @p3 $0x1, s22;
	s26 =	sshra.s32 @!p3 s26, $0x2;
	s5 =	smov.u32 @p5 s25;
	[tilespmem:s10+$0x28] =	vst.msk @p3 $0xf, v1  }
0x29f: {  	s22 =	smov.u32 @p3 s9;
	s18 =	smov.u32 @p3 s28;
	s25 =	smov.u32 @p3 s5;
	v1 =	vld.msk @!p3 [tilespmem:s21+$0x0], $0xf  }
.LBB2_17:
.Ltmp17:
0x2a0: {  	_ = 	snop;
	(pc) =	sbr.rel .LBB2_19-.Ltmp17, $4  }
0x2a1: {  	s2 =	sld [smem:$0x7FC]  }
0x2a2: {  	s0 =	sshrl.u32 s25, $0x2  }
0x2a3: {  	s24 =	smov.u32 s23;
	s6 =	smov.u32 s8;
	s5 =	smov.u32 s12  }
0x2a4: {  	s8 =	smov.u32 s3;
	s3 =	rddreg [dreg:$0x3];
	p2 =	seq.s32 s2, $0x1;
	[tilespmem:s26+$0x28] =	vst.add.f32.msk @!p3 $0xf, v1  }
.LBB2_21:
0x2a5: {  	_ =	sfence.sel $0x180000  }
0x2a6: {  	s0 =	simm.s32 $0x7;
	[bflag:$0x0] =	sbarrier.arrive $0xFFFF  }
0x2a7: {  	s23 =	simm.s32 $0x8;
	[sflag:s0] =	ssyncpa.u1 $0x1  }
0x2a8: {  	s24 =	simm.s32 $0x9;
	[sflag:s23] =	ssyncpa.u1 $0x1  }
0x2a9: {  	s25 =	simm.s32 $0x2;
	[sflag:s24] =	ssyncpa.u1 $0x1  }
0x2aa: {  	[sflag:s25] =	ssyncpa.u1 $0x1  }
0x2ab: {  	v0 =	vld [tilespmem:$0x3648];
	_ =	sdelay $0x4  }
0x2ac: {  	(v2sf) =	vpush v0, $0x0  }
0x2ad: {  	(v2sf) =	vpush v0, $0x1;
	_ =	sdelay $0x1  }
0x2ae: {  	(v2sf) =	vpush v0, $0x2;
	_ =	sdelay $0xb  }
0x2af: {  	s0 =	spop (v2sf)  }
0x2b0: {  	s2 =	spop (v2sf)  }
0x2b1: {  	s3 =	smov.u32 s0;
	p0 =	sne.s32 s0, s2  }
0x2b2: {  	s4 =	spop (v2sf);
	s3 =	simm.s32 @!p0 $0xFFFFFFFF  }
0x2b3: {  	v2 =	vimm.s32 $0x1;
	v3 =	vlaneseq.u32;
	p0 =	seq.s32 s4, $0xFFFFFFFF;
	v1 =	vmov s3  }
0x2b4: {  	s26 =	stileid.u32;
	v0 =	vperm.xlane v0, v2;
	p1 =	sne.s32 @!p0 s0, s2;
	v1 =	vperm.xlane v1, v3  }
0x2b5: {  	vm0 =	vcmask $0x3F04;
	s6 =	simm.s32 $0x3648;
	s0 =	simm.s32 @!p0 $0x1;
	p1 =	por !p1, p0  }
0x2b6: {  	s3 =	sshll.u32 s26, $0x1;
	s2 =	sshll.u32 @!p0 s4, $0x6;
	s0 =	simm.s32 @p1 $0x0;
	v0 =	vsel vm0, v1, v0  }
0x2b7: {  	s5 =	sor.u32 $0x200, s3;
	s2 =	sshra.s32 @!p0 s2, $0x2;
	s0 =	sor.u32 @!p0 s0, s3;
	[tilespmem:$0x3648] =	vst v0  }
0x2b8: {  	[spmem:s5] =	stream.linear.scatter [tilespmem:s6], [sflag:$0x1], $0x2, $0x38;
	[tilespmem:$0x1F0E8] =	vst v63  }
0x2b9: {  	s2 =	sadd.s32 @!p0 $0x28, s2;
	s0 =	sshll.u32 @!p0 s0, $0x4  }
0x2ba: {  	[spmem:s0] =	stream.linear.scatter @!p0 [tilespmem:s2], [sflag:$0x1], $0x10, $0x38;
	[tilespmem:$0x1F0E8] =	vst v63  }
0x2bb: {  	s0 =	simm.s32 @!p0 $0x12  }
0x2bc: {  	s2 =	simm.s32 $0x1;
	s0 =	simm.s32 @p0 $0x2  }
0x2bd: {  	_ =	swait.ge [sflag:s2], s0  }
0x2be: {  	s0 =	ssub.s32 $0x0, s0;
	[sflag:s2] =	ssyncset.done $0x0  }
0x2bf: {  	[sflag:s2] =	ssyncadd.s32 s0  }
0x2c0: {  	_ =	sfence.stream.spmem  }
0x2c1: {  	[bflag:$0x0] =	sbarrier.arrive $0xFFFF  }
0x2c2: {  	s28 =	simm.s32 $0x3;
	s31 =	sld [smem:$0x7FD]  }
0x2c3: {  	s29 =	simm.s32 $0x4;
	[sflag:s28] =	ssyncpa.u1 $0x1  }
0x2c4: {  	s30 =	simm.s32 $0x3C;
	[sflag:s29] =	ssyncpa.u1 $0x1  }
0x2c5: {  	[sflag:s30] =	ssyncpa.u1 $0x1;
	p0 =	seq.s32 s31, $0x1  }
0x2c6: {  	_ =	sfence @p0  }
0x2c7: {  	[sflag:s2] =	ssyncpa.u1 @p0 $0x1  }
0x2c8: {  	_ =	strace @p0 $0x90000056  }
0x2c9: {  	[bflag:$0x2] =	sbarrier.arrive @p0 $0xFFFF  }
0x2ca: {  	_ =	shalt @p0  }
.LBB2_22:
0x2cb: {  	_ =	sfence.stream.spmem;
	s0 =	simm.s32 $0x5  }
0x2cc: {  	s2 =	simm.s32 $0x200;
	s3 =	simm.s32 $0x3658;
	[sflag:s0] =	ssyncpa.u1 $0x0  }
0x2cd: {  	[tilespmem:s3], [sflag:$0x5] =	stream.linear.gather [spmem:s2], $0x20, $0x38;
	[tilespmem:$0x1F0E8] =	vst v63  }
0x2ce: {  	s30 =	simm.s32 $0x3678;
	s2 =	simm.s32 $0x0  }
0x2cf: {  	[tilespmem:s30], [sflag:$0x5] =	stream.linear.gather [spmem:s2], $0x200, $0x38;
	[tilespmem:$0x1F0E8] =	vst v63  }
.Ltmp18:
0x2d0: {  	_ = 	snop;
	(pc) =	sbr.rel .LBB2_23-.Ltmp18, $4  }
0x2d1: {  	_ =	swait.ge [sflag:s0], $0x220  }
0x2d2: {  	[sflag:s0] =	ssyncset.done $0x0  }
0x2d3: {  	s31 =	simm.s32 $0x6;
	[sflag:s0] =	ssyncadd.s32 $0xFFFFFDE0  }
0x2d4: {  	s3 =	simm.s32 $0x0;
	[sflag:s31] =	ssyncpa.u1 $0x0  }
.LBB2_28:
0x2d5: {  	p0 =	slt.u32 s4, $0x27100  }
0x2d6: {  	s0 =	sand.u32 @p0 $0x3FFF8, s4  }
0x2d7: {  	s4 =	sand.u32 @p0 $0x7, s4;
	s5 =	simm.s32 @p0 $0x3638;
	s0 =	sadd.s32 @p0 s1, s0  }
0x2d8: {  	[tilespmem:s5], [sflag:$0x6] =	stream.linear.gather @p0 [hbm4b:s0+s4], $0x4, $0x38;
	[tilespmem:$0x1F0E8] =	vst v63  }
0x2d9: {  	s0 =	simm.s32 @p0 $0x6  }
0x2da: {  	_ =	swait.ge @p0 [sflag:s0], $0x4  }
0x2db: {  	[sflag:s0] =	ssyncset.done @p0 $0x0  }
0x2dc: {  	[sflag:s0] =	ssyncadd.s32 @p0 $0xFFFFFFFC  }
0x2dd: {  	v1 =	vld @p0 [tilespmem:$0x3638];
	_ =	sdelay $0x2  }
0x2de: {  	s0 =	sshll.u32 @p0 s3, $0x6  }
0x2df: {  	s5 =	sshll.u32 @!p0 s3, $0x6;
	s4 =	sshrl.u32 @p0 s0, $0x2  }
0x2e0: {  	s5 =	smov.u32 @p0 s0;
	[tilespmem:s4+$0x3678] =	vst.add.f32.msk @p0 $0xffff, v1  }
0x2e1: {  	s0 =	sshrl.u32 s5, $0x2;
	[tilespmem:s2+$0x3658] =	vst.msk $0x1, v0  }
0x2e2: {  	v0 =	vld [tilespmem:s0+$0x3678];
	_ =	sdelay $0x2  }
0x2e3: {  	s31 =	sshll.u32 s2, $0x6  }
0x2e4: {  	s0 =	sshra.s32 s31, $0x2  }
0x2e5: {  	s2 =	sadd.s32 $0x1, s2;
	[tilespmem:s0+$0x3678] =	vst v0  }
.LBB2_30:
0x2e6: {  	s3 =	sadd.s32 $0x1, s3  }
0x2e7: {  	p0 =	sne.s32 s3, $0x20  }
.Ltmp19:
0x2e8: {  	_ = 	snop;
	(pc) =	sbr.rel @!p0 .LBB2_31-.Ltmp19, $1  }
0x2e9: {  	_ =	sdelay $0x3  }
.LBB2_23:
0x2ea: {  	v0 =	vld.msk [tilespmem:s3+$0x3658], $0x1;
	_ =	sdelay $0x4  }
0x2eb: {  	(v2sf) =	vpush v0, $0x0;
	_ =	sdelay $0xe  }
0x2ec: {  	s4 =	spop (v2sf)  }
0x2ed: {  	p0 =	seq.s32 s4, $0xFFFFFFFF  }
.Ltmp20:
0x2ee: {  	_ = 	snop;
	(pc) =	sbr.rel @p0 .LBB2_30-.Ltmp20, $1  }
0x2ef: {  	_ =	sdelay $0x3  }
0x2f0: {  	p0 =	slt.s32 s2, $0x1  }
.Ltmp21:
0x2f1: {  	_ = 	snop;
	(pc) =	sbr.rel @p0 .LBB2_28-.Ltmp21, $1  }
0x2f2: {  	_ =	sdelay $0x3  }
0x2f3: {  	s5 =	simm.s32 $0x3658;
	p0 =	por $0x0, $0x0  }
0x2f4: {  	v1 =	vld.msk @!p0 [tilespmem:s5+$0x0], $0x1;
	_ =	sdelay $0x4  }
0x2f5: {  	(v2sf) =	vpush @!p0 v1, $0x0;
	_ =	sdelay $0xd  }
0x2f6: {  	p2 =	sne.s32 s2, $0x1  }
.Ltmp22:
0x2f7: {  	s0 =	spop @!p0 (v2sf);
	(pc) =	sbr.rel @!p2 .LBB2_27-.Ltmp22, $4  }
0x2f8: {  	p1 =	seq.s32 @!p0 s4, s0  }
0x2f9: {  	s6 =	simm.s32 $0x0;
	p1 =	por !p1, p0  }
0x2fa: {  	s0 =	simm.s32 $0xFFFFFFFF;
	s6 =	simm.s32 @p1 $0xFFFFFFFF  }
0x2fb: {  	s7 =	simm.s32 $0x1;
	s6 =	smov.u32 @p0 s0  }
.LBB2_26:
0x2fc: {  	s0 =	smov.u32 s6;
	p0 =	sne.s32 s6, $0xFFFFFFFF  }
0x2fd: {  	s5 =	sadd.s32 $0x1, s5;
	s6 =	smov.u32 s7;
	s7 =	sadd.s32 $0x1, s7  }
0x2fe: {  	p1 =	sne.s32 s2, s7;
	v1 =	vld.msk @!p0 [tilespmem:s5+$0x0], $0x1;
	_ =	sdelay $0x4  }
0x2ff: {  	(v2sf) =	vpush @!p0 v1, $0x0;
	_ =	sdelay $0xe  }
.Ltmp23:
0x300: {  	s8 =	spop @!p0 (v2sf);
	(pc) =	sbr.rel @p1 .LBB2_26-.Ltmp23, $4  }
0x301: {  	p2 =	seq.s32 @!p0 s4, s8  }
0x302: {  	p2 =	por !p2, p0  }
0x303: {  	s6 =	simm.s32 @p2 $0xFFFFFFFF  }
0x304: {  	s6 =	smov.u32 @p0 s0  }
.LBB2_27:
0x305: {  	p0 =	sne.s32 s6, $0xFFFFFFFF  }
.Ltmp24:
0x306: {  	_ = 	snop;
	(pc) =	sbr.rel @!p0 .LBB2_28-.Ltmp24, $1  }
0x307: {  	_ =	sdelay $0x3  }
0x308: {  	s0 =	sshll.u32 s3, $0x4  }
0x309: {  	s0 =	sand.u32 $0x3FFFFFF0, s0  }
0x30a: {  	v0 =	vld [tilespmem:s0+$0x3678]  }
.Ltmp25:
0x30b: {  	_ = 	snop;
	(pc) =	sbr.rel .LBB2_30-.Ltmp25, $4  }
0x30c: {  	_ = 	snop  }
0x30d: {  	s31 =	sshll.u32 s6, $0x6  }
0x30e: {  	s0 =	sshra.s32 s31, $0x2  }
0x30f: {  	[tilespmem:s0+$0x3678] =	vst.add.f32.msk $0xffff, v0  }
.LBB2_31:
0x310: {  	p0 =	slt.s32 s2, $0x1  }
.Ltmp26:
0x311: {  	_ = 	snop;
	(pc) =	sbr.rel @p0 .LBB2_35-.Ltmp26, $3  }
0x312: {  	_ =	sdelay $0x1  }
0x313: {  	s0 =	simm.s32 $0x6  }
0x314: {  	s3 =	simm.s32 $0x0;
	[sflag:s0] =	ssyncpa.u1 $0x1  }
0x315: {  	s0 =	simm.s32 $0x3658  }
0x316: {  	v0 =	vld.msk [tilespmem:s0+$0x0], $0x1;
	_ =	sdelay $0x4  }
0x317: {  	(v2sf) =	vpush v0, $0x0;
	_ =	sdelay $0xd  }
0x318: {  	s2 =	sadd.s32 $0xFFFFFFFF, s2  }
0x319: {  	p1 =	sne.s32 s2, $0x0;
	s0 =	spop (v2sf)  }
.Ltmp27:
0x31a: {  	p0 =	sgt.u32 s0, $0x270FF;
	(pc) =	sbr.rel @!p1 .LBB2_34-.Ltmp27, $4  }
0x31b: {  	s4 =	simm.s32 $0x3678;
	s5 =	sand.u32 @!p0 $0x3FFF8, s0  }
0x31c: {  	s6 =	simm.s32 $0x0;
	s0 =	sand.u32 @!p0 $0x7, s0;
	s5 =	sadd.s32 @!p0 s1, s5  }
0x31d: {  	[hbm4b:s5+s0] =	stream.linear.scatter @!p0 [tilespmem:s4], [sflag:$0x5], $0x4, $0x38;
	[tilespmem:$0x1F0E8] =	vst v63  }
0x31e: {  	s6 =	simm.s32 @!p0 $0x10;
	s5 =	simm.s32 $0x3659  }
.LBB2_33:
0x31f: {  	v0 =	vld.msk [tilespmem:s5+$0x0], $0x1;
	s2 =	sadd.s32 $0xFFFFFFFF, s2;
	s3 =	sadd.s32 s3, s6  }
0x320: {  	p0 =	sne.s32 s2, $0x0;
	_ =	sdelay $0x3  }
0x321: {  	(v2sf) =	vpush v0, $0x0;
	_ =	sdelay $0xe  }
.Ltmp28:
0x322: {  	s0 =	spop (v2sf);
	(pc) =	sbr.rel @p0 .LBB2_33-.Ltmp28, $4  }
0x323: {  	s6 =	simm.s32 $0x0;
	p1 =	sgt.u32 s0, $0x270FF  }
0x324: {  	s4 =	sadd.s32 $0x10, s4;
	s6 =	simm.s32 @!p1 $0x10;
	s7 =	sand.u32 @!p1 $0x3FFF8, s0  }
0x325: {  	s5 =	sadd.s32 $0x1, s5;
	s0 =	sand.u32 @!p1 $0x7, s0;
	s7 =	sadd.s32 @!p1 s1, s7  }
0x326: {  	[hbm4b:s7+s0] =	stream.linear.scatter @!p1 [tilespmem:s4], [sflag:$0x5], $0x4, $0x38;
	[tilespmem:$0x1F0E8] =	vst v63  }
.LBB2_34:
0x327: {  	s0 =	sadd.s32 s3, s6  }
0x328: {  	s3 =	sshrl.u32 s0, $0x2  }
.LBB2_35:
0x329: {  	s0 =	simm.s32 $0x5  }
0x32a: {  	_ =	swait.ge [sflag:s0], s3  }
0x32b: {  	s1 =	ssub.s32 $0x0, s3;
	[sflag:s0] =	ssyncset.done $0x0  }
0x32c: {  	[sflag:s0] =	ssyncadd.s32 s1  }
0x32d: {  	[sflag:s0] =	ssyncpa.u1 $0x1  }
0x32e: {  	s30 =	simm.s32 $0x1;
	_ =	sfence  }
0x32f: {  	[sflag:s30] =	ssyncpa.u1 $0x1  }
0x330: {  	_ =	strace $0x90000056  }
0x331: {  	[bflag:$0x2] =	sbarrier.arrive $0xFFFF  }
0x332: {  	s31 =	rddreg [dreg:$0x1]  }
0x333: {  	s0 =	sadd.s32 $0x100000, s31  }
0x334: {  	[sflag:s0] =	ssyncadd.tile.s32 $0x1;
	_ =	shalt  }
.Lfunc_end2:
_tile_overlayer_lowered:
.L_overlay_start_2:
0x335: {  	(tag) =	ssettag $0x2  }
0x336: {  	s0 =	rddreg [dreg:$0x0];
	s2 =	stileid.u32  }
0x337: {  	s1 =	rddreg [dreg:$0x1];
	p0 =	sne.s32 s2, $0x0  }
0x338: {  	s3 =	rddreg [dreg:$0x2];
	[bflag:$0x3] =	sbarrier.arrive $0xFFFF;
	s2 =	simm.s32 @!p0 $0x1C01  }
0x339: {  	[timem:s3], [sflag:s2] =	dma.local @!p0 [hbm:s0], s1  }
0x33a: {  	s0 =	simm.s32 @!p0 $0x1  }
0x33b: {  	_ =	swait.ge @!p0 [sflag:s0], s1  }
0x33c: {  	s1 =	ssub.s32 @!p0 $0x0, s1;
	[sflag:s0] =	ssyncset.done @!p0 $0x0  }
0x33d: {  	[sflag:s0] =	ssyncadd.s32 @!p0 s1  }
0x33e: {  	[bflag:$0x3] =	sbarrier.arrive $0xFFFF  }
0x33f: {  	_ =	shalt  }

// kernel: scatter_offload_async_start.4
scs
__scs_entry_jumppad:
0x0: {  	(pc) =	sbr.rel $0x88, $3  }
0x1: {  	(tag) =	ssettag $0x0;
	lr =	simm.s32 $0x1  }
0x2: {  	[smem:$0x3F96] =	sst lr;
	_ =	strace $0xD0000000  }
0x3: {  	_ = 	snop  }
0x4: {  	_ = 	snop  }
0x5: {  	_ = 	snop  }
0x6: {  	_ = 	snop  }
0x7: {  	_ = 	snop  }
__scs_overlays_trampoline_lowered:
0x8: {  	[smem:$0x3FA5] =	sst s0  }
0x9: {  	[smem:$0x3FA6] =	sst s1  }
0xa: {  	[smem:$0x3FA7] =	sst s2  }
0xb: {  	[smem:$0x3FA8] =	sst s3  }
0xc: {  	[smem:$0x3FA9] =	sst s4  }
0xd: {  	[smem:$0x3FAA] =	sst s5  }
0xe: {  	[smem:$0x3FAB] =	sst s6  }
0xf: {  	[smem:$0x3FAC] =	sst s7  }
0x10: {  	[smem:$0x3FAD] =	sst s8  }
0x11: {  	[smem:$0x3FAE] =	sst s9;
	s0 =	simm.s32 @!p0 $0x0  }
0x12: {  	s1 =	sld [smem:$0x3F94];
	s0 =	simm.s32 @p0 $0x1  }
0x13: {  	[smem:$0x3FAF] =	sst s0;
	s0 =	simm.s32 @!p1 $0x0  }
0x14: {  	s2 =	sld [smem:$0x3F93];
	s0 =	simm.s32 @p1 $0x1  }
0x15: {  	[smem:$0x3FB0] =	sst s0;
	s0 =	simm.s32 @!p2 $0x0  }
0x16: {  	s3 =	sld [smem:$0x3FDB];
	s0 =	simm.s32 @p2 $0x1  }
0x17: {  	s4 =	simm.s32 $0x1BF5;
	[smem:$0x3FB2] =	sst s0  }
0x18: {  	s0 =	sld [smem:$0x3F95];
	_ =	swait.ge [sflag:s4], $0x0  }
0x19: {  	s7 =	sld [smem:$0x3F96]  }
0x1a: {  	s8 =	sadd.s32 $0xFFFFE003, lr  }
0x1b: {  	s9 =	sadd.s32 $0xFFFFFEF7, lr;
	s5 =	simm.s32 $0xFFFFFFFF;
	p2 =	slt.u32 s8, $0xFFFFF086  }
0x1c: {  	p1 =	slt.u32 s9, $0xF7A;
	s5 =	simm.s32 @!p2 $0x0  }
0x1d: {  	s5 =	simm.s32 @p1 $0x1;
	p0 =	seq.s32 s7, s2  }
0x1e: {  	s7 =	smul.u32 @!p0 $0xF7A, s2;
	p2 =	seq.s32 @!p0 s5, $0x0  }
0x1f: {  	s9 =	smul.u32 $0xF7A, s1;
	s8 =	simm.s32 @!p0 $0x1BF5;
	p2 =	por !p2, p0  }
0x20: {  	[sflag:s8] =	ssyncset.s32 @!p0 $0xFFFFF086;
	s6 =	sadd.s32 @!p0 s3, s7;
	s7 =	simm.s32 @!p0 $0x108  }
0x21: {  	s3 =	sadd.s32 s3, s9;
	s6 =	sadd.s32 @!p0 $0x88, s6;
	s7 =	simm.s32 @p2 $0x1082  }
0x22: {  	[simem:s7], [sflag:s8] =	dma.local @!p0 [hbm:s6], $0xF7A  }
0x23: {  	s9 =	sor.u32 $0xD0000000, s2;
	s6 =	simm.s32 $0x108;
	_ =	swait.ge @!p0 [sflag:s8], $0x0  }
0x24: {  	s3 =	sadd.s32 $0x88, s3;
	s6 =	simm.s32 @!p1 $0x1082;
	[sflag:s4] =	ssyncset.s32 $0xFFFFF086  }
0x25: {  	[simem:s6], [sflag:s4] =	dma.local [hbm:s3], $0xF7A  }
0x26: {  	[smem:$0x3F96] =	sst s1;
	(tag) =	ssettag s2;
	_ =	strace s9  }
0x27: {  	s1 =	sld [smem:$0x3FA6]  }
0x28: {  	s2 =	sld [smem:$0x3FA7]  }
0x29: {  	s4 =	sld [smem:$0x3FA9]  }
0x2a: {  	p0 =	seq.s32 s5, $0x0;
	s5 =	sld [smem:$0x3FAA]  }
0x2b: {  	s6 =	sld [smem:$0x3FAB]  }
0x2c: {  	s7 =	sld [smem:$0x3FAC]  }
0x2d: {  	s3 =	simm.s32 $0x108;
	s8 =	sld [smem:$0x3FAD]  }
0x2e: {  	s3 =	simm.s32 @!p0 $0x1082;
	s9 =	sld [smem:$0x3FAE]  }
0x2f: {  	lr =	sadd.s32 s0, s3;
	s0 =	sld [smem:$0x3FA5]  }
0x30: {  	s3 =	sld [smem:$0x3FA8]  }
0x31: {  	[smem:$0x3FB1] =	sst s10  }
0x32: {  	s10 =	sld [smem:$0x3FAF];
	_ =	sdelay $0x3  }
0x33: {  	p0 =	seq.s32 s10, $0x1;
	s10 =	sld [smem:$0x3FB1];
	_ =	sdelay $0x3  }
0x34: {  	[smem:$0x3FB1] =	sst s10  }
0x35: {  	s10 =	sld [smem:$0x3FB0];
	_ =	sdelay $0x3  }
0x36: {  	p1 =	seq.s32 s10, $0x1;
	s10 =	sld [smem:$0x3FB1];
	_ =	sdelay $0x3  }
0x37: {  	[smem:$0x3FB1] =	sst s10  }
0x38: {  	s10 =	sld [smem:$0x3FB2]  }
0x39: {  	_ = 	snop;
	(pc) =	sbr.ind lr, $3  }
0x3a: {  	_ = 	snop  }
0x3b: {  	_ = 	snop  }
0x3c: {  	p2 =	seq.s32 s10, $0x1;
	s10 =	sld [smem:$0x3FB1]  }
0x3d: {  	_ =	shalt  }
0x3e: {  	_ =	shalt  }
0x3f: {  	_ =	shalt  }
0x40: {  	_ =	shalt  }
0x41: {  	_ =	shalt  }
0x42: {  	_ =	shalt  }
0x43: {  	_ =	shalt  }
0x44: {  	_ =	shalt  }
0x45: {  	_ =	shalt  }
0x46: {  	_ =	shalt  }
0x47: {  	_ =	shalt  }
0x48: {  	_ =	shalt  }
0x49: {  	_ =	shalt  }
0x4a: {  	_ =	shalt  }
0x4b: {  	_ =	shalt  }
0x4c: {  	_ =	shalt  }
0x4d: {  	_ =	shalt  }
0x4e: {  	_ =	shalt  }
0x4f: {  	_ =	shalt  }
0x50: {  	_ =	shalt  }
0x51: {  	_ =	shalt  }
0x52: {  	_ =	shalt  }
0x53: {  	_ =	shalt  }
0x54: {  	_ =	shalt  }
0x55: {  	_ =	shalt  }
0x56: {  	_ =	shalt  }
0x57: {  	_ =	shalt  }
0x58: {  	_ =	shalt  }
0x59: {  	_ =	shalt  }
0x5a: {  	_ =	shalt  }
0x5b: {  	_ =	shalt  }
0x5c: {  	_ =	shalt  }
0x5d: {  	_ =	shalt  }
0x5e: {  	_ =	shalt  }
0x5f: {  	_ =	shalt  }
0x60: {  	_ =	shalt  }
0x61: {  	_ =	shalt  }
0x62: {  	_ =	shalt  }
0x63: {  	_ =	shalt  }
0x64: {  	_ =	shalt  }
0x65: {  	_ =	shalt  }
0x66: {  	_ =	shalt  }
0x67: {  	_ =	shalt  }
0x68: {  	_ =	shalt  }
0x69: {  	_ =	shalt  }
0x6a: {  	_ =	shalt  }
0x6b: {  	_ =	shalt  }
0x6c: {  	_ =	shalt  }
0x6d: {  	_ =	shalt  }
0x6e: {  	_ =	shalt  }
0x6f: {  	_ =	shalt  }
0x70: {  	_ =	shalt  }
0x71: {  	_ =	shalt  }
0x72: {  	_ =	shalt  }
0x73: {  	_ =	shalt  }
0x74: {  	_ =	shalt  }
0x75: {  	_ =	shalt  }
0x76: {  	_ =	shalt  }
0x77: {  	_ =	shalt  }
0x78: {  	_ =	shalt  }
0x79: {  	_ =	shalt  }
0x7a: {  	_ =	shalt  }
0x7b: {  	_ =	shalt  }
0x7c: {  	_ =	shalt  }
0x7d: {  	_ =	shalt  }
0x7e: {  	_ =	shalt  }
0x7f: {  	_ =	shalt  }
0x80: {  	_ =	shalt  }
0x81: {  	_ =	shalt  }
0x82: {  	_ =	shalt  }
0x83: {  	_ =	shalt  }
0x84: {  	_ =	shalt  }
0x85: {  	_ =	shalt  }
0x86: {  	_ =	shalt  }
0x87: {  	_ =	shalt  }
.Lfunc_end0:
.L_simem_size_0:
called_computation.4_lowered:
.L_overlay_start_0:
0x88: {  	s0 =	sld [smem:$0x3FD9]  }
0x89: {  	s1 =	sld [smem:$0x3FFE];
	_ =	sdelay $0x3  }
0x8a: {  	s0 =	sadd.s32 s1, s0  }
0x8b: {  	[smem:$0x3FBD] =	sst s0  }
0x8c: {  	_ = 	snop  }
0x8d: {  	s0 =	sld [smem:$0x3FD0];
	(tm) =	ssettm $0x1  }
0x8e: {  	s16 =	sld [smem:$0x3FFB];
	_ =	sdelay $0x3  }
0x8f: {  	_ =	strace s16  }
0x90: {  	s1 =	sld [smem:$0x3FFC];
	_ =	sdelay $0x3  }
0x91: {  	_ =	strace s1  }
0x92: {  	s1 =	sld [smem:$0x3FFD];
	_ =	sdelay $0x3  }
0x93: {  	_ =	strace s1  }
0x94: {  	_ =	strace $0x8FFFFFFF  }
0x95: {  	s17 =	sld [smem:$0x3FDB];
	_ =	sdelay $0x1  }
0x96: {  	s2 =	simm.s32 $_scs_section_size  }
0x97: {  	s3 =	simm.s32 $_size__tile_overlayer_lowered;
	s4 =	simm.s32 $_tile_overlayer_lowered  }
0x98: {  	s20 =	simm.s32 $0x1BFF;
	s19 =	sshll.u32 s4, $0x1;
	s1 =	sadd.s32 s2, s17  }
0x99: {  	s5 =	simm.s32 $0x0;
	s18 =	sshll.u32 s3, $0x1;
	s3 =	sadd.s32 s19, s1  }
0x9a: {  	[timem:s5], [sflag:s20] =	dma.local [hbm:s3], s18  }
0x9b: {  	_ =	swait.ge [sflag:s20], s18  }
0x9c: {  	s2 =	ssub.s32 $0x0, s18;
	[sflag:s20] =	ssyncset.done $0x0  }
0x9d: {  	[sflag:s20] =	ssyncadd.s32 s2;
	_ =	sdelay $0x1  }
0x9e: {  	s21 =	simm.s32 $0x1B8B  }
0x9f: {  	_ =	swait.ge [sflag:s21], $0x1  }
0xa0: {  	[sflag:s21] =	ssyncset.done $0x0  }
0xa1: {  	s23 =	simm.s32 $0x1B8E;
	s22 =	sld [smem:$0x3FFE];
	[sflag:s21] =	ssyncadd.s32 $0xFFFFFFFF  }
0xa2: {  	s24 =	simm.s32 $execute0_lowered;
	[smem:$0x3FD2] =	sst s23  }
0xa3: {  	s3 =	sshll.u32 s24, $0x1;
	_ =	strace $0x8000005B;
	[dreg:$0x1] =	wrdreg $0xFFFFFFFF  }
0xa4: {  	s25 =	simm.s32 $_size_execute0_lowered;
	s1 =	sadd.s32 s1, s3;
	[dreg:$0x0] =	wrdreg $0x0  }
0xa5: {  	s3 =	sshll.u32 s25, $0x1;
	[dreg:$0x2] =	wrdreg s1  }
0xa6: {  	[dreg:$0x3] =	wrdreg s3  }
0xa7: {  	[dreg:$0x4] =	wrdreg $0xC0  }
0xa8: {  	_ =	task [dreg:s5], $0x5FFFF  }
0xa9: {  	[dreg:$0x1] =	wrdreg $0xFFFFFFFF  }
0xaa: {  	[dreg:$0x0] =	wrdreg $0x60  }
0xab: {  	[dreg:$0x2] =	wrdreg s0  }
0xac: {  	[dreg:$0x3] =	wrdreg s22  }
0xad: {  	[dreg:$0x4] =	wrdreg $0x9  }
0xae: {  	_ =	task.clear_ibuf [dreg:s5], $0x5FFFF;
	_ =	strace $0x9000005B  }
0xaf: {  	s26 =	simm.s32 $0x9;
	_ =	strace $0x8000005D  }
0xb0: {  	_ =	swait.ge [sflag:s26], $0x1  }
0xb1: {  	[sflag:s26] =	ssyncadd.s32 $0xFFFFFFFF  }
0xb2: {  	_ =	strace $0x9000005D  }
0xb3: {  	_ =	sfence  }
0xb4: {  	s28 =	sld [smem:$0x0];
	_ =	sdelay $0x1  }
0xb5: {  	s29 =	srdreg.scid  }
0xb6: {  	s30 =	sshll.u32 s29, $0xD;
	s31 =	sshrl.u32 s29, $0x2  }
0xb7: {  	s2 =	sand.u32 $0x4000, s30;
	s1 =	sand.u32 $0x1, s29;
	s0 =	sadd.s32 s31, s28  }
0xb8: {  	s1 =	sor.u32 s2, s1;
	s0 =	sshll.u32 s0, $0x11  }
0xb9: {  	s0 =	sor.u32 s0, s1  }
0xba: {  	s0 =	sadd.s32 $0x8F2B, s0  }
0xbb: {  	[sflag:s0] =	ssyncadd.remote.s32 $0x1  }
0xbc: {  	_ =	sfence.sel $0xFFFF  }
0xbd: {  	[dreg:$0x0] =	wrdreg $0xFFFFFFFF;
	(pc) =	sbr.abs _section_cstart, $3  }
0xbe: {  	[dreg:$0x1] =	wrdreg $0xFFFFFFFF  }
0xbf: {  	_ =	task.clear_ibuf [dreg:s5], $0x2FFFF;
	_ =	strace $0x9FFFFFFF  }
0xc0: {  	(tm) =	ssettm $0x7FFFFFFF  }
0xc1: {  	_ =	shalt  }
tec
execute0_lowered:
.L_overlay_start_1:
0x0: {  	(tag) =	ssettag $0x1  }
0x1: {  	s1 =	rddreg [dreg:$0x0]  }
0x2: {  	s30 =	rddreg [dreg:$0x1];
	_ =	strace $0x8000005C;
	s0 =	simm.s32 $0x1  }
0x3: {  	s9 =	simm.s32 $0x108;
	v0 =	vimm.s32 $0x0;
	[sflag:s0] =	ssyncpa.u1 $0x0  }
0x4: {  	[tilespmem:s9+$0x70] =	vst v0  }
0x5: {  	[tilespmem:s9+$0x60] =	vst v0  }
0x6: {  	[tilespmem:s9+$0x50] =	vst v0  }
0x7: {  	[tilespmem:s9+$0x40] =	vst v0  }
0x8: {  	[tilespmem:s9+$0x30] =	vst v0  }
0x9: {  	[tilespmem:s9+$0x20] =	vst v0  }
0xa: {  	s5 =	sadd.s32 $0x1800, s30;
	s6 =	sadd.s32 $0x600, s30;
	s0 =	simm.s32 $0x40;
	[tilespmem:s9+$0x10] =	vst v0  }
.LBB2_1:
0xb: {  	s0 =	sadd.s32 $0x40, s0;
	[tilespmem:s9+$0x0] =	vst v0;
	s9 =	sadd.s32 $0x80, s9  }
0xc: {  	p0 =	slt.u32 s0, $0x3C40;
	[tilespmem:s9+$0x70] =	vst v0  }
0xd: {  	[tilespmem:s9+$0x60] =	vst v0  }
.Ltmp0:
0xe: {  	[tilespmem:s9+$0x50] =	vst v0;
	(pc) =	sbr.rel @p0 .LBB2_1-.Ltmp0, $4  }
0xf: {  	[tilespmem:s9+$0x40] =	vst v0  }
0x10: {  	[tilespmem:s9+$0x30] =	vst v0  }
0x11: {  	[tilespmem:s9+$0x20] =	vst v0  }
0x12: {  	[tilespmem:s9+$0x10] =	vst v0  }
0x13: {  	s3 =	stileid.u32  }
0x14: {  	s2 =	sshll.u32 s3, $0x1;
	s0 =	smin.u32 s3, $0xA  }
0x15: {  	s0 =	sadd.s32 s0, s2  }
0x16: {  	p0 =	slt.u32 s3, $0xA;
	s7 =	smul.u32 $0xF0, s0;
	s0 =	simm.s32 $0x2D0  }
0x17: {  	s0 =	simm.s32 @!p0 $0x1E0  }
0x18: {  	s0 =	sadd.s32 s0, s7  }
0x19: {  	s8 =	smin.u32 s0, $0x2710  }
0x1a: {  	s0 =	ssub.s32 s8, s7  }
0x1b: {  	p0 =	sgt.s32 s0, $0x0  }
0x1c: {  	s0 =	simm.s32 @!p0 $0x0  }
0x1d: {  	s4 =	simm.s32 $0x2;
	s29 =	smul.u32 $0x8889, s0  }
0x1e: {  	s10 =	simm.s32 $0x7;
	s31 =	simm.s32 $0x8;
	s11 =	simm.s32 $0x9  }
0x1f: {  	s20 =	simm.s32 $0x0;
	[dreg:$0x3] =	wrdreg s2;
	s2 =	sshrl.u32 s29, $0x17  }
0x20: {  	s16 =	simm.s32 $0xA;
	s18 =	simm.s32 $0x0;
	s12 =	smul.u32 $0xF0, s2  }
.Ltmp1:
0x21: {  	[tilespmem:s9+$0x0] =	vst v0;
	v0 =	vimm.s32 $0xFFFFFFFF;
	s19 =	simm.s32 $0x0;
	[sflag:s4] =	ssyncpa.u1 $0x0;
	(pc) =	sbr.rel .LBB2_3-.Ltmp1, $4  }
0x22: {  	[tilespmem:$0xF208] =	vst v0;
	[sflag:s10] =	ssyncpa.u1 $0x0;
	p0 =	sne.s32 s0, s12;
	s0 =	simm.s32 $0x1  }
0x23: {  	s14 =	sshll.u32 s3, $0x8;
	[sflag:s31] =	ssyncpa.u1 $0x0;
	s0 =	simm.s32 @!p0 $0x0  }
0x24: {  	[sflag:s11] =	ssyncpa.u1 $0x0;
	s17 =	smov.u32 s7;
	s13 =	sadd.s32 s2, s0  }
0x25: {  	v0 =	vlaneseq.u32;
	s12 =	simm.s32 $0x1;
	p0 =	por $0x0, $0x0;
	s15 =	sadd.s32 $0x1, s13  }
.LBB2_18:
0x26: {  	s0 =	sshrl.u32 s29, $0x2  }
.LBB2_20:
0x27: {  	_ =	swait.ge [sflag:s16], s0  }
0x28: {  	s31 =	ssub.s32 $0x0, s0;
	v1 =	vmov s22;
	vm0 =	veq.s32 v0, $0x0;
	[sflag:s16] =	ssyncset.done $0x0  }
0x29: {  	vm15 =	veq.s32 v0, $0x2;
	v1 =	vsel vm0, s28, v1;
	[sflag:s16] =	ssyncadd.s32 s31  }
0x2a: {  	v1 =	vsel vm15, s20, v1;
	[sflag:s16] =	ssyncpa.u1 $0x1  }
0x2b: {  	[tilespmem:$0xF208] =	vst v1  }
.LBB2_21:
0x2c: {  	s0 =	sadd.s32 $0xF0, s17  }
0x2d: {  	s2 =	smov.u32 s7;
	p1 =	slt.s32 s0, s8  }
0x2e: {  	s2 =	smov.u32 @p1 s0;
	p1 =	sne.s32 s19, s15  }
.Ltmp2:
0x2f: {  	_ = 	snop;
	(pc) =	sbr.rel @!p1 .LBB2_22-.Ltmp2, $3  }
0x30: {  	_ =	sdelay $0x1  }
0x31: {  	s20 =	smov.u32 s18;
	s31 =	sadd.s32 $0x1, s19;
	s18 =	smov.u32 s17  }
0x32: {  	p0 =	por !p0, !p0;
	s19 =	smov.u32 s31;
	s17 =	smov.u32 s2  }
.LBB2_3:
0x33: {  	p1 =	sge.u32 s19, s13  }
0x34: {  	s0 =	smulhi.u32 @!p1 $0xAAAAAAAB, s19  }
0x35: {  	s2 =	smov.u32 s17;
	p2 =	sgt.s32 @!p1 s17, $0x2620  }
0x36: {  	s4 =	sshra.s32 @!p1 s17, $0x1F;
	p2 =	por !p2, p1;
	s0 =	sshrl.u32 @!p1 s0, $0x1  }
0x37: {  	s4 =	sand.u32 @!p1 s4, s17;
	s2 =	simm.s32 @p2 $0x2620;
	s0 =	smul.u32 @!p1 $0x3, s0  }
0x38: {  	s2 =	ssub.s32 @!p1 s2, s4  }
0x39: {  	s2 =	sadd.s32 @!p1 $0xFFFFD9E0, s2;
	s0 =	ssub.s32 @!p1 s19, s0  }
0x3a: {  	s4 =	sshll.u32 @!p1 s2, $0x2;
	p2 =	sgt.s32 @!p1 s2, $0xEF;
	s0 =	smul.u32 @!p1 $0x3C0, s0  }
0x3b: {  	s21 =	sand.u32 @!p1 $0x7, s17;
	s2 =	ssub.s32 @!p1 $0x3C0, s4;
	p2 =	por !p2, p1  }
0x3c: {  	s4 =	sshrl.u32 @!p1 s17, $0x3;
	s2 =	sshrl.u32 @!p1 s2, $0x2;
	s0 =	sshrl.u32 @!p1 s0, $0x2  }
0x3d: {  	s4 =	sadd.s32 @!p1 s6, s4;
	s2 =	simm.s32 @!p2 $0x0;
	s0 =	sadd.s32 @!p1 $0x10238, s0  }
0x3e: {  	[tilespmem:s0], [sflag:$0x8] =	stream.linear.gather @!p1 [hbm4b:s4+s21], s2, $0x38;
	[tilespmem:$0x1F6E8] =	vst v63  }
0x3f: {  	s0 =	sadd.s32 $0xFFFFFFFF, s19  }
0x40: {  	p1 =	sge.u32 s0, s13  }
0x41: {  	p2 =	sgt.s32 @!p1 s18, $0x2620  }
0x42: {  	s2 =	smov.u32 s18;
	s4 =	sshra.s32 @!p1 s18, $0x1F;
	p2 =	por !p2, p1  }
0x43: {  	s4 =	sand.u32 @!p1 s4, s18;
	s2 =	simm.s32 @p2 $0x2620  }
0x44: {  	s2 =	ssub.s32 @!p1 s2, s4  }
0x45: {  	s2 =	sadd.s32 @!p1 $0xFFFFD9E0, s2  }
0x46: {  	s21 =	sand.u32 @!p1 $0x1, s0;
	s4 =	sshll.u32 @!p1 s2, $0x2  }
0x47: {  	p2 =	sgt.s32 @!p1 s2, $0xEF;
	s2 =	ssub.s32 @!p1 $0x3C0, s4;
	s4 =	smulhi.u32 @!p1 $0xAAAAAAAB, s0  }
0x48: {  	s23 =	smul.u32 @!p1 $0x3C0, s21;
	p2 =	por !p2, p1;
	s2 =	sshrl.u32 @!p1 s2, $0x2  }
0x49: {  	s22 =	simm.s32 @!p1 $0x8;
	s2 =	simm.s32 @!p2 $0x0;
	s4 =	sshrl.u32 @!p1 s4, $0x1  }
0x4a: {  	s23 =	sshrl.u32 @!p1 s23, $0x2;
	_ =	swait.ge @!p1 [sflag:s22], s2;
	s4 =	smul.u32 @!p1 $0x3, s4  }
0x4b: {  	s23 =	sor.u32 @!p1 $0x10508, s23;
	s24 =	ssub.s32 @!p1 $0x0, s2;
	[sflag:s22] =	ssyncset.done @!p1 $0x0  }
0x4c: {  	[sflag:s22] =	ssyncadd.s32 @!p1 s24;
	s22 =	sshrl.u32 @!p1 s18, $0x3;
	s0 =	ssub.s32 @!p1 s0, s4  }
0x4d: {  	s24 =	sand.u32 @!p1 $0x7, s18;
	s22 =	sadd.s32 @!p1 s30, s22;
	s0 =	smul.u32 @!p1 $0x3C0, s0  }
0x4e: {  	[tilespmem:s23], [sflag:$0x9] =	stream.linear.gather @!p1 [hbm4b:s22+s24], s2, $0x38;
	[tilespmem:$0x1F6E8] =	vst v63  }
0x4f: {  	s4 =	ssub.s32 @!p1 $0x2710, s18;
	s2 =	smul.u32 @!p1 $0x1E000, s21  }
0x50: {  	p2 =	slt.s32 @!p1 s4, $0xF0  }
0x51: {  	p2 =	por !p2, p1;
	s0 =	sshrl.u32 @!p1 s0, $0x2;
	s2 =	sshrl.u32 @!p1 s2, $0x2  }
0x52: {  	s4 =	simm.s32 @p2 $0xF0;
	s0 =	sadd.s32 @!p1 $0x10238, s0;
	s2 =	sor.u32 @!p1 $0x106E8, s2  }
0x53: {  	[tilespmem:s2], [sflag:$0x7] =	stream.indirect.gather @!p1 [hbm4b:s5+s4], $0x80, s0, s4, $0xb8;
	[tilespmem:$0x1F6E8] =	vst v63  }
0x54: {  	p1 =	slt.u32 s19, $0x2  }
.Ltmp3:
0x55: {  	_ = 	snop;
	(pc) =	sbr.rel @p1 .LBB2_21-.Ltmp3, $1  }
0x56: {  	_ =	sdelay $0x3  }
0x57: {  	p1 =	sgt.s32 s20, $0x2620;
	s0 =	smov.u32 s20  }
0x58: {  	s2 =	sshra.s32 s20, $0x1F;
	s4 =	ssub.s32 $0x2710, s20;
	s0 =	simm.s32 @!p1 $0x2620  }
0x59: {  	s2 =	sand.u32 s2, s20;
	p1 =	slt.s32 s4, $0xF0;
	s21 =	smov.u32 s4  }
0x5a: {  	s0 =	ssub.s32 s0, s2;
	s21 =	simm.s32 @!p1 $0xF0  }
0x5b: {  	s0 =	sadd.s32 $0xFFFFD9E0, s0;
	s25 =	sshll.u32 s21, $0x7  }
0x5c: {  	s26 =	sshll.u32 s0, $0x2;
	s2 =	sand.u32 $0x3FFFFF80, s25  }
0x5d: {  	p1 =	sgt.s32 s0, $0xEF;
	s29 =	ssub.s32 $0x3C0, s26;
	_ =	swait.ge [sflag:s10], s2  }
0x5e: {  	s2 =	ssub.s32 $0x0, s2;
	[sflag:s10] =	ssyncset.done $0x0;
	s0 =	sshrl.u32 s29, $0x2  }
0x5f: {  	[sflag:s10] =	ssyncadd.s32 s2;
	s0 =	simm.s32 @p1 $0x0  }
0x60: {  	_ =	swait.ge [sflag:s11], s0  }
0x61: {  	s0 =	ssub.s32 $0x0, s0;
	[sflag:s11] =	ssyncset.done $0x0  }
0x62: {  	[sflag:s11] =	ssyncadd.s32 s0  }
0x63: {  	v1 =	vld [tilespmem:$0xF208];
	_ =	sdelay $0x4  }
0x64: {  	(v2sf) =	vpush v1, $0x0  }
0x65: {  	(v2sf) =	vpush v1, $0x1  }
0x66: {  	(v2sf) =	vpush v1, $0x2;
	_ =	sdelay $0x3  }
0x67: {  	s0 =	sadd.s32 $0xF0, s20  }
0x68: {  	p1 =	slt.s32 s8, s0  }
0x69: {  	s0 =	smov.u32 @p1 s8;
	p1 =	sgt.s32 s4, $0x0  }
0x6a: {  	s24 =	ssub.s32 s0, s20;
	s4 =	simm.s32 @!p1 $0x0  }
0x6b: {  	p1 =	slt.s32 s4, s24  }
0x6c: {  	s24 =	smov.u32 @p1 s4  }
0x6d: {  	s23 =	simm.s32 $0x1;
	p1 =	slt.s32 s24, $0x1  }
.Ltmp4:
0x6e: {  	s23 =	simm.s32 @!p0 $0x0;
	(pc) =	sbr.rel @p1 .LBB2_8-.Ltmp4, $4  }
0x6f: {  	s31 =	smul.u32 $0x3C0, s23  }
0x70: {  	s25 =	spop (v2sf)  }
0x71: {  	s0 =	sshrl.u32 s31, $0x2;
	s28 =	spop (v2sf)  }
0x72: {  	s21 =	sor.u32 $0x10508, s0;
	s20 =	spop (v2sf)  }
0x73: {  	s0 =	smin.u32 s24, $0x10  }
0x74: {  	v1 =	vmov s0  }
0x75: {  	p2 =	sgt.s32 s24, $0x10;
	vm1 =	vgt.u32 v1, v0  }
.Ltmp5:
0x76: {  	_ = 	snop;
	(pc) =	sbr.rel @!p2 .LBB2_7-.Ltmp5, $2  }
0x77: {  	_ =	sdelay $0x2  }
0x78: {  	s26 =	simm.s32 $0x10;
	s29 =	sadd.s32 $0xFFFFFFF0, s24;
	s22 =	smov.u32 s21;
	vm0 =	vmmov vm1  }
.LBB2_6:
0x79: {  	s0 =	smin.u32 s29, $0x10;
	s26 =	sadd.s32 $0x10, s26;
	v1 =	vld.msk [tilespmem:s22+$0x0 ss:$0x1], vm1  }
0x7a: {  	v2 =	vmov s0;
	p2 =	slt.s32 s26, s24  }
0x7b: {  	vm1 =	vgt.u32 v2, v0  }
.Ltmp6:
0x7c: {  	(pc) =	sbr.rel @p2 .LBB2_6-.Ltmp6, $3  }
0x7d: {  	_ =	sdelay $0x1  }
0x7e: {  	v1 =	vshll.u32 v1, $0x4  }
0x7f: {  	s29 =	sadd.s32 $0xFFFFFFF0, s29;
	[tilespmem:s22+$0x0] =	vst.msk vm0, v1;
	s22 =	sadd.s32 $0x10, s22;
	vm0 =	vmmov vm1  }
.LBB2_7:
0x80: {  	_ =	sdelay $0x4  }
0x81: {  	v1 =	vld.msk [tilespmem:s22+$0x0 ss:$0x1], vm1;
	_ =	sdelay $0x4  }
0x82: {  	v1 =	vshll.u32 v1, $0x4  }
0x83: {  	[tilespmem:s22+$0x0] =	vst.msk vm0, v1  }
.LBB2_8:
0x84: {  	s0 =	sand.u32 $0x1, s19  }
0x85: {  	s0 =	smul.u32 $0xF0, s0  }
0x86: {  	p2 =	sne.s32 s28, $0xFFFFFFFF  }
0x87: {  	v1 =	vld.msk @!p2 [tilespmem:s0+$0x10508], $0x1;
	_ =	sdelay $0x4  }
0x88: {  	(v2sf) =	vpush @!p2 v1, $0x0;
	_ =	sdelay $0xc  }
.Ltmp7:
0x89: {  	_ = 	snop;
	(pc) =	sbr.rel @p1 .LBB2_19-.Ltmp7, $4  }
0x8a: {  	_ = 	snop  }
0x8b: {  	s26 =	spop @!p2 (v2sf)  }
0x8c: {  	s20 =	simm.s32 @!p2 $0x0;
	s22 =	smov.u32 s26  }
0x8d: {  	[sflag:s16] =	ssyncpa.u1 $0x0;
	s26 =	smov.u32 @p2 s25;
	s22 =	smov.u32 @p2 s28  }
0x8e: {  	v1 =	vld.msk [tilespmem:s21+$0x0], $0x1;
	_ =	sdelay $0x4  }
0x8f: {  	(v2sf) =	vpush v1, $0x0;
	_ =	sdelay $0xe  }
0x90: {  	s9 =	smov.u32 s30;
	s0 =	smul.u32 $0x1E000, s23;
	s30 =	spop (v2sf)  }
0x91: {  	s24 =	ssub.s32 $0x0, s24;
	p1 =	seq.s32 s26, s30  }
0x92: {  	s28 =	sadd.s32 $0x1, s24;
	s0 =	sshrl.u32 s0, $0x2;
	p2 =	sgt.s32 @!p1 s26, $0x0  }
0x93: {  	s23 =	sor.u32 $0x10728, s0;
	s0 =	smov.u32 s26;
	p2 =	por !p2, p1  }
0x94: {  	s0 =	simm.s32 @p2 $0x0;
	p2 =	seq.s32 s28, $0x0  }
.Ltmp8:
0x95: {  	_ = 	snop;
	(pc) =	sbr.rel @p2 .LBB2_11-.Ltmp8, $4  }
0x96: {  	_ = 	snop  }
0x97: {  	s25 =	simm.s32 $0x0;
	s31 =	simm.s32 @!p1 $0x1;
	s2 =	smin.u32 @!p1 s0, $0x7F0  }
0x98: {  	s29 =	sadd.s32 $0x1, s21;
	s31 =	smov.u32 @p1 s25;
	s4 =	sand.u32 @!p1 $0x7F8, s2  }
0x99: {  	s0 =	simm.s32 @!p1 $0x7988;
	s2 =	sand.u32 @!p1 $0x7, s2;
	s4 =	sadd.s32 @!p1 s1, s4  }
.LBB2_10:
0x9a: {  	s3 =	smov.u32 s31  }
0x9b: {  	[tilespmem:s0], [sflag:$0x2] =	stream.linear.gather @!p1 [hbm4b:s4+s2], $0x80, $0x38;
	[tilespmem:$0x1F6E8] =	vst v63  }
0x9c: {  	s28 =	sadd.s32 $0x1, s28;
	s2 =	smov.u32 s30;
	v1 =	vld.msk [tilespmem:s29+$0x0], $0x1  }
0x9d: {  	p2 =	seq.s32 s28, $0x0;
	_ =	sdelay $0x3  }
0x9e: {  	(v2sf) =	vpush v1, $0x0;
	_ =	sdelay $0xe  }
0x9f: {  	s30 =	spop (v2sf)  }
0xa0: {  	p1 =	seq.s32 s2, s30  }
0xa1: {  	p3 =	sgt.s32 @!p1 s2, $0x0;
	s0 =	sshll.u32 @!p1 s31, $0x9;
	s31 =	sadd.s32 @!p1 $0x1, s31  }
.Ltmp9:
0xa2: {  	p3 =	por !p3, p1;
	s0 =	sshra.s32 @!p1 s0, $0x2;
	(pc) =	sbr.rel @!p2 .LBB2_10-.Ltmp9, $4  }
0xa3: {  	s31 =	smov.u32 @p1 s3;
	s2 =	simm.s32 @p3 $0x0;
	s0 =	sadd.s32 @!p1 $0x7988, s0  }
0xa4: {  	s2 =	smin.u32 @!p1 s2, $0x7F0  }
0xa5: {  	s3 =	sand.u32 @!p1 $0x7F8, s2;
	s2 =	sand.u32 @!p1 $0x7, s2  }
0xa6: {  	s29 =	sadd.s32 $0x1, s29;
	s4 =	sadd.s32 @!p1 s1, s3  }
.LBB2_11:
0xa7: {  	[tilespmem:s0], [sflag:$0x2] =	stream.linear.gather @!p1 [hbm4b:s4+s2], $0x80, $0x38;
	[tilespmem:$0x1F6E8] =	vst v63  }
.Ltmp10:
0xa8: {  	s28 =	sshll.u32 s31, $0x7;
	(pc) =	sbr.rel .LBB2_12-.Ltmp10, $4  }
0xa9: {  	s31 =	simm.s32 $0x2;
	s0 =	sand.u32 $0x3FFFFF80, s28  }
0xaa: {  	_ =	swait.ge [sflag:s31], s0  }
0xab: {  	s0 =	ssub.s32 $0x0, s0;
	[sflag:s31] =	ssyncset.done $0x0  }
0xac: {  	s29 =	simm.s32 $0x0;
	s30 =	smov.u32 s9;
	[sflag:s31] =	ssyncadd.s32 s0  }
.LBB2_13:
0xad: {  	v1 =	vld [tilespmem:s23+$0xFFFFFFC0];
	_ =	sdelay $0x3  }
0xae: {  	s0 =	sshra.s32 s0, $0x2  }
0xaf: {  	[tilespmem:s0+$0x108] =	vst.add.f32.msk $0xffff, v1  }
0xb0: {  	v1 =	vld [tilespmem:s23+$0xFFFFFFD0];
	_ =	sdelay $0x4  }
0xb1: {  	[tilespmem:s0+$0x118] =	vst.add.f32.msk $0xffff, v1  }
0xb2: {  	v1 =	vld [tilespmem:s23+$0xFFFFFFE0];
	_ =	sdelay $0x4  }
0xb3: {  	[tilespmem:s0+$0x128] =	vst.add.f32.msk $0xffff, v1  }
0xb4: {  	v1 =	vld [tilespmem:s23+$0xFFFFFFF0];
	_ =	sdelay $0x4  }
0xb5: {  	[tilespmem:s0+$0x138] =	vst.add.f32.msk $0xffff, v1  }
0xb6: {  	v1 =	vld [tilespmem:s23+$0x0];
	_ =	sdelay $0x4  }
0xb7: {  	[tilespmem:s0+$0x148] =	vst.add.f32.msk $0xffff, v1  }
0xb8: {  	v1 =	vld [tilespmem:s23+$0x10];
	_ =	sdelay $0x4  }
0xb9: {  	[tilespmem:s0+$0x158] =	vst.add.f32.msk $0xffff, v1  }
0xba: {  	v1 =	vld [tilespmem:s23+$0x20];
	_ =	sdelay $0x4  }
0xbb: {  	[tilespmem:s0+$0x168] =	vst.add.f32.msk $0xffff, v1  }
0xbc: {  	v1 =	vld [tilespmem:s23+$0x30];
	_ =	sdelay $0x4  }
0xbd: {  	[tilespmem:s0+$0x178] =	vst.add.f32.msk $0xffff, v1  }
.LBB2_17:
0xbe: {  	s24 =	sadd.s32 $0x1, s24  }
0xbf: {  	p1 =	seq.s32 s24, $0x0  }
.Ltmp11:
0xc0: {  	_ = 	snop;
	(pc) =	sbr.rel @p1 .LBB2_18-.Ltmp11, $2  }
0xc1: {  	_ =	sdelay $0x2  }
0xc2: {  	s21 =	sadd.s32 $0x1, s21;
	s23 =	sadd.s32 $0x80, s23;
	s26 =	smov.u32 s28  }
.LBB2_12:
0xc3: {  	v1 =	vld.msk [tilespmem:s21+$0x0], $0x1;
	_ =	sdelay $0x4  }
0xc4: {  	(v2sf) =	vpush v1, $0x0;
	_ =	sdelay $0xe  }
0xc5: {  	s28 =	spop (v2sf)  }
0xc6: {  	p1 =	sne.s32 s26, s28  }
.Ltmp12:
0xc7: {  	_ = 	snop;
	(pc) =	sbr.rel @!p1 .LBB2_13-.Ltmp12, $2  }
0xc8: {  	_ =	sdelay $0x2  }
0xc9: {  	s0 =	sshll.u32 s20, $0x9  }
0xca: {  	p1 =	seq.s32 s26, s22  }
.Ltmp13:
0xcb: {  	_ = 	snop;
	(pc) =	sbr.rel @!p1 .LBB2_15-.Ltmp13, $1  }
0xcc: {  	_ =	sdelay $0x3  }
0xcd: {  	s0 =	sshra.s32 s0, $0x2  }
.Ltmp14:
0xce: {  	s0 =	sadd.s32 $0x108, s0;
	(pc) =	sbr.rel .LBB2_16-.Ltmp14, $4  }
0xcf: {  	[spmem:s14] =	stream.linear.scatter [tilespmem:s0], [sflag:$0x1], $0x80, $0x38;
	[tilespmem:$0x1F6E8] =	vst v63  }
0xd0: {  	_ =	swait.ge [sflag:s12], $0x80  }
0xd1: {  	[sflag:s12] =	ssyncset.done $0x0  }
0xd2: {  	[sflag:s12] =	ssyncadd.s32 $0xFFFFFF80  }
.LBB2_15:
0xd3: {  	s2 =	sshll.u32 s25, $0x9  }
0xd4: {  	s2 =	sshra.s32 s2, $0x2  }
0xd5: {  	v1 =	vld [tilespmem:s2+$0x7988];
	_ =	sdelay $0x3  }
0xd6: {  	s0 =	sshra.s32 s0, $0x2  }
0xd7: {  	[tilespmem:s0+$0x108] =	vst.add.f32.msk $0xffff, v1  }
0xd8: {  	v1 =	vld [tilespmem:s2+$0x7998];
	_ =	sdelay $0x4  }
0xd9: {  	[tilespmem:s0+$0x118] =	vst.add.f32.msk $0xffff, v1  }
0xda: {  	v1 =	vld [tilespmem:s2+$0x79A8];
	_ =	sdelay $0x4  }
0xdb: {  	[tilespmem:s0+$0x128] =	vst.add.f32.msk $0xffff, v1  }
0xdc: {  	v1 =	vld [tilespmem:s2+$0x79B8];
	_ =	sdelay $0x4  }
0xdd: {  	[tilespmem:s0+$0x138] =	vst.add.f32.msk $0xffff, v1  }
0xde: {  	v1 =	vld [tilespmem:s2+$0x79C8];
	_ =	sdelay $0x4  }
0xdf: {  	[tilespmem:s0+$0x148] =	vst.add.f32.msk $0xffff, v1  }
0xe0: {  	v1 =	vld [tilespmem:s2+$0x79D8];
	_ =	sdelay $0x4  }
0xe1: {  	[tilespmem:s0+$0x158] =	vst.add.f32.msk $0xffff, v1  }
0xe2: {  	v1 =	vld [tilespmem:s2+$0x79E8];
	_ =	sdelay $0x4  }
0xe3: {  	[tilespmem:s0+$0x168] =	vst.add.f32.msk $0xffff, v1  }
0xe4: {  	v1 =	vld [tilespmem:s2+$0x79F8];
	_ =	sdelay $0x2  }
0xe5: {  	p1 =	sgt.u32 s26, $0x7F0  }
0xe6: {  	s2 =	sand.u32 @!p1 $0x7F8, s26  }
0xe7: {  	s3 =	sadd.s32 $0x108, s0;
	[tilespmem:s0+$0x178] =	vst.add.f32.msk $0xffff, v1;
	s0 =	sadd.s32 @!p1 s1, s2;
	s2 =	sand.u32 @!p1 $0x7, s26  }
0xe8: {  	[hbm4b:s0+s2] =	stream.linear.scatter @!p1 [tilespmem:s3], [sflag:$0xA], $0x80, $0x38;
	[tilespmem:$0x1F6E8] =	vst v63  }
0xe9: {  	s0 =	simm.s32 $0x0  }
0xea: {  	s0 =	simm.s32 @!p1 $0x200  }
0xeb: {  	s29 =	sadd.s32 s0, s29  }
.LBB2_16:
0xec: {  	s0 =	sadd.s32 $0x1, s20  }
0xed: {  	s2 =	smulhi.u32 $0x88888889, s0;
	_ =	sdelay $0x1  }
0xee: {  	v1 =	vld [tilespmem:s23+$0xFFFFFFC0];
	s2 =	sshrl.u32 s2, $0x7  }
0xef: {  	s2 =	smul.u32 $0xF0, s2;
	_ =	sdelay $0x1  }
0xf0: {  	s20 =	ssub.s32 s0, s2  }
0xf1: {  	s0 =	sshll.u32 s20, $0x7  }
0xf2: {  	[tilespmem:s0+$0x108] =	vst v1  }
0xf3: {  	v1 =	vld [tilespmem:s23+$0xFFFFFFD0];
	_ =	sdelay $0x4  }
0xf4: {  	[tilespmem:s0+$0x118] =	vst v1  }
0xf5: {  	v1 =	vld [tilespmem:s23+$0xFFFFFFE0];
	_ =	sdelay $0x4  }
0xf6: {  	[tilespmem:s0+$0x128] =	vst v1  }
0xf7: {  	v1 =	vld [tilespmem:s23+$0xFFFFFFF0];
	_ =	sdelay $0x4  }
0xf8: {  	[tilespmem:s0+$0x138] =	vst v1  }
0xf9: {  	v1 =	vld [tilespmem:s23+$0x0];
	_ =	sdelay $0x4  }
0xfa: {  	[tilespmem:s0+$0x148] =	vst v1  }
0xfb: {  	v1 =	vld [tilespmem:s23+$0x10];
	_ =	sdelay $0x4  }
0xfc: {  	[tilespmem:s0+$0x158] =	vst v1  }
0xfd: {  	v1 =	vld [tilespmem:s23+$0x20];
	_ =	sdelay $0x4  }
0xfe: {  	[tilespmem:s0+$0x168] =	vst v1  }
0xff: {  	v1 =	vld [tilespmem:s23+$0x30]  }
.Ltmp15:
0x100: {  	_ = 	snop;
	(pc) =	sbr.rel .LBB2_17-.Ltmp15, $2  }
0x101: {  	_ =	sdelay $0x2  }
0x102: {  	s25 =	sadd.s32 $0x1, s25;
	[tilespmem:s0+$0x178] =	vst v1  }
.LBB2_19:
.Ltmp16:
0x103: {  	(pc) =	sbr.rel .LBB2_20-.Ltmp16, $4  }
0x104: {  	_ = 	snop  }
0x105: {  	s0 =	simm.s32 $0x2  }
0x106: {  	_ =	swait.ge [sflag:s0], $0x0  }
0x107: {  	s28 =	smov.u32 s26;
	[sflag:s0] =	ssyncset.done $0x0;
	s0 =	simm.s32 $0x0  }
.LBB2_22:
0x108: {  	_ =	sfence.sel $0x180000  }
0x109: {  	s0 =	simm.s32 $0x7;
	[bflag:$0x0] =	sbarrier.arrive $0xFFFF  }
0x10a: {  	s24 =	simm.s32 $0x8;
	[sflag:s0] =	ssyncpa.u1 $0x1  }
0x10b: {  	s25 =	simm.s32 $0x9;
	[sflag:s24] =	ssyncpa.u1 $0x1  }
0x10c: {  	s26 =	simm.s32 $0x2;
	[sflag:s25] =	ssyncpa.u1 $0x1  }
0x10d: {  	[sflag:s26] =	ssyncpa.u1 $0x1  }
0x10e: {  	v0 =	vld [tilespmem:$0xF208];
	_ =	sdelay $0x4  }
0x10f: {  	(v2sf) =	vpush v0, $0x0  }
0x110: {  	(v2sf) =	vpush v0, $0x1;
	_ =	sdelay $0x2  }
0x111: {  	(v2sf) =	vpush v0, $0x2;
	_ =	sdelay $0xa  }
0x112: {  	s0 =	spop (v2sf)  }
0x113: {  	s2 =	spop (v2sf)  }
0x114: {  	s3 =	smov.u32 s0;
	p0 =	sne.s32 s0, s2  }
0x115: {  	s3 =	simm.s32 @!p0 $0xFFFFFFFF  }
0x116: {  	v2 =	vimm.s32 $0x1;
	v3 =	vlaneseq.u32;
	v1 =	vmov s3;
	s3 =	spop (v2sf)  }
0x117: {  	v0 =	vperm.xlane v0, v2;
	v1 =	vperm.xlane v1, v3;
	p0 =	seq.s32 s3, $0xFFFFFFFF  }
0x118: {  	vm0 =	vcmask $0x3F04;
	s5 =	simm.s32 $0xF208;
	p1 =	sne.s32 @!p0 s0, s2  }
0x119: {  	s6 =	rddreg [dreg:$0x3];
	s0 =	simm.s32 @!p0 $0x1;
	v0 =	vsel vm0, v1, v0;
	p1 =	por !p1, p0  }
0x11a: {  	s4 =	sor.u32 $0x1000, s6;
	s2 =	sshll.u32 @!p0 s3, $0x9;
	[tilespmem:$0xF208] =	vst v0;
	s0 =	simm.s32 @p1 $0x0  }
0x11b: {  	[spmem:s4] =	stream.linear.scatter [tilespmem:s5], [sflag:$0x1], $0x2, $0x38;
	[tilespmem:$0x1F6E8] =	vst v63  }
0x11c: {  	s2 =	sshra.s32 @!p0 s2, $0x2;
	s0 =	sor.u32 @!p0 s0, s6  }
0x11d: {  	s2 =	sadd.s32 @!p0 $0x108, s2;
	s0 =	sshll.u32 @!p0 s0, $0x7  }
0x11e: {  	[spmem:s0] =	stream.linear.scatter @!p0 [tilespmem:s2], [sflag:$0x1], $0x80, $0x38;
	[tilespmem:$0x1F6E8] =	vst v63  }
0x11f: {  	s2 =	simm.s32 @!p0 $0x82  }
0x120: {  	s0 =	simm.s32 $0x1;
	s2 =	simm.s32 @p0 $0x2  }
0x121: {  	_ =	swait.ge [sflag:s0], s2  }
0x122: {  	s2 =	ssub.s32 $0x0, s2;
	[sflag:s0] =	ssyncset.done $0x0  }
0x123: {  	[sflag:s0] =	ssyncadd.s32 s2  }
0x124: {  	_ =	sfence.stream.spmem  }
0x125: {  	s28 =	simm.s32 $0x3;
	[bflag:$0x0] =	sbarrier.arrive $0xFFFF  }
0x126: {  	s29 =	simm.s32 $0x4;
	[sflag:s28] =	ssyncpa.u1 $0x1  }
0x127: {  	s30 =	simm.s32 $0x3C;
	s31 =	stileid.u32;
	[sflag:s29] =	ssyncpa.u1 $0x1  }
0x128: {  	p0 =	sne.s32 s31, $0x0;
	[sflag:s30] =	ssyncpa.u1 $0x1  }
0x129: {  	_ =	sfence @p0  }
0x12a: {  	[sflag:s0] =	ssyncpa.u1 @p0 $0x1  }
0x12b: {  	_ =	strace @p0 $0x9000005C  }
0x12c: {  	[bflag:$0x2] =	sbarrier.arrive @p0 $0xFFFF  }
0x12d: {  	_ =	shalt @p0  }
.LBB2_23:
0x12e: {  	_ =	sfence.stream.spmem;
	s0 =	simm.s32 $0x5  }
0x12f: {  	s2 =	simm.s32 $0x1000;
	s3 =	simm.s32 $0xF218;
	[sflag:s0] =	ssyncpa.u1 $0x0  }
0x130: {  	[tilespmem:s3], [sflag:$0x5] =	stream.linear.gather [spmem:s2], $0x20, $0x38;
	[tilespmem:$0x1F6E8] =	vst v63  }
0x131: {  	s30 =	simm.s32 $0xF238;
	s2 =	simm.s32 $0x0  }
0x132: {  	[tilespmem:s30], [sflag:$0x5] =	stream.linear.gather [spmem:s2], $0x1000, $0x38;
	[tilespmem:$0x1F6E8] =	vst v63  }
.Ltmp17:
0x133: {  	_ = 	snop;
	(pc) =	sbr.rel .LBB2_24-.Ltmp17, $4  }
0x134: {  	_ =	swait.ge [sflag:s0], $0x1020  }
0x135: {  	[sflag:s0] =	ssyncset.done $0x0  }
0x136: {  	s31 =	simm.s32 $0x6;
	[sflag:s0] =	ssyncadd.s32 $0xFFFFEFE0  }
0x137: {  	s3 =	simm.s32 $0x0;
	[sflag:s31] =	ssyncpa.u1 $0x0  }
.LBB2_30:
0x138: {  	p0 =	slt.u32 s4, $0x7F1  }
0x139: {  	s0 =	sand.u32 @p0 $0x7F8, s4  }
0x13a: {  	s4 =	sand.u32 @p0 $0x7, s4;
	s5 =	simm.s32 @p0 $0xF188;
	s0 =	sadd.s32 @p0 s1, s0  }
0x13b: {  	[tilespmem:s5], [sflag:$0x6] =	stream.linear.gather @p0 [hbm4b:s0+s4], $0x80, $0x38;
	[tilespmem:$0x1F6E8] =	vst v63  }
0x13c: {  	s0 =	simm.s32 @p0 $0x6  }
0x13d: {  	_ =	swait.ge @p0 [sflag:s0], $0x80  }
0x13e: {  	[sflag:s0] =	ssyncset.done @p0 $0x0  }
0x13f: {  	[sflag:s0] =	ssyncadd.s32 @p0 $0xFFFFFF80  }
0x140: {  	v1 =	vld @p0 [tilespmem:$0xF188];
	_ =	sdelay $0x2  }
0x141: {  	s0 =	sshll.u32 @p0 s3, $0x9  }
0x142: {  	s4 =	sshrl.u32 @p0 s0, $0x2  }
0x143: {  	[tilespmem:s4+$0xF238] =	vst.add.f32.msk @p0 $0xffff, v1  }
0x144: {  	v1 =	vld @p0 [tilespmem:$0xF198];
	_ =	sdelay $0x4  }
0x145: {  	[tilespmem:s4+$0xF248] =	vst.add.f32.msk @p0 $0xffff, v1  }
0x146: {  	v1 =	vld @p0 [tilespmem:$0xF1A8];
	_ =	sdelay $0x4  }
0x147: {  	[tilespmem:s4+$0xF258] =	vst.add.f32.msk @p0 $0xffff, v1  }
0x148: {  	v1 =	vld @p0 [tilespmem:$0xF1B8];
	_ =	sdelay $0x4  }
0x149: {  	[tilespmem:s4+$0xF268] =	vst.add.f32.msk @p0 $0xffff, v1  }
0x14a: {  	v1 =	vld @p0 [tilespmem:$0xF1C8];
	_ =	sdelay $0x4  }
0x14b: {  	[tilespmem:s4+$0xF278] =	vst.add.f32.msk @p0 $0xffff, v1  }
0x14c: {  	v1 =	vld @p0 [tilespmem:$0xF1D8];
	_ =	sdelay $0x4  }
0x14d: {  	[tilespmem:s4+$0xF288] =	vst.add.f32.msk @p0 $0xffff, v1  }
0x14e: {  	v1 =	vld @p0 [tilespmem:$0xF1E8];
	_ =	sdelay $0x4  }
0x14f: {  	[tilespmem:s4+$0xF298] =	vst.add.f32.msk @p0 $0xffff, v1  }
0x150: {  	v1 =	vld @p0 [tilespmem:$0xF1F8];
	_ =	sdelay $0x3  }
0x151: {  	s5 =	sshll.u32 @!p0 s3, $0x9  }
0x152: {  	s5 =	smov.u32 @p0 s0;
	[tilespmem:s4+$0xF2A8] =	vst.add.f32.msk @p0 $0xffff, v1  }
0x153: {  	s0 =	sshrl.u32 s5, $0x2;
	[tilespmem:s2+$0xF218] =	vst.msk $0x1, v0  }
0x154: {  	v0 =	vld [tilespmem:s0+$0xF238];
	_ =	sdelay $0x2  }
0x155: {  	s31 =	sshll.u32 s2, $0x9  }
0x156: {  	s4 =	sshra.s32 s31, $0x2  }
0x157: {  	[tilespmem:s4+$0xF238] =	vst v0  }
0x158: {  	v0 =	vld [tilespmem:s0+$0xF248];
	_ =	sdelay $0x4  }
0x159: {  	[tilespmem:s4+$0xF248] =	vst v0  }
0x15a: {  	v0 =	vld [tilespmem:s0+$0xF258];
	_ =	sdelay $0x4  }
0x15b: {  	[tilespmem:s4+$0xF258] =	vst v0  }
0x15c: {  	v0 =	vld [tilespmem:s0+$0xF268];
	_ =	sdelay $0x4  }
0x15d: {  	[tilespmem:s4+$0xF268] =	vst v0  }
0x15e: {  	v0 =	vld [tilespmem:s0+$0xF278];
	_ =	sdelay $0x4  }
0x15f: {  	[tilespmem:s4+$0xF278] =	vst v0  }
0x160: {  	v0 =	vld [tilespmem:s0+$0xF288];
	_ =	sdelay $0x4  }
0x161: {  	[tilespmem:s4+$0xF288] =	vst v0  }
0x162: {  	v0 =	vld [tilespmem:s0+$0xF298];
	_ =	sdelay $0x4  }
0x163: {  	[tilespmem:s4+$0xF298] =	vst v0  }
0x164: {  	v0 =	vld [tilespmem:s0+$0xF2A8];
	_ =	sdelay $0x4  }
0x165: {  	s2 =	sadd.s32 $0x1, s2;
	[tilespmem:s4+$0xF2A8] =	vst v0  }
.LBB2_31:
0x166: {  	s3 =	sadd.s32 $0x1, s3  }
0x167: {  	p0 =	sne.s32 s3, $0x20  }
.Ltmp18:
0x168: {  	_ = 	snop;
	(pc) =	sbr.rel @!p0 .LBB2_32-.Ltmp18, $1  }
0x169: {  	_ =	sdelay $0x3  }
.LBB2_24:
0x16a: {  	v0 =	vld.msk [tilespmem:s3+$0xF218], $0x1;
	_ =	sdelay $0x4  }
0x16b: {  	(v2sf) =	vpush v0, $0x0;
	_ =	sdelay $0xe  }
0x16c: {  	s4 =	spop (v2sf)  }
0x16d: {  	p0 =	seq.s32 s4, $0xFFFFFFFF  }
.Ltmp19:
0x16e: {  	_ = 	snop;
	(pc) =	sbr.rel @p0 .LBB2_31-.Ltmp19, $1  }
0x16f: {  	_ =	sdelay $0x3  }
0x170: {  	p0 =	slt.s32 s2, $0x1  }
.Ltmp20:
0x171: {  	_ = 	snop;
	(pc) =	sbr.rel @p0 .LBB2_30-.Ltmp20, $1  }
0x172: {  	_ =	sdelay $0x3  }
0x173: {  	s5 =	simm.s32 $0xF218;
	p0 =	por $0x0, $0x0  }
0x174: {  	v1 =	vld.msk @!p0 [tilespmem:s5+$0x0], $0x1;
	_ =	sdelay $0x4  }
0x175: {  	(v2sf) =	vpush @!p0 v1, $0x0;
	_ =	sdelay $0xd  }
0x176: {  	p2 =	sne.s32 s2, $0x1  }
.Ltmp21:
0x177: {  	s0 =	spop @!p0 (v2sf);
	(pc) =	sbr.rel @!p2 .LBB2_28-.Ltmp21, $4  }
0x178: {  	p1 =	seq.s32 @!p0 s4, s0  }
0x179: {  	s6 =	simm.s32 $0x0;
	p1 =	por !p1, p0  }
0x17a: {  	s0 =	simm.s32 $0xFFFFFFFF;
	s6 =	simm.s32 @p1 $0xFFFFFFFF  }
0x17b: {  	s7 =	simm.s32 $0x1;
	s6 =	smov.u32 @p0 s0  }
.LBB2_27:
0x17c: {  	s0 =	smov.u32 s6;
	p0 =	sne.s32 s6, $0xFFFFFFFF  }
0x17d: {  	s5 =	sadd.s32 $0x1, s5;
	s6 =	smov.u32 s7;
	s7 =	sadd.s32 $0x1, s7  }
0x17e: {  	p1 =	sne.s32 s2, s7;
	v1 =	vld.msk @!p0 [tilespmem:s5+$0x0], $0x1;
	_ =	sdelay $0x4  }
0x17f: {  	(v2sf) =	vpush @!p0 v1, $0x0;
	_ =	sdelay $0xe  }
.Ltmp22:
0x180: {  	s8 =	spop @!p0 (v2sf);
	(pc) =	sbr.rel @p1 .LBB2_27-.Ltmp22, $4  }
0x181: {  	p2 =	seq.s32 @!p0 s4, s8  }
0x182: {  	p2 =	por !p2, p0  }
0x183: {  	s6 =	simm.s32 @p2 $0xFFFFFFFF  }
0x184: {  	s6 =	smov.u32 @p0 s0  }
.LBB2_28:
0x185: {  	p0 =	seq.s32 s6, $0xFFFFFFFF  }
.Ltmp23:
0x186: {  	_ = 	snop;
	(pc) =	sbr.rel @p0 .LBB2_30-.Ltmp23, $1  }
0x187: {  	_ =	sdelay $0x3  }
0x188: {  	s0 =	sshll.u32 s3, $0x7  }
0x189: {  	s0 =	sand.u32 $0x3FFFFF80, s0  }
0x18a: {  	v0 =	vld [tilespmem:s0+$0xF238];
	_ =	sdelay $0x2  }
0x18b: {  	s4 =	sshll.u32 s6, $0x9  }
0x18c: {  	s4 =	sshra.s32 s4, $0x2  }
0x18d: {  	[tilespmem:s4+$0xF238] =	vst.add.f32.msk $0xffff, v0  }
0x18e: {  	v0 =	vld [tilespmem:s0+$0xF248];
	_ =	sdelay $0x4  }
0x18f: {  	[tilespmem:s4+$0xF248] =	vst.add.f32.msk $0xffff, v0  }
0x190: {  	v0 =	vld [tilespmem:s0+$0xF258];
	_ =	sdelay $0x4  }
0x191: {  	[tilespmem:s4+$0xF258] =	vst.add.f32.msk $0xffff, v0  }
0x192: {  	v0 =	vld [tilespmem:s0+$0xF268];
	_ =	sdelay $0x4  }
0x193: {  	[tilespmem:s4+$0xF268] =	vst.add.f32.msk $0xffff, v0  }
0x194: {  	v0 =	vld [tilespmem:s0+$0xF278];
	_ =	sdelay $0x4  }
0x195: {  	[tilespmem:s4+$0xF278] =	vst.add.f32.msk $0xffff, v0  }
0x196: {  	v0 =	vld [tilespmem:s0+$0xF288];
	_ =	sdelay $0x4  }
0x197: {  	[tilespmem:s4+$0xF288] =	vst.add.f32.msk $0xffff, v0  }
0x198: {  	v0 =	vld [tilespmem:s0+$0xF298];
	_ =	sdelay $0x4  }
0x199: {  	[tilespmem:s4+$0xF298] =	vst.add.f32.msk $0xffff, v0  }
0x19a: {  	v0 =	vld [tilespmem:s0+$0xF2A8]  }
.Ltmp24:
0x19b: {  	_ = 	snop;
	(pc) =	sbr.rel .LBB2_31-.Ltmp24, $2  }
0x19c: {  	_ =	sdelay $0x2  }
0x19d: {  	[tilespmem:s4+$0xF2A8] =	vst.add.f32.msk $0xffff, v0  }
.LBB2_32:
0x19e: {  	p0 =	slt.s32 s2, $0x1  }
.Ltmp25:
0x19f: {  	_ = 	snop;
	(pc) =	sbr.rel @p0 .LBB2_36-.Ltmp25, $3  }
0x1a0: {  	_ =	sdelay $0x1  }
0x1a1: {  	s0 =	simm.s32 $0x6  }
0x1a2: {  	s3 =	simm.s32 $0x0;
	[sflag:s0] =	ssyncpa.u1 $0x1  }
0x1a3: {  	s0 =	simm.s32 $0xF218  }
0x1a4: {  	v0 =	vld.msk [tilespmem:s0+$0x0], $0x1;
	_ =	sdelay $0x4  }
0x1a5: {  	(v2sf) =	vpush v0, $0x0;
	_ =	sdelay $0xe  }
0x1a6: {  	s2 =	sadd.s32 $0xFFFFFFFF, s2;
	s0 =	spop (v2sf)  }
0x1a7: {  	p1 =	sne.s32 s2, $0x0;
	p0 =	sgt.u32 s0, $0x7F0  }
.Ltmp26:
0x1a8: {  	s5 =	sand.u32 @!p0 $0x7F8, s0;
	(pc) =	sbr.rel @!p1 .LBB2_35-.Ltmp26, $4  }
0x1a9: {  	s4 =	simm.s32 $0xF238;
	s0 =	sand.u32 @!p0 $0x7, s0;
	s5 =	sadd.s32 @!p0 s1, s5  }
0x1aa: {  	[hbm4b:s5+s0] =	stream.linear.scatter @!p0 [tilespmem:s4], [sflag:$0x5], $0x80, $0x38;
	[tilespmem:$0x1F6E8] =	vst v63  }
0x1ab: {  	s0 =	simm.s32 $0x0  }
0x1ac: {  	s5 =	simm.s32 $0xF219;
	s0 =	simm.s32 @!p0 $0x200  }
.LBB2_34:
0x1ad: {  	v0 =	vld.msk [tilespmem:s5+$0x0], $0x1;
	s2 =	sadd.s32 $0xFFFFFFFF, s2;
	s3 =	sadd.s32 s3, s0  }
0x1ae: {  	p0 =	sne.s32 s2, $0x0;
	_ =	sdelay $0x3  }
0x1af: {  	(v2sf) =	vpush v0, $0x0;
	_ =	sdelay $0xe  }
.Ltmp27:
0x1b0: {  	s6 =	spop (v2sf);
	(pc) =	sbr.rel @p0 .LBB2_34-.Ltmp27, $4  }
0x1b1: {  	s0 =	simm.s32 $0x0;
	p1 =	sgt.u32 s6, $0x7F0  }
0x1b2: {  	s4 =	sadd.s32 $0x80, s4;
	s0 =	simm.s32 @!p1 $0x200;
	s7 =	sand.u32 @!p1 $0x7F8, s6  }
0x1b3: {  	s5 =	sadd.s32 $0x1, s5;
	s6 =	sand.u32 @!p1 $0x7, s6;
	s7 =	sadd.s32 @!p1 s1, s7  }
0x1b4: {  	[hbm4b:s7+s6] =	stream.linear.scatter @!p1 [tilespmem:s4], [sflag:$0x5], $0x80, $0x38;
	[tilespmem:$0x1F6E8] =	vst v63  }
.LBB2_35:
0x1b5: {  	s0 =	sadd.s32 s3, s0  }
0x1b6: {  	s3 =	sshrl.u32 s0, $0x2  }
.LBB2_36:
0x1b7: {  	s0 =	simm.s32 $0x5  }
0x1b8: {  	_ =	swait.ge [sflag:s0], s3  }
0x1b9: {  	s1 =	ssub.s32 $0x0, s3;
	[sflag:s0] =	ssyncset.done $0x0  }
0x1ba: {  	[sflag:s0] =	ssyncadd.s32 s1  }
0x1bb: {  	[sflag:s0] =	ssyncpa.u1 $0x1  }
0x1bc: {  	s30 =	simm.s32 $0x1;
	_ =	sfence  }
0x1bd: {  	[sflag:s30] =	ssyncpa.u1 $0x1  }
0x1be: {  	_ =	strace $0x9000005C  }
0x1bf: {  	[bflag:$0x2] =	sbarrier.arrive $0xFFFF  }
0x1c0: {  	s31 =	rddreg [dreg:$0x2]  }
0x1c1: {  	s0 =	sadd.s32 $0x100000, s31  }
0x1c2: {  	[sflag:s0] =	ssyncadd.tile.s32 $0x1;
	_ =	shalt  }
.Lfunc_end2:
_tile_overlayer_lowered:
.L_overlay_start_2:
0x1c3: {  	(tag) =	ssettag $0x2  }
0x1c4: {  	s0 =	rddreg [dreg:$0x0];
	s2 =	stileid.u32  }
0x1c5: {  	s1 =	rddreg [dreg:$0x1];
	p0 =	sne.s32 s2, $0x0  }
0x1c6: {  	s3 =	rddreg [dreg:$0x2];
	[bflag:$0x3] =	sbarrier.arrive $0xFFFF;
	s2 =	simm.s32 @!p0 $0x1C01  }
0x1c7: {  	[timem:s3], [sflag:s2] =	dma.local @!p0 [hbm:s0], s1  }
0x1c8: {  	s0 =	simm.s32 @!p0 $0x1  }
0x1c9: {  	_ =	swait.ge @!p0 [sflag:s0], s1  }
0x1ca: {  	s1 =	ssub.s32 @!p0 $0x0, s1;
	[sflag:s0] =	ssyncset.done @!p0 $0x0  }
0x1cb: {  	[sflag:s0] =	ssyncadd.s32 @!p0 s1  }
0x1cc: {  	[bflag:$0x3] =	sbarrier.arrive $0xFFFF  }
0x1cd: {  	_ =	shalt  }

// kernel: scatter_offload_async_start.5
scs
__scs_entry_jumppad:
0x0: {  	(pc) =	sbr.rel $0x88, $3  }
0x1: {  	(tag) =	ssettag $0x0;
	lr =	simm.s32 $0x1  }
0x2: {  	[smem:$0x3F96] =	sst lr;
	_ =	strace $0xD0000000  }
0x3: {  	_ = 	snop  }
0x4: {  	_ = 	snop  }
0x5: {  	_ = 	snop  }
0x6: {  	_ = 	snop  }
0x7: {  	_ = 	snop  }
__scs_overlays_trampoline_lowered:
0x8: {  	[smem:$0x3FA5] =	sst s0  }
0x9: {  	[smem:$0x3FA6] =	sst s1  }
0xa: {  	[smem:$0x3FA7] =	sst s2  }
0xb: {  	[smem:$0x3FA8] =	sst s3  }
0xc: {  	[smem:$0x3FA9] =	sst s4  }
0xd: {  	[smem:$0x3FAA] =	sst s5  }
0xe: {  	[smem:$0x3FAB] =	sst s6  }
0xf: {  	[smem:$0x3FAC] =	sst s7  }
0x10: {  	[smem:$0x3FAD] =	sst s8  }
0x11: {  	[smem:$0x3FAE] =	sst s9;
	s0 =	simm.s32 @!p0 $0x0  }
0x12: {  	s1 =	sld [smem:$0x3F94];
	s0 =	simm.s32 @p0 $0x1  }
0x13: {  	[smem:$0x3FAF] =	sst s0;
	s0 =	simm.s32 @!p1 $0x0  }
0x14: {  	s2 =	sld [smem:$0x3F93];
	s0 =	simm.s32 @p1 $0x1  }
0x15: {  	[smem:$0x3FB0] =	sst s0;
	s0 =	simm.s32 @!p2 $0x0  }
0x16: {  	s3 =	sld [smem:$0x3FDB];
	s0 =	simm.s32 @p2 $0x1  }
0x17: {  	s4 =	simm.s32 $0x1BF5;
	[smem:$0x3FB2] =	sst s0  }
0x18: {  	s0 =	sld [smem:$0x3F95];
	_ =	swait.ge [sflag:s4], $0x0  }
0x19: {  	s7 =	sld [smem:$0x3F96]  }
0x1a: {  	s8 =	sadd.s32 $0xFFFFE003, lr  }
0x1b: {  	s9 =	sadd.s32 $0xFFFFFEF7, lr;
	s5 =	simm.s32 $0xFFFFFFFF;
	p2 =	slt.u32 s8, $0xFFFFF086  }
0x1c: {  	p1 =	slt.u32 s9, $0xF7A;
	s5 =	simm.s32 @!p2 $0x0  }
0x1d: {  	s5 =	simm.s32 @p1 $0x1;
	p0 =	seq.s32 s7, s2  }
0x1e: {  	s7 =	smul.u32 @!p0 $0xF7A, s2;
	p2 =	seq.s32 @!p0 s5, $0x0  }
0x1f: {  	s9 =	smul.u32 $0xF7A, s1;
	s8 =	simm.s32 @!p0 $0x1BF5;
	p2 =	por !p2, p0  }
0x20: {  	[sflag:s8] =	ssyncset.s32 @!p0 $0xFFFFF086;
	s6 =	sadd.s32 @!p0 s3, s7;
	s7 =	simm.s32 @!p0 $0x108  }
0x21: {  	s3 =	sadd.s32 s3, s9;
	s6 =	sadd.s32 @!p0 $0x88, s6;
	s7 =	simm.s32 @p2 $0x1082  }
0x22: {  	[simem:s7], [sflag:s8] =	dma.local @!p0 [hbm:s6], $0xF7A  }
0x23: {  	s9 =	sor.u32 $0xD0000000, s2;
	s6 =	simm.s32 $0x108;
	_ =	swait.ge @!p0 [sflag:s8], $0x0  }
0x24: {  	s3 =	sadd.s32 $0x88, s3;
	s6 =	simm.s32 @!p1 $0x1082;
	[sflag:s4] =	ssyncset.s32 $0xFFFFF086  }
0x25: {  	[simem:s6], [sflag:s4] =	dma.local [hbm:s3], $0xF7A  }
0x26: {  	[smem:$0x3F96] =	sst s1;
	(tag) =	ssettag s2;
	_ =	strace s9  }
0x27: {  	s1 =	sld [smem:$0x3FA6]  }
0x28: {  	s2 =	sld [smem:$0x3FA7]  }
0x29: {  	s4 =	sld [smem:$0x3FA9]  }
0x2a: {  	p0 =	seq.s32 s5, $0x0;
	s5 =	sld [smem:$0x3FAA]  }
0x2b: {  	s6 =	sld [smem:$0x3FAB]  }
0x2c: {  	s7 =	sld [smem:$0x3FAC]  }
0x2d: {  	s3 =	simm.s32 $0x108;
	s8 =	sld [smem:$0x3FAD]  }
0x2e: {  	s3 =	simm.s32 @!p0 $0x1082;
	s9 =	sld [smem:$0x3FAE]  }
0x2f: {  	lr =	sadd.s32 s0, s3;
	s0 =	sld [smem:$0x3FA5]  }
0x30: {  	s3 =	sld [smem:$0x3FA8]  }
0x31: {  	[smem:$0x3FB1] =	sst s10  }
0x32: {  	s10 =	sld [smem:$0x3FAF];
	_ =	sdelay $0x3  }
0x33: {  	p0 =	seq.s32 s10, $0x1;
	s10 =	sld [smem:$0x3FB1];
	_ =	sdelay $0x3  }
0x34: {  	[smem:$0x3FB1] =	sst s10  }
0x35: {  	s10 =	sld [smem:$0x3FB0];
	_ =	sdelay $0x3  }
0x36: {  	p1 =	seq.s32 s10, $0x1;
	s10 =	sld [smem:$0x3FB1];
	_ =	sdelay $0x3  }
0x37: {  	[smem:$0x3FB1] =	sst s10  }
0x38: {  	s10 =	sld [smem:$0x3FB2]  }
0x39: {  	_ = 	snop;
	(pc) =	sbr.ind lr, $3  }
0x3a: {  	_ = 	snop  }
0x3b: {  	_ = 	snop  }
0x3c: {  	p2 =	seq.s32 s10, $0x1;
	s10 =	sld [smem:$0x3FB1]  }
0x3d: {  	_ =	shalt  }
0x3e: {  	_ =	shalt  }
0x3f: {  	_ =	shalt  }
0x40: {  	_ =	shalt  }
0x41: {  	_ =	shalt  }
0x42: {  	_ =	shalt  }
0x43: {  	_ =	shalt  }
0x44: {  	_ =	shalt  }
0x45: {  	_ =	shalt  }
0x46: {  	_ =	shalt  }
0x47: {  	_ =	shalt  }
0x48: {  	_ =	shalt  }
0x49: {  	_ =	shalt  }
0x4a: {  	_ =	shalt  }
0x4b: {  	_ =	shalt  }
0x4c: {  	_ =	shalt  }
0x4d: {  	_ =	shalt  }
0x4e: {  	_ =	shalt  }
0x4f: {  	_ =	shalt  }
0x50: {  	_ =	shalt  }
0x51: {  	_ =	shalt  }
0x52: {  	_ =	shalt  }
0x53: {  	_ =	shalt  }
0x54: {  	_ =	shalt  }
0x55: {  	_ =	shalt  }
0x56: {  	_ =	shalt  }
0x57: {  	_ =	shalt  }
0x58: {  	_ =	shalt  }
0x59: {  	_ =	shalt  }
0x5a: {  	_ =	shalt  }
0x5b: {  	_ =	shalt  }
0x5c: {  	_ =	shalt  }
0x5d: {  	_ =	shalt  }
0x5e: {  	_ =	shalt  }
0x5f: {  	_ =	shalt  }
0x60: {  	_ =	shalt  }
0x61: {  	_ =	shalt  }
0x62: {  	_ =	shalt  }
0x63: {  	_ =	shalt  }
0x64: {  	_ =	shalt  }
0x65: {  	_ =	shalt  }
0x66: {  	_ =	shalt  }
0x67: {  	_ =	shalt  }
0x68: {  	_ =	shalt  }
0x69: {  	_ =	shalt  }
0x6a: {  	_ =	shalt  }
0x6b: {  	_ =	shalt  }
0x6c: {  	_ =	shalt  }
0x6d: {  	_ =	shalt  }
0x6e: {  	_ =	shalt  }
0x6f: {  	_ =	shalt  }
0x70: {  	_ =	shalt  }
0x71: {  	_ =	shalt  }
0x72: {  	_ =	shalt  }
0x73: {  	_ =	shalt  }
0x74: {  	_ =	shalt  }
0x75: {  	_ =	shalt  }
0x76: {  	_ =	shalt  }
0x77: {  	_ =	shalt  }
0x78: {  	_ =	shalt  }
0x79: {  	_ =	shalt  }
0x7a: {  	_ =	shalt  }
0x7b: {  	_ =	shalt  }
0x7c: {  	_ =	shalt  }
0x7d: {  	_ =	shalt  }
0x7e: {  	_ =	shalt  }
0x7f: {  	_ =	shalt  }
0x80: {  	_ =	shalt  }
0x81: {  	_ =	shalt  }
0x82: {  	_ =	shalt  }
0x83: {  	_ =	shalt  }
0x84: {  	_ =	shalt  }
0x85: {  	_ =	shalt  }
0x86: {  	_ =	shalt  }
0x87: {  	_ =	shalt  }
.Lfunc_end0:
.L_simem_size_0:
called_computation.5_lowered:
.L_overlay_start_0:
0x88: {  	s0 =	sld [smem:$0x3FD9]  }
0x89: {  	s1 =	sld [smem:$0x3FFE];
	_ =	sdelay $0x3  }
0x8a: {  	s0 =	sadd.s32 s1, s0  }
0x8b: {  	[smem:$0x3FBD] =	sst s0  }
0x8c: {  	_ = 	snop  }
0x8d: {  	(tm) =	ssettm $0x1  }
0x8e: {  	s15 =	sld [smem:$0x3FFB];
	_ =	sdelay $0x3  }
0x8f: {  	_ =	strace s15  }
0x90: {  	s0 =	sld [smem:$0x3FFC];
	_ =	sdelay $0x3  }
0x91: {  	_ =	strace s0  }
0x92: {  	s0 =	sld [smem:$0x3FFD];
	_ =	sdelay $0x3  }
0x93: {  	_ =	strace s0  }
0x94: {  	_ =	strace $0x8FFFFFFF  }
0x95: {  	s16 =	sld [smem:$0x3FDB];
	_ =	sdelay $0x1  }
0x96: {  	s17 =	simm.s32 $_scs_section_size  }
0x97: {  	s2 =	simm.s32 $_size__tile_overlayer_lowered;
	s3 =	simm.s32 $_tile_overlayer_lowered  }
0x98: {  	s20 =	simm.s32 $0x1BFF;
	s19 =	sshll.u32 s3, $0x1;
	s0 =	sadd.s32 s17, s16  }
0x99: {  	s4 =	simm.s32 $0x0;
	s18 =	sshll.u32 s2, $0x1;
	s2 =	sadd.s32 s19, s0  }
0x9a: {  	[timem:s4], [sflag:s20] =	dma.local [hbm:s2], s18  }
0x9b: {  	_ =	swait.ge [sflag:s20], s18  }
0x9c: {  	s1 =	ssub.s32 $0x0, s18;
	[sflag:s20] =	ssyncset.done $0x0  }
0x9d: {  	[sflag:s20] =	ssyncadd.s32 s1;
	_ =	sdelay $0x1  }
0x9e: {  	s21 =	simm.s32 $0x1B8B  }
0x9f: {  	_ =	swait.ge [sflag:s21], $0x1  }
0xa0: {  	[sflag:s21] =	ssyncset.done $0x0  }
0xa1: {  	s23 =	simm.s32 $0x1B8E;
	s22 =	sld [smem:$0x3FFE];
	[sflag:s21] =	ssyncadd.s32 $0xFFFFFFFF  }
0xa2: {  	s24 =	simm.s32 $execute0_lowered;
	[smem:$0x3FD2] =	sst s23  }
0xa3: {  	s2 =	sshll.u32 s24, $0x1;
	_ =	strace $0x80000058;
	[dreg:$0x1] =	wrdreg $0xFFFFFFFF  }
0xa4: {  	s25 =	simm.s32 $_size_execute0_lowered;
	s0 =	sadd.s32 s0, s2;
	[dreg:$0x0] =	wrdreg $0x0  }
0xa5: {  	s2 =	sshll.u32 s25, $0x1;
	[dreg:$0x2] =	wrdreg s0  }
0xa6: {  	[dreg:$0x3] =	wrdreg s2  }
0xa7: {  	[dreg:$0x4] =	wrdreg $0xC0  }
0xa8: {  	_ =	task [dreg:s4], $0x5FFFF  }
0xa9: {  	[dreg:$0x1] =	wrdreg $0xFFFFFFFF  }
0xaa: {  	[dreg:$0x0] =	wrdreg $0x60  }
0xab: {  	[dreg:$0x2] =	wrdreg s22  }
0xac: {  	[dreg:$0x3] =	wrdreg $0xA  }
0xad: {  	_ =	task.clear_ibuf [dreg:s4], $0x4FFFF;
	_ =	strace $0x90000058  }
0xae: {  	s26 =	simm.s32 $0xA;
	_ =	strace $0x8000005A  }
0xaf: {  	_ =	swait.ge [sflag:s26], $0x1  }
0xb0: {  	[sflag:s26] =	ssyncadd.s32 $0xFFFFFFFF  }
0xb1: {  	_ =	strace $0x9000005A  }
0xb2: {  	_ =	sfence  }
0xb3: {  	s28 =	sld [smem:$0x0];
	_ =	sdelay $0x1  }
0xb4: {  	s29 =	srdreg.scid  }
0xb5: {  	s30 =	sshll.u32 s29, $0xD;
	s31 =	sshrl.u32 s29, $0x2  }
0xb6: {  	s1 =	sand.u32 $0x1, s29;
	s2 =	sand.u32 $0x4000, s30;
	s0 =	sadd.s32 s31, s28  }
0xb7: {  	s1 =	sor.u32 s2, s1;
	s0 =	sshll.u32 s0, $0x11  }
0xb8: {  	s0 =	sor.u32 s0, s1  }
0xb9: {  	s0 =	sadd.s32 $0x8F2B, s0  }
0xba: {  	[sflag:s0] =	ssyncadd.remote.s32 $0x1  }
0xbb: {  	_ =	sfence.sel $0xFFFF  }
0xbc: {  	[dreg:$0x0] =	wrdreg $0xFFFFFFFF;
	(pc) =	sbr.abs _section_cstart, $3  }
0xbd: {  	[dreg:$0x1] =	wrdreg $0xFFFFFFFF  }
0xbe: {  	_ =	task.clear_ibuf [dreg:s4], $0x2FFFF;
	_ =	strace $0x9FFFFFFF  }
0xbf: {  	(tm) =	ssettm $0x7FFFFFFF  }
tec
execute0_lowered:
.L_overlay_start_1:
0x0: {  	(tag) =	ssettag $0x1  }
0x1: {  	s6 =	stileid.u32  }
0x2: {  	s0 =	rddreg [dreg:$0x0];
	_ =	strace $0x80000059;
	s1 =	smin.u32 s6, $0x9  }
0x3: {  	s2 =	simm.s32 $0x1;
	p0 =	slt.u32 s6, $0x9;
	s1 =	sadd.s32 s6, s1  }
0x4: {  	v1 =	vimm.s32 $0xFFFFFFFF;
	[sflag:s2] =	ssyncpa.u1 $0x0;
	s3 =	smul.u32 $0x190, s1;
	s1 =	simm.s32 $0x320  }
0x5: {  	[tilespmem:$0x10] =	vst v1;
	s1 =	simm.s32 @!p0 $0x190  }
0x6: {  	v0 =	vimm.f32 $0.0e+00;
	[tilespmem:$0x20] =	vst v1;
	s1 =	sadd.s32 s1, s3  }
0x7: {  	[tilespmem:$0x30] =	vst v0;
	s4 =	smin.u32 s1, $0x2710  }
0x8: {  	[tilespmem:$0x40] =	vst v0;
	s9 =	ssub.s32 s4, s3  }
0x9: {  	[tilespmem:$0x50] =	vst v0;
	p0 =	sgt.s32 s9, $0x0  }
0xa: {  	s7 =	simm.s32 $0x2;
	[tilespmem:$0x60] =	vst v1;
	s9 =	simm.s32 @!p0 $0x0  }
0xb: {  	s8 =	simm.s32 $0x8;
	s31 =	simm.s32 $0x9;
	[tilespmem:$0x70] =	vst v1;
	s30 =	sand.u32 $0xFFF0, s9  }
0xc: {  	s16 =	simm.s32 $0x0;
	s17 =	simm.s32 $0xF0;
	[tilespmem:$0x80] =	vst v1;
	s1 =	sshrl.u32 s30, $0x4  }
0xd: {  	s18 =	simm.s32 $0xFFFFFFFF;
	s19 =	simm.s32 $0xFFFFFDE0;
	v1 =	vimm.s32 $0x0;
	[tilespmem:$0xB0] =	vst v0;
	s5 =	smul.u32 $0xA3E, s1  }
0xe: {  	s20 =	simm.s32 $0xFFFFFFFE;
	s21 =	simm.s32 $0xF;
	s25 =	simm.s32 $0x0;
	[tilespmem:$0x90] =	vst v1  }
0xf: {  	[tilespmem:$0xA0] =	vst v1;
	[sflag:s7] =	ssyncpa.u1 $0x0;
	s7 =	simm.s32 $0x7;
	s10 =	sshrl.u32 s5, $0x10  }
0x10: {  	s24 =	simm.s32 $0x0;
	[sflag:s7] =	ssyncpa.u1 $0x0;
	s11 =	smul.u32 $0x190, s10  }
0x11: {  	s14 =	sshllo.u32 s6, $0x1;
	[sflag:s8] =	ssyncpa.u1 $0x0;
	s23 =	smov.u32 s3  }
.Ltmp0:
0x12: {  	s1 =	sadd.s32 $0x28A00, s0;
	p0 =	sne.s32 s9, s11;
	(pc) =	sbr.rel .LBB2_1-.Ltmp0, $4  }
0x13: {  	s5 =	sadd.s32 $0xC00, s0;
	s0 =	sadd.s32 $0x1200, s0;
	s2 =	simm.s32 @!p0 $0x0  }
0x14: {  	[sflag:s31] =	ssyncpa.u1 $0x0;
	[dreg:$0x2] =	wrdreg s0;
	s9 =	sadd.s32 s10, s2  }
0x15: {  	vm0 =	vmmov $0xffff;
	v2 =	vlaneseq.u32;
	p0 =	por $0x0, $0x0;
	s10 =	sshll.u32 s6, $0x1;
	s11 =	sadd.s32 $0x1, s9  }
0x16: {  	vm1 =	vmxor vm1, vm1;
	vm2 =	vmmov $0x1;
	vm3 =	vcmask $0x3F3C;
	s12 =	sadd.s32 $0x2, s9;
	s13 =	sor.u32 $0x81, s10;
	s15 =	sor.u32 $0x80, s10  }
.LBB2_9:
0x17: {  	p1 =	slt.u32 s24, $0x3  }
0x18: {  	s0 =	simm.s32 @!p1 $0x2  }
0x19: {  	_ =	swait.ge @!p1 [sflag:s0], $0x190  }
0x1a: {  	[sflag:s0] =	ssyncset.done @!p1 $0x0  }
0x1b: {  	[sflag:s0] =	ssyncadd.s32 @!p1 $0xFFFFFE70;
	s0 =	simm.s32 @!p1 $0x9  }
0x1c: {  	_ =	swait.ge @!p1 [sflag:s0], $0x10  }
0x1d: {  	[sflag:s0] =	ssyncset.done @!p1 $0x0  }
0x1e: {  	[sflag:s0] =	ssyncadd.s32 @!p1 $0xFFFFFFF0;
	p1 =	sne.s32 s24, s12  }
.Ltmp1:
0x1f: {  	s2 =	sadd.s32 $0x190, s23;
	(pc) =	sbr.rel @!p1 .LBB2_10-.Ltmp1, $4  }
0x20: {  	s6 =	smov.u32 s3;
	s31 =	sadd.s32 $0x1, s24;
	s17 =	sadd.s32 $0x190, s17  }
0x21: {  	s18 =	sadd.s32 $0x1, s18;
	s25 =	smov.u32 s23;
	p2 =	slt.s32 s2, s4  }
0x22: {  	p0 =	por !p0, !p0;
	s19 =	sadd.s32 $0x190, s19;
	s6 =	smov.u32 @p2 s2  }
0x23: {  	s20 =	sadd.s32 $0x1, s20;
	s23 =	smov.u32 s6;
	s24 =	smov.u32 s31  }
.LBB2_1:
0x24: {  	p1 =	sge.u32 s24, s9  }
0x25: {  	s0 =	smulhi.u32 @!p1 $0xAAAAAAAB, s24;
	_ =	sdelay $0x1  }
0x26: {  	s0 =	sshrl.u32 @!p1 s0, $0x1  }
0x27: {  	s0 =	smul.u32 @!p1 $0x3, s0;
	_ =	sdelay $0x1  }
0x28: {  	s0 =	ssub.s32 @!p1 s24, s0  }
0x29: {  	s0 =	smul.u32 @!p1 $0x640, s0;
	_ =	sdelay $0x1  }
0x2a: {  	s2 =	sshrl.u32 @!p1 s23, $0x3;
	s0 =	sshrl.u32 @!p1 s0, $0x2  }
0x2b: {  	s22 =	sand.u32 @!p1 $0x7, s23;
	s2 =	sadd.s32 @!p1 s5, s2;
	s0 =	sadd.s32 @!p1 $0x100, s0  }
0x2c: {  	[tilespmem:s0], [sflag:$0x7] =	stream.linear.gather @!p1 [hbm4b:s2+s22], $0x190, $0x38;
	[tilespmem:$0xF30] =	vst v63  }
0x2d: {  	s0 =	sadd.s32 $0xFFFFFFFF, s24  }
0x2e: {  	p1 =	sge.u32 s0, s9  }
.Ltmp2:
0x2f: {  	_ = 	snop;
	(pc) =	sbr.rel @p1 .LBB2_5-.Ltmp2, $1  }
0x30: {  	_ =	sdelay $0x3  }
0x31: {  	s2 =	smulhi.u32 $0xAAAAAAAB, s0;
	_ =	sdelay $0x1  }
0x32: {  	s2 =	sshrl.u32 s2, $0x1  }
0x33: {  	s2 =	smul.u32 $0x3, s2;
	_ =	sdelay $0x1  }
0x34: {  	s2 =	ssub.s32 s0, s2  }
0x35: {  	s2 =	smul.u32 $0x640, s2  }
0x36: {  	_ =	swait.ge [sflag:s7], $0x190  }
0x37: {  	[sflag:s7] =	ssyncset.done $0x0;
	s2 =	sshrl.u32 s2, $0x2  }
0x38: {  	[sflag:s7] =	ssyncadd.s32 $0xFFFFFE70;
	(ifvalue) =	ssetifvalue $0xFFFFFFFF;
	v3 =	vld.msk [tilespmem:s2+$0x100 ss:$0x1], $0xffff;
	_ =	sdelay $0x2  }
0x39: {  	s30 =	smulhi.u32 $0xAAAAAAAB, s18;
	p1 =	sne.s32 s24, $0x1  }
0x3a: {  	v4 =	vimm.s32 @!p1 $0x0  }
0x3b: {  	s2 =	sshrl.u32 s30, $0x1;
	v4 =	vperm.xlane @!p1 v3, v4  }
0x3c: {  	s22 =	sshll.u32 s24, $0x4;
	s2 =	smul.u32 $0xFFFFED40, s2;
	vm4 =	vlt.u32 v3, $0x80  }
0x3d: {  	s22 =	sand.u32 $0x10, s22;
	v3 =	vnsel vm4, $0xFFFFFFFE, v3;
	vm4 =	vlt.u32 @!p1 v4, $0x80  }
0x3e: {  	s2 =	sshra.s32 s2, $0x2;
	[tilespmem:s22+$0x60] =	vst v3;
	v3 =	vnsel @!p1 vm4, $0xFFFFFFFE, v4  }
0x3f: {  	s28 =	sadd.s32 s2, s17;
	[tilespmem:$0x80] =	vst @!p1 v3  }
0x40: {  	v3 =	vld.msk [tilespmem:s28+$0x0 ss:$0x1], $0xffff;
	_ =	sdelay $0x4  }
0x41: {  	(xrf1) =	vunique.msk.u32 $0xffff, v3;
	_ =	sdelay $0xd  }
0x42: {  	v4 =	vimm.s32 $0xFFFFFFFF;
	v5, _, _ =	vpop (xrf1)  }
0x43: {  	vm5 =	vne.s32 v3, v4;
	vm4 =	veq.s32 v5, v2  }
0x44: {  	vm6 =	vlt.u32 v3, $0x80;
	vm4 =	vmand vm5, vm4  }
0x45: {  	vm4 =	vmand vm6, vm4  }
0x46: {  	v4 =	vnsel vm4, $0xFFFFFFFF, v3  }
0x47: {  	s31 =	sand.u32 $0x1, s0  }
0x48: {  	s0 =	simm.s32 $0x190;
	p1 =	seq.s32 s31, $0x1  }
0x49: {  	s0 =	simm.s32 @!p1 $0x0  }
0x4a: {  	s26 =	sadd.s32 $0x730, s0;
	(ifvalue) =	ssetifvalue $0xFFFFFFFF  }
0x4b: {  	v3 =	vperm.xlane v3, v1;
	[tilespmem:s26], [sflag:$0x8] =	stream.indirect_vreg.gather [hbm4b:s1+s16], $0x1, v4, vm0, $0x4038;
	v4 =	vnsel vm6, $0xFFFFFFFE, v4;
	[tilespmem:$0xF30] =	vst v63  }
0x4c: {  	s2 =	simm.s32 $0x0;
	s22 =	sadd.s32 $0xFFFFFFF0, s28;
	[tilespmem:s28+$0x0] =	vst v4  }
.LBB2_3:
0x4d: {  	v4 =	vld.msk [tilespmem:s22+$0x0 ss:$0x1], $0xffff;
	s2 =	sadd.s32 $0x10, s2;
	v5 =	vmov v3;
	s28 =	smov.u32 s22  }
0x4e: {  	p1 =	slt.u32 s2, $0x180;
	_ =	sdelay $0x4  }
0x4f: {  	v3 =	vperm.xlane v4, v1;
	(xrf1) =	vunique.msk.u32 $0xffff, v4;
	_ =	sdelay $0xd  }
0x50: {  	v6, _, _ =	vpop (xrf1)  }
0x51: {  	vm5 =	vne.s32 v4, v5;
	vm4 =	veq.s32 v6, v2  }
0x52: {  	vm6 =	vlt.u32 v4, $0x80;
	vm4 =	vmand vm5, vm4  }
0x53: {  	vm4 =	vmand vm6, vm4  }
0x54: {  	v4 =	vnsel vm4, $0xFFFFFFFF, v4  }
.Ltmp3:
0x55: {  	v5 =	vnsel vm6, $0xFFFFFFFE, v4;
	(pc) =	sbr.rel @p1 .LBB2_3-.Ltmp3, $3  }
0x56: {  	_ =	sdelay $0x1  }
0x57: {  	s22 =	sadd.s32 $0xFFFFFFF0, s22;
	s26 =	sadd.s32 $0xFFFFFFF0, s26;
	(ifvalue) =	ssetifvalue $0xFFFFFFFF  }
0x58: {  	[tilespmem:s26], [sflag:$0x8] =	stream.indirect_vreg.gather [hbm4b:s1+s16], $0x1, v4, vm0, $0x4038;
	[tilespmem:s28+$0x0] =	vst v5  }
0x59: {  	s2 =	sshrl.u32 s25, $0x3;
	s6 =	rddreg [dreg:$0x2]  }
0x5a: {  	s0 =	sadd.s32 $0x8D0, s0;
	s2 =	sadd.s32 s6, s2  }
0x5b: {  	[tilespmem:s0], [sflag:$0x8] =	stream.linear.gather [hbm:s2], $0x190, $0x38;
	[tilespmem:$0xF30] =	vst v63  }
.LBB2_5:
0x5c: {  	p1 =	slt.u32 s24, $0x2  }
0x5d: {  	p2 =	sge.u32 @!p1 s24, s12  }
0x5e: {  	p1 =	por p1, p2  }
.Ltmp4:
0x5f: {  	_ = 	snop;
	(pc) =	sbr.rel @p1 .LBB2_9-.Ltmp4, $1  }
0x60: {  	_ =	sdelay $0x3  }
0x61: {  	s0 =	sadd.s32 $0xFFFFFFFE, s24  }
0x62: {  	s2 =	smulhi.u32 $0xAAAAAAAB, s0;
	_ =	sdelay $0x1  }
0x63: {  	s2 =	sshrl.u32 s2, $0x1  }
0x64: {  	s2 =	smul.u32 $0x3, s2;
	_ =	sdelay $0x1  }
0x65: {  	s0 =	ssub.s32 s0, s2  }
0x66: {  	_ =	swait.ge [sflag:s8], $0x320;
	s0 =	smul.u32 $0x190, s0  }
0x67: {  	p1 =	sne.s32 s24, s11;
	[sflag:s8] =	ssyncset.done $0x0  }
0x68: {  	[sflag:s8] =	ssyncadd.s32 $0xFFFFFCE0;
	s2 =	sadd.s32 @!p1 $0x28F, s0  }
0x69: {  	[spmem:s13] =	stream.linear.scatter @!p1 [tilespmem:s2], [sflag:$0x1], $0x1, $0x38;
	[tilespmem:$0xF30] =	vst v63  }
0x6a: {  	s2 =	simm.s32 @!p1 $0x1  }
0x6b: {  	_ =	swait.ge @!p1 [sflag:s2], $0x1  }
0x6c: {  	s22 =	sshll.u32 s24, $0x4;
	[sflag:s2] =	ssyncset.done @!p1 $0x0  }
0x6d: {  	s25 =	sand.u32 $0x10, s22;
	[sflag:s2] =	ssyncadd.s32 @!p1 $0xFFFFFFFF  }
0x6e: {  	s2 =	sxor.u32 $0x10, s25;
	v4 =	vld [tilespmem:s25+$0x10]  }
0x6f: {  	v5 =	vld [tilespmem:s2+$0x60]  }
0x70: {  	v3 =	vld [tilespmem:$0x80];
	_ =	sdelay $0x2  }
0x71: {  	(v2sf) =	vpush v4, $0x0  }
0x72: {  	(v2sf) =	vpush v5, $0x0  }
0x73: {  	(v2sf) =	vpush v3, $0x0;
	_ =	sdelay $0xc  }
0x74: {  	s6 =	spop (v2sf)  }
0x75: {  	s28 =	spop (v2sf)  }
0x76: {  	s26 =	spop (v2sf)  }
0x77: {  	p2 =	seq.s32 s6, s28;
	p3 =	seq.s32 s26, s6  }
0x78: {  	p3 =	por p2, p3  }
0x79: {  	s6 =	sand.u32 $0x1, s24;
	v4 =	vpsel p3, $0xFFFFFFFF, v4  }
0x7a: {  	s28 =	smul.u32 $0x190, s6;
	[tilespmem:s25+$0x10] =	vst.msk $0x1, v4  }
0x7b: {  	v4 =	vld [tilespmem:$0x30]  }
0x7c: {  	v5 =	vld [tilespmem:s28+$0x8D0]  }
0x7d: {  	v6 =	vld [tilespmem:s25+$0x40];
	_ =	sdelay $0x3  }
0x7e: {  	vm4 =	vmmov vm1;
	v5 =	vadd.f32 v5, v4  }
0x7f: {  	vm5 =	vmmov vm2;
	vm4 =	vmmov @p2 vm2;
	v4 =	vadd.f32 v6, v4  }
0x80: {  	s22 =	sshll.u32 s6, $0x4;
	vm5 =	vmmov @p3 vm1;
	[tilespmem:s28+$0x8D0] =	vst.msk vm4, v5  }
0x81: {  	[tilespmem:s22+$0xF10] =	vst.msk vm5, v4  }
0x82: {  	v4 =	vld [tilespmem:s28+$0x730];
	_ =	sdelay $0x3  }
0x83: {  	v5 =	vimm.f32 $0.0e+00  }
0x84: {  	v4 =	vshift.insert v4, v5, s21  }
0x85: {  	s29 =	sor.u32 $0x40, s2  }
0x86: {  	[tilespmem:s29+$0x0] =	vst.msk $0x1, v4  }
0x87: {  	[tilespmem:s28+$0x73F] =	vst.msk $0x1, v5  }
0x88: {  	v4 =	vld [tilespmem:s0+$0x280];
	_ =	sdelay $0x1  }
0x89: {  	s29 =	smulhi.u32 $0xAAAAAAAB, s20;
	s0 =	simm.s32 $0x1  }
0x8a: {  	s0 =	simm.s32 @!p0 $0x0  }
0x8b: {  	s29 =	sshrl.u32 s29, $0x1;
	s0 =	smul.u32 $0x640, s0  }
0x8c: {  	s29 =	smul.u32 $0xFFFFED40, s29;
	v4 =	vshift.insert v4, v1, s21  }
0x8d: {  	s0 =	sshrl.u32 s0, $0x2  }
0x8e: {  	s29 =	sshra.s32 s29, $0x2;
	s30 =	sadd.s32 $0x8D0, s0;
	[tilespmem:s2+$0x10] =	vst.msk $0x1, v4  }
0x8f: {  	s6 =	sadd.s32 s29, s19;
	v6 =	vld [tilespmem:s30+$0x0]  }
0x90: {  	v7 =	vld [tilespmem:s6+$0x0];
	_ =	sdelay $0x3  }
0x91: {  	v5 =	vadd.f32 v6, v5  }
0x92: {  	vm4 =	vne.s32 v7, $0xFFFFFFFF  }
0x93: {  	(xrf2) =	vadd.seg.scan.f32 vm4, v5;
	_ =	sdelay $0x3  }
0x94: {  	s31 =	sadd.s32 $0x5B0, s0;
	v5 =	vperm.xlane v4, v1  }
0x95: {  	v6 =	vld [tilespmem:s31+$0x0]  }
0x96: {  	vm5 =	veq.s32 v7, v3;
	vm6 =	veq.s32 v7, v5  }
0x97: {  	vm7 =	vgt.u32 v7, $0xFFFFFFFD;
	vm6 =	vmor vm6, vm5  }
0x98: {  	vm6 =	vmor vm6, vm7  }
0x99: {  	v9 =	vld [tilespmem:$0xA0];
	v7 =	vsel vm6, $0xFFFFFFFF, v7  }
0x9a: {  	v10 =	vld [tilespmem:$0x90];
	v6 =	vsel vm5, $0x0, v6;
	v8, _, _ =	vpop (xrf2)  }
0x9b: {  	v6 =	vadd.f32 v8, v6  }
0x9c: {  	s0 =	sadd.s32 $0xBF0, s0  }
0x9d: {  	vm4 =	vmand vm4, vm3;
	[tilespmem:s0+$0x0] =	vst v6;
	(ifvalue) =	ssetifvalue $0xFFFFFFFF  }
0x9e: {  	vm6 =	veq.s32 v9, $0x1;
	[hbm4b:s1+s16] =	stream.indirect_vreg.scatter [tilespmem:s0], [sflag:$0x2], $0x1, v7, vm0, $0x4038;
	v7 =	vsel vm4, $0x0, v8;
	[tilespmem:$0xF30] =	vst v63  }
0x9f: {  	s29 =	sadd.s32 $0xF10, s22;
	s22 =	sadd.s32 $0x10, s6;
	s2 =	simm.s32 $0x0;
	vm4 =	vmor vm6, vm5;
	v6 =	vsel vm5, v8, v10;
	v7 =	vshift.insert v7, v0, s21  }
.LBB2_7:
0xa0: {  	v8 =	vld [tilespmem:s22+$0x0];
	s30 =	sadd.s32 $0x10, s30  }
0xa1: {  	s31 =	sadd.s32 $0x10, s31;
	v9 =	vld [tilespmem:s30+$0x0]  }
0xa2: {  	s2 =	sadd.s32 $0x10, s2;
	v10 =	vld [tilespmem:s31+$0x0]  }
0xa3: {  	p2 =	slt.u32 s2, $0x180;
	_ =	sdelay $0x2  }
0xa4: {  	v7 =	vadd.f32 v9, v7  }
0xa5: {  	vm5 =	vne.s32 v8, $0xFFFFFFFF  }
0xa6: {  	vm6 =	vmand vm5, vm3;
	(xrf2) =	vadd.seg.scan.f32 vm5, v7;
	_ =	sdelay $0x5  }
0xa7: {  	vm7 =	veq.s32 v8, v5;
	vm5 =	veq.s32 v8, v3  }
0xa8: {  	vm8 =	vgt.u32 v8, $0xFFFFFFFD;
	vm4 =	vmor vm4, vm5;
	vm7 =	vmor vm7, vm5  }
0xa9: {  	vm7 =	vmor vm7, vm8  }
0xaa: {  	v8 =	vsel vm7, $0xFFFFFFFF, v8  }
.Ltmp5:
0xab: {  	v7 =	vsel vm5, $0x0, v10;
	v9, _, _ =	vpop (xrf2);
	(pc) =	sbr.rel @p2 .LBB2_7-.Ltmp5, $4  }
0xac: {  	v6 =	vsel vm5, v9, v6;
	v10 =	vadd.f32 v9, v7;
	v7 =	vsel vm6, $0x0, v9  }
0xad: {  	s0 =	sadd.s32 $0x10, s0;
	v7 =	vshift.insert v7, v0, s21  }
0xae: {  	s22 =	sadd.s32 $0x10, s22;
	[tilespmem:s0+$0x0] =	vst v10;
	(ifvalue) =	ssetifvalue $0xFFFFFFFF  }
0xaf: {  	[hbm4b:s1+s16] =	stream.indirect_vreg.scatter [tilespmem:s0], [sflag:$0x2], $0x1, v8, vm0, $0x4038;
	[tilespmem:$0xF30] =	vst v63  }
0xb0: {  	v3 =	vld [tilespmem:s28+$0xD70];
	_ =	sdelay $0x4  }
0xb1: {  	v3 =	vshift.insert v3, v0, s21  }
0xb2: {  	s0 =	simm.s32 $0x30  }
0xb3: {  	[tilespmem:s0+$0x0] =	vst.msk $0x1, v3  }
0xb4: {  	v3 =	vsel vm4, $0x1, v1;
	[tilespmem:$0x90] =	vst v6  }
0xb5: {  	s0 =	sadd.s32 @!p1 $0xD7F, s28;
	[tilespmem:$0xA0] =	vst v3  }
0xb6: {  	[spmem:s14] =	stream.linear.scatter @!p1 [tilespmem:s0], [sflag:$0x1], $0x1, $0x38;
	[tilespmem:$0xF30] =	vst v63  }
0xb7: {  	s0 =	simm.s32 @!p1 $0x1  }
0xb8: {  	v3 =	vmctz.xlane @!p1 vm4;
	_ =	swait.ge @!p1 [sflag:s0], $0x1  }
0xb9: {  	(v2sf) =	vpush @!p1 v4, $0x0  }
0xba: {  	(v2sf) =	vpush @!p1 v3, $0x0;
	_ =	sdelay $0xd  }
0xbb: {  	s2 =	spop @!p1 (v2sf)  }
0xbc: {  	s6 =	spop @!p1 (v2sf)  }
0xbd: {  	p2 =	sne.s32 @!p1 s26, s2;
	p3 =	slt.s32 @!p1 s6, $0xF  }
0xbe: {  	[sflag:s0] =	ssyncset.done @!p1 $0x0;
	p2 =	por p2, p1;
	p3 =	por !p3, p1  }
0xbf: {  	[sflag:s0] =	ssyncadd.s32 @!p1 $0xFFFFFFFF;
	v3 =	vimm.s32 @!p2 $0xFFFFFFFF;
	s6 =	simm.s32 @p3 $0xF  }
0xc0: {  	[tilespmem:$0x80] =	vst @!p2 v3;
	s2 =	sadd.s32 @!p1 $0x90, s6  }
0xc1: {  	[spmem:s10] =	stream.linear.scatter @!p1 [tilespmem:s2], [sflag:$0x1], $0x1, $0x38;
	[tilespmem:$0xF30] =	vst v63  }
0xc2: {  	_ =	swait.ge @!p1 [sflag:s0], $0x1  }
0xc3: {  	[sflag:s0] =	ssyncset.done @!p1 $0x0  }
0xc4: {  	s2 =	simm.s32 @!p1 $0x80;
	[sflag:s0] =	ssyncadd.s32 @!p1 $0xFFFFFFFF  }
0xc5: {  	[spmem:s15] =	stream.linear.scatter @!p1 [tilespmem:s2], [sflag:$0x1], $0x1, $0x38;
	[tilespmem:$0xF30] =	vst v63  }
0xc6: {  	_ =	swait.ge @!p1 [sflag:s0], $0x1  }
0xc7: {  	[sflag:s0] =	ssyncset.done @!p1 $0x0  }
0xc8: {  	[sflag:s0] =	ssyncadd.s32 @!p1 $0xFFFFFFFF;
	(ifvalue) =	ssetifvalue $0xFFFFFFFF;
	v3 =	vld [tilespmem:s25+$0x10];
	_ =	sdelay $0x3  }
.Ltmp6:
0xc9: {  	_ = 	snop;
	(pc) =	sbr.rel .LBB2_9-.Ltmp6, $3  }
0xca: {  	_ =	sdelay $0x1  }
0xcb: {  	(ifvalue) =	ssetifvalue $0xFFFFFFFF  }
0xcc: {  	[hbm4b:s1+s16] =	stream.indirect_vreg.scatter [tilespmem:s29], [sflag:$0x9], $0x1, v3, vm0, $0x4038;
	[tilespmem:$0xF30] =	vst v63  }
.LBB2_10:
0xcd: {  	_ =	sfence.sel $0x180000  }
0xce: {  	s0 =	simm.s32 $0x7;
	[bflag:$0x0] =	sbarrier.arrive $0xFFFF  }
0xcf: {  	s26 =	simm.s32 $0x8;
	[sflag:s0] =	ssyncpa.u1 $0x1  }
0xd0: {  	s28 =	simm.s32 $0x9;
	[sflag:s26] =	ssyncpa.u1 $0x1  }
0xd1: {  	[sflag:s28] =	ssyncpa.u1 $0x1  }
0xd2: {  	_ =	sfence.stream.spmem  }
0xd3: {  	s29 =	simm.s32 $0x3;
	[bflag:$0x0] =	sbarrier.arrive $0xFFFF  }
0xd4: {  	s30 =	simm.s32 $0x4;
	[sflag:s29] =	ssyncpa.u1 $0x1  }
0xd5: {  	s31 =	simm.s32 $0x3C;
	s2 =	stileid.u32;
	[sflag:s30] =	ssyncpa.u1 $0x1  }
0xd6: {  	p0 =	sne.s32 s2, $0x0;
	[sflag:s31] =	ssyncpa.u1 $0x1  }
0xd7: {  	s0 =	simm.s32 @p0 $0x1;
	_ =	sfence @p0  }
0xd8: {  	[sflag:s0] =	ssyncpa.u1 @p0 $0x1;
	s0 =	simm.s32 @p0 $0x2  }
0xd9: {  	[sflag:s0] =	ssyncpa.u1 @p0 $0x1  }
0xda: {  	_ =	strace @p0 $0x90000059  }
0xdb: {  	[bflag:$0x2] =	sbarrier.arrive @p0 $0xFFFF  }
0xdc: {  	_ =	shalt @p0  }
.LBB2_11:
0xdd: {  	_ =	sfence.stream.spmem;
	s0 =	simm.s32 $0x5  }
0xde: {  	s2 =	simm.s32 $0x80;
	s3 =	simm.s32 $0xC0;
	[sflag:s0] =	ssyncpa.u1 $0x0  }
0xdf: {  	[tilespmem:s3], [sflag:$0x5] =	stream.linear.gather [spmem:s2], $0x20, $0x38;
	[tilespmem:$0xF30] =	vst v63  }
0xe0: {  	s2 =	simm.s32 $0x0;
	s3 =	simm.s32 $0xE0  }
0xe1: {  	[tilespmem:s3], [sflag:$0x5] =	stream.linear.gather [spmem:s2], $0x20, $0x38;
	[tilespmem:$0xF30] =	vst v63  }
.Ltmp7:
0xe2: {  	_ = 	snop;
	(pc) =	sbr.rel .LBB2_12-.Ltmp7, $4  }
0xe3: {  	_ =	swait.ge [sflag:s0], $0x40  }
0xe4: {  	[sflag:s0] =	ssyncset.done $0x0  }
0xe5: {  	s31 =	simm.s32 $0x6;
	[sflag:s0] =	ssyncadd.s32 $0xFFFFFFC0  }
0xe6: {  	s4 =	simm.s32 $0x0;
	[sflag:s31] =	ssyncpa.u1 $0x0  }
.LBB2_17:
0xe7: {  	p0 =	sgt.u32 s5, $0x7F  }
0xe8: {  	s0 =	sshrl.u32 @!p0 s5, $0x3  }
0xe9: {  	s5 =	sand.u32 @!p0 $0x7, s5;
	s6 =	simm.s32 @!p0 $0xB0;
	s0 =	sadd.s32 @!p0 s1, s0  }
0xea: {  	[tilespmem:s6], [sflag:$0x6] =	stream.linear.gather @!p0 [hbm4b:s0+s5], $0x1, $0x38;
	[tilespmem:$0xF30] =	vst v63  }
0xeb: {  	s0 =	simm.s32 @!p0 $0x6  }
0xec: {  	_ =	swait.ge @!p0 [sflag:s0], $0x1  }
0xed: {  	[sflag:s0] =	ssyncset.done @!p0 $0x0  }
0xee: {  	[sflag:s0] =	ssyncadd.s32 @!p0 $0xFFFFFFFF  }
0xef: {  	v2 =	vmov @!p0 s4;
	v1 =	vld.msk @!p0 [tilespmem:$0xB0], $0x1;
	_ =	sdelay $0x3  }
0xf0: {  	s0 =	simm.s32 @!p0 $0xE0  }
0xf1: {  	[tilespmem:v2+s0+$0x0], v1 =	vst.idx.ret.add.f32.msk @!p0 $0x1, v1  }
0xf2: {  	[tilespmem:s2+$0xC0] =	vst.msk $0x1, v0  }
0xf3: {  	v0 =	vld.msk [tilespmem:s4+$0xE0], $0x1;
	_ =	sdelay $0x4  }
0xf4: {  	[tilespmem:s2+$0xE0] =	vst.msk $0x1, v0;
	s2 =	sadd.s32 $0x1, s2  }
.LBB2_19:
0xf5: {  	s4 =	sadd.s32 $0x1, s4  }
0xf6: {  	p0 =	sne.s32 s4, $0x20  }
.Ltmp8:
0xf7: {  	_ = 	snop;
	(pc) =	sbr.rel @!p0 .LBB2_20-.Ltmp8, $1  }
0xf8: {  	_ =	sdelay $0x3  }
.LBB2_12:
0xf9: {  	v0 =	vld.msk [tilespmem:s4+$0xC0], $0x1;
	_ =	sdelay $0x4  }
0xfa: {  	(v2sf) =	vpush v0, $0x0;
	_ =	sdelay $0xe  }
0xfb: {  	s5 =	spop (v2sf)  }
0xfc: {  	p0 =	seq.s32 s5, $0xFFFFFFFF  }
.Ltmp9:
0xfd: {  	_ = 	snop;
	(pc) =	sbr.rel @p0 .LBB2_19-.Ltmp9, $1  }
0xfe: {  	_ =	sdelay $0x3  }
0xff: {  	p0 =	slt.s32 s2, $0x1  }
.Ltmp10:
0x100: {  	_ = 	snop;
	(pc) =	sbr.rel @p0 .LBB2_17-.Ltmp10, $1  }
0x101: {  	_ =	sdelay $0x3  }
0x102: {  	s0 =	simm.s32 $0xC0;
	p0 =	por $0x0, $0x0  }
0x103: {  	v1 =	vld.msk @!p0 [tilespmem:s0+$0x0], $0x1;
	_ =	sdelay $0x4  }
0x104: {  	(v2sf) =	vpush @!p0 v1, $0x0;
	_ =	sdelay $0xd  }
0x105: {  	p2 =	sne.s32 s2, $0x1  }
.Ltmp11:
0x106: {  	s6 =	spop @!p0 (v2sf);
	(pc) =	sbr.rel @!p2 .LBB2_16-.Ltmp11, $4  }
0x107: {  	p1 =	seq.s32 @!p0 s5, s6  }
0x108: {  	s6 =	simm.s32 $0x0;
	p1 =	por !p1, p0  }
0x109: {  	s8 =	simm.s32 $0xFFFFFFFF;
	s6 =	simm.s32 @p1 $0xFFFFFFFF  }
0x10a: {  	s7 =	simm.s32 $0x1;
	s6 =	smov.u32 @p0 s8  }
.LBB2_15:
0x10b: {  	s8 =	smov.u32 s6;
	p0 =	sne.s32 s6, $0xFFFFFFFF  }
0x10c: {  	s0 =	sadd.s32 $0x1, s0;
	s6 =	smov.u32 s7;
	s7 =	sadd.s32 $0x1, s7  }
0x10d: {  	p1 =	sne.s32 s2, s7;
	v1 =	vld.msk @!p0 [tilespmem:s0+$0x0], $0x1;
	_ =	sdelay $0x4  }
0x10e: {  	(v2sf) =	vpush @!p0 v1, $0x0;
	_ =	sdelay $0xe  }
.Ltmp12:
0x10f: {  	s9 =	spop @!p0 (v2sf);
	(pc) =	sbr.rel @p1 .LBB2_15-.Ltmp12, $4  }
0x110: {  	p2 =	seq.s32 @!p0 s5, s9  }
0x111: {  	p2 =	por !p2, p0  }
0x112: {  	s6 =	simm.s32 @p2 $0xFFFFFFFF  }
0x113: {  	s6 =	smov.u32 @p0 s8  }
.LBB2_16:
0x114: {  	p0 =	sne.s32 s6, $0xFFFFFFFF  }
.Ltmp13:
0x115: {  	_ = 	snop;
	(pc) =	sbr.rel @!p0 .LBB2_17-.Ltmp13, $1  }
0x116: {  	_ =	sdelay $0x3  }
0x117: {  	v0 =	vld.msk [tilespmem:s4+$0xE0], $0x1;
	v1 =	vmov s6  }
.Ltmp14:
0x118: {  	_ = 	snop;
	(pc) =	sbr.rel .LBB2_19-.Ltmp14, $2  }
0x119: {  	_ =	sdelay $0x2  }
0x11a: {  	[tilespmem:v1+s3+$0x0], v0 =	vst.idx.ret.add.f32.msk $0x1, v0  }
.LBB2_20:
0x11b: {  	p0 =	slt.s32 s2, $0x1  }
.Ltmp15:
0x11c: {  	_ = 	snop;
	(pc) =	sbr.rel @p0 .LBB2_24-.Ltmp15, $3  }
0x11d: {  	_ =	sdelay $0x1  }
0x11e: {  	s0 =	simm.s32 $0x6  }
0x11f: {  	s3 =	simm.s32 $0x0;
	[sflag:s0] =	ssyncpa.u1 $0x1  }
0x120: {  	s0 =	simm.s32 $0xC0  }
0x121: {  	v0 =	vld.msk [tilespmem:s0+$0x0], $0x1;
	_ =	sdelay $0x4  }
0x122: {  	(v2sf) =	vpush v0, $0x0;
	_ =	sdelay $0xe  }
0x123: {  	s2 =	sadd.s32 $0xFFFFFFFF, s2;
	s4 =	spop (v2sf)  }
0x124: {  	p1 =	sne.s32 s2, $0x0;
	p0 =	sgt.u32 s4, $0x7F  }
.Ltmp16:
0x125: {  	s5 =	sshrl.u32 @!p0 s4, $0x3;
	(pc) =	sbr.rel @!p1 .LBB2_23-.Ltmp16, $4  }
0x126: {  	s0 =	simm.s32 $0xE0;
	s4 =	sand.u32 @!p0 $0x7, s4;
	s5 =	sadd.s32 @!p0 s1, s5  }
0x127: {  	[hbm4b:s5+s4] =	stream.linear.scatter @!p0 [tilespmem:s0], [sflag:$0x5], $0x1, $0x38;
	[tilespmem:$0xF30] =	vst v63  }
0x128: {  	s5 =	simm.s32 $0x0  }
0x129: {  	s4 =	simm.s32 $0xC1;
	s5 =	simm.s32 @!p0 $0x4  }
.LBB2_22:
0x12a: {  	v0 =	vld.msk [tilespmem:s4+$0x0], $0x1;
	s2 =	sadd.s32 $0xFFFFFFFF, s2;
	s3 =	sadd.s32 s3, s5  }
0x12b: {  	p0 =	sne.s32 s2, $0x0;
	_ =	sdelay $0x3  }
0x12c: {  	(v2sf) =	vpush v0, $0x0;
	_ =	sdelay $0xe  }
.Ltmp17:
0x12d: {  	s6 =	spop (v2sf);
	(pc) =	sbr.rel @p0 .LBB2_22-.Ltmp17, $4  }
0x12e: {  	s5 =	simm.s32 $0x0;
	p1 =	sgt.u32 s6, $0x7F  }
0x12f: {  	s0 =	sadd.s32 $0x1, s0;
	s5 =	simm.s32 @!p1 $0x4;
	s7 =	sshrl.u32 @!p1 s6, $0x3  }
0x130: {  	s4 =	sadd.s32 $0x1, s4;
	s6 =	sand.u32 @!p1 $0x7, s6;
	s7 =	sadd.s32 @!p1 s1, s7  }
0x131: {  	[hbm4b:s7+s6] =	stream.linear.scatter @!p1 [tilespmem:s0], [sflag:$0x5], $0x1, $0x38;
	[tilespmem:$0xF30] =	vst v63  }
.LBB2_23:
0x132: {  	s0 =	sadd.s32 s3, s5  }
0x133: {  	s3 =	sshrl.u32 s0, $0x2  }
.LBB2_24:
0x134: {  	s0 =	simm.s32 $0x5  }
0x135: {  	_ =	swait.ge [sflag:s0], s3  }
0x136: {  	s1 =	ssub.s32 $0x0, s3;
	[sflag:s0] =	ssyncset.done $0x0  }
0x137: {  	[sflag:s0] =	ssyncadd.s32 s1  }
0x138: {  	[sflag:s0] =	ssyncpa.u1 $0x1  }
0x139: {  	s29 =	simm.s32 $0x1;
	_ =	sfence  }
0x13a: {  	s30 =	simm.s32 $0x2;
	[sflag:s29] =	ssyncpa.u1 $0x1  }
0x13b: {  	[sflag:s30] =	ssyncpa.u1 $0x1  }
0x13c: {  	_ =	strace $0x90000059  }
0x13d: {  	[bflag:$0x2] =	sbarrier.arrive $0xFFFF  }
0x13e: {  	s31 =	rddreg [dreg:$0x1]  }
0x13f: {  	s0 =	sadd.s32 $0x100000, s31  }
0x140: {  	[sflag:s0] =	ssyncadd.tile.s32 $0x1;
	_ =	shalt  }
.Lfunc_end2:
_tile_overlayer_lowered:
.L_overlay_start_2:
0x141: {  	(tag) =	ssettag $0x2  }
0x142: {  	s0 =	rddreg [dreg:$0x0];
	s2 =	stileid.u32  }
0x143: {  	s1 =	rddreg [dreg:$0x1];
	p0 =	sne.s32 s2, $0x0  }
0x144: {  	s3 =	rddreg [dreg:$0x2];
	[bflag:$0x3] =	sbarrier.arrive $0xFFFF;
	s2 =	simm.s32 @!p0 $0x1C01  }
0x145: {  	[timem:s3], [sflag:s2] =	dma.local @!p0 [hbm:s0], s1  }
0x146: {  	s0 =	simm.s32 @!p0 $0x1  }
0x147: {  	_ =	swait.ge @!p0 [sflag:s0], s1  }
0x148: {  	s1 =	ssub.s32 @!p0 $0x0, s1;
	[sflag:s0] =	ssyncset.done @!p0 $0x0  }
0x149: {  	[sflag:s0] =	ssyncadd.s32 @!p0 s1  }
0x14a: {  	[bflag:$0x3] =	sbarrier.arrive $0xFFFF  }
0x14b: {  	_ =	shalt  }

// kernel: scatter_offload_async_start
scs
__scs_entry_jumppad:
0x0: {  	(pc) =	sbr.rel $0x88, $3  }
0x1: {  	(tag) =	ssettag $0x0;
	lr =	simm.s32 $0x1  }
0x2: {  	[smem:$0x3F96] =	sst lr;
	_ =	strace $0xD0000000  }
0x3: {  	_ = 	snop  }
0x4: {  	_ = 	snop  }
0x5: {  	_ = 	snop  }
0x6: {  	_ = 	snop  }
0x7: {  	_ = 	snop  }
__scs_overlays_trampoline_lowered:
0x8: {  	[smem:$0x3FA5] =	sst s0  }
0x9: {  	[smem:$0x3FA6] =	sst s1  }
0xa: {  	[smem:$0x3FA7] =	sst s2  }
0xb: {  	[smem:$0x3FA8] =	sst s3  }
0xc: {  	[smem:$0x3FA9] =	sst s4  }
0xd: {  	[smem:$0x3FAA] =	sst s5  }
0xe: {  	[smem:$0x3FAB] =	sst s6  }
0xf: {  	[smem:$0x3FAC] =	sst s7  }
0x10: {  	[smem:$0x3FAD] =	sst s8  }
0x11: {  	[smem:$0x3FAE] =	sst s9;
	s0 =	simm.s32 @!p0 $0x0  }
0x12: {  	s1 =	sld [smem:$0x3F94];
	s0 =	simm.s32 @p0 $0x1  }
0x13: {  	[smem:$0x3FAF] =	sst s0;
	s0 =	simm.s32 @!p1 $0x0  }
0x14: {  	s2 =	sld [smem:$0x3F93];
	s0 =	simm.s32 @p1 $0x1  }
0x15: {  	[smem:$0x3FB0] =	sst s0;
	s0 =	simm.s32 @!p2 $0x0  }
0x16: {  	s3 =	sld [smem:$0x3FDB];
	s0 =	simm.s32 @p2 $0x1  }
0x17: {  	s4 =	simm.s32 $0x1BF5;
	[smem:$0x3FB2] =	sst s0  }
0x18: {  	s0 =	sld [smem:$0x3F95];
	_ =	swait.ge [sflag:s4], $0x0  }
0x19: {  	s7 =	sld [smem:$0x3F96]  }
0x1a: {  	s8 =	sadd.s32 $0xFFFFE003, lr  }
0x1b: {  	s9 =	sadd.s32 $0xFFFFFEF7, lr;
	s5 =	simm.s32 $0xFFFFFFFF;
	p2 =	slt.u32 s8, $0xFFFFF086  }
0x1c: {  	p1 =	slt.u32 s9, $0xF7A;
	s5 =	simm.s32 @!p2 $0x0  }
0x1d: {  	s5 =	simm.s32 @p1 $0x1;
	p0 =	seq.s32 s7, s2  }
0x1e: {  	s7 =	smul.u32 @!p0 $0xF7A, s2;
	p2 =	seq.s32 @!p0 s5, $0x0  }
0x1f: {  	s9 =	smul.u32 $0xF7A, s1;
	s8 =	simm.s32 @!p0 $0x1BF5;
	p2 =	por !p2, p0  }
0x20: {  	[sflag:s8] =	ssyncset.s32 @!p0 $0xFFFFF086;
	s6 =	sadd.s32 @!p0 s3, s7;
	s7 =	simm.s32 @!p0 $0x108  }
0x21: {  	s3 =	sadd.s32 s3, s9;
	s6 =	sadd.s32 @!p0 $0x88, s6;
	s7 =	simm.s32 @p2 $0x1082  }
0x22: {  	[simem:s7], [sflag:s8] =	dma.local @!p0 [hbm:s6], $0xF7A  }
0x23: {  	s9 =	sor.u32 $0xD0000000, s2;
	s6 =	simm.s32 $0x108;
	_ =	swait.ge @!p0 [sflag:s8], $0x0  }
0x24: {  	s3 =	sadd.s32 $0x88, s3;
	s6 =	simm.s32 @!p1 $0x1082;
	[sflag:s4] =	ssyncset.s32 $0xFFFFF086  }
0x25: {  	[simem:s6], [sflag:s4] =	dma.local [hbm:s3], $0xF7A  }
0x26: {  	[smem:$0x3F96] =	sst s1;
	(tag) =	ssettag s2;
	_ =	strace s9  }
0x27: {  	s1 =	sld [smem:$0x3FA6]  }
0x28: {  	s2 =	sld [smem:$0x3FA7]  }
0x29: {  	s4 =	sld [smem:$0x3FA9]  }
0x2a: {  	p0 =	seq.s32 s5, $0x0;
	s5 =	sld [smem:$0x3FAA]  }
0x2b: {  	s6 =	sld [smem:$0x3FAB]  }
0x2c: {  	s7 =	sld [smem:$0x3FAC]  }
0x2d: {  	s3 =	simm.s32 $0x108;
	s8 =	sld [smem:$0x3FAD]  }
0x2e: {  	s3 =	simm.s32 @!p0 $0x1082;
	s9 =	sld [smem:$0x3FAE]  }
0x2f: {  	lr =	sadd.s32 s0, s3;
	s0 =	sld [smem:$0x3FA5]  }
0x30: {  	s3 =	sld [smem:$0x3FA8]  }
0x31: {  	[smem:$0x3FB1] =	sst s10  }
0x32: {  	s10 =	sld [smem:$0x3FAF];
	_ =	sdelay $0x3  }
0x33: {  	p0 =	seq.s32 s10, $0x1;
	s10 =	sld [smem:$0x3FB1];
	_ =	sdelay $0x3  }
0x34: {  	[smem:$0x3FB1] =	sst s10  }
0x35: {  	s10 =	sld [smem:$0x3FB0];
	_ =	sdelay $0x3  }
0x36: {  	p1 =	seq.s32 s10, $0x1;
	s10 =	sld [smem:$0x3FB1];
	_ =	sdelay $0x3  }
0x37: {  	[smem:$0x3FB1] =	sst s10  }
0x38: {  	s10 =	sld [smem:$0x3FB2]  }
0x39: {  	_ = 	snop;
	(pc) =	sbr.ind lr, $3  }
0x3a: {  	_ = 	snop  }
0x3b: {  	_ = 	snop  }
0x3c: {  	p2 =	seq.s32 s10, $0x1;
	s10 =	sld [smem:$0x3FB1]  }
0x3d: {  	_ =	shalt  }
0x3e: {  	_ =	shalt  }
0x3f: {  	_ =	shalt  }
0x40: {  	_ =	shalt  }
0x41: {  	_ =	shalt  }
0x42: {  	_ =	shalt  }
0x43: {  	_ =	shalt  }
0x44: {  	_ =	shalt  }
0x45: {  	_ =	shalt  }
0x46: {  	_ =	shalt  }
0x47: {  	_ =	shalt  }
0x48: {  	_ =	shalt  }
0x49: {  	_ =	shalt  }
0x4a: {  	_ =	shalt  }
0x4b: {  	_ =	shalt  }
0x4c: {  	_ =	shalt  }
0x4d: {  	_ =	shalt  }
0x4e: {  	_ =	shalt  }
0x4f: {  	_ =	shalt  }
0x50: {  	_ =	shalt  }
0x51: {  	_ =	shalt  }
0x52: {  	_ =	shalt  }
0x53: {  	_ =	shalt  }
0x54: {  	_ =	shalt  }
0x55: {  	_ =	shalt  }
0x56: {  	_ =	shalt  }
0x57: {  	_ =	shalt  }
0x58: {  	_ =	shalt  }
0x59: {  	_ =	shalt  }
0x5a: {  	_ =	shalt  }
0x5b: {  	_ =	shalt  }
0x5c: {  	_ =	shalt  }
0x5d: {  	_ =	shalt  }
0x5e: {  	_ =	shalt  }
0x5f: {  	_ =	shalt  }
0x60: {  	_ =	shalt  }
0x61: {  	_ =	shalt  }
0x62: {  	_ =	shalt  }
0x63: {  	_ =	shalt  }
0x64: {  	_ =	shalt  }
0x65: {  	_ =	shalt  }
0x66: {  	_ =	shalt  }
0x67: {  	_ =	shalt  }
0x68: {  	_ =	shalt  }
0x69: {  	_ =	shalt  }
0x6a: {  	_ =	shalt  }
0x6b: {  	_ =	shalt  }
0x6c: {  	_ =	shalt  }
0x6d: {  	_ =	shalt  }
0x6e: {  	_ =	shalt  }
0x6f: {  	_ =	shalt  }
0x70: {  	_ =	shalt  }
0x71: {  	_ =	shalt  }
0x72: {  	_ =	shalt  }
0x73: {  	_ =	shalt  }
0x74: {  	_ =	shalt  }
0x75: {  	_ =	shalt  }
0x76: {  	_ =	shalt  }
0x77: {  	_ =	shalt  }
0x78: {  	_ =	shalt  }
0x79: {  	_ =	shalt  }
0x7a: {  	_ =	shalt  }
0x7b: {  	_ =	shalt  }
0x7c: {  	_ =	shalt  }
0x7d: {  	_ =	shalt  }
0x7e: {  	_ =	shalt  }
0x7f: {  	_ =	shalt  }
0x80: {  	_ =	shalt  }
0x81: {  	_ =	shalt  }
0x82: {  	_ =	shalt  }
0x83: {  	_ =	shalt  }
0x84: {  	_ =	shalt  }
0x85: {  	_ =	shalt  }
0x86: {  	_ =	shalt  }
0x87: {  	_ =	shalt  }
.Lfunc_end0:
.L_simem_size_0:
called_computation_lowered:
.L_overlay_start_0:
0x88: {  	s0 =	sld [smem:$0x3FD9]  }
0x89: {  	s1 =	sld [smem:$0x3FFE];
	_ =	sdelay $0x3  }
0x8a: {  	s0 =	sadd.s32 s1, s0  }
0x8b: {  	[smem:$0x3FBD] =	sst s0  }
0x8c: {  	_ = 	snop  }
0x8d: {  	(tm) =	ssettm $0x1  }
0x8e: {  	s14 =	sld [smem:$0x3FFB];
	_ =	sdelay $0x3  }
0x8f: {  	_ =	strace s14  }
0x90: {  	s0 =	sld [smem:$0x3FFC];
	_ =	sdelay $0x3  }
0x91: {  	_ =	strace s0  }
0x92: {  	s0 =	sld [smem:$0x3FFD];
	_ =	sdelay $0x3  }
0x93: {  	_ =	strace s0  }
0x94: {  	_ =	strace $0x8FFFFFFF  }
0x95: {  	s15 =	sld [smem:$0x3FDB];
	_ =	sdelay $0x1  }
0x96: {  	s16 =	simm.s32 $_scs_section_size  }
0x97: {  	s2 =	simm.s32 $_size__tile_overlayer_lowered;
	s3 =	simm.s32 $_tile_overlayer_lowered  }
0x98: {  	s4 =	simm.s32 $0x1BFF;
	s17 =	sshll.u32 s3, $0x1;
	s1 =	sadd.s32 s16, s15  }
0x99: {  	s18 =	simm.s32 $0x0;
	s2 =	sshll.u32 s2, $0x1;
	s3 =	sadd.s32 s17, s1  }
0x9a: {  	[timem:s18], [sflag:s4] =	dma.local [hbm:s3], s2  }
0x9b: {  	_ =	swait.ge [sflag:s4], s2  }
0x9c: {  	s2 =	ssub.s32 $0x0, s2;
	[sflag:s4] =	ssyncset.done $0x0  }
0x9d: {  	[sflag:s4] =	ssyncadd.s32 s2;
	_ =	sdelay $0x1  }
0x9e: {  	s19 =	simm.s32 $0x1B8B  }
0x9f: {  	_ =	swait.ge [sflag:s19], $0x1  }
0xa0: {  	[sflag:s19] =	ssyncset.done $0x0  }
0xa1: {  	s21 =	simm.s32 $0x1B8E;
	s20 =	sld [smem:$0x3FFE];
	[sflag:s19] =	ssyncadd.s32 $0xFFFFFFFF  }
0xa2: {  	s22 =	simm.s32 $execute0_lowered;
	[smem:$0x3FD2] =	sst s21  }
0xa3: {  	s3 =	sshll.u32 s22, $0x1;
	_ =	strace $0x80000046;
	[dreg:$0x1] =	wrdreg $0xFFFFFFFF  }
0xa4: {  	s23 =	simm.s32 $_size_execute0_lowered;
	s3 =	sadd.s32 s1, s3;
	[dreg:$0x0] =	wrdreg $0x0  }
0xa5: {  	s4 =	sshll.u32 s23, $0x1;
	[dreg:$0x2] =	wrdreg s3  }
0xa6: {  	[dreg:$0x3] =	wrdreg s4  }
0xa7: {  	[dreg:$0x4] =	wrdreg $0xC0  }
0xa8: {  	s24 =	simm.s32 $execute1_lowered;
	_ =	task [dreg:s18], $0x5FFFF  }
0xa9: {  	s3 =	sshll.u32 s24, $0x1;
	[dreg:$0x1] =	wrdreg $0xFFFFFFFF  }
0xaa: {  	s1 =	sadd.s32 s1, s3;
	[dreg:$0x0] =	wrdreg $0x60  }
0xab: {  	[dreg:$0x2] =	wrdreg s1  }
0xac: {  	[dreg:$0x3] =	wrdreg s20  }
0xad: {  	[dreg:$0x4] =	wrdreg $0x9  }
0xae: {  	_ =	task.clear_ibuf [dreg:s18], $0x5FFFF;
	_ =	strace $0x90000046  }
0xaf: {  	s25 =	simm.s32 $0x9;
	_ =	strace $0x80000048  }
0xb0: {  	_ =	swait.ge [sflag:s25], $0x1  }
0xb1: {  	[sflag:s25] =	ssyncadd.s32 $0xFFFFFFFF  }
0xb2: {  	_ =	strace $0x90000048  }
0xb3: {  	_ =	strace $0x80000049;
	[dreg:$0x1] =	wrdreg $0xFFFFFFFF  }
0xb4: {  	[dreg:$0x0] =	wrdreg $0x2030  }
0xb5: {  	[dreg:$0x2] =	wrdreg s20  }
0xb6: {  	[dreg:$0x3] =	wrdreg $0xA  }
0xb7: {  	_ =	task.clear_ibuf [dreg:s18], $0x4FFFF;
	_ =	strace $0x90000049  }
0xb8: {  	s26 =	simm.s32 $0xA;
	_ =	strace $0x8000004B  }
0xb9: {  	_ =	swait.ge [sflag:s26], $0x1  }
0xba: {  	[sflag:s26] =	ssyncadd.s32 $0xFFFFFFFF  }
0xbb: {  	_ =	strace $0x9000004B  }
0xbc: {  	_ =	sfence  }
0xbd: {  	s28 =	sld [smem:$0x0];
	_ =	sdelay $0x1  }
0xbe: {  	s29 =	srdreg.scid  }
0xbf: {  	s30 =	sshll.u32 s29, $0xD;
	s31 =	sshrl.u32 s29, $0x2  }
0xc0: {  	s2 =	sand.u32 $0x1, s29;
	s3 =	sand.u32 $0x4000, s30;
	s1 =	sadd.s32 s31, s28  }
0xc1: {  	s2 =	sor.u32 s3, s2;
	s1 =	sshll.u32 s1, $0x11  }
0xc2: {  	s1 =	sor.u32 s1, s2  }
0xc3: {  	s1 =	sadd.s32 $0x8F2B, s1  }
0xc4: {  	[sflag:s1] =	ssyncadd.remote.s32 $0x1  }
0xc5: {  	_ =	sfence.sel $0xFFFF  }
0xc6: {  	[dreg:$0x0] =	wrdreg $0xFFFFFFFF;
	(pc) =	sbr.abs _section_cstart, $3  }
0xc7: {  	[dreg:$0x1] =	wrdreg $0xFFFFFFFF  }
0xc8: {  	_ =	task.clear_ibuf [dreg:s18], $0x2FFFF;
	_ =	strace $0x9FFFFFFF  }
0xc9: {  	(tm) =	ssettm $0x7FFFFFFF  }
tec
execute0_lowered:
.L_overlay_start_1:
0x0: {  	(tag) =	ssettag $0x1  }
0x1: {  	s2 =	rddreg [dreg:$0x0]  }
0x2: {  	s5 =	rddreg [dreg:$0x1]  }
0x3: {  	s0 =	rddreg [dreg:$0x2];
	s3 =	stileid.u32  }
0x4: {  	[bflag:$0x3] =	sbarrier.arrive $0xFFFF;
	s1 =	simm.s32 $_size_execute1_lowered;
	s31 =	simm.s32 $0x2  }
0x5: {  	s13 =	simm.s32 $0x0;
	s8 =	simm.s32 $0x20;
	s9 =	simm.s32 $0x80  }
0x6: {  	s11 =	simm.s32 $0x0;
	s12 =	simm.s32 $0x0;
	p0 =	sne.s32 s3, $0x0  }
0x7: {  	s1 =	sshll.u32 s1, $0x1;
	s3 =	sshll.u32 s3, $0x9;
	s4 =	simm.s32 @!p0 $0x1C3F  }
.Ltmp0:
0x8: {  	s6 =	simm.s32 @!p0 $0x4060;
	s7 =	ssub.s32 $0x2600, s3;
	(pc) =	sbr.rel .LBB2_1-.Ltmp0, $4  }
0x9: {  	[timem:s6], [sflag:s4] =	dma.local @!p0 [hbm:s2], s1  }
0xa: {  	s10 =	smov.u32 s3;
	s4 =	simm.s32 $0x1;
	_ =	strace $0x80000047  }
0xb: {  	s2 =	sadd.s32 $0xB1600, s5;
	s6 =	sshrl.u32 s7, $0xD;
	[sflag:s4] =	ssyncpa.u1 $0x0  }
0xc: {  	s5 =	sadd.s32 $0xD8800, s5;
	s7 =	sor.u32 $0x2, s6;
	[sflag:s31] =	ssyncpa.u1 $0x0  }
.LBB2_5:
0xd: {  	_ =	sdelay $0x3  }
0xe: {  	[tilespmem:v1+s16+$0x0 ss:$0x1] =	vst.idx.msk $0xffff, v2  }
.LBB2_6:
0xf: {  	s16 =	sand.u32 $0x1FFFFFF, s11  }
0x10: {  	s17 =	smulhi.u32 $0x1A36E2F, s16;
	_ =	sdelay $0x1  }
0x11: {  	s17 =	sshrl.u32 s17, $0x6  }
0x12: {  	s17 =	smul.u32 $0x2710, s17;
	_ =	sdelay $0x1  }
0x13: {  	s16 =	ssub.s32 s16, s17  }
0x14: {  	s16 =	sshll.u32 s16, $0x4  }
0x15: {  	s16 =	sadd.s32 s5, s16  }
0x16: {  	[hbm4b:s16+s8] =	stream.strided.scatter [tilespmem:s15], [sflag:$0x2], s14, s9, s8, $0x38;
	[tilespmem:$0x10000] =	vst v63  }
.LBB2_7:
0x17: {  	p1 =	slt.u32 s12, $0x2  }
0x18: {  	p2 =	sgt.s32 @!p1 s13, $0x2510  }
0x19: {  	s14 =	smov.u32 s13;
	s15 =	sshra.s32 @!p1 s13, $0x1F;
	p2 =	por !p2, p1  }
0x1a: {  	s13 =	sand.u32 @!p1 s15, s13;
	s14 =	simm.s32 @p2 $0x2510  }
0x1b: {  	s13 =	ssub.s32 @!p1 s14, s13  }
0x1c: {  	s13 =	sadd.s32 @!p1 $0xFFFFDAF0, s13  }
0x1d: {  	s14 =	sshll.u32 @!p1 s13, $0x7  }
0x1e: {  	p2 =	sgt.s32 @!p1 s13, $0x1FF;
	s13 =	ssub.s32 @!p1 $0x10000, s14  }
0x1f: {  	s15 =	sadd.s32 $0x2000, s10;
	p2 =	por !p2, p1;
	s13 =	sshrl.u32 @!p1 s13, $0x2  }
0x20: {  	s13 =	simm.s32 @!p2 $0x0;
	p2 =	sgt.s32 s15, $0x270F  }
0x21: {  	s15 =	smov.u32 @p2 s3;
	p2 =	sne.s32 s12, s7  }
.Ltmp1:
0x22: {  	_ = 	snop;
	(pc) =	sbr.rel @!p2 .LBB2_8-.Ltmp1, $4  }
0x23: {  	s14 =	simm.s32 @!p1 $0x2  }
0x24: {  	_ =	swait.ge @!p1 [sflag:s14], s13;
	s16 =	ssub.s32 @!p1 $0x0, s13  }
0x25: {  	s13 =	smov.u32 s11;
	s12 =	sadd.s32 $0x1, s12;
	[sflag:s14] =	ssyncset.done @!p1 $0x0  }
0x26: {  	s11 =	smov.u32 s10;
	s10 =	smov.u32 s15;
	[sflag:s14] =	ssyncadd.s32 @!p1 s16  }
.LBB2_1:
0x27: {  	p1 =	sgt.u32 s12, s6  }
0x28: {  	s15 =	smov.u32 s10;
	p2 =	sgt.s32 @!p1 s10, $0x2510  }
0x29: {  	s14 =	sand.u32 @!p1 $0x1FFFFFF, s10;
	s16 =	sshra.s32 @!p1 s10, $0x1F;
	p2 =	por !p2, p1  }
0x2a: {  	s17 =	smulhi.u32 @!p1 $0x1A36E2F, s14;
	s16 =	sand.u32 @!p1 s16, s10;
	s15 =	simm.s32 @p2 $0x2510  }
0x2b: {  	s15 =	ssub.s32 @!p1 s15, s16  }
0x2c: {  	s16 =	sshrl.u32 @!p1 s17, $0x6;
	s15 =	sadd.s32 @!p1 $0xFFFFDAF0, s15  }
0x2d: {  	s17 =	sxor.u32 @!p1 $0xFFFFFFFF, s12;
	s16 =	smul.u32 @!p1 $0x2710, s16;
	s18 =	sshll.u32 @!p1 s15, $0x7  }
0x2e: {  	s17 =	sshll.u32 @!p1 s17, $0xE;
	p2 =	sgt.s32 @!p1 s15, $0x1FF;
	s15 =	ssub.s32 @!p1 $0x10000, s18  }
0x2f: {  	s14 =	ssub.s32 @!p1 s14, s16;
	p2 =	por !p2, p1;
	s16 =	sand.u32 @!p1 $0x4000, s17  }
0x30: {  	s17 =	simm.s32 @!p1 $0x20;
	s15 =	sshrl.u32 @!p1 s15, $0x2;
	s14 =	sshll.u32 @!p1 s14, $0x4  }
0x31: {  	s18 =	simm.s32 @!p1 $0x80;
	s15 =	simm.s32 @!p2 $0x0;
	s14 =	sadd.s32 @!p1 s2, s14  }
0x32: {  	[tilespmem:s16], [sflag:$0x1] =	stream.strided.gather @!p1 [hbm4b:s14+s17], s15, s18, s17, $0x38;
	[tilespmem:$0x10000] =	vst v63  }
0x33: {  	p1 =	seq.s32 s12, $0x0  }
0x34: {  	p2 =	sge.u32 @!p1 s12, s7  }
0x35: {  	p1 =	por p1, p2  }
.Ltmp2:
0x36: {  	_ = 	snop;
	(pc) =	sbr.rel @p1 .LBB2_7-.Ltmp2, $1  }
0x37: {  	_ =	sdelay $0x3  }
0x38: {  	p1 =	sgt.s32 s11, $0x2510;
	s14 =	smov.u32 s11;
	s15 =	sshra.s32 s11, $0x1F  }
0x39: {  	s14 =	simm.s32 @!p1 $0x2510;
	s15 =	sand.u32 s15, s11  }
0x3a: {  	s14 =	ssub.s32 s14, s15  }
0x3b: {  	s14 =	sadd.s32 $0xFFFFDAF0, s14  }
0x3c: {  	s31 =	sshll.u32 s14, $0x7  }
0x3d: {  	s15 =	ssub.s32 $0x10000, s31  }
0x3e: {  	p1 =	sgt.s32 s14, $0x1FF;
	s14 =	sshrl.u32 s15, $0x2;
	s15 =	sadd.s32 $0x200, s11  }
0x3f: {  	s14 =	simm.s32 @p1 $0x0;
	p1 =	slt.s32 s15, $0x2710  }
0x40: {  	s15 =	simm.s32 @!p1 $0x2710  }
0x41: {  	s17 =	ssub.s32 s15, s11  }
0x42: {  	p1 =	slt.s32 s17, $0x1  }
.Ltmp3:
0x43: {  	_ = 	snop;
	(pc) =	sbr.rel @p1 .LBB2_6-.Ltmp3, $4  }
0x44: {  	_ = 	snop  }
0x45: {  	s16 =	sshll.u32 s12, $0xE;
	_ =	swait.ge [sflag:s4], s14  }
0x46: {  	s16 =	sand.u32 $0x4000, s16;
	s18 =	ssub.s32 $0x0, s14;
	[sflag:s4] =	ssyncset.done $0x0  }
0x47: {  	s15 =	sor.u32 $0x8000, s16;
	[sflag:s4] =	ssyncadd.s32 s18  }
0x48: {  	v0 =	vmov s16;
	_ =	sdelay $0x2  }
0x49: {  	s31 =	simm.s32 $0x0;
	p1 =	sne.s32 s17, $0x1  }
.Ltmp4:
0x4a: {  	s16 =	sand.u32 $0x3FE0, s31;
	(pc) =	sbr.rel @!p1 .LBB2_5-.Ltmp4, $2  }
0x4b: {  	v1 =	vmov s15;
	v2 =	vld.idx.msk [tilespmem:v0+s16+$0x0 ss:$0x1], $0xffff;
	_ =	sdelay $0x2  }
0x4c: {  	s17 =	sadd.s32 $0xFFFFFFFF, s17;
	s18 =	simm.s32 $0x20  }
.LBB2_4:
0x4d: {  	s19 =	sand.u32 $0x3FE0, s18;
	p1 =	sne.s32 s17, $0x1;
	s17 =	sadd.s32 $0xFFFFFFFF, s17  }
.Ltmp5:
0x4e: {  	[tilespmem:v1+s16+$0x0 ss:$0x1] =	vst.idx.msk $0xffff, v2;
	v2 =	vld.idx.msk [tilespmem:v0+s19+$0x0 ss:$0x1], $0xffff;
	s16 =	smov.u32 s19;
	(pc) =	sbr.rel @p1 .LBB2_4-.Ltmp5, $2  }
0x4f: {  	_ =	sdelay $0x2  }
0x50: {  	s18 =	sadd.s32 $0x20, s18  }
.Ltmp6:
0x51: {  	_ = 	snop;
	(pc) =	sbr.rel .LBB2_5-.Ltmp6, $1  }
0x52: {  	_ =	sdelay $0x3  }
.LBB2_8:
0x53: {  	_ =	sfence.sel $0x180000  }
0x54: {  	s2 =	simm.s32 $0x1;
	[bflag:$0x0] =	sbarrier.arrive $0xFFFF  }
0x55: {  	s31 =	simm.s32 $0x2;
	[sflag:s2] =	ssyncpa.u1 $0x1  }
0x56: {  	[sflag:s31] =	ssyncpa.u1 $0x1  }
0x57: {  	_ =	strace $0x90000047  }
0x58: {  	s0 =	sadd.s32 @!p0 $0x100000, s0;
	[bflag:$0x2] =	sbarrier.arrive $0xFFFF  }
0x59: {  	[sflag:s0] =	ssyncadd.tile.s32 @!p0 $0x1;
	s0 =	simm.s32 @!p0 $0x3F  }
0x5a: {  	_ =	swait.ge @!p0 [sflag:s0], s1  }
0x5b: {  	s1 =	ssub.s32 @!p0 $0x0, s1;
	[sflag:s0] =	ssyncset.done @!p0 $0x0  }
0x5c: {  	[sflag:s0] =	ssyncadd.s32 @!p0 s1  }
0x5d: {  	[bflag:$0x3] =	sbarrier.arrive $0xFFFF  }
0x5e: {  	_ =	shalt  }
.Lfunc_end2:
execute1_lowered:
.L_overlay_start_2:
0x5f: {  	(tag) =	ssettag $0x2  }
0x60: {  	s8 =	rddreg [dreg:$0x0];
	_ =	strace $0x8000004A;
	s11 =	simm.s32 $0x1  }
0x61: {  	v0 =	vimm.s32 $0x0;
	[sflag:s11] =	ssyncpa.u1 $0x0  }
0x62: {  	[tilespmem:$0x28] =	vst v0  }
0x63: {  	[tilespmem:$0x38] =	vst v0  }
0x64: {  	[tilespmem:$0x48] =	vst v0  }
0x65: {  	[tilespmem:$0x58] =	vst v0  }
0x66: {  	[tilespmem:$0x68] =	vst v0  }
0x67: {  	[tilespmem:$0x78] =	vst v0  }
0x68: {  	[tilespmem:$0x88] =	vst v0  }
0x69: {  	[tilespmem:$0x98] =	vst v0  }
0x6a: {  	[tilespmem:$0xA8] =	vst v0  }
0x6b: {  	[tilespmem:$0xB8] =	vst v0  }
0x6c: {  	[tilespmem:$0xC8] =	vst v0  }
0x6d: {  	[tilespmem:$0xD8] =	vst v0  }
0x6e: {  	[tilespmem:$0xE8] =	vst v0  }
0x6f: {  	[tilespmem:$0xF8] =	vst v0  }
0x70: {  	[tilespmem:$0x108] =	vst v0  }
0x71: {  	[tilespmem:$0x118] =	vst v0  }
0x72: {  	[tilespmem:$0x128] =	vst v0  }
0x73: {  	[tilespmem:$0x138] =	vst v0  }
0x74: {  	[tilespmem:$0x148] =	vst v0  }
0x75: {  	[tilespmem:$0x158] =	vst v0  }
0x76: {  	[tilespmem:$0x168] =	vst v0  }
0x77: {  	[tilespmem:$0x178] =	vst v0  }
0x78: {  	[tilespmem:$0x188] =	vst v0  }
0x79: {  	[tilespmem:$0x198] =	vst v0  }
0x7a: {  	[tilespmem:$0x1A8] =	vst v0  }
0x7b: {  	[tilespmem:$0x1B8] =	vst v0  }
0x7c: {  	[tilespmem:$0x1C8] =	vst v0  }
0x7d: {  	[tilespmem:$0x1D8] =	vst v0  }
0x7e: {  	[tilespmem:$0x1E8] =	vst v0  }
0x7f: {  	[tilespmem:$0x1F8] =	vst v0  }
0x80: {  	[tilespmem:$0x208] =	vst v0  }
0x81: {  	[tilespmem:$0x218] =	vst v0  }
0x82: {  	[tilespmem:$0x228] =	vst v0  }
0x83: {  	[tilespmem:$0x238] =	vst v0  }
0x84: {  	[tilespmem:$0x248] =	vst v0  }
0x85: {  	[tilespmem:$0x258] =	vst v0  }
0x86: {  	[tilespmem:$0x268] =	vst v0  }
0x87: {  	[tilespmem:$0x278] =	vst v0  }
0x88: {  	[tilespmem:$0x288] =	vst v0  }
0x89: {  	[tilespmem:$0x298] =	vst v0  }
0x8a: {  	[tilespmem:$0x2A8] =	vst v0  }
0x8b: {  	[tilespmem:$0x2B8] =	vst v0  }
0x8c: {  	[tilespmem:$0x2C8] =	vst v0  }
0x8d: {  	[tilespmem:$0x2D8] =	vst v0  }
0x8e: {  	[tilespmem:$0x2E8] =	vst v0  }
0x8f: {  	[tilespmem:$0x2F8] =	vst v0  }
0x90: {  	[tilespmem:$0x308] =	vst v0  }
0x91: {  	[tilespmem:$0x318] =	vst v0  }
0x92: {  	[tilespmem:$0x328] =	vst v0  }
0x93: {  	[tilespmem:$0x338] =	vst v0  }
0x94: {  	[tilespmem:$0x348] =	vst v0  }
0x95: {  	[tilespmem:$0x358] =	vst v0  }
0x96: {  	[tilespmem:$0x368] =	vst v0  }
0x97: {  	[tilespmem:$0x378] =	vst v0  }
0x98: {  	[tilespmem:$0x388] =	vst v0  }
0x99: {  	[tilespmem:$0x398] =	vst v0  }
0x9a: {  	[tilespmem:$0x3A8] =	vst v0  }
0x9b: {  	[tilespmem:$0x3B8] =	vst v0  }
0x9c: {  	[tilespmem:$0x3C8] =	vst v0  }
0x9d: {  	[tilespmem:$0x3D8] =	vst v0  }
0x9e: {  	[tilespmem:$0x3E8] =	vst v0  }
0x9f: {  	[tilespmem:$0x3F8] =	vst v0  }
0xa0: {  	[tilespmem:$0x408] =	vst v0  }
0xa1: {  	[tilespmem:$0x418] =	vst v0  }
0xa2: {  	[tilespmem:$0x428] =	vst v0  }
0xa3: {  	[tilespmem:$0x438] =	vst v0  }
0xa4: {  	[tilespmem:$0x448] =	vst v0  }
0xa5: {  	[tilespmem:$0x458] =	vst v0  }
0xa6: {  	[tilespmem:$0x468] =	vst v0  }
0xa7: {  	[tilespmem:$0x478] =	vst v0  }
0xa8: {  	[tilespmem:$0x488] =	vst v0  }
0xa9: {  	[tilespmem:$0x498] =	vst v0  }
0xaa: {  	[tilespmem:$0x4A8] =	vst v0  }
0xab: {  	[tilespmem:$0x4B8] =	vst v0  }
0xac: {  	[tilespmem:$0x4C8] =	vst v0  }
0xad: {  	[tilespmem:$0x4D8] =	vst v0  }
0xae: {  	[tilespmem:$0x4E8] =	vst v0  }
0xaf: {  	[tilespmem:$0x4F8] =	vst v0  }
0xb0: {  	[tilespmem:$0x508] =	vst v0  }
0xb1: {  	[tilespmem:$0x518] =	vst v0  }
0xb2: {  	[tilespmem:$0x528] =	vst v0  }
0xb3: {  	[tilespmem:$0x538] =	vst v0  }
0xb4: {  	[tilespmem:$0x548] =	vst v0  }
0xb5: {  	[tilespmem:$0x558] =	vst v0  }
0xb6: {  	[tilespmem:$0x568] =	vst v0  }
0xb7: {  	[tilespmem:$0x578] =	vst v0  }
0xb8: {  	[tilespmem:$0x588] =	vst v0  }
0xb9: {  	[tilespmem:$0x598] =	vst v0  }
0xba: {  	[tilespmem:$0x5A8] =	vst v0  }
0xbb: {  	[tilespmem:$0x5B8] =	vst v0  }
0xbc: {  	[tilespmem:$0x5C8] =	vst v0  }
0xbd: {  	[tilespmem:$0x5D8] =	vst v0  }
0xbe: {  	[tilespmem:$0x5E8] =	vst v0  }
0xbf: {  	[tilespmem:$0x5F8] =	vst v0  }
0xc0: {  	[tilespmem:$0x608] =	vst v0  }
0xc1: {  	[tilespmem:$0x618] =	vst v0  }
0xc2: {  	[tilespmem:$0x628] =	vst v0  }
0xc3: {  	[tilespmem:$0x638] =	vst v0  }
0xc4: {  	[tilespmem:$0x648] =	vst v0  }
0xc5: {  	[tilespmem:$0x658] =	vst v0  }
0xc6: {  	[tilespmem:$0x668] =	vst v0  }
0xc7: {  	[tilespmem:$0x678] =	vst v0  }
0xc8: {  	[tilespmem:$0x688] =	vst v0  }
0xc9: {  	[tilespmem:$0x698] =	vst v0  }
0xca: {  	[tilespmem:$0x6A8] =	vst v0  }
0xcb: {  	[tilespmem:$0x6B8] =	vst v0  }
0xcc: {  	[tilespmem:$0x6C8] =	vst v0  }
0xcd: {  	[tilespmem:$0x6D8] =	vst v0  }
0xce: {  	[tilespmem:$0x6E8] =	vst v0  }
0xcf: {  	[tilespmem:$0x6F8] =	vst v0  }
0xd0: {  	[tilespmem:$0x708] =	vst v0  }
0xd1: {  	[tilespmem:$0x718] =	vst v0  }
0xd2: {  	[tilespmem:$0x728] =	vst v0  }
0xd3: {  	[tilespmem:$0x738] =	vst v0  }
0xd4: {  	[tilespmem:$0x748] =	vst v0  }
0xd5: {  	[tilespmem:$0x758] =	vst v0  }
0xd6: {  	[tilespmem:$0x768] =	vst v0  }
0xd7: {  	[tilespmem:$0x778] =	vst v0  }
0xd8: {  	[tilespmem:$0x788] =	vst v0  }
0xd9: {  	[tilespmem:$0x798] =	vst v0  }
0xda: {  	[tilespmem:$0x7A8] =	vst v0  }
0xdb: {  	[tilespmem:$0x7B8] =	vst v0  }
0xdc: {  	[tilespmem:$0x7C8] =	vst v0  }
0xdd: {  	[tilespmem:$0x7D8] =	vst v0  }
0xde: {  	[tilespmem:$0x7E8] =	vst v0  }
0xdf: {  	[tilespmem:$0x7F8] =	vst v0  }
0xe0: {  	[tilespmem:$0x808] =	vst v0  }
0xe1: {  	[tilespmem:$0x818] =	vst v0  }
0xe2: {  	[tilespmem:$0x828] =	vst v0  }
0xe3: {  	[tilespmem:$0x838] =	vst v0  }
0xe4: {  	[tilespmem:$0x848] =	vst v0  }
0xe5: {  	[tilespmem:$0x858] =	vst v0  }
0xe6: {  	[tilespmem:$0x868] =	vst v0  }
0xe7: {  	[tilespmem:$0x878] =	vst v0  }
0xe8: {  	[tilespmem:$0x888] =	vst v0  }
0xe9: {  	[tilespmem:$0x898] =	vst v0  }
0xea: {  	[tilespmem:$0x8A8] =	vst v0  }
0xeb: {  	[tilespmem:$0x8B8] =	vst v0  }
0xec: {  	[tilespmem:$0x8C8] =	vst v0  }
0xed: {  	[tilespmem:$0x8D8] =	vst v0  }
0xee: {  	[tilespmem:$0x8E8] =	vst v0  }
0xef: {  	[tilespmem:$0x8F8] =	vst v0  }
0xf0: {  	[tilespmem:$0x908] =	vst v0  }
0xf1: {  	[tilespmem:$0x918] =	vst v0  }
0xf2: {  	[tilespmem:$0x928] =	vst v0  }
0xf3: {  	[tilespmem:$0x938] =	vst v0  }
0xf4: {  	[tilespmem:$0x948] =	vst v0  }
0xf5: {  	[tilespmem:$0x958] =	vst v0  }
0xf6: {  	[tilespmem:$0x968] =	vst v0  }
0xf7: {  	[tilespmem:$0x978] =	vst v0  }
0xf8: {  	[tilespmem:$0x988] =	vst v0  }
0xf9: {  	[tilespmem:$0x998] =	vst v0  }
0xfa: {  	[tilespmem:$0x9A8] =	vst v0  }
0xfb: {  	[tilespmem:$0x9B8] =	vst v0  }
0xfc: {  	[tilespmem:$0x9C8] =	vst v0  }
0xfd: {  	[tilespmem:$0x9D8] =	vst v0  }
0xfe: {  	[tilespmem:$0x9E8] =	vst v0  }
0xff: {  	[tilespmem:$0x9F8] =	vst v0  }
0x100: {  	[tilespmem:$0xA08] =	vst v0  }
0x101: {  	[tilespmem:$0xA18] =	vst v0  }
0x102: {  	[tilespmem:$0xA28] =	vst v0  }
0x103: {  	[tilespmem:$0xA38] =	vst v0  }
0x104: {  	[tilespmem:$0xA48] =	vst v0  }
0x105: {  	[tilespmem:$0xA58] =	vst v0  }
0x106: {  	[tilespmem:$0xA68] =	vst v0  }
0x107: {  	[tilespmem:$0xA78] =	vst v0  }
0x108: {  	[tilespmem:$0xA88] =	vst v0  }
0x109: {  	[tilespmem:$0xA98] =	vst v0  }
0x10a: {  	[tilespmem:$0xAA8] =	vst v0  }
0x10b: {  	[tilespmem:$0xAB8] =	vst v0  }
0x10c: {  	[tilespmem:$0xAC8] =	vst v0  }
0x10d: {  	[tilespmem:$0xAD8] =	vst v0  }
0x10e: {  	[tilespmem:$0xAE8] =	vst v0  }
0x10f: {  	[tilespmem:$0xAF8] =	vst v0  }
0x110: {  	[tilespmem:$0xB08] =	vst v0  }
0x111: {  	[tilespmem:$0xB18] =	vst v0  }
0x112: {  	[tilespmem:$0xB28] =	vst v0  }
0x113: {  	[tilespmem:$0xB38] =	vst v0  }
0x114: {  	[tilespmem:$0xB48] =	vst v0  }
0x115: {  	[tilespmem:$0xB58] =	vst v0  }
0x116: {  	[tilespmem:$0xB68] =	vst v0  }
0x117: {  	[tilespmem:$0xB78] =	vst v0  }
0x118: {  	[tilespmem:$0xB88] =	vst v0  }
0x119: {  	[tilespmem:$0xB98] =	vst v0  }
0x11a: {  	[tilespmem:$0xBA8] =	vst v0  }
0x11b: {  	[tilespmem:$0xBB8] =	vst v0  }
0x11c: {  	[tilespmem:$0xBC8] =	vst v0  }
0x11d: {  	[tilespmem:$0xBD8] =	vst v0  }
0x11e: {  	[tilespmem:$0xBE8] =	vst v0  }
0x11f: {  	[tilespmem:$0xBF8] =	vst v0  }
0x120: {  	[tilespmem:$0xC08] =	vst v0  }
0x121: {  	[tilespmem:$0xC18] =	vst v0  }
0x122: {  	[tilespmem:$0xC28] =	vst v0  }
0x123: {  	[tilespmem:$0xC38] =	vst v0  }
0x124: {  	[tilespmem:$0xC48] =	vst v0  }
0x125: {  	[tilespmem:$0xC58] =	vst v0  }
0x126: {  	[tilespmem:$0xC68] =	vst v0  }
0x127: {  	[tilespmem:$0xC78] =	vst v0  }
0x128: {  	[tilespmem:$0xC88] =	vst v0  }
0x129: {  	[tilespmem:$0xC98] =	vst v0  }
0x12a: {  	[tilespmem:$0xCA8] =	vst v0  }
0x12b: {  	[tilespmem:$0xCB8] =	vst v0  }
0x12c: {  	[tilespmem:$0xCC8] =	vst v0  }
0x12d: {  	[tilespmem:$0xCD8] =	vst v0  }
0x12e: {  	[tilespmem:$0xCE8] =	vst v0  }
0x12f: {  	[tilespmem:$0xCF8] =	vst v0  }
0x130: {  	[tilespmem:$0xD08] =	vst v0  }
0x131: {  	[tilespmem:$0xD18] =	vst v0  }
0x132: {  	[tilespmem:$0xD28] =	vst v0  }
0x133: {  	[tilespmem:$0xD38] =	vst v0  }
0x134: {  	[tilespmem:$0xD48] =	vst v0  }
0x135: {  	[tilespmem:$0xD58] =	vst v0  }
0x136: {  	[tilespmem:$0xD68] =	vst v0  }
0x137: {  	[tilespmem:$0xD78] =	vst v0  }
0x138: {  	[tilespmem:$0xD88] =	vst v0  }
0x139: {  	[tilespmem:$0xD98] =	vst v0  }
0x13a: {  	[tilespmem:$0xDA8] =	vst v0  }
0x13b: {  	[tilespmem:$0xDB8] =	vst v0  }
0x13c: {  	[tilespmem:$0xDC8] =	vst v0  }
0x13d: {  	[tilespmem:$0xDD8] =	vst v0  }
0x13e: {  	[tilespmem:$0xDE8] =	vst v0  }
0x13f: {  	[tilespmem:$0xDF8] =	vst v0  }
0x140: {  	[tilespmem:$0xE08] =	vst v0  }
0x141: {  	[tilespmem:$0xE18] =	vst v0  }
0x142: {  	[tilespmem:$0xE28] =	vst v0  }
0x143: {  	[tilespmem:$0xE38] =	vst v0  }
0x144: {  	[tilespmem:$0xE48] =	vst v0  }
0x145: {  	[tilespmem:$0xE58] =	vst v0  }
0x146: {  	[tilespmem:$0xE68] =	vst v0  }
0x147: {  	[tilespmem:$0xE78] =	vst v0  }
0x148: {  	[tilespmem:$0xE88] =	vst v0  }
0x149: {  	[tilespmem:$0xE98] =	vst v0  }
0x14a: {  	[tilespmem:$0xEA8] =	vst v0  }
0x14b: {  	[tilespmem:$0xEB8] =	vst v0  }
0x14c: {  	[tilespmem:$0xEC8] =	vst v0  }
0x14d: {  	[tilespmem:$0xED8] =	vst v0  }
0x14e: {  	[tilespmem:$0xEE8] =	vst v0  }
0x14f: {  	[tilespmem:$0xEF8] =	vst v0  }
0x150: {  	[tilespmem:$0xF08] =	vst v0  }
0x151: {  	[tilespmem:$0xF18] =	vst v0  }
0x152: {  	[tilespmem:$0xF28] =	vst v0  }
0x153: {  	[tilespmem:$0xF38] =	vst v0  }
0x154: {  	[tilespmem:$0xF48] =	vst v0  }
0x155: {  	[tilespmem:$0xF58] =	vst v0  }
0x156: {  	[tilespmem:$0xF68] =	vst v0  }
0x157: {  	[tilespmem:$0xF78] =	vst v0  }
0x158: {  	[tilespmem:$0xF88] =	vst v0  }
0x159: {  	[tilespmem:$0xF98] =	vst v0  }
0x15a: {  	[tilespmem:$0xFA8] =	vst v0  }
0x15b: {  	[tilespmem:$0xFB8] =	vst v0  }
0x15c: {  	[tilespmem:$0xFC8] =	vst v0  }
0x15d: {  	[tilespmem:$0xFD8] =	vst v0  }
0x15e: {  	[tilespmem:$0xFE8] =	vst v0  }
0x15f: {  	[tilespmem:$0xFF8] =	vst v0  }
0x160: {  	[tilespmem:$0x1018] =	vst v0  }
0x161: {  	[tilespmem:$0x10D8] =	vst v0  }
0x162: {  	[tilespmem:$0x1B28] =	vst v0  }
0x163: {  	[tilespmem:$0x1B18] =	vst v0  }
0x164: {  	[tilespmem:$0x1B08] =	vst v0  }
0x165: {  	[tilespmem:$0x1AF8] =	vst v0  }
0x166: {  	[tilespmem:$0x1AE8] =	vst v0  }
0x167: {  	[tilespmem:$0x1AD8] =	vst v0  }
0x168: {  	[tilespmem:$0x1AC8] =	vst v0  }
0x169: {  	[tilespmem:$0x1AB8] =	vst v0  }
0x16a: {  	[tilespmem:$0x1AA8] =	vst v0  }
0x16b: {  	[tilespmem:$0x1A98] =	vst v0  }
0x16c: {  	[tilespmem:$0x1A88] =	vst v0  }
0x16d: {  	[tilespmem:$0x1A78] =	vst v0  }
0x16e: {  	[tilespmem:$0x1A68] =	vst v0  }
0x16f: {  	[tilespmem:$0x1A58] =	vst v0  }
0x170: {  	[tilespmem:$0x1A48] =	vst v0  }
0x171: {  	[tilespmem:$0x1A38] =	vst v0  }
0x172: {  	[tilespmem:$0x1A28] =	vst v0  }
0x173: {  	[tilespmem:$0x1A18] =	vst v0  }
0x174: {  	[tilespmem:$0x1A08] =	vst v0  }
0x175: {  	[tilespmem:$0x19F8] =	vst v0  }
0x176: {  	[tilespmem:$0x19E8] =	vst v0  }
0x177: {  	[tilespmem:$0x19D8] =	vst v0  }
0x178: {  	[tilespmem:$0x19C8] =	vst v0  }
0x179: {  	[tilespmem:$0x19B8] =	vst v0  }
0x17a: {  	[tilespmem:$0x19A8] =	vst v0  }
0x17b: {  	[tilespmem:$0x1998] =	vst v0  }
0x17c: {  	[tilespmem:$0x1988] =	vst v0  }
0x17d: {  	[tilespmem:$0x1978] =	vst v0  }
0x17e: {  	[tilespmem:$0x1968] =	vst v0  }
0x17f: {  	[tilespmem:$0x1958] =	vst v0  }
0x180: {  	[tilespmem:$0x1948] =	vst v0  }
0x181: {  	[tilespmem:$0x1938] =	vst v0  }
0x182: {  	[tilespmem:$0x1928] =	vst v0  }
0x183: {  	[tilespmem:$0x1918] =	vst v0  }
0x184: {  	[tilespmem:$0x1908] =	vst v0  }
0x185: {  	[tilespmem:$0x18F8] =	vst v0  }
0x186: {  	[tilespmem:$0x18E8] =	vst v0  }
0x187: {  	[tilespmem:$0x18D8] =	vst v0  }
0x188: {  	[tilespmem:$0x18C8] =	vst v0  }
0x189: {  	[tilespmem:$0x18B8] =	vst v0  }
0x18a: {  	[tilespmem:$0x18A8] =	vst v0  }
0x18b: {  	[tilespmem:$0x1898] =	vst v0  }
0x18c: {  	[tilespmem:$0x1888] =	vst v0  }
0x18d: {  	[tilespmem:$0x1878] =	vst v0  }
0x18e: {  	[tilespmem:$0x1868] =	vst v0  }
0x18f: {  	[tilespmem:$0x1858] =	vst v0  }
0x190: {  	[tilespmem:$0x1848] =	vst v0  }
0x191: {  	[tilespmem:$0x1838] =	vst v0  }
0x192: {  	[tilespmem:$0x1828] =	vst v0  }
0x193: {  	[tilespmem:$0x1818] =	vst v0  }
0x194: {  	[tilespmem:$0x1808] =	vst v0  }
0x195: {  	[tilespmem:$0x17F8] =	vst v0  }
0x196: {  	[tilespmem:$0x17E8] =	vst v0  }
0x197: {  	[tilespmem:$0x17D8] =	vst v0  }
0x198: {  	[tilespmem:$0x17C8] =	vst v0  }
0x199: {  	[tilespmem:$0x17B8] =	vst v0  }
0x19a: {  	[tilespmem:$0x17A8] =	vst v0  }
0x19b: {  	[tilespmem:$0x1798] =	vst v0  }
0x19c: {  	[tilespmem:$0x1788] =	vst v0  }
0x19d: {  	[tilespmem:$0x1778] =	vst v0  }
0x19e: {  	[tilespmem:$0x1768] =	vst v0  }
0x19f: {  	[tilespmem:$0x1758] =	vst v0  }
0x1a0: {  	[tilespmem:$0x1748] =	vst v0  }
0x1a1: {  	[tilespmem:$0x1738] =	vst v0  }
0x1a2: {  	[tilespmem:$0x1728] =	vst v0  }
0x1a3: {  	[tilespmem:$0x1718] =	vst v0  }
0x1a4: {  	[tilespmem:$0x1708] =	vst v0  }
0x1a5: {  	[tilespmem:$0x16F8] =	vst v0  }
0x1a6: {  	[tilespmem:$0x16E8] =	vst v0  }
0x1a7: {  	[tilespmem:$0x16D8] =	vst v0  }
0x1a8: {  	[tilespmem:$0x16C8] =	vst v0  }
0x1a9: {  	[tilespmem:$0x16B8] =	vst v0  }
0x1aa: {  	[tilespmem:$0x16A8] =	vst v0  }
0x1ab: {  	[tilespmem:$0x1698] =	vst v0  }
0x1ac: {  	[tilespmem:$0x1688] =	vst v0  }
0x1ad: {  	[tilespmem:$0x1678] =	vst v0  }
0x1ae: {  	[tilespmem:$0x1668] =	vst v0  }
0x1af: {  	[tilespmem:$0x1658] =	vst v0  }
0x1b0: {  	[tilespmem:$0x1648] =	vst v0  }
0x1b1: {  	[tilespmem:$0x1638] =	vst v0  }
0x1b2: {  	[tilespmem:$0x1628] =	vst v0  }
0x1b3: {  	[tilespmem:$0x1618] =	vst v0  }
0x1b4: {  	[tilespmem:$0x1608] =	vst v0  }
0x1b5: {  	[tilespmem:$0x15F8] =	vst v0  }
0x1b6: {  	[tilespmem:$0x15E8] =	vst v0  }
0x1b7: {  	[tilespmem:$0x15D8] =	vst v0  }
0x1b8: {  	[tilespmem:$0x15C8] =	vst v0  }
0x1b9: {  	[tilespmem:$0x15B8] =	vst v0  }
0x1ba: {  	[tilespmem:$0x15A8] =	vst v0  }
0x1bb: {  	[tilespmem:$0x1598] =	vst v0  }
0x1bc: {  	[tilespmem:$0x1588] =	vst v0  }
0x1bd: {  	[tilespmem:$0x1578] =	vst v0  }
0x1be: {  	[tilespmem:$0x1568] =	vst v0  }
0x1bf: {  	[tilespmem:$0x1558] =	vst v0  }
0x1c0: {  	[tilespmem:$0x1548] =	vst v0  }
0x1c1: {  	[tilespmem:$0x1538] =	vst v0  }
0x1c2: {  	[tilespmem:$0x1528] =	vst v0  }
0x1c3: {  	[tilespmem:$0x1518] =	vst v0  }
0x1c4: {  	[tilespmem:$0x1508] =	vst v0  }
0x1c5: {  	[tilespmem:$0x14F8] =	vst v0  }
0x1c6: {  	[tilespmem:$0x14E8] =	vst v0  }
0x1c7: {  	[tilespmem:$0x14D8] =	vst v0  }
0x1c8: {  	[tilespmem:$0x14C8] =	vst v0  }
0x1c9: {  	[tilespmem:$0x14B8] =	vst v0  }
0x1ca: {  	[tilespmem:$0x14A8] =	vst v0  }
0x1cb: {  	[tilespmem:$0x1498] =	vst v0  }
0x1cc: {  	[tilespmem:$0x1488] =	vst v0  }
0x1cd: {  	[tilespmem:$0x1478] =	vst v0  }
0x1ce: {  	[tilespmem:$0x1468] =	vst v0  }
0x1cf: {  	[tilespmem:$0x1458] =	vst v0  }
0x1d0: {  	[tilespmem:$0x1448] =	vst v0  }
0x1d1: {  	[tilespmem:$0x1438] =	vst v0  }
0x1d2: {  	[tilespmem:$0x1428] =	vst v0  }
0x1d3: {  	[tilespmem:$0x1418] =	vst v0  }
0x1d4: {  	[tilespmem:$0x1408] =	vst v0  }
0x1d5: {  	[tilespmem:$0x13F8] =	vst v0  }
0x1d6: {  	[tilespmem:$0x13E8] =	vst v0  }
0x1d7: {  	[tilespmem:$0x13D8] =	vst v0  }
0x1d8: {  	[tilespmem:$0x13C8] =	vst v0  }
0x1d9: {  	[tilespmem:$0x13B8] =	vst v0  }
0x1da: {  	[tilespmem:$0x13A8] =	vst v0  }
0x1db: {  	[tilespmem:$0x1398] =	vst v0  }
0x1dc: {  	[tilespmem:$0x1388] =	vst v0  }
0x1dd: {  	[tilespmem:$0x1378] =	vst v0  }
0x1de: {  	[tilespmem:$0x1368] =	vst v0  }
0x1df: {  	[tilespmem:$0x1358] =	vst v0  }
0x1e0: {  	[tilespmem:$0x1348] =	vst v0  }
0x1e1: {  	[tilespmem:$0x1338] =	vst v0  }
0x1e2: {  	[tilespmem:$0x1328] =	vst v0  }
0x1e3: {  	[tilespmem:$0x1318] =	vst v0  }
0x1e4: {  	[tilespmem:$0x1308] =	vst v0  }
0x1e5: {  	[tilespmem:$0x12F8] =	vst v0  }
0x1e6: {  	[tilespmem:$0x12E8] =	vst v0  }
0x1e7: {  	[tilespmem:$0x12D8] =	vst v0  }
0x1e8: {  	[tilespmem:$0x12C8] =	vst v0  }
0x1e9: {  	[tilespmem:$0x12B8] =	vst v0  }
0x1ea: {  	[tilespmem:$0x12A8] =	vst v0  }
0x1eb: {  	[tilespmem:$0x1298] =	vst v0  }
0x1ec: {  	[tilespmem:$0x1288] =	vst v0  }
0x1ed: {  	[tilespmem:$0x1278] =	vst v0  }
0x1ee: {  	[tilespmem:$0x1268] =	vst v0  }
0x1ef: {  	[tilespmem:$0x1258] =	vst v0  }
0x1f0: {  	[tilespmem:$0x1248] =	vst v0  }
0x1f1: {  	[tilespmem:$0x1238] =	vst v0  }
0x1f2: {  	[tilespmem:$0x1228] =	vst v0  }
0x1f3: {  	[tilespmem:$0x1218] =	vst v0  }
0x1f4: {  	[tilespmem:$0x1208] =	vst v0  }
0x1f5: {  	[tilespmem:$0x11F8] =	vst v0  }
0x1f6: {  	[tilespmem:$0x11E8] =	vst v0  }
0x1f7: {  	[tilespmem:$0x11D8] =	vst v0  }
0x1f8: {  	[tilespmem:$0x11C8] =	vst v0  }
0x1f9: {  	[tilespmem:$0x11B8] =	vst v0  }
0x1fa: {  	[tilespmem:$0x11A8] =	vst v0  }
0x1fb: {  	[tilespmem:$0x1198] =	vst v0  }
0x1fc: {  	[tilespmem:$0x1188] =	vst v0  }
0x1fd: {  	[tilespmem:$0x1178] =	vst v0  }
0x1fe: {  	[tilespmem:$0x1168] =	vst v0  }
0x1ff: {  	[tilespmem:$0x1158] =	vst v0  }
0x200: {  	[tilespmem:$0x1148] =	vst v0  }
0x201: {  	[tilespmem:$0x1138] =	vst v0  }
0x202: {  	[tilespmem:$0x1128] =	vst v0  }
0x203: {  	[tilespmem:$0x1118] =	vst v0  }
0x204: {  	s2 =	stileid.u32;
	[tilespmem:$0x1108] =	vst v0  }
0x205: {  	s0 =	simm.s32 $0x1;
	p0 =	sne.s32 s2, $0x0;
	s1 =	smul.u32 $0x5E, s2;
	[tilespmem:$0x10F8] =	vst v0  }
0x206: {  	[tilespmem:$0x10E8] =	vst v0;
	s0 =	simm.s32 @!p0 $0x0;
	s3 =	simm.s32 @!p0 $0x0  }
0x207: {  	[tilespmem:$0x10B8] =	vst v0;
	s3 =	simm.s32 @p0 $0x1;
	s0 =	sor.u32 s0, s1;
	s1 =	simm.s32 $0xA050  }
0x208: {  	[tilespmem:$0x10C8] =	vst v0;
	p0 =	seq.s32 s2, $0x0;
	[smem:$0x7FD] =	sst s3;
	s3 =	smul.u32 $0x1B0, s0  }
0x209: {  	s1 =	simm.s32 @!p0 $0x9EA0;
	[tilespmem:$0x10A8] =	vst v0  }
0x20a: {  	[tilespmem:$0x1038] =	vst v0;
	s0 =	sadd.s32 s1, s3  }
0x20b: {  	[tilespmem:$0x1098] =	vst v0;
	s4 =	smin.u32 s0, $0x9EB10  }
0x20c: {  	[tilespmem:$0x1088] =	vst v0;
	s0 =	ssub.s32 s4, s3  }
0x20d: {  	s5 =	simm.s32 $0x2;
	[tilespmem:$0x1078] =	vst v0;
	p0 =	sgt.s32 s0, $0x0  }
0x20e: {  	s29 =	simm.s32 $0x7;
	s13 =	simm.s32 $0x8;
	[tilespmem:$0x1068] =	vst v0;
	s0 =	simm.s32 @!p0 $0x0  }
0x20f: {  	s30 =	simm.s32 $0x9;
	p1 =	por $0x1, $0x1;
	[tilespmem:$0x1058] =	vst v0;
	s6 =	smulhi.u32 $0x4BDA12F7, s0  }
0x210: {  	p2 =	por $0x0, $0x0;
	s14 =	simm.s32 $0xA;
	s18 =	simm.s32 $0x0;
	[tilespmem:$0x1048] =	vst v0  }
0x211: {  	s15 =	simm.s32 $0x0;
	s17 =	simm.s32 $0x0;
	[tilespmem:$0x1028] =	vst v0;
	s12 =	sshrl.u32 s6, $0x7  }
0x212: {  	s7 =	sadd.s32 $0xA74C00, s8;
	[tilespmem:$0x1008] =	vst v0;
	[sflag:s5] =	ssyncpa.u1 $0x0;
	v0 =	vimm.s32 $0xFFFFFFFF;
	s10 =	smul.u32 $0x1B0, s12  }
.Ltmp7:
0x213: {  	s31 =	sshll.u32 s2, $0x5;
	[tilespmem:$0x3648] =	vst v0;
	[sflag:s29] =	ssyncpa.u1 $0x0;
	(pc) =	sbr.rel .LBB3_1-.Ltmp7, $4  }
0x214: {  	[dreg:$0x2] =	wrdreg s31;
	[sflag:s13] =	ssyncpa.u1 $0x0;
	p0 =	sne.s32 s0, s10  }
0x215: {  	s13 =	simm.s32 $0x0;
	[sflag:s30] =	ssyncpa.u1 $0x0;
	s11 =	simm.s32 @!p0 $0x0  }
0x216: {  	s1 =	sadd.s32 $0xD8800, s8;
	s16 =	smov.u32 s3;
	s11 =	sadd.s32 s11, s12  }
0x217: {  	v0 =	vlaneseq.u32;
	s6 =	sadd.s32 $0x89A00, s8;
	s8 =	sadd.s32 $0x9D800, s8;
	s12 =	sadd.s32 $0x1, s11  }
.LBB3_18:
0x218: {  	s0 =	simm.s32 $0x2  }
0x219: {  	_ =	swait.ge [sflag:s0], $0x0  }
0x21a: {  	[sflag:s0] =	ssyncset.done $0x0;
	s0 =	simm.s32 $0x0  }
.LBB3_19:
0x21b: {  	_ =	swait.ge [sflag:s14], s0  }
0x21c: {  	s31 =	ssub.s32 $0x0, s0;
	v1 =	vmov s20;
	vm0 =	veq.s32 v0, $0x0;
	[sflag:s14] =	ssyncset.done $0x0  }
0x21d: {  	vm15 =	veq.s32 v0, $0x2;
	v1 =	vsel vm0, s24, v1;
	[sflag:s14] =	ssyncadd.s32 s31  }
0x21e: {  	v1 =	vsel vm15, s18, v1;
	[sflag:s14] =	ssyncpa.u1 $0x1  }
0x21f: {  	[tilespmem:$0x3648] =	vst v1  }
.LBB3_20:
0x220: {  	s0 =	sadd.s32 $0x1B0, s16  }
0x221: {  	s2 =	smov.u32 s3;
	p0 =	slt.s32 s0, s4  }
0x222: {  	s2 =	smov.u32 @p0 s0;
	p0 =	sne.s32 s17, s12  }
.Ltmp8:
0x223: {  	_ = 	snop;
	(pc) =	sbr.rel @!p0 .LBB3_21-.Ltmp8, $4  }
0x224: {  	_ = 	snop  }
0x225: {  	s18 =	smov.u32 s15  }
0x226: {  	s31 =	sadd.s32 $0x1, s17;
	s15 =	smov.u32 s16;
	p1 =	por !p1, !p1  }
0x227: {  	p2 =	por !p2, !p2;
	s17 =	smov.u32 s31;
	s16 =	smov.u32 s2  }
.LBB3_1:
0x228: {  	p0 =	sge.u32 s17, s11  }
0x229: {  	s0 =	smulhi.u32 @!p0 $0xAAAAAAAB, s17  }
0x22a: {  	s19 =	smov.u32 s16;
	p3 =	sgt.s32 @!p0 s16, $0x9E960  }
0x22b: {  	s20 =	sshra.s32 @!p0 s16, $0x1F;
	p3 =	por !p3, p0;
	s0 =	sshrl.u32 @!p0 s0, $0x1  }
0x22c: {  	s20 =	sand.u32 @!p0 s20, s16;
	s19 =	simm.s32 @p3 $0x9E960;
	s0 =	smul.u32 @!p0 $0x3, s0  }
0x22d: {  	s19 =	ssub.s32 @!p0 s19, s20  }
0x22e: {  	s19 =	sadd.s32 @!p0 $0xFFF616A0, s19;
	s0 =	ssub.s32 @!p0 s17, s0  }
0x22f: {  	s20 =	sshll.u32 @!p0 s19, $0x2;
	p3 =	sgt.s32 @!p0 s19, $0x1AF;
	s0 =	smul.u32 @!p0 $0x6C0, s0  }
0x230: {  	s21 =	sand.u32 @!p0 $0x7, s16;
	s19 =	ssub.s32 @!p0 $0x6C0, s20;
	p3 =	por !p3, p0  }
0x231: {  	s20 =	sshrl.u32 @!p0 s16, $0x3;
	s19 =	sshrl.u32 @!p0 s19, $0x2;
	s0 =	sshrl.u32 @!p0 s0, $0x2  }
0x232: {  	s20 =	sadd.s32 @!p0 s8, s20;
	s19 =	simm.s32 @!p3 $0x0;
	s0 =	sadd.s32 @!p0 $0x3878, s0  }
0x233: {  	[tilespmem:s0], [sflag:$0x8] =	stream.linear.gather @!p0 [hbm4b:s20+s21], s19, $0x38;
	[tilespmem:$0x1F0E8] =	vst v63  }
0x234: {  	s20 =	sadd.s32 $0xFFFFFFFF, s17  }
0x235: {  	p3 =	sge.u32 s20, s11  }
0x236: {  	p0 =	sgt.s32 @!p3 s15, $0x9E960  }
0x237: {  	s0 =	smov.u32 s15;
	s19 =	sshra.s32 @!p3 s15, $0x1F;
	p0 =	por !p0, p3  }
0x238: {  	s19 =	sand.u32 @!p3 s19, s15;
	s0 =	simm.s32 @p0 $0x9E960  }
0x239: {  	s0 =	ssub.s32 @!p3 s0, s19  }
0x23a: {  	s0 =	sadd.s32 @!p3 $0xFFF616A0, s0  }
0x23b: {  	s19 =	sshll.u32 @!p3 s0, $0x2  }
0x23c: {  	p0 =	sgt.s32 @!p3 s0, $0x1AF;
	s0 =	ssub.s32 @!p3 $0x6C0, s19  }
0x23d: {  	p0 =	por !p0, p3;
	s0 =	sshrl.u32 @!p3 s0, $0x2  }
0x23e: {  	s21 =	simm.s32 @!p3 $0x8;
	s19 =	sand.u32 @!p3 $0x1, s20;
	s0 =	simm.s32 @!p0 $0x0  }
0x23f: {  	s19 =	smul.u32 @!p3 $0x6C0, s19;
	_ =	swait.ge @!p3 [sflag:s21], s0  }
0x240: {  	s22 =	ssub.s32 @!p3 $0x0, s0;
	[sflag:s21] =	ssyncset.done @!p3 $0x0  }
0x241: {  	s19 =	sshrl.u32 @!p3 s19, $0x2;
	[sflag:s21] =	ssyncadd.s32 @!p3 s22;
	s21 =	sshrl.u32 @!p3 s15, $0x3  }
0x242: {  	s19 =	sadd.s32 @!p3 $0x3D88, s19;
	s22 =	sand.u32 @!p3 $0x7, s15;
	s21 =	sadd.s32 @!p3 s6, s21  }
0x243: {  	[tilespmem:s19], [sflag:$0x9] =	stream.linear.gather @!p3 [hbm4b:s21+s22], s0, $0x38;
	[tilespmem:$0x1F0E8] =	vst v63  }
0x244: {  	s19 =	ssub.s32 @!p3 $0x9EB10, s15  }
0x245: {  	p0 =	slt.s32 @!p3 s19, $0x1  }
0x246: {  	p0 =	por p3, p0  }
.Ltmp9:
0x247: {  	_ = 	snop;
	(pc) =	sbr.rel @p0 .LBB3_7-.Ltmp9, $1  }
0x248: {  	_ =	sdelay $0x3  }
0x249: {  	s0 =	smulhi.u32 $0xAAAAAAAB, s20;
	_ =	sdelay $0x1  }
0x24a: {  	s0 =	sshrl.u32 s0, $0x1  }
0x24b: {  	s0 =	smul.u32 $0x3, s0;
	_ =	sdelay $0x1  }
0x24c: {  	s0 =	ssub.s32 s20, s0  }
0x24d: {  	s21 =	simm.s32 $0x1;
	s0 =	smul.u32 $0x6C0, s0  }
.Ltmp10:
0x24e: {  	s21 =	simm.s32 @!p1 $0x0;
	(pc) =	sbr.rel .LBB3_4-.Ltmp10, $4  }
0x24f: {  	s31 =	smul.u32 $0x36000, s21  }
0x250: {  	p0 =	slt.s32 @!p3 s19, $0x1B0;
	s0 =	sshrl.u32 s0, $0x2  }
0x251: {  	p0 =	por !p0, p3;
	s20 =	sshrl.u32 s31, $0x2;
	s0 =	sadd.s32 $0x3878, s0  }
0x252: {  	s19 =	simm.s32 @p0 $0x1B0;
	s21 =	simm.s32 $0x0;
	s20 =	sadd.s32 $0x40E8, s20;
	v1 =	vmov s0  }
.LBB3_3:
0x253: {  	p0 =	sge.s32 s21, s19  }
.Ltmp11:
0x254: {  	_ = 	snop;
	(pc) =	sbr.rel @p0 .LBB3_7-.Ltmp11, $2  }
0x255: {  	_ =	sdelay $0x2  }
0x256: {  	s20 =	sadd.s32 $0x800, s20  }
.LBB3_4:
0x257: {  	p0 =	sle.s32 s19, s21  }
.Ltmp12:
0x258: {  	_ = 	snop;
	(pc) =	sbr.rel @p0 .LBB3_3-.Ltmp12, $2  }
0x259: {  	_ =	sdelay $0x2  }
0x25a: {  	s22 =	smov.u32 s21;
	s21 =	sadd.s32 $0x10, s21  }
0x25b: {  	s0 =	ssub.s32 s19, s22  }
0x25c: {  	p0 =	slt.s32 s0, $0x10  }
0x25d: {  	s0 =	simm.s32 @!p0 $0x10  }
0x25e: {  	v2 =	vmov s0  }
0x25f: {  	vm0 =	vgt.s32 v2, v0;
	_ =	sdelay $0x5  }
0x260: {  	v2 =	vld.idx.msk [tilespmem:v1+s22+$0x0 ss:$0x1], vm0;
	_ =	sdelay $0x2  }
0x261: {  	s23 =	smov.u32 s19;
	p0 =	slt.s32 s21, s19  }
0x262: {  	s24 =	smov.u32 s20;
	s25 =	simm.s32 $0x0;
	s23 =	smov.u32 @p0 s21  }
.LBB3_6:
0x263: {  	(v2sf) =	vpush v2, s25;
	_ =	sdelay $0xc  }
0x264: {  	s25 =	sadd.s32 $0x1, s25  }
0x265: {  	s31 =	sadd.s32 s25, s22  }
0x266: {  	p0 =	slt.s32 s31, s23;
	s0 =	spop (v2sf)  }
.Ltmp13:
0x267: {  	s0 =	sshll.u32 s0, $0x4;
	(pc) =	sbr.rel @p0 .LBB3_6-.Ltmp13, $4  }
0x268: {  	s0 =	sand.u32 $0x1FFFFFF0, s0  }
0x269: {  	s0 =	sadd.s32 s7, s0  }
0x26a: {  	[tilespmem:s24], [sflag:$0x7] =	stream.linear.gather [hbm4b:s0+s13], $0x4, $0x38;
	[tilespmem:$0x1F0E8] =	vst v63  }
0x26b: {  	s24 =	sadd.s32 $0x80, s24  }
.Ltmp14:
0x26c: {  	_ = 	snop;
	(pc) =	sbr.rel .LBB3_3-.Ltmp14, $1  }
0x26d: {  	_ =	sdelay $0x3  }
.LBB3_7:
0x26e: {  	p0 =	slt.u32 s17, $0x2  }
.Ltmp15:
0x26f: {  	_ = 	snop;
	(pc) =	sbr.rel @p0 .LBB3_20-.Ltmp15, $1  }
0x270: {  	_ =	sdelay $0x3  }
0x271: {  	p0 =	sgt.s32 s18, $0x9E960;
	s0 =	smov.u32 s18  }
0x272: {  	s19 =	sshra.s32 s18, $0x1F;
	s20 =	ssub.s32 $0x9EB10, s18;
	s0 =	simm.s32 @!p0 $0x9E960  }
0x273: {  	s19 =	sand.u32 s19, s18;
	p0 =	slt.s32 s20, $0x1B0;
	s21 =	smov.u32 s20  }
0x274: {  	s0 =	ssub.s32 s0, s19;
	s21 =	simm.s32 @!p0 $0x1B0  }
0x275: {  	s0 =	sadd.s32 $0xFFF616A0, s0;
	s26 =	sshll.u32 s21, $0x2  }
0x276: {  	s2 =	simm.s32 $0x7;
	s28 =	sshll.u32 s0, $0x2;
	s19 =	sand.u32 $0x3FFFFFFC, s26  }
0x277: {  	p0 =	sgt.s32 s0, $0x1AF;
	s29 =	ssub.s32 $0x6C0, s28;
	_ =	swait.ge [sflag:s2], s19  }
0x278: {  	s19 =	ssub.s32 $0x0, s19;
	[sflag:s2] =	ssyncset.done $0x0;
	s0 =	sshrl.u32 s29, $0x2  }
0x279: {  	s30 =	simm.s32 $0x9;
	[sflag:s2] =	ssyncadd.s32 s19;
	s0 =	simm.s32 @p0 $0x0  }
0x27a: {  	_ =	swait.ge [sflag:s30], s0  }
0x27b: {  	s0 =	ssub.s32 $0x0, s0;
	[sflag:s30] =	ssyncset.done $0x0  }
0x27c: {  	[sflag:s30] =	ssyncadd.s32 s0  }
0x27d: {  	v1 =	vld [tilespmem:$0x3648];
	_ =	sdelay $0x4  }
0x27e: {  	(v2sf) =	vpush v1, $0x0  }
0x27f: {  	(v2sf) =	vpush v1, $0x1  }
0x280: {  	(v2sf) =	vpush v1, $0x2;
	_ =	sdelay $0x3  }
0x281: {  	s0 =	sadd.s32 $0x1B0, s18  }
0x282: {  	p0 =	slt.s32 s4, s0  }
0x283: {  	s0 =	smov.u32 @p0 s4;
	p0 =	sgt.s32 s20, $0x0  }
0x284: {  	s22 =	ssub.s32 s0, s18;
	s20 =	simm.s32 @!p0 $0x0  }
0x285: {  	p0 =	slt.s32 s20, s22  }
0x286: {  	s22 =	smov.u32 @p0 s20  }
0x287: {  	s21 =	simm.s32 $0x1;
	p3 =	slt.s32 s22, $0x1  }
.Ltmp16:
0x288: {  	s21 =	simm.s32 @!p2 $0x0;
	(pc) =	sbr.rel @p3 .LBB3_12-.Ltmp16, $4  }
0x289: {  	s31 =	smul.u32 $0x6C0, s21  }
0x28a: {  	s23 =	spop (v2sf)  }
0x28b: {  	s0 =	sshrl.u32 s31, $0x2;
	s25 =	spop (v2sf)  }
0x28c: {  	s19 =	sadd.s32 $0x3D88, s0;
	s18 =	spop (v2sf)  }
0x28d: {  	s0 =	smin.u32 s22, $0x10  }
0x28e: {  	v1 =	vmov s0  }
0x28f: {  	p0 =	sgt.s32 s22, $0x10;
	vm1 =	vgt.u32 v1, v0  }
.Ltmp17:
0x290: {  	_ = 	snop;
	(pc) =	sbr.rel @!p0 .LBB3_11-.Ltmp17, $2  }
0x291: {  	_ =	sdelay $0x2  }
0x292: {  	s24 =	simm.s32 $0x10;
	s26 =	sadd.s32 $0xFFFFFFF0, s22;
	s20 =	smov.u32 s19;
	vm0 =	vmmov vm1  }
.LBB3_10:
0x293: {  	s0 =	smin.u32 s26, $0x10;
	s24 =	sadd.s32 $0x10, s24;
	v1 =	vld.msk [tilespmem:s20+$0x0 ss:$0x1], vm1  }
0x294: {  	v2 =	vmov s0;
	p0 =	slt.s32 s24, s22  }
0x295: {  	vm1 =	vgt.u32 v2, v0  }
.Ltmp18:
0x296: {  	(pc) =	sbr.rel @p0 .LBB3_10-.Ltmp18, $3  }
0x297: {  	_ =	sdelay $0x1  }
0x298: {  	v1 =	vshll.u32 v1, $0x4  }
0x299: {  	s26 =	sadd.s32 $0xFFFFFFF0, s26;
	[tilespmem:s20+$0x0] =	vst.msk vm0, v1;
	s20 =	sadd.s32 $0x10, s20;
	vm0 =	vmmov vm1  }
.LBB3_11:
0x29a: {  	_ =	sdelay $0x4  }
0x29b: {  	v1 =	vld.msk [tilespmem:s20+$0x0 ss:$0x1], vm1;
	_ =	sdelay $0x4  }
0x29c: {  	v1 =	vshll.u32 v1, $0x4  }
0x29d: {  	[tilespmem:s20+$0x0] =	vst.msk vm0, v1  }
.LBB3_12:
0x29e: {  	s0 =	sand.u32 $0x1, s17  }
0x29f: {  	s20 =	smul.u32 $0x1B0, s0  }
0x2a0: {  	p0 =	sne.s32 s25, $0xFFFFFFFF  }
0x2a1: {  	v1 =	vld.msk @!p0 [tilespmem:s20+$0x3D88], $0x1;
	_ =	sdelay $0x4  }
0x2a2: {  	(v2sf) =	vpush @!p0 v1, $0x0;
	_ =	sdelay $0x9  }
0x2a3: {  	s0 =	smul.u32 $0xD800, s0;
	_ =	sdelay $0x1  }
0x2a4: {  	v1 =	vld.msk @!p0 [tilespmem:s0+$0x40E8], $0xf  }
.Ltmp19:
0x2a5: {  	_ = 	snop;
	(pc) =	sbr.rel @p3 .LBB3_18-.Ltmp19, $4  }
0x2a6: {  	_ = 	snop  }
0x2a7: {  	s24 =	spop @!p0 (v2sf)  }
0x2a8: {  	s18 =	simm.s32 @!p0 $0x0;
	s0 =	simm.s32 @!p0 $0x28;
	s20 =	smov.u32 s24  }
0x2a9: {  	[tilespmem:s0+$0x0] =	vst.msk @!p0 $0xf, v1;
	[sflag:s14] =	ssyncpa.u1 $0x0;
	s24 =	smov.u32 @p0 s23;
	s20 =	smov.u32 @p0 s25  }
0x2aa: {  	v1 =	vld.msk [tilespmem:s19+$0x0], $0x1;
	_ =	sdelay $0x4  }
0x2ab: {  	(v2sf) =	vpush v1, $0x0;
	_ =	sdelay $0xd  }
0x2ac: {  	s0 =	simm.s32 @!p2 $0x0  }
0x2ad: {  	s26 =	smul.u32 $0x36000, s21;
	s25 =	ssub.s32 $0x0, s22;
	s28 =	spop (v2sf)  }
0x2ae: {  	s0 =	simm.s32 @p2 $0x1;
	s23 =	sadd.s32 $0x1, s25;
	p3 =	seq.s32 s24, s28  }
0x2af: {  	[smem:$0x7FC] =	sst s0;
	s0 =	sshrl.u32 s26, $0x2;
	p0 =	sgt.s32 @!p3 s24, $0x0  }
0x2b0: {  	s21 =	sadd.s32 $0x40E8, s0;
	s0 =	smov.u32 s24;
	p0 =	por !p0, p3  }
0x2b1: {  	s0 =	simm.s32 @p0 $0x0;
	p0 =	seq.s32 s23, $0x0  }
.Ltmp20:
0x2b2: {  	_ = 	snop;
	(pc) =	sbr.rel @p0 .LBB3_15-.Ltmp20, $4  }
0x2b3: {  	_ = 	snop  }
0x2b4: {  	s22 =	simm.s32 $0x0;
	s29 =	simm.s32 @!p3 $0x1;
	s0 =	smin.u32 @!p3 s0, $0x270FF  }
0x2b5: {  	s30 =	simm.s32 @!p3 $0x1B38;
	s29 =	smov.u32 @p3 s22;
	s26 =	sand.u32 @!p3 $0x3FFF8, s0  }
0x2b6: {  	s31 =	sand.u32 @!p3 $0x7, s0;
	s0 =	sadd.s32 @!p3 s1, s26;
	s26 =	sadd.s32 $0x1, s19  }
.LBB3_14:
0x2b7: {  	s2 =	smov.u32 s29  }
0x2b8: {  	[tilespmem:s30], [sflag:$0x2] =	stream.linear.gather @!p3 [hbm4b:s0+s31], $0x4, $0x38;
	[tilespmem:$0x1F0E8] =	vst v63  }
0x2b9: {  	s23 =	sadd.s32 $0x1, s23;
	s0 =	smov.u32 s28;
	v1 =	vld.msk [tilespmem:s26+$0x0], $0x1  }
0x2ba: {  	p4 =	seq.s32 s23, $0x0;
	_ =	sdelay $0x3  }
0x2bb: {  	(v2sf) =	vpush v1, $0x0;
	_ =	sdelay $0xe  }
0x2bc: {  	s28 =	spop (v2sf)  }
0x2bd: {  	p3 =	seq.s32 s0, s28  }
0x2be: {  	p0 =	sgt.s32 @!p3 s0, $0x0;
	s30 =	sshll.u32 @!p3 s29, $0x6;
	s29 =	sadd.s32 @!p3 $0x1, s29  }
.Ltmp21:
0x2bf: {  	p0 =	por !p0, p3;
	s30 =	sshra.s32 @!p3 s30, $0x2;
	(pc) =	sbr.rel @!p4 .LBB3_14-.Ltmp21, $4  }
0x2c0: {  	s29 =	smov.u32 @p3 s2;
	s0 =	simm.s32 @p0 $0x0;
	s30 =	sadd.s32 @!p3 $0x1B38, s30  }
0x2c1: {  	s0 =	smin.u32 @!p3 s0, $0x270FF  }
0x2c2: {  	s2 =	sand.u32 @!p3 $0x3FFF8, s0;
	s31 =	sand.u32 @!p3 $0x7, s0  }
0x2c3: {  	s26 =	sadd.s32 $0x1, s26;
	s0 =	sadd.s32 @!p3 s1, s2  }
.LBB3_15:
0x2c4: {  	[tilespmem:s30], [sflag:$0x2] =	stream.linear.gather @!p3 [hbm4b:s0+s31], $0x4, $0x38;
	[tilespmem:$0x1F0E8] =	vst v63  }
0x2c5: {  	s31 =	sshll.u32 s29, $0x2  }
0x2c6: {  	s2 =	simm.s32 $0x2;
	s0 =	sand.u32 $0x3FFFFFFC, s31  }
0x2c7: {  	_ =	swait.ge [sflag:s2], s0  }
0x2c8: {  	s0 =	ssub.s32 $0x0, s0;
	[sflag:s2] =	ssyncset.done $0x0  }
0x2c9: {  	[sflag:s2] =	ssyncadd.s32 s0  }
0x2ca: {  	v1 =	vld.msk [tilespmem:s19+$0x0], $0x1;
	_ =	sdelay $0x4  }
0x2cb: {  	(v2sf) =	vpush v1, $0x0;
	_ =	sdelay $0xe  }
0x2cc: {  	s23 =	spop (v2sf)  }
0x2cd: {  	p3 =	sne.s32 s24, s23  }
0x2ce: {  	p5 =	sne.s32 @p3 s24, s20  }
0x2cf: {  	p4 =	por !p5, !p3  }
0x2d0: {  	s0 =	sshll.u32 @!p4 s18, $0x6;
	s2 =	simm.s32 @!p4 $0x0  }
0x2d1: {  	s0 =	sshra.s32 @!p4 s0, $0x2;
	v1 =	vld.msk @!p4 [tilespmem:s2+$0x1B38], $0xf  }
0x2d2: {  	v2 =	vld.msk @!p4 [tilespmem:s0+$0x28], $0xf;
	_ =	sdelay $0x1  }
0x2d3: {  	p0 =	sgt.u32 @!p4 s24, $0x270FF  }
0x2d4: {  	p6 =	por @p3 p0, !p5  }
0x2d5: {  	p2 =	por p6, !p3;
	p6 =	por p5, !p3  }
0x2d6: {  	s26 =	sadd.s32 @!p4 $0x28, s0;
	s2 =	sand.u32 @!p2 $0x3FFF8, s24;
	s28 =	sshll.u32 @!p6 s18, $0x6;
	v1 =	vmax.f32 @!p4 v1, v2  }
0x2d7: {  	s24 =	sand.u32 @!p2 $0x7, s24;
	s2 =	sadd.s32 @!p2 s1, s2;
	[tilespmem:s0+$0x28] =	vst.msk @!p4 $0xf, v1;
	s0 =	sshra.s32 @!p6 s28, $0x2  }
0x2d8: {  	[hbm4b:s2+s24] =	stream.linear.scatter @!p2 [tilespmem:s26], [sflag:$0xA], $0x4, $0x38;
	[tilespmem:$0x1F0E8] =	vst v63  }
0x2d9: {  	s29 =	rddreg [dreg:$0x2];
	s0 =	sadd.s32 @!p6 $0x28, s0;
	s2 =	simm.s32 @!p6 $0x1  }
0x2da: {  	[spmem:s29] =	stream.linear.scatter @!p6 [tilespmem:s0], [sflag:$0x1], $0x4, $0x38;
	[tilespmem:$0x1F0E8] =	vst v63  }
0x2db: {  	s0 =	sadd.s32 @p3 $0x1, s18;
	_ =	swait.ge @!p6 [sflag:s2], $0x4  }
0x2dc: {  	s24 =	sshrl.u32 @p3 s0, $0x4;
	[sflag:s2] =	ssyncset.done @!p6 $0x0  }
0x2dd: {  	s26 =	smulhi.u32 @p3 $0x97B425F, s24;
	[sflag:s2] =	ssyncadd.s32 @!p6 $0xFFFFFFFC  }
0x2de: {  	v1 =	vld.msk @p3 [tilespmem:s21+$0x0], $0xf  }
0x2df: {  	p0 =	por @p3 !p0, !p5;
	s24 =	sadd.s32 $0x1, s25;
	s2 =	smul.u32 @p3 $0x1B0, s26  }
0x2e0: {  	p0 =	por !p0, !p3;
	p6 =	seq.s32 s24, $0x0  }
.Ltmp22:
0x2e1: {  	s26 =	simm.s32 @!p4 $0x0;
	s0 =	ssub.s32 @p3 s0, s2;
	(pc) =	sbr.rel @p6 .LBB3_17-.Ltmp22, $4  }
0x2e2: {  	s26 =	simm.s32 @!p0 $0x10;
	s28 =	sshll.u32 @p3 s0, $0x4  }
0x2e3: {  	s29 =	simm.s32 @p3 $0x1;
	s2 =	sshll.u32 @!p3 s18, $0x6;
	s26 =	sadd.s32 @!p4 $0x0, s26;
	[tilespmem:s28+$0x28] =	vst.msk @p3 $0xf, v1  }
0x2e4: {  	s25 =	simm.s32 $0x0;
	s26 =	smov.u32 @p4 s22;
	s28 =	sshra.s32 @!p3 s2, $0x2;
	v1 =	vld.msk @!p3 [tilespmem:s21+$0x0], $0xf  }
0x2e5: {  	s25 =	smov.u32 @p3 s29;
	s18 =	smov.u32 @p3 s0;
	s22 =	smov.u32 @p3 s26;
	v2 =	vld.msk @!p3 [tilespmem:s28+$0x28], $0xf  }
.LBB3_16:
0x2e6: {  	_ =	sdelay $0x3  }
0x2e7: {  	v1 =	vmax.f32 @!p3 v1, v2  }
0x2e8: {  	s19 =	sadd.s32 $0x1, s19;
	[tilespmem:s28+$0x28] =	vst.msk @!p3 $0xf, v1  }
0x2e9: {  	v1 =	vld.msk [tilespmem:s19+$0x0], $0x1;
	_ =	sdelay $0x4  }
0x2ea: {  	(v2sf) =	vpush v1, $0x0;
	_ =	sdelay $0xe  }
0x2eb: {  	s26 =	smov.u32 s23;
	s23 =	spop (v2sf)  }
0x2ec: {  	p3 =	sne.s32 s26, s23  }
0x2ed: {  	p6 =	sne.s32 @p3 s26, s20  }
0x2ee: {  	s0 =	sadd.s32 @p3 $0x1, s18;
	p5 =	por !p6, !p3  }
0x2ef: {  	s28 =	sshll.u32 @!p3 s18, $0x6;
	s29 =	sadd.s32 @p3 $0x1, s25;
	s30 =	sshll.u32 @!p5 s25, $0x6  }
0x2f0: {  	s2 =	sshrl.u32 @p3 s0, $0x4;
	s31 =	sshll.u32 @!p5 s18, $0x6;
	s30 =	sshra.s32 @!p5 s30, $0x2  }
0x2f1: {  	p2 =	sgt.u32 @!p5 s26, $0x270FF;
	s2 =	smulhi.u32 @p3 $0x97B425F, s2;
	s31 =	sshra.s32 @!p5 s31, $0x2;
	v1 =	vld.msk @!p5 [tilespmem:s30+$0x1B38], $0xf  }
0x2f2: {  	s5 =	simm.s32 @!p5 $0x0;
	s25 =	smov.u32 @p3 s29;
	s29 =	rddreg [dreg:$0x2];
	v2 =	vld.msk @!p5 [tilespmem:s31+$0x28], $0xf  }
0x2f3: {  	p0 =	por @p3 p2, !p6;
	p2 =	por @p3 !p2, !p6;
	p6 =	por p6, !p3  }
0x2f4: {  	s30 =	sadd.s32 @!p5 $0x28, s31;
	p0 =	por p0, !p3;
	p2 =	por !p2, !p3  }
0x2f5: {  	s2 =	smul.u32 @p3 $0x1B0, s2;
	s10 =	sshll.u32 @!p6 s18, $0x6;
	s5 =	simm.s32 @!p2 $0x10  }
0x2f6: {  	s9 =	sand.u32 @!p0 $0x3FFF8, s26;
	s26 =	sand.u32 @!p0 $0x7, s26;
	s5 =	sadd.s32 @!p5 s5, s22  }
0x2f7: {  	s9 =	sadd.s32 @!p0 s1, s9;
	s0 =	ssub.s32 @p3 s0, s2;
	s5 =	smov.u32 @p5 s22;
	v1 =	vmax.f32 @!p5 v1, v2  }
0x2f8: {  	s2 =	sshll.u32 @p3 s0, $0x4;
	s22 =	smov.u32 @p3 s5;
	s5 =	sshra.s32 @!p6 s10, $0x2;
	[tilespmem:s31+$0x28] =	vst.msk @!p5 $0xf, v1  }
0x2f9: {  	[hbm4b:s9+s26] =	stream.linear.scatter @!p0 [tilespmem:s30], [sflag:$0xA], $0x4, $0x38;
	[tilespmem:$0x1F0E8] =	vst v63  }
0x2fa: {  	s18 =	smov.u32 @p3 s0;
	s0 =	sadd.s32 @!p6 $0x28, s5;
	s5 =	simm.s32 @!p6 $0x1  }
0x2fb: {  	[spmem:s29] =	stream.linear.scatter @!p6 [tilespmem:s0], [sflag:$0x1], $0x4, $0x38;
	[tilespmem:$0x1F0E8] =	vst v63  }
0x2fc: {  	_ =	swait.ge @!p6 [sflag:s5], $0x4  }
0x2fd: {  	[sflag:s5] =	ssyncset.done @!p6 $0x0  }
0x2fe: {  	s21 =	sadd.s32 $0x80, s21;
	[sflag:s5] =	ssyncadd.s32 @!p6 $0xFFFFFFFC  }
0x2ff: {  	v1 =	vld.msk @p3 [tilespmem:s21+$0x0], $0xf  }
0x300: {  	s24 =	sadd.s32 $0x1, s24  }
0x301: {  	p4 =	seq.s32 s24, $0x0  }
.Ltmp23:
0x302: {  	_ = 	snop;
	(pc) =	sbr.rel @!p4 .LBB3_16-.Ltmp23, $4  }
0x303: {  	_ = 	snop  }
0x304: {  	[tilespmem:s2+$0x28] =	vst.msk @p3 $0xf, v1  }
0x305: {  	s28 =	sshra.s32 @!p3 s28, $0x2;
	v1 =	vld.msk @!p3 [tilespmem:s21+$0x0], $0xf  }
0x306: {  	v2 =	vld.msk @!p3 [tilespmem:s28+$0x28], $0xf  }
.LBB3_17:
0x307: {  	_ = 	snop  }
.Ltmp24:
0x308: {  	_ = 	snop;
	(pc) =	sbr.rel .LBB3_19-.Ltmp24, $3  }
0x309: {  	s2 =	sld [smem:$0x7FC];
	_ =	sdelay $0x1  }
0x30a: {  	v1 =	vmax.f32 @!p3 v1, v2  }
0x30b: {  	s0 =	sshrl.u32 s22, $0x2;
	s24 =	smov.u32 s23;
	p2 =	seq.s32 s2, $0x1;
	[tilespmem:s28+$0x28] =	vst.msk @!p3 $0xf, v1  }
.LBB3_21:
0x30c: {  	_ =	sfence.sel $0x180000  }
0x30d: {  	s0 =	simm.s32 $0x7;
	[bflag:$0x0] =	sbarrier.arrive $0xFFFF  }
0x30e: {  	s23 =	simm.s32 $0x8;
	[sflag:s0] =	ssyncpa.u1 $0x1  }
0x30f: {  	s24 =	simm.s32 $0x9;
	[sflag:s23] =	ssyncpa.u1 $0x1  }
0x310: {  	s25 =	simm.s32 $0x2;
	[sflag:s24] =	ssyncpa.u1 $0x1  }
0x311: {  	[sflag:s25] =	ssyncpa.u1 $0x1  }
0x312: {  	v0 =	vld [tilespmem:$0x3648];
	_ =	sdelay $0x4  }
0x313: {  	(v2sf) =	vpush v0, $0x0  }
0x314: {  	(v2sf) =	vpush v0, $0x1;
	_ =	sdelay $0x1  }
0x315: {  	(v2sf) =	vpush v0, $0x2;
	_ =	sdelay $0xb  }
0x316: {  	s0 =	spop (v2sf)  }
0x317: {  	s2 =	spop (v2sf)  }
0x318: {  	s3 =	smov.u32 s0;
	p0 =	sne.s32 s0, s2  }
0x319: {  	s4 =	spop (v2sf);
	s3 =	simm.s32 @!p0 $0xFFFFFFFF  }
0x31a: {  	v2 =	vimm.s32 $0x1;
	v3 =	vlaneseq.u32;
	p0 =	seq.s32 s4, $0xFFFFFFFF;
	v1 =	vmov s3  }
0x31b: {  	s26 =	stileid.u32;
	v0 =	vperm.xlane v0, v2;
	p1 =	sne.s32 @!p0 s0, s2;
	v1 =	vperm.xlane v1, v3  }
0x31c: {  	vm0 =	vcmask $0x3F04;
	s6 =	simm.s32 $0x3648;
	s0 =	simm.s32 @!p0 $0x1;
	p1 =	por !p1, p0  }
0x31d: {  	s3 =	sshll.u32 s26, $0x1;
	s2 =	sshll.u32 @!p0 s4, $0x6;
	s0 =	simm.s32 @p1 $0x0;
	v0 =	vsel vm0, v1, v0  }
0x31e: {  	s5 =	sor.u32 $0x200, s3;
	s2 =	sshra.s32 @!p0 s2, $0x2;
	s0 =	sor.u32 @!p0 s0, s3;
	[tilespmem:$0x3648] =	vst v0  }
0x31f: {  	[spmem:s5] =	stream.linear.scatter [tilespmem:s6], [sflag:$0x1], $0x2, $0x38;
	[tilespmem:$0x1F0E8] =	vst v63  }
0x320: {  	s2 =	sadd.s32 @!p0 $0x28, s2;
	s0 =	sshll.u32 @!p0 s0, $0x4  }
0x321: {  	[spmem:s0] =	stream.linear.scatter @!p0 [tilespmem:s2], [sflag:$0x1], $0x10, $0x38;
	[tilespmem:$0x1F0E8] =	vst v63  }
0x322: {  	s0 =	simm.s32 @!p0 $0x12  }
0x323: {  	s2 =	simm.s32 $0x1;
	s0 =	simm.s32 @p0 $0x2  }
0x324: {  	_ =	swait.ge [sflag:s2], s0  }
0x325: {  	s0 =	ssub.s32 $0x0, s0;
	[sflag:s2] =	ssyncset.done $0x0  }
0x326: {  	[sflag:s2] =	ssyncadd.s32 s0  }
0x327: {  	_ =	sfence.stream.spmem  }
0x328: {  	[bflag:$0x0] =	sbarrier.arrive $0xFFFF  }
0x329: {  	s28 =	simm.s32 $0x3;
	s31 =	sld [smem:$0x7FD]  }
0x32a: {  	s29 =	simm.s32 $0x4;
	[sflag:s28] =	ssyncpa.u1 $0x1  }
0x32b: {  	s30 =	simm.s32 $0x3C;
	[sflag:s29] =	ssyncpa.u1 $0x1  }
0x32c: {  	[sflag:s30] =	ssyncpa.u1 $0x1;
	p0 =	seq.s32 s31, $0x1  }
0x32d: {  	_ =	sfence @p0  }
0x32e: {  	[sflag:s2] =	ssyncpa.u1 @p0 $0x1  }
0x32f: {  	_ =	strace @p0 $0x9000004A  }
0x330: {  	[bflag:$0x2] =	sbarrier.arrive @p0 $0xFFFF  }
0x331: {  	_ =	shalt @p0  }
.LBB3_22:
0x332: {  	_ =	sfence.stream.spmem;
	s0 =	simm.s32 $0x5  }
0x333: {  	s2 =	simm.s32 $0x200;
	s3 =	simm.s32 $0x3658;
	[sflag:s0] =	ssyncpa.u1 $0x0  }
0x334: {  	[tilespmem:s3], [sflag:$0x5] =	stream.linear.gather [spmem:s2], $0x20, $0x38;
	[tilespmem:$0x1F0E8] =	vst v63  }
0x335: {  	s30 =	simm.s32 $0x3678;
	s2 =	simm.s32 $0x0  }
0x336: {  	[tilespmem:s30], [sflag:$0x5] =	stream.linear.gather [spmem:s2], $0x200, $0x38;
	[tilespmem:$0x1F0E8] =	vst v63  }
.Ltmp25:
0x337: {  	_ = 	snop;
	(pc) =	sbr.rel .LBB3_23-.Ltmp25, $4  }
0x338: {  	_ =	swait.ge [sflag:s0], $0x220  }
0x339: {  	[sflag:s0] =	ssyncset.done $0x0  }
0x33a: {  	s31 =	simm.s32 $0x6;
	[sflag:s0] =	ssyncadd.s32 $0xFFFFFDE0  }
0x33b: {  	s3 =	simm.s32 $0x0;
	[sflag:s31] =	ssyncpa.u1 $0x0  }
.LBB3_28:
0x33c: {  	p0 =	slt.u32 s4, $0x27100  }
0x33d: {  	s0 =	sand.u32 @p0 $0x3FFF8, s4  }
0x33e: {  	s4 =	sand.u32 @p0 $0x7, s4;
	s5 =	simm.s32 @p0 $0x3638;
	s0 =	sadd.s32 @p0 s1, s0  }
0x33f: {  	[tilespmem:s5], [sflag:$0x6] =	stream.linear.gather @p0 [hbm4b:s0+s4], $0x4, $0x38;
	[tilespmem:$0x1F0E8] =	vst v63  }
0x340: {  	s0 =	simm.s32 @p0 $0x6  }
0x341: {  	_ =	swait.ge @p0 [sflag:s0], $0x4  }
0x342: {  	[sflag:s0] =	ssyncset.done @p0 $0x0  }
0x343: {  	[sflag:s0] =	ssyncadd.s32 @p0 $0xFFFFFFFC;
	s0 =	sshll.u32 @p0 s3, $0x6  }
0x344: {  	v1 =	vld @p0 [tilespmem:$0x3638];
	s4 =	sshrl.u32 @p0 s0, $0x2  }
0x345: {  	v2 =	vld @p0 [tilespmem:s4+$0x3678];
	_ =	sdelay $0x4  }
0x346: {  	s5 =	sshll.u32 @!p0 s3, $0x6;
	v1 =	vmax.f32 @p0 v1, v2  }
0x347: {  	s5 =	smov.u32 @p0 s0;
	[tilespmem:s4+$0x3678] =	vst @p0 v1  }
0x348: {  	s0 =	sshrl.u32 s5, $0x2;
	[tilespmem:s2+$0x3658] =	vst.msk $0x1, v0  }
0x349: {  	v0 =	vld [tilespmem:s0+$0x3678];
	_ =	sdelay $0x2  }
0x34a: {  	s31 =	sshll.u32 s2, $0x6  }
0x34b: {  	s0 =	sshra.s32 s31, $0x2  }
0x34c: {  	s2 =	sadd.s32 $0x1, s2;
	[tilespmem:s0+$0x3678] =	vst v0  }
.LBB3_30:
0x34d: {  	s3 =	sadd.s32 $0x1, s3  }
0x34e: {  	p0 =	sne.s32 s3, $0x20  }
.Ltmp26:
0x34f: {  	_ = 	snop;
	(pc) =	sbr.rel @!p0 .LBB3_31-.Ltmp26, $1  }
0x350: {  	_ =	sdelay $0x3  }
.LBB3_23:
0x351: {  	v0 =	vld.msk [tilespmem:s3+$0x3658], $0x1;
	_ =	sdelay $0x4  }
0x352: {  	(v2sf) =	vpush v0, $0x0;
	_ =	sdelay $0xe  }
0x353: {  	s4 =	spop (v2sf)  }
0x354: {  	p0 =	seq.s32 s4, $0xFFFFFFFF  }
.Ltmp27:
0x355: {  	_ = 	snop;
	(pc) =	sbr.rel @p0 .LBB3_30-.Ltmp27, $1  }
0x356: {  	_ =	sdelay $0x3  }
0x357: {  	p0 =	slt.s32 s2, $0x1  }
.Ltmp28:
0x358: {  	_ = 	snop;
	(pc) =	sbr.rel @p0 .LBB3_28-.Ltmp28, $1  }
0x359: {  	_ =	sdelay $0x3  }
0x35a: {  	s5 =	simm.s32 $0x3658;
	p0 =	por $0x0, $0x0  }
0x35b: {  	v1 =	vld.msk @!p0 [tilespmem:s5+$0x0], $0x1;
	_ =	sdelay $0x4  }
0x35c: {  	(v2sf) =	vpush @!p0 v1, $0x0;
	_ =	sdelay $0xd  }
0x35d: {  	p2 =	sne.s32 s2, $0x1  }
.Ltmp29:
0x35e: {  	s0 =	spop @!p0 (v2sf);
	(pc) =	sbr.rel @!p2 .LBB3_27-.Ltmp29, $4  }
0x35f: {  	p1 =	seq.s32 @!p0 s4, s0  }
0x360: {  	s6 =	simm.s32 $0x0;
	p1 =	por !p1, p0  }
0x361: {  	s0 =	simm.s32 $0xFFFFFFFF;
	s6 =	simm.s32 @p1 $0xFFFFFFFF  }
0x362: {  	s7 =	simm.s32 $0x1;
	s6 =	smov.u32 @p0 s0  }
.LBB3_26:
0x363: {  	s0 =	smov.u32 s6;
	p0 =	sne.s32 s6, $0xFFFFFFFF  }
0x364: {  	s5 =	sadd.s32 $0x1, s5;
	s6 =	smov.u32 s7;
	s7 =	sadd.s32 $0x1, s7  }
0x365: {  	p1 =	sne.s32 s2, s7;
	v1 =	vld.msk @!p0 [tilespmem:s5+$0x0], $0x1;
	_ =	sdelay $0x4  }
0x366: {  	(v2sf) =	vpush @!p0 v1, $0x0;
	_ =	sdelay $0xe  }
.Ltmp30:
0x367: {  	s8 =	spop @!p0 (v2sf);
	(pc) =	sbr.rel @p1 .LBB3_26-.Ltmp30, $4  }
0x368: {  	p2 =	seq.s32 @!p0 s4, s8  }
0x369: {  	p2 =	por !p2, p0  }
0x36a: {  	s6 =	simm.s32 @p2 $0xFFFFFFFF  }
0x36b: {  	s6 =	smov.u32 @p0 s0  }
.LBB3_27:
0x36c: {  	p0 =	sne.s32 s6, $0xFFFFFFFF  }
.Ltmp31:
0x36d: {  	_ = 	snop;
	(pc) =	sbr.rel @!p0 .LBB3_28-.Ltmp31, $1  }
0x36e: {  	_ =	sdelay $0x3  }
0x36f: {  	s0 =	sshll.u32 s3, $0x4  }
0x370: {  	s4 =	sshll.u32 s6, $0x6;
	s0 =	sand.u32 $0x3FFFFFF0, s0  }
0x371: {  	s31 =	sshra.s32 s4, $0x2;
	v0 =	vld [tilespmem:s0+$0x3678]  }
0x372: {  	v1 =	vld [tilespmem:s31+$0x3678];
	_ =	sdelay $0x1  }
.Ltmp32:
0x373: {  	_ = 	snop;
	(pc) =	sbr.rel .LBB3_30-.Ltmp32, $3  }
0x374: {  	_ =	sdelay $0x1  }
0x375: {  	v0 =	vmax.f32 v0, v1  }
0x376: {  	[tilespmem:s31+$0x3678] =	vst v0  }
.LBB3_31:
0x377: {  	p0 =	slt.s32 s2, $0x1  }
.Ltmp33:
0x378: {  	_ = 	snop;
	(pc) =	sbr.rel @p0 .LBB3_35-.Ltmp33, $3  }
0x379: {  	_ =	sdelay $0x1  }
0x37a: {  	s0 =	simm.s32 $0x6  }
0x37b: {  	s3 =	simm.s32 $0x0;
	[sflag:s0] =	ssyncpa.u1 $0x1  }
0x37c: {  	s0 =	simm.s32 $0x3658  }
0x37d: {  	v0 =	vld.msk [tilespmem:s0+$0x0], $0x1;
	_ =	sdelay $0x4  }
0x37e: {  	(v2sf) =	vpush v0, $0x0;
	_ =	sdelay $0xd  }
0x37f: {  	s2 =	sadd.s32 $0xFFFFFFFF, s2  }
0x380: {  	p1 =	sne.s32 s2, $0x0;
	s0 =	spop (v2sf)  }
.Ltmp34:
0x381: {  	p0 =	sgt.u32 s0, $0x270FF;
	(pc) =	sbr.rel @!p1 .LBB3_34-.Ltmp34, $4  }
0x382: {  	s4 =	simm.s32 $0x3678;
	s5 =	sand.u32 @!p0 $0x3FFF8, s0  }
0x383: {  	s6 =	simm.s32 $0x0;
	s0 =	sand.u32 @!p0 $0x7, s0;
	s5 =	sadd.s32 @!p0 s1, s5  }
0x384: {  	[hbm4b:s5+s0] =	stream.linear.scatter @!p0 [tilespmem:s4], [sflag:$0x5], $0x4, $0x38;
	[tilespmem:$0x1F0E8] =	vst v63  }
0x385: {  	s6 =	simm.s32 @!p0 $0x10;
	s5 =	simm.s32 $0x3659  }
.LBB3_33:
0x386: {  	v0 =	vld.msk [tilespmem:s5+$0x0], $0x1;
	s2 =	sadd.s32 $0xFFFFFFFF, s2;
	s3 =	sadd.s32 s3, s6  }
0x387: {  	p0 =	sne.s32 s2, $0x0;
	_ =	sdelay $0x3  }
0x388: {  	(v2sf) =	vpush v0, $0x0;
	_ =	sdelay $0xe  }
.Ltmp35:
0x389: {  	s0 =	spop (v2sf);
	(pc) =	sbr.rel @p0 .LBB3_33-.Ltmp35, $4  }
0x38a: {  	s6 =	simm.s32 $0x0;
	p1 =	sgt.u32 s0, $0x270FF  }
0x38b: {  	s4 =	sadd.s32 $0x10, s4;
	s6 =	simm.s32 @!p1 $0x10;
	s7 =	sand.u32 @!p1 $0x3FFF8, s0  }
0x38c: {  	s5 =	sadd.s32 $0x1, s5;
	s0 =	sand.u32 @!p1 $0x7, s0;
	s7 =	sadd.s32 @!p1 s1, s7  }
0x38d: {  	[hbm4b:s7+s0] =	stream.linear.scatter @!p1 [tilespmem:s4], [sflag:$0x5], $0x4, $0x38;
	[tilespmem:$0x1F0E8] =	vst v63  }
.LBB3_34:
0x38e: {  	s0 =	sadd.s32 s3, s6  }
0x38f: {  	s3 =	sshrl.u32 s0, $0x2  }
.LBB3_35:
0x390: {  	s0 =	simm.s32 $0x5  }
0x391: {  	_ =	swait.ge [sflag:s0], s3  }
0x392: {  	s1 =	ssub.s32 $0x0, s3;
	[sflag:s0] =	ssyncset.done $0x0  }
0x393: {  	[sflag:s0] =	ssyncadd.s32 s1  }
0x394: {  	[sflag:s0] =	ssyncpa.u1 $0x1  }
0x395: {  	s30 =	simm.s32 $0x1;
	_ =	sfence  }
0x396: {  	[sflag:s30] =	ssyncpa.u1 $0x1  }
0x397: {  	_ =	strace $0x9000004A  }
0x398: {  	[bflag:$0x2] =	sbarrier.arrive $0xFFFF  }
0x399: {  	s31 =	rddreg [dreg:$0x1]  }
0x39a: {  	s0 =	sadd.s32 $0x100000, s31  }
0x39b: {  	[sflag:s0] =	ssyncadd.tile.s32 $0x1;
	_ =	shalt  }
.Lfunc_end3:
_tile_overlayer_lowered:
.L_overlay_start_3:
0x39c: {  	(tag) =	ssettag $0x3  }
0x39d: {  	s0 =	rddreg [dreg:$0x0];
	s2 =	stileid.u32  }
0x39e: {  	s1 =	rddreg [dreg:$0x1];
	p0 =	sne.s32 s2, $0x0  }
0x39f: {  	s3 =	rddreg [dreg:$0x2];
	[bflag:$0x3] =	sbarrier.arrive $0xFFFF;
	s2 =	simm.s32 @!p0 $0x1C01  }
0x3a0: {  	[timem:s3], [sflag:s2] =	dma.local @!p0 [hbm:s0], s1  }
0x3a1: {  	s0 =	simm.s32 @!p0 $0x1  }
0x3a2: {  	_ =	swait.ge @!p0 [sflag:s0], s1  }
0x3a3: {  	s1 =	ssub.s32 @!p0 $0x0, s1;
	[sflag:s0] =	ssyncset.done @!p0 $0x0  }
0x3a4: {  	[sflag:s0] =	ssyncadd.s32 @!p0 s1  }
0x3a5: {  	[bflag:$0x3] =	sbarrier.arrive $0xFFFF  }
0x3a6: {  	_ =	shalt  }

</sc_bundles>
